<compile_context>
chip_gen: v7x
topology: tpu7x:2x2x1
jax: 0.10.2.dev20260603
libtpu: 0.0.44.dev20260713+nightly
codegen_flags: <defaults>
</compile_context>

<pallas_src>
import functools

import jax
import jax.numpy as jnp
from jax import lax
from jax.experimental import pallas as pl
from jax.experimental.pallas import tpu as pltpu
from jax.experimental.pallas import tpu_sc as plsc

B = 16384
V = 213
D_OUT = 10
NW = 32
CPW = B // NW
CB = 64
NB = CPW // CB
SUB = 256
L = 16


def _sc_body(xt_hbm, w_hbm, b_hbm, out_hbm, xbuf, wbuf, obuf, bbuf):
    cid = lax.axis_index("c")
    sid = lax.axis_index("s")
    wid = sid * 2 + cid
    base = wid * CPW
    pltpu.sync_copy(w_hbm, wbuf)
    pltpu.sync_copy(b_hbm, bbuf)

    for half in range(2):
        h0 = half * SUB
        pltpu.sync_copy(xt_hbm.at[:, pl.ds(base + h0, SUB)], xbuf)
        for cb in range(SUB // CB):
            c0 = cb * CB

            def vstep(v, accs):
                xvs = [xbuf[v, pl.ds(c0 + j * L, L)] for j in range(4)]
                new = []
                for d in range(D_OUT):
                    wsp = wbuf[d, pl.ds(v * L, L)]
                    for j in range(4):
                        new.append(accs[d * 4 + j] + xvs[j] * wsp)
                return tuple(new)

            init = []
            for d in range(D_OUT):
                bsp = bbuf[d, :]
                for j in range(4):
                    init.append(bsp)
            accs = lax.fori_loop(0, V, vstep, tuple(init))
            for d in range(D_OUT):
                for j in range(4):
                    obuf[d, pl.ds(h0 + c0 + j * L, L)] = accs[d * 4 + j]

    pltpu.sync_copy(obuf, out_hbm.at[:, pl.ds(base, CPW)])


def kernel(x, W, b):
    xt = x.T
    mesh = plsc.VectorSubcoreMesh(core_axis_name="c", subcore_axis_name="s")
    sc = functools.partial(
        pl.kernel,
        mesh=mesh,
        out_type=jax.ShapeDtypeStruct((D_OUT, B), jnp.float32),
        scratch_types=[
            pltpu.VMEM((V, SUB), jnp.float32),
            pltpu.VMEM((D_OUT, V * L), jnp.float32),
            pltpu.VMEM((D_OUT, CPW), jnp.float32),
            pltpu.VMEM((D_OUT, L), jnp.float32),
        ],
    )(_sc_body)
    wsplat = jnp.broadcast_to(W[:, :, None], (D_OUT, V, L)).reshape(D_OUT, V * L)
    b2 = jnp.broadcast_to(b[:, None], (D_OUT, L))
    outT = sc(xt, wsplat, b2)
    return outT.T

# --- scband reference (transcript-rebuilt; emitter-appended) ---
"""Pipeline reference for scband-embedding-layer-76184129897051 (READ-ONLY COPY).

The authoritative reference and input builder live on the scoring server;
editing this copy changes nothing except your own understanding.
"""

import jax, jax.numpy as jnp
import numpy as np

V = 213  # len(vocabulary) of the hardcoded corpus
B = 16384
D_OUT = 10


def setup_inputs(seed: int = 0) -> dict:
    key = jax.random.key(seed)
    k1, k2, k3 = jax.random.split(key, 3)
    x = jax.random.normal(k1, (B, V), dtype=jnp.float32)
    bound = 1.0 / np.sqrt(V)
    W = jax.random.uniform(k2, (D_OUT, V), minval=-bound, maxval=bound, dtype=jnp.float32)
    b = jax.random.uniform(k3, (D_OUT,), minval=-bound, maxval=bound, dtype=jnp.float32)
    return {"x": x, "W": W, "b": b}


def reference(x, W, b):
    # EmbeddingLayer.forward: x = self.linear(x); nn.Linear computes x @ W.T + b
    return x @ W.T + b

if __name__ == "__main__":
    import jax
    _d = setup_inputs()
    print(jax.jit(kernel)(*tuple(_d.values())))

</pallas_src>

<mosaic_0001>
#map = affine_map<(d0, d1) -> (0, 0)>
module attributes {stable_mosaic.version = 14 : i64} {
  func.func @_sc_body(%arg0: i32, %arg1: i32, %arg2: memref<213x16384xf32, #tpu.memory_space<hbm>>, %arg3: memref<10x3408xf32, #tpu.memory_space<hbm>>, %arg4: memref<10x16xf32, #tpu.memory_space<hbm>>, %arg5: memref<10x16384xf32, #tpu.memory_space<hbm>>, %arg6: memref<213x256xf32, #tpu.memory_space<vmem>>, %arg7: memref<10x3408xf32, #tpu.memory_space<vmem>>, %arg8: memref<10x512xf32, #tpu.memory_space<vmem>>, %arg9: memref<10x16xf32, #tpu.memory_space<vmem>>) attributes {dimension_semantics = [#tpu.dimension_semantics<core_parallel>, #tpu.dimension_semantics<subcore_parallel>], iteration_bounds = array<i64: 2, 16>, scalar_prefetch = 0 : i64, scratch_operands = 4 : i64, tpu.core_type = #tpu.core_type<sc_vector_subcore>, window_params = [{transform_indices = #map}, {transform_indices = #map}, {transform_indices = #map}, {transform_indices = #map}]} {
    %mul3A = arith.constant 2 : i32
    %mul3A_0 = arith.muli %arg1, %mul3A : i32
    %add3A = arith.addi %mul3A_0, %arg0 : i32
    %mul3A_1 = arith.constant 512 : i32
    %mul3A_2 = arith.muli %add3A, %mul3A_1 : i32
    "tpu.region"() ({
      %run_scoped3A = tpu.sem_alloc : memref<!tpu.dma_semaphore, #tpu.memory_space<semaphore_mem>>
      tpu.enqueue_dma source(%arg3 : memref<10x3408xf32, #tpu.memory_space<hbm>>) target(%arg7 : memref<10x3408xf32, #tpu.memory_space<vmem>>) target_semaphore(%run_scoped3A : memref<!tpu.dma_semaphore, #tpu.memory_space<semaphore_mem>>)
      tpu.wait_dma2 semaphore(%run_scoped3A : memref<!tpu.dma_semaphore, #tpu.memory_space<semaphore_mem>>) src(%arg3 : memref<10x3408xf32, #tpu.memory_space<hbm>>) dst(%arg7 : memref<10x3408xf32, #tpu.memory_space<vmem>>)
      tpu.yield
    }) : () -> ()
    "tpu.region"() ({
      %run_scoped3A = tpu.sem_alloc : memref<!tpu.dma_semaphore, #tpu.memory_space<semaphore_mem>>
      tpu.enqueue_dma source(%arg4 : memref<10x16xf32, #tpu.memory_space<hbm>>) target(%arg9 : memref<10x16xf32, #tpu.memory_space<vmem>>) target_semaphore(%run_scoped3A : memref<!tpu.dma_semaphore, #tpu.memory_space<semaphore_mem>>)
      tpu.wait_dma2 semaphore(%run_scoped3A : memref<!tpu.dma_semaphore, #tpu.memory_space<semaphore_mem>>) src(%arg4 : memref<10x16xf32, #tpu.memory_space<hbm>>) dst(%arg9 : memref<10x16xf32, #tpu.memory_space<vmem>>)
      tpu.yield
    }) : () -> ()
    %add3A_3 = arith.constant 0 : i32
    %add3A_4 = arith.addi %mul3A_2, %add3A_3 : i32
    "tpu.region"() ({
      %run_scoped3A = tpu.sem_alloc : memref<!tpu.dma_semaphore, #tpu.memory_space<semaphore_mem>>
      %dma_start3A = arith.constant 0 : i32
      %dma_start3A_2372 = tpu.memref_slice %arg2[%dma_start3A, %add3A_4] : memref<213x16384xf32, #tpu.memory_space<hbm>> -> memref<213x256xf32, #tpu.memory_space<hbm>>
      %dma_start3A_2373 = arith.constant 0 : i32
      %dma_start3A_2374 = tpu.memref_slice %arg2[%dma_start3A_2373, %add3A_4] : memref<213x16384xf32, #tpu.memory_space<hbm>> -> memref<213x256xf32, #tpu.memory_space<hbm>>
      tpu.enqueue_dma source(%dma_start3A_2374 : memref<213x256xf32, #tpu.memory_space<hbm>>) target(%arg6 : memref<213x256xf32, #tpu.memory_space<vmem>>) target_semaphore(%run_scoped3A : memref<!tpu.dma_semaphore, #tpu.memory_space<semaphore_mem>>)
      %dma_wait3A = arith.constant 0 : i32
      %dma_wait3A_2375 = tpu.memref_slice %arg2[%dma_wait3A, %add3A_4] : memref<213x16384xf32, #tpu.memory_space<hbm>> -> memref<213x256xf32, #tpu.memory_space<hbm>>
      %dma_wait3A_2376 = arith.constant 0 : i32
      %dma_wait3A_2377 = tpu.memref_slice %arg2[%dma_wait3A_2376, %add3A_4] : memref<213x16384xf32, #tpu.memory_space<hbm>> -> memref<213x256xf32, #tpu.memory_space<hbm>>
      tpu.wait_dma2 semaphore(%run_scoped3A : memref<!tpu.dma_semaphore, #tpu.memory_space<semaphore_mem>>) src(%dma_wait3A_2377 : memref<213x256xf32, #tpu.memory_space<hbm>>) dst(%arg6 : memref<213x256xf32, #tpu.memory_space<vmem>>)
      tpu.yield
    }) : () -> ()
    %get3A = arith.constant 0 : i32
    %get3A_5 = arith.index_cast %get3A : i32 to index
    %get3A_6 = arith.constant 0 : index
    %get3A_7 = tpu.vector_load %arg9[%get3A_5, %get3A_6] {strides = array<i32>} : memref<10x16xf32, #tpu.memory_space<vmem>>, vector<1x16xf32>,
    %get3A_8 = vector.shape_cast %get3A_7 : vector<1x16xf32> to vector<16xf32>
    %get3A_9 = arith.constant 1 : i32
    %get3A_10 = arith.index_cast %get3A_9 : i32 to index
    %get3A_11 = arith.constant 0 : index
    %get3A_12 = tpu.vector_load %arg9[%get3A_10, %get3A_11] {strides = array<i32>} : memref<10x16xf32, #tpu.memory_space<vmem>>, vector<1x16xf32>,
    %get3A_13 = vector.shape_cast %get3A_12 : vector<1x16xf32> to vector<16xf32>
    %get3A_14 = arith.constant 2 : i32
    %get3A_15 = arith.index_cast %get3A_14 : i32 to index
    %get3A_16 = arith.constant 0 : index
    %get3A_17 = tpu.vector_load %arg9[%get3A_15, %get3A_16] {strides = array<i32>} : memref<10x16xf32, #tpu.memory_space<vmem>>, vector<1x16xf32>,
    %get3A_18 = vector.shape_cast %get3A_17 : vector<1x16xf32> to vector<16xf32>
    %get3A_19 = arith.constant 3 : i32
    %get3A_20 = arith.index_cast %get3A_19 : i32 to index
    %get3A_21 = arith.constant 0 : index
    %get3A_22 = tpu.vector_load %arg9[%get3A_20, %get3A_21] {strides = array<i32>} : memref<10x16xf32, #tpu.memory_space<vmem>>, vector<1x16xf32>,
    %get3A_23 = vector.shape_cast %get3A_22 : vector<1x16xf32> to vector<16xf32>
    %get3A_24 = arith.constant 4 : i32
    %get3A_25 = arith.index_cast %get3A_24 : i32 to index
    %get3A_26 = arith.constant 0 : index
    %get3A_27 = tpu.vector_load %arg9[%get3A_25, %get3A_26] {strides = array<i32>} : memref<10x16xf32, #tpu.memory_space<vmem>>, vector<1x16xf32>,
    %get3A_28 = vector.shape_cast %get3A_27 : vector<1x16xf32> to vector<16xf32>
    %get3A_29 = arith.constant 5 : i32
    %get3A_30 = arith.index_cast %get3A_29 : i32 to index
    %get3A_31 = arith.constant 0 : index
    %get3A_32 = tpu.vector_load %arg9[%get3A_30, %get3A_31] {strides = array<i32>} : memref<10x16xf32, #tpu.memory_space<vmem>>, vector<1x16xf32>,
    %get3A_33 = vector.shape_cast %get3A_32 : vector<1x16xf32> to vector<16xf32>
    %get3A_34 = arith.constant 6 : i32
    %get3A_35 = arith.index_cast %get3A_34 : i32 to index
    %get3A_36 = arith.constant 0 : index
    %get3A_37 = tpu.vector_load %arg9[%get3A_35, %get3A_36] {strides = array<i32>} : memref<10x16xf32, #tpu.memory_space<vmem>>, vector<1x16xf32>,
    %get3A_38 = vector.shape_cast %get3A_37 : vector<1x16xf32> to vector<16xf32>
    %get3A_39 = arith.constant 7 : i32
    %get3A_40 = arith.index_cast %get3A_39 : i32 to index
    %get3A_41 = arith.constant 0 : index
    %get3A_42 = tpu.vector_load %arg9[%get3A_40, %get3A_41] {strides = array<i32>} : memref<10x16xf32, #tpu.memory_space<vmem>>, vector<1x16xf32>,
    %get3A_43 = vector.shape_cast %get3A_42 : vector<1x16xf32> to vector<16xf32>
    %get3A_44 = arith.constant 8 : i32
    %get3A_45 = arith.index_cast %get3A_44 : i32 to index
    %get3A_46 = arith.constant 0 : index
    %get3A_47 = tpu.vector_load %arg9[%get3A_45, %get3A_46] {strides = array<i32>} : memref<10x16xf32, #tpu.memory_space<vmem>>, vector<1x16xf32>,
    %get3A_48 = vector.shape_cast %get3A_47 : vector<1x16xf32> to vector<16xf32>
    %get3A_49 = arith.constant 9 : i32
    %get3A_50 = arith.index_cast %get3A_49 : i32 to index
    %get3A_51 = arith.constant 0 : index
    %get3A_52 = tpu.vector_load %arg9[%get3A_50, %get3A_51] {strides = array<i32>} : memref<10x16xf32, #tpu.memory_space<vmem>>, vector<1x16xf32>,
    %get3A_53 = vector.shape_cast %get3A_52 : vector<1x16xf32> to vector<16xf32>
    %scan3A = arith.constant 0 : i32
    %scan3A_54 = arith.constant 213 : i32
    %scan3A_55 = arith.addi %scan3A, %scan3A_54 : i32
    %scan3A_56 = arith.constant 1 : i32
    %scan3A_57:40 = scf.for %scan3A_2372 = %scan3A to %scan3A_55 step %scan3A_56 iter_args(%scan3A_2373 = %get3A_8, %scan3A_2374 = %get3A_8, %scan3A_2375 = %get3A_8, %scan3A_2376 = %get3A_8, %scan3A_2377 = %get3A_13, %scan3A_2378 = %get3A_13, %scan3A_2379 = %get3A_13, %scan3A_2380 = %get3A_13, %scan3A_2381 = %get3A_18, %scan3A_2382 = %get3A_18, %scan3A_2383 = %get3A_18, %scan3A_2384 = %get3A_18, %scan3A_2385 = %get3A_23, %scan3A_2386 = %get3A_23, %scan3A_2387 = %get3A_23, %scan3A_2388 = %get3A_23, %scan3A_2389 = %get3A_28, %scan3A_2390 = %get3A_28, %scan3A_2391 = %get3A_28, %scan3A_2392 = %get3A_28, %scan3A_2393 = %get3A_33, %scan3A_2394 = %get3A_33, %scan3A_2395 = %get3A_33, %scan3A_2396 = %get3A_33, %scan3A_2397 = %get3A_38, %scan3A_2398 = %get3A_38, %scan3A_2399 = %get3A_38, %scan3A_2400 = %get3A_38, %scan3A_2401 = %get3A_43, %scan3A_2402 = %get3A_43, %scan3A_2403 = %get3A_43, %scan3A_2404 = %get3A_43, %scan3A_2405 = %get3A_48, %scan3A_2406 = %get3A_48, %scan3A_2407 = %get3A_48, %scan3A_2408 = %get3A_48, %scan3A_2409 = %get3A_53, %scan3A_2410 = %get3A_53, %scan3A_2411 = %get3A_53, %scan3A_2412 = %get3A_53) -> (vector<16xf32>, vector<16xf32>, vector<16xf32>, vector<16xf32>, vector<16xf32>, vector<16xf32>, vector<16xf32>, vector<16xf32>, vector<16xf32>, vector<16xf32>, vector<16xf32>, vector<16xf32>, vector<16xf32>, vector<16xf32>, vector<16xf32>, vector<16xf32>, vector<16xf32>, vector<16xf32>, vector<16xf32>, vector<16xf32>, vector<16xf32>, vector<16xf32>, vector<16xf32>, vector<16xf32>, vector<16xf32>, vector<16xf32>, vector<16xf32>, vector<16xf32>, vector<16xf32>, vector<16xf32>, vector<16xf32>, vector<16xf32>, vector<16xf32>, vector<16xf32>, vector<16xf32>, vector<16xf32>, vector<16xf32>, vector<16xf32>, vector<16xf32>, vector<16xf32>)  : i32 {
      %get3A_2413 = arith.index_cast %scan3A_2372 : i32 to index
      %get3A_2414 = arith.constant 0 : index
      %get3A_2415 = tpu.vector_load %arg6[%get3A_2413, %get3A_2414] {strides = array<i32>} : memref<213x256xf32, #tpu.memory_space<vmem>>, vector<1x16xf32>,
      %get3A_2416 = vector.shape_cast %get3A_2415 : vector<1x16xf32> to vector<16xf32>
      %get3A_2417 = arith.index_cast %scan3A_2372 : i32 to index
      %get3A_2418 = arith.constant 16 : index
      %get3A_2419 = tpu.vector_load %arg6[%get3A_2417, %get3A_2418] {strides = array<i32>} : memref<213x256xf32, #tpu.memory_space<vmem>>, vector<1x16xf32>,
      %get3A_2420 = vector.shape_cast %get3A_2419 : vector<1x16xf32> to vector<16xf32>
      %get3A_2421 = arith.index_cast %scan3A_2372 : i32 to index
      %get3A_2422 = arith.constant 32 : index
      %get3A_2423 = tpu.vector_load %arg6[%get3A_2421, %get3A_2422] {strides = array<i32>} : memref<213x256xf32, #tpu.memory_space<vmem>>, vector<1x16xf32>,
      %get3A_2424 = vector.shape_cast %get3A_2423 : vector<1x16xf32> to vector<16xf32>
      %get3A_2425 = arith.index_cast %scan3A_2372 : i32 to index
      %get3A_2426 = arith.constant 48 : index
      %get3A_2427 = tpu.vector_load %arg6[%get3A_2425, %get3A_2426] {strides = array<i32>} : memref<213x256xf32, #tpu.memory_space<vmem>>, vector<1x16xf32>,
      %get3A_2428 = vector.shape_cast %get3A_2427 : vector<1x16xf32> to vector<16xf32>
      %mul3A_2429 = arith.constant 16 : i32
      %mul3A_2430 = arith.muli %scan3A_2372, %mul3A_2429 : i32
      %get3A_2431 = arith.constant 0 : i32
      %get3A_2432 = arith.index_cast %get3A_2431 : i32 to index
      %get3A_2433 = arith.index_cast %mul3A_2430 : i32 to index
      %get3A_2434 = tpu.vector_load %arg7[%get3A_2432, %get3A_2433] {strides = array<i32>} : memref<10x3408xf32, #tpu.memory_space<vmem>>, vector<1x16xf32>,
      %get3A_2435 = vector.shape_cast %get3A_2434 : vector<1x16xf32> to vector<16xf32>
      %mul3A_2436 = arith.mulf %get3A_2416, %get3A_2435 : vector<16xf32>
      %add3A_2437 = arith.addf %scan3A_2373, %mul3A_2436 : vector<16xf32>
      %mul3A_2438 = arith.mulf %get3A_2420, %get3A_2435 : vector<16xf32>
      %add3A_2439 = arith.addf %scan3A_2374, %mul3A_2438 : vector<16xf32>
      %mul3A_2440 = arith.mulf %get3A_2424, %get3A_2435 : vector<16xf32>
      %add3A_2441 = arith.addf %scan3A_2375, %mul3A_2440 : vector<16xf32>
      %mul3A_2442 = arith.mulf %get3A_2428, %get3A_2435 : vector<16xf32>
      %add3A_2443 = arith.addf %scan3A_2376, %mul3A_2442 : vector<16xf32>
      %mul3A_2444 = arith.constant 16 : i32
      %mul3A_2445 = arith.muli %scan3A_2372, %mul3A_2444 : i32
      %get3A_2446 = arith.constant 1 : i32
      %get3A_2447 = arith.index_cast %get3A_2446 : i32 to index
      %get3A_2448 = arith.index_cast %mul3A_2445 : i32 to index
      %get3A_2449 = tpu.vector_load %arg7[%get3A_2447, %get3A_2448] {strides = array<i32>} : memref<10x3408xf32, #tpu.memory_space<vmem>>, vector<1x16xf32>,
      %get3A_2450 = vector.shape_cast %get3A_2449 : vector<1x16xf32> to vector<16xf32>
      %mul3A_2451 = arith.mulf %get3A_2416, %get3A_2450 : vector<16xf32>
      %add3A_2452 = arith.addf %scan3A_2377, %mul3A_2451 : vector<16xf32>
      %mul3A_2453 = arith.mulf %get3A_2420, %get3A_2450 : vector<16xf32>
      %add3A_2454 = arith.addf %scan3A_2378, %mul3A_2453 : vector<16xf32>
      %mul3A_2455 = arith.mulf %get3A_2424, %get3A_2450 : vector<16xf32>
      %add3A_2456 = arith.addf %scan3A_2379, %mul3A_2455 : vector<16xf32>
      %mul3A_2457 = arith.mulf %get3A_2428, %get3A_2450 : vector<16xf32>
      %add3A_2458 = arith.addf %scan3A_2380, %mul3A_2457 : vector<16xf32>
      %mul3A_2459 = arith.constant 16 : i32
      %mul3A_2460 = arith.muli %scan3A_2372, %mul3A_2459 : i32
      %get3A_2461 = arith.constant 2 : i32
      %get3A_2462 = arith.index_cast %get3A_2461 : i32 to index
      %get3A_2463 = arith.index_cast %mul3A_2460 : i32 to index
      %get3A_2464 = tpu.vector_load %arg7[%get3A_2462, %get3A_2463] {strides = array<i32>} : memref<10x3408xf32, #tpu.memory_space<vmem>>, vector<1x16xf32>,
      %get3A_2465 = vector.shape_cast %get3A_2464 : vector<1x16xf32> to vector<16xf32>
      %mul3A_2466 = arith.mulf %get3A_2416, %get3A_2465 : vector<16xf32>
      %add3A_2467 = arith.addf %scan3A_2381, %mul3A_2466 : vector<16xf32>
      %mul3A_2468 = arith.mulf %get3A_2420, %get3A_2465 : vector<16xf32>
      %add3A_2469 = arith.addf %scan3A_2382, %mul3A_2468 : vector<16xf32>
      %mul3A_2470 = arith.mulf %get3A_2424, %get3A_2465 : vector<16xf32>
      %add3A_2471 = arith.addf %scan3A_2383, %mul3A_2470 : vector<16xf32>
      %mul3A_2472 = arith.mulf %get3A_2428, %get3A_2465 : vector<16xf32>
      %add3A_2473 = arith.addf %scan3A_2384, %mul3A_2472 : vector<16xf32>
      %mul3A_2474 = arith.constant 16 : i32
      %mul3A_2475 = arith.muli %scan3A_2372, %mul3A_2474 : i32
      %get3A_2476 = arith.constant 3 : i32
      %get3A_2477 = arith.index_cast %get3A_2476 : i32 to index
      %get3A_2478 = arith.index_cast %mul3A_2475 : i32 to index
      %get3A_2479 = tpu.vector_load %arg7[%get3A_2477, %get3A_2478] {strides = array<i32>} : memref<10x3408xf32, #tpu.memory_space<vmem>>, vector<1x16xf32>,
      %get3A_2480 = vector.shape_cast %get3A_2479 : vector<1x16xf32> to vector<16xf32>
      %mul3A_2481 = arith.mulf %get3A_2416, %get3A_2480 : vector<16xf32>
      %add3A_2482 = arith.addf %scan3A_2385, %mul3A_2481 : vector<16xf32>
      %mul3A_2483 = arith.mulf %get3A_2420, %get3A_2480 : vector<16xf32>
      %add3A_2484 = arith.addf %scan3A_2386, %mul3A_2483 : vector<16xf32>
      %mul3A_2485 = arith.mulf %get3A_2424, %get3A_2480 : vector<16xf32>
      %add3A_2486 = arith.addf %scan3A_2387, %mul3A_2485 : vector<16xf32>
      %mul3A_2487 = arith.mulf %get3A_2428, %get3A_2480 : vector<16xf32>
      %add3A_2488 = arith.addf %scan3A_2388, %mul3A_2487 : vector<16xf32>
      %mul3A_2489 = arith.constant 16 : i32
      %mul3A_2490 = arith.muli %scan3A_2372, %mul3A_2489 : i32
      %get3A_2491 = arith.constant 4 : i32
      %get3A_2492 = arith.index_cast %get3A_2491 : i32 to index
      %get3A_2493 = arith.index_cast %mul3A_2490 : i32 to index
      %get3A_2494 = tpu.vector_load %arg7[%get3A_2492, %get3A_2493] {strides = array<i32>} : memref<10x3408xf32, #tpu.memory_space<vmem>>, vector<1x16xf32>,
      %get3A_2495 = vector.shape_cast %get3A_2494 : vector<1x16xf32> to vector<16xf32>
      %mul3A_2496 = arith.mulf %get3A_2416, %get3A_2495 : vector<16xf32>
      %add3A_2497 = arith.addf %scan3A_2389, %mul3A_2496 : vector<16xf32>
      %mul3A_2498 = arith.mulf %get3A_2420, %get3A_2495 : vector<16xf32>
      %add3A_2499 = arith.addf %scan3A_2390, %mul3A_2498 : vector<16xf32>
      %mul3A_2500 = arith.mulf %get3A_2424, %get3A_2495 : vector<16xf32>
      %add3A_2501 = arith.addf %scan3A_2391, %mul3A_2500 : vector<16xf32>
      %mul3A_2502 = arith.mulf %get3A_2428, %get3A_2495 : vector<16xf32>
      %add3A_2503 = arith.addf %scan3A_2392, %mul3A_2502 : vector<16xf32>
      %mul3A_2504 = arith.constant 16 : i32
      %mul3A_2505 = arith.muli %scan3A_2372, %mul3A_2504 : i32
      %get3A_2506 = arith.constant 5 : i32
      %get3A_2507 = arith.index_cast %get3A_2506 : i32 to index
      %get3A_2508 = arith.index_cast %mul3A_2505 : i32 to index
      %get3A_2509 = tpu.vector_load %arg7[%get3A_2507, %get3A_2508] {strides = array<i32>} : memref<10x3408xf32, #tpu.memory_space<vmem>>, vector<1x16xf32>,
      %get3A_2510 = vector.shape_cast %get3A_2509 : vector<1x16xf32> to vector<16xf32>
      %mul3A_2511 = arith.mulf %get3A_2416, %get3A_2510 : vector<16xf32>
      %add3A_2512 = arith.addf %scan3A_2393, %mul3A_2511 : vector<16xf32>
      %mul3A_2513 = arith.mulf %get3A_2420, %get3A_2510 : vector<16xf32>
      %add3A_2514 = arith.addf %scan3A_2394, %mul3A_2513 : vector<16xf32>
      %mul3A_2515 = arith.mulf %get3A_2424, %get3A_2510 : vector<16xf32>
      %add3A_2516 = arith.addf %scan3A_2395, %mul3A_2515 : vector<16xf32>
      %mul3A_2517 = arith.mulf %get3A_2428, %get3A_2510 : vector<16xf32>
      %add3A_2518 = arith.addf %scan3A_2396, %mul3A_2517 : vector<16xf32>
      %mul3A_2519 = arith.constant 16 : i32
      %mul3A_2520 = arith.muli %scan3A_2372, %mul3A_2519 : i32
      %get3A_2521 = arith.constant 6 : i32
      %get3A_2522 = arith.index_cast %get3A_2521 : i32 to index
      %get3A_2523 = arith.index_cast %mul3A_2520 : i32 to index
      %get3A_2524 = tpu.vector_load %arg7[%get3A_2522, %get3A_2523] {strides = array<i32>} : memref<10x3408xf32, #tpu.memory_space<vmem>>, vector<1x16xf32>,
      %get3A_2525 = vector.shape_cast %get3A_2524 : vector<1x16xf32> to vector<16xf32>
      %mul3A_2526 = arith.mulf %get3A_2416, %get3A_2525 : vector<16xf32>
      %add3A_2527 = arith.addf %scan3A_2397, %mul3A_2526 : vector<16xf32>
      %mul3A_2528 = arith.mulf %get3A_2420, %get3A_2525 : vector<16xf32>
      %add3A_2529 = arith.addf %scan3A_2398, %mul3A_2528 : vector<16xf32>
      %mul3A_2530 = arith.mulf %get3A_2424, %get3A_2525 : vector<16xf32>
      %add3A_2531 = arith.addf %scan3A_2399, %mul3A_2530 : vector<16xf32>
      %mul3A_2532 = arith.mulf %get3A_2428, %get3A_2525 : vector<16xf32>
      %add3A_2533 = arith.addf %scan3A_2400, %mul3A_2532 : vector<16xf32>
      %mul3A_2534 = arith.constant 16 : i32
      %mul3A_2535 = arith.muli %scan3A_2372, %mul3A_2534 : i32
      %get3A_2536 = arith.constant 7 : i32
      %get3A_2537 = arith.index_cast %get3A_2536 : i32 to index
      %get3A_2538 = arith.index_cast %mul3A_2535 : i32 to index
      %get3A_2539 = tpu.vector_load %arg7[%get3A_2537, %get3A_2538] {strides = array<i32>} : memref<10x3408xf32, #tpu.memory_space<vmem>>, vector<1x16xf32>,
      %get3A_2540 = vector.shape_cast %get3A_2539 : vector<1x16xf32> to vector<16xf32>
      %mul3A_2541 = arith.mulf %get3A_2416, %get3A_2540 : vector<16xf32>
      %add3A_2542 = arith.addf %scan3A_2401, %mul3A_2541 : vector<16xf32>
      %mul3A_2543 = arith.mulf %get3A_2420, %get3A_2540 : vector<16xf32>
      %add3A_2544 = arith.addf %scan3A_2402, %mul3A_2543 : vector<16xf32>
      %mul3A_2545 = arith.mulf %get3A_2424, %get3A_2540 : vector<16xf32>
      %add3A_2546 = arith.addf %scan3A_2403, %mul3A_2545 : vector<16xf32>
      %mul3A_2547 = arith.mulf %get3A_2428, %get3A_2540 : vector<16xf32>
      %add3A_2548 = arith.addf %scan3A_2404, %mul3A_2547 : vector<16xf32>
      %mul3A_2549 = arith.constant 16 : i32
      %mul3A_2550 = arith.muli %scan3A_2372, %mul3A_2549 : i32
      %get3A_2551 = arith.constant 8 : i32
      %get3A_2552 = arith.index_cast %get3A_2551 : i32 to index
      %get3A_2553 = arith.index_cast %mul3A_2550 : i32 to index
      %get3A_2554 = tpu.vector_load %arg7[%get3A_2552, %get3A_2553] {strides = array<i32>} : memref<10x3408xf32, #tpu.memory_space<vmem>>, vector<1x16xf32>,
      %get3A_2555 = vector.shape_cast %get3A_2554 : vector<1x16xf32> to vector<16xf32>
      %mul3A_2556 = arith.mulf %get3A_2416, %get3A_2555 : vector<16xf32>
      %add3A_2557 = arith.addf %scan3A_2405, %mul3A_2556 : vector<16xf32>
      %mul3A_2558 = arith.mulf %get3A_2420, %get3A_2555 : vector<16xf32>
      %add3A_2559 = arith.addf %scan3A_2406, %mul3A_2558 : vector<16xf32>
      %mul3A_2560 = arith.mulf %get3A_2424, %get3A_2555 : vector<16xf32>
      %add3A_2561 = arith.addf %scan3A_2407, %mul3A_2560 : vector<16xf32>
      %mul3A_2562 = arith.mulf %get3A_2428, %get3A_2555 : vector<16xf32>
      %add3A_2563 = arith.addf %scan3A_2408, %mul3A_2562 : vector<16xf32>
      %mul3A_2564 = arith.constant 16 : i32
      %mul3A_2565 = arith.muli %scan3A_2372, %mul3A_2564 : i32
      %get3A_2566 = arith.constant 9 : i32
      %get3A_2567 = arith.index_cast %get3A_2566 : i32 to index
      %get3A_2568 = arith.index_cast %mul3A_2565 : i32 to index
      %get3A_2569 = tpu.vector_load %arg7[%get3A_2567, %get3A_2568] {strides = array<i32>} : memref<10x3408xf32, #tpu.memory_space<vmem>>, vector<1x16xf32>,
      %get3A_2570 = vector.shape_cast %get3A_2569 : vector<1x16xf32> to vector<16xf32>
      %mul3A_2571 = arith.mulf %get3A_2416, %get3A_2570 : vector<16xf32>
      %add3A_2572 = arith.addf %scan3A_2409, %mul3A_2571 : vector<16xf32>
      %mul3A_2573 = arith.mulf %get3A_2420, %get3A_2570 : vector<16xf32>
      %add3A_2574 = arith.addf %scan3A_2410, %mul3A_2573 : vector<16xf32>
      %mul3A_2575 = arith.mulf %get3A_2424, %get3A_2570 : vector<16xf32>
      %add3A_2576 = arith.addf %scan3A_2411, %mul3A_2575 : vector<16xf32>
      %mul3A_2577 = arith.mulf %get3A_2428, %get3A_2570 : vector<16xf32>
      %add3A_2578 = arith.addf %scan3A_2412, %mul3A_2577 : vector<16xf32>
      scf.yield %add3A_2437, %add3A_2439, %add3A_2441, %add3A_2443, %add3A_2452, %add3A_2454, %add3A_2456, %add3A_2458, %add3A_2467, %add3A_2469, %add3A_2471, %add3A_2473, %add3A_2482, %add3A_2484, %add3A_2486, %add3A_2488, %add3A_2497, %add3A_2499, %add3A_2501, %add3A_2503, %add3A_2512, %add3A_2514, %add3A_2516, %add3A_2518, %add3A_2527, %add3A_2529, %add3A_2531, %add3A_2533, %add3A_2542, %add3A_2544, %add3A_2546, %add3A_2548, %add3A_2557, %add3A_2559, %add3A_2561, %add3A_2563, %add3A_2572, %add3A_2574, %add3A_2576, %add3A_2578 : vector<16xf32>, vector<16xf32>, vector<16xf32>, vector<16xf32>, vector<16xf32>, vector<16xf32>, vector<16xf32>, vector<16xf32>, vector<16xf32>, vector<16xf32>, vector<16xf32>, vector<16xf32>, vector<16xf32>, vector<16xf32>, vector<16xf32>, vector<16xf32>, vector<16xf32>, vector<16xf32>, vector<16xf32>, vector<16xf32>, vector<16xf32>, vector<16xf32>, vector<16xf32>, vector<16xf32>, vector<16xf32>, vector<16xf32>, vector<16xf32>, vector<16xf32>, vector<16xf32>, vector<16xf32>, vector<16xf32>, vector<16xf32>, vector<16xf32>, vector<16xf32>, vector<16xf32>, vector<16xf32>, vector<16xf32>, vector<16xf32>, vector<16xf32>, vector<16xf32>
    }
    %scan3A_58 = arith.constant 213 : i32
    %swap3A = arith.constant 0 : i32
    %swap3A_59 = arith.index_cast %swap3A : i32 to index
    %swap3A_60 = arith.constant 0 : index
    %swap3A_61 = tpu.vector_load %arg8[%swap3A_59, %swap3A_60] {strides = array<i32>} : memref<10x512xf32, #tpu.memory_space<vmem>>, vector<1x16xf32>,
    %swap3A_62 = vector.shape_cast %swap3A_61 : vector<1x16xf32> to vector<16xf32>
    %swap3A_63 = vector.shape_cast %scan3A_57#0 : vector<16xf32> to vector<1x16xf32>
    tpu.vector_store %arg8[%swap3A_59, %swap3A_60], %swap3A_63 {strides = array<i32>} : memref<10x512xf32, #tpu.memory_space<vmem>>, vector<1x16xf32>,
    %swap3A_64 = arith.constant 0 : i32
    %swap3A_65 = arith.index_cast %swap3A_64 : i32 to index
    %swap3A_66 = arith.constant 16 : index
    %swap3A_67 = tpu.vector_load %arg8[%swap3A_65, %swap3A_66] {strides = array<i32>} : memref<10x512xf32, #tpu.memory_space<vmem>>, vector<1x16xf32>,
    %swap3A_68 = vector.shape_cast %swap3A_67 : vector<1x16xf32> to vector<16xf32>
    %swap3A_69 = vector.shape_cast %scan3A_57#1 : vector<16xf32> to vector<1x16xf32>
    tpu.vector_store %arg8[%swap3A_65, %swap3A_66], %swap3A_69 {strides = array<i32>} : memref<10x512xf32, #tpu.memory_space<vmem>>, vector<1x16xf32>,
    %swap3A_70 = arith.constant 0 : i32
    %swap3A_71 = arith.index_cast %swap3A_70 : i32 to index
    %swap3A_72 = arith.constant 32 : index
    %swap3A_73 = tpu.vector_load %arg8[%swap3A_71, %swap3A_72] {strides = array<i32>} : memref<10x512xf32, #tpu.memory_space<vmem>>, vector<1x16xf32>,
    %swap3A_74 = vector.shape_cast %swap3A_73 : vector<1x16xf32> to vector<16xf32>
    %swap3A_75 = vector.shape_cast %scan3A_57#2 : vector<16xf32> to vector<1x16xf32>
    tpu.vector_store %arg8[%swap3A_71, %swap3A_72], %swap3A_75 {strides = array<i32>} : memref<10x512xf32, #tpu.memory_space<vmem>>, vector<1x16xf32>,
    %swap3A_76 = arith.constant 0 : i32
    %swap3A_77 = arith.index_cast %swap3A_76 : i32 to index
    %swap3A_78 = arith.constant 48 : index
    %swap3A_79 = tpu.vector_load %arg8[%swap3A_77, %swap3A_78] {strides = array<i32>} : memref<10x512xf32, #tpu.memory_space<vmem>>, vector<1x16xf32>,
    %swap3A_80 = vector.shape_cast %swap3A_79 : vector<1x16xf32> to vector<16xf32>
    %swap3A_81 = vector.shape_cast %scan3A_57#3 : vector<16xf32> to vector<1x16xf32>
    tpu.vector_store %arg8[%swap3A_77, %swap3A_78], %swap3A_81 {strides = array<i32>} : memref<10x512xf32, #tpu.memory_space<vmem>>, vector<1x16xf32>,
    %swap3A_82 = arith.constant 1 : i32
    %swap3A_83 = arith.index_cast %swap3A_82 : i32 to index
    %swap3A_84 = arith.constant 0 : index
    %swap3A_85 = tpu.vector_load %arg8[%swap3A_83, %swap3A_84] {strides = array<i32>} : memref<10x512xf32, #tpu.memory_space<vmem>>, vector<1x16xf32>,
    %swap3A_86 = vector.shape_cast %swap3A_85 : vector<1x16xf32> to vector<16xf32>
    %swap3A_87 = vector.shape_cast %scan3A_57#4 : vector<16xf32> to vector<1x16xf32>
    tpu.vector_store %arg8[%swap3A_83, %swap3A_84], %swap3A_87 {strides = array<i32>} : memref<10x512xf32, #tpu.memory_space<vmem>>, vector<1x16xf32>,
    %swap3A_88 = arith.constant 1 : i32
    %swap3A_89 = arith.index_cast %swap3A_88 : i32 to index
    %swap3A_90 = arith.constant 16 : index
    %swap3A_91 = tpu.vector_load %arg8[%swap3A_89, %swap3A_90] {strides = array<i32>} : memref<10x512xf32, #tpu.memory_space<vmem>>, vector<1x16xf32>,
    %swap3A_92 = vector.shape_cast %swap3A_91 : vector<1x16xf32> to vector<16xf32>
    %swap3A_93 = vector.shape_cast %scan3A_57#5 : vector<16xf32> to vector<1x16xf32>
    tpu.vector_store %arg8[%swap3A_89, %swap3A_90], %swap3A_93 {strides = array<i32>} : memref<10x512xf32, #tpu.memory_space<vmem>>, vector<1x16xf32>,
    %swap3A_94 = arith.constant 1 : i32
    %swap3A_95 = arith.index_cast %swap3A_94 : i32 to index
    %swap3A_96 = arith.constant 32 : index
    %swap3A_97 = tpu.vector_load %arg8[%swap3A_95, %swap3A_96] {strides = array<i32>} : memref<10x512xf32, #tpu.memory_space<vmem>>, vector<1x16xf32>,
    %swap3A_98 = vector.shape_cast %swap3A_97 : vector<1x16xf32> to vector<16xf32>
    %swap3A_99 = vector.shape_cast %scan3A_57#6 : vector<16xf32> to vector<1x16xf32>
    tpu.vector_store %arg8[%swap3A_95, %swap3A_96], %swap3A_99 {strides = array<i32>} : memref<10x512xf32, #tpu.memory_space<vmem>>, vector<1x16xf32>,
    %swap3A_100 = arith.constant 1 : i32
    %swap3A_101 = arith.index_cast %swap3A_100 : i32 to index
    %swap3A_102 = arith.constant 48 : index
    %swap3A_103 = tpu.vector_load %arg8[%swap3A_101, %swap3A_102] {strides = array<i32>} : memref<10x512xf32, #tpu.memory_space<vmem>>, vector<1x16xf32>,
    %swap3A_104 = vector.shape_cast %swap3A_103 : vector<1x16xf32> to vector<16xf32>
    %swap3A_105 = vector.shape_cast %scan3A_57#7 : vector<16xf32> to vector<1x16xf32>
    tpu.vector_store %arg8[%swap3A_101, %swap3A_102], %swap3A_105 {strides = array<i32>} : memref<10x512xf32, #tpu.memory_space<vmem>>, vector<1x16xf32>,
    %swap3A_106 = arith.constant 2 : i32
    %swap3A_107 = arith.index_cast %swap3A_106 : i32 to index
    %swap3A_108 = arith.constant 0 : index
    %swap3A_109 = tpu.vector_load %arg8[%swap3A_107, %swap3A_108] {strides = array<i32>} : memref<10x512xf32, #tpu.memory_space<vmem>>, vector<1x16xf32>,
    %swap3A_110 = vector.shape_cast %swap3A_109 : vector<1x16xf32> to vector<16xf32>
    %swap3A_111 = vector.shape_cast %scan3A_57#8 : vector<16xf32> to vector<1x16xf32>
    tpu.vector_store %arg8[%swap3A_107, %swap3A_108], %swap3A_111 {strides = array<i32>} : memref<10x512xf32, #tpu.memory_space<vmem>>, vector<1x16xf32>,
    %swap3A_112 = arith.constant 2 : i32
    %swap3A_113 = arith.index_cast %swap3A_112 : i32 to index
    %swap3A_114 = arith.constant 16 : index
    %swap3A_115 = tpu.vector_load %arg8[%swap3A_113, %swap3A_114] {strides = array<i32>} : memref<10x512xf32, #tpu.memory_space<vmem>>, vector<1x16xf32>,
    %swap3A_116 = vector.shape_cast %swap3A_115 : vector<1x16xf32> to vector<16xf32>
    %swap3A_117 = vector.shape_cast %scan3A_57#9 : vector<16xf32> to vector<1x16xf32>
    tpu.vector_store %arg8[%swap3A_113, %swap3A_114], %swap3A_117 {strides = array<i32>} : memref<10x512xf32, #tpu.memory_space<vmem>>, vector<1x16xf32>,
    %swap3A_118 = arith.constant 2 : i32
    %swap3A_119 = arith.index_cast %swap3A_118 : i32 to index
    %swap3A_120 = arith.constant 32 : index
    %swap3A_121 = tpu.vector_load %arg8[%swap3A_119, %swap3A_120] {strides = array<i32>} : memref<10x512xf32, #tpu.memory_space<vmem>>, vector<1x16xf32>,
    %swap3A_122 = vector.shape_cast %swap3A_121 : vector<1x16xf32> to vector<16xf32>
    %swap3A_123 = vector.shape_cast %scan3A_57#10 : vector<16xf32> to vector<1x16xf32>
    tpu.vector_store %arg8[%swap3A_119, %swap3A_120], %swap3A_123 {strides = array<i32>} : memref<10x512xf32, #tpu.memory_space<vmem>>, vector<1x16xf32>,
    %swap3A_124 = arith.constant 2 : i32
    %swap3A_125 = arith.index_cast %swap3A_124 : i32 to index
    %swap3A_126 = arith.constant 48 : index
    %swap3A_127 = tpu.vector_load %arg8[%swap3A_125, %swap3A_126] {strides = array<i32>} : memref<10x512xf32, #tpu.memory_space<vmem>>, vector<1x16xf32>,
    %swap3A_128 = vector.shape_cast %swap3A_127 : vector<1x16xf32> to vector<16xf32>
    %swap3A_129 = vector.shape_cast %scan3A_57#11 : vector<16xf32> to vector<1x16xf32>
    tpu.vector_store %arg8[%swap3A_125, %swap3A_126], %swap3A_129 {strides = array<i32>} : memref<10x512xf32, #tpu.memory_space<vmem>>, vector<1x16xf32>,
    %swap3A_130 = arith.constant 3 : i32
    %swap3A_131 = arith.index_cast %swap3A_130 : i32 to index
    %swap3A_132 = arith.constant 0 : index
    %swap3A_133 = tpu.vector_load %arg8[%swap3A_131, %swap3A_132] {strides = array<i32>} : memref<10x512xf32, #tpu.memory_space<vmem>>, vector<1x16xf32>,
    %swap3A_134 = vector.shape_cast %swap3A_133 : vector<1x16xf32> to vector<16xf32>
    %swap3A_135 = vector.shape_cast %scan3A_57#12 : vector<16xf32> to vector<1x16xf32>
    tpu.vector_store %arg8[%swap3A_131, %swap3A_132], %swap3A_135 {strides = array<i32>} : memref<10x512xf32, #tpu.memory_space<vmem>>, vector<1x16xf32>,
    %swap3A_136 = arith.constant 3 : i32
    %swap3A_137 = arith.index_cast %swap3A_136 : i32 to index
    %swap3A_138 = arith.constant 16 : index
    %swap3A_139 = tpu.vector_load %arg8[%swap3A_137, %swap3A_138] {strides = array<i32>} : memref<10x512xf32, #tpu.memory_space<vmem>>, vector<1x16xf32>,
    %swap3A_140 = vector.shape_cast %swap3A_139 : vector<1x16xf32> to vector<16xf32>
    %swap3A_141 = vector.shape_cast %scan3A_57#13 : vector<16xf32> to vector<1x16xf32>
    tpu.vector_store %arg8[%swap3A_137, %swap3A_138], %swap3A_141 {strides = array<i32>} : memref<10x512xf32, #tpu.memory_space<vmem>>, vector<1x16xf32>,
    %swap3A_142 = arith.constant 3 : i32
    %swap3A_143 = arith.index_cast %swap3A_142 : i32 to index
    %swap3A_144 = arith.constant 32 : index
    %swap3A_145 = tpu.vector_load %arg8[%swap3A_143, %swap3A_144] {strides = array<i32>} : memref<10x512xf32, #tpu.memory_space<vmem>>, vector<1x16xf32>,
    %swap3A_146 = vector.shape_cast %swap3A_145 : vector<1x16xf32> to vector<16xf32>
    %swap3A_147 = vector.shape_cast %scan3A_57#14 : vector<16xf32> to vector<1x16xf32>
    tpu.vector_store %arg8[%swap3A_143, %swap3A_144], %swap3A_147 {strides = array<i32>} : memref<10x512xf32, #tpu.memory_space<vmem>>, vector<1x16xf32>,
    %swap3A_148 = arith.constant 3 : i32
    %swap3A_149 = arith.index_cast %swap3A_148 : i32 to index
    %swap3A_150 = arith.constant 48 : index
    %swap3A_151 = tpu.vector_load %arg8[%swap3A_149, %swap3A_150] {strides = array<i32>} : memref<10x512xf32, #tpu.memory_space<vmem>>, vector<1x16xf32>,
    %swap3A_152 = vector.shape_cast %swap3A_151 : vector<1x16xf32> to vector<16xf32>
    %swap3A_153 = vector.shape_cast %scan3A_57#15 : vector<16xf32> to vector<1x16xf32>
    tpu.vector_store %arg8[%swap3A_149, %swap3A_150], %swap3A_153 {strides = array<i32>} : memref<10x512xf32, #tpu.memory_space<vmem>>, vector<1x16xf32>,
    %swap3A_154 = arith.constant 4 : i32
    %swap3A_155 = arith.index_cast %swap3A_154 : i32 to index
    %swap3A_156 = arith.constant 0 : index
    %swap3A_157 = tpu.vector_load %arg8[%swap3A_155, %swap3A_156] {strides = array<i32>} : memref<10x512xf32, #tpu.memory_space<vmem>>, vector<1x16xf32>,
    %swap3A_158 = vector.shape_cast %swap3A_157 : vector<1x16xf32> to vector<16xf32>
    %swap3A_159 = vector.shape_cast %scan3A_57#16 : vector<16xf32> to vector<1x16xf32>
    tpu.vector_store %arg8[%swap3A_155, %swap3A_156], %swap3A_159 {strides = array<i32>} : memref<10x512xf32, #tpu.memory_space<vmem>>, vector<1x16xf32>,
    %swap3A_160 = arith.constant 4 : i32
    %swap3A_161 = arith.index_cast %swap3A_160 : i32 to index
    %swap3A_162 = arith.constant 16 : index
    %swap3A_163 = tpu.vector_load %arg8[%swap3A_161, %swap3A_162] {strides = array<i32>} : memref<10x512xf32, #tpu.memory_space<vmem>>, vector<1x16xf32>,
    %swap3A_164 = vector.shape_cast %swap3A_163 : vector<1x16xf32> to vector<16xf32>
    %swap3A_165 = vector.shape_cast %scan3A_57#17 : vector<16xf32> to vector<1x16xf32>
    tpu.vector_store %arg8[%swap3A_161, %swap3A_162], %swap3A_165 {strides = array<i32>} : memref<10x512xf32, #tpu.memory_space<vmem>>, vector<1x16xf32>,
    %swap3A_166 = arith.constant 4 : i32
    %swap3A_167 = arith.index_cast %swap3A_166 : i32 to index
    %swap3A_168 = arith.constant 32 : index
    %swap3A_169 = tpu.vector_load %arg8[%swap3A_167, %swap3A_168] {strides = array<i32>} : memref<10x512xf32, #tpu.memory_space<vmem>>, vector<1x16xf32>,
    %swap3A_170 = vector.shape_cast %swap3A_169 : vector<1x16xf32> to vector<16xf32>
    %swap3A_171 = vector.shape_cast %scan3A_57#18 : vector<16xf32> to vector<1x16xf32>
    tpu.vector_store %arg8[%swap3A_167, %swap3A_168], %swap3A_171 {strides = array<i32>} : memref<10x512xf32, #tpu.memory_space<vmem>>, vector<1x16xf32>,
    %swap3A_172 = arith.constant 4 : i32
    %swap3A_173 = arith.index_cast %swap3A_172 : i32 to index
    %swap3A_174 = arith.constant 48 : index
    %swap3A_175 = tpu.vector_load %arg8[%swap3A_173, %swap3A_174] {strides = array<i32>} : memref<10x512xf32, #tpu.memory_space<vmem>>, vector<1x16xf32>,
    %swap3A_176 = vector.shape_cast %swap3A_175 : vector<1x16xf32> to vector<16xf32>
    %swap3A_177 = vector.shape_cast %scan3A_57#19 : vector<16xf32> to vector<1x16xf32>
    tpu.vector_store %arg8[%swap3A_173, %swap3A_174], %swap3A_177 {strides = array<i32>} : memref<10x512xf32, #tpu.memory_space<vmem>>, vector<1x16xf32>,
    %swap3A_178 = arith.constant 5 : i32
    %swap3A_179 = arith.index_cast %swap3A_178 : i32 to index
    %swap3A_180 = arith.constant 0 : index
    %swap3A_181 = tpu.vector_load %arg8[%swap3A_179, %swap3A_180] {strides = array<i32>} : memref<10x512xf32, #tpu.memory_space<vmem>>, vector<1x16xf32>,
    %swap3A_182 = vector.shape_cast %swap3A_181 : vector<1x16xf32> to vector<16xf32>
    %swap3A_183 = vector.shape_cast %scan3A_57#20 : vector<16xf32> to vector<1x16xf32>
    tpu.vector_store %arg8[%swap3A_179, %swap3A_180], %swap3A_183 {strides = array<i32>} : memref<10x512xf32, #tpu.memory_space<vmem>>, vector<1x16xf32>,
    %swap3A_184 = arith.constant 5 : i32
    %swap3A_185 = arith.index_cast %swap3A_184 : i32 to index
    %swap3A_186 = arith.constant 16 : index
    %swap3A_187 = tpu.vector_load %arg8[%swap3A_185, %swap3A_186] {strides = array<i32>} : memref<10x512xf32, #tpu.memory_space<vmem>>, vector<1x16xf32>,
    %swap3A_188 = vector.shape_cast %swap3A_187 : vector<1x16xf32> to vector<16xf32>
    %swap3A_189 = vector.shape_cast %scan3A_57#21 : vector<16xf32> to vector<1x16xf32>
    tpu.vector_store %arg8[%swap3A_185, %swap3A_186], %swap3A_189 {strides = array<i32>} : memref<10x512xf32, #tpu.memory_space<vmem>>, vector<1x16xf32>,
    %swap3A_190 = arith.constant 5 : i32
    %swap3A_191 = arith.index_cast %swap3A_190 : i32 to index
    %swap3A_192 = arith.constant 32 : index
    %swap3A_193 = tpu.vector_load %arg8[%swap3A_191, %swap3A_192] {strides = array<i32>} : memref<10x512xf32, #tpu.memory_space<vmem>>, vector<1x16xf32>,
    %swap3A_194 = vector.shape_cast %swap3A_193 : vector<1x16xf32> to vector<16xf32>
    %swap3A_195 = vector.shape_cast %scan3A_57#22 : vector<16xf32> to vector<1x16xf32>
    tpu.vector_store %arg8[%swap3A_191, %swap3A_192], %swap3A_195 {strides = array<i32>} : memref<10x512xf32, #tpu.memory_space<vmem>>, vector<1x16xf32>,
    %swap3A_196 = arith.constant 5 : i32
    %swap3A_197 = arith.index_cast %swap3A_196 : i32 to index
    %swap3A_198 = arith.constant 48 : index
    %swap3A_199 = tpu.vector_load %arg8[%swap3A_197, %swap3A_198] {strides = array<i32>} : memref<10x512xf32, #tpu.memory_space<vmem>>, vector<1x16xf32>,
    %swap3A_200 = vector.shape_cast %swap3A_199 : vector<1x16xf32> to vector<16xf32>
    %swap3A_201 = vector.shape_cast %scan3A_57#23 : vector<16xf32> to vector<1x16xf32>
    tpu.vector_store %arg8[%swap3A_197, %swap3A_198], %swap3A_201 {strides = array<i32>} : memref<10x512xf32, #tpu.memory_space<vmem>>, vector<1x16xf32>,
    %swap3A_202 = arith.constant 6 : i32
    %swap3A_203 = arith.index_cast %swap3A_202 : i32 to index
    %swap3A_204 = arith.constant 0 : index
    %swap3A_205 = tpu.vector_load %arg8[%swap3A_203, %swap3A_204] {strides = array<i32>} : memref<10x512xf32, #tpu.memory_space<vmem>>, vector<1x16xf32>,
    %swap3A_206 = vector.shape_cast %swap3A_205 : vector<1x16xf32> to vector<16xf32>
    %swap3A_207 = vector.shape_cast %scan3A_57#24 : vector<16xf32> to vector<1x16xf32>
    tpu.vector_store %arg8[%swap3A_203, %swap3A_204], %swap3A_207 {strides = array<i32>} : memref<10x512xf32, #tpu.memory_space<vmem>>, vector<1x16xf32>,
    %swap3A_208 = arith.constant 6 : i32
    %swap3A_209 = arith.index_cast %swap3A_208 : i32 to index
    %swap3A_210 = arith.constant 16 : index
    %swap3A_211 = tpu.vector_load %arg8[%swap3A_209, %swap3A_210] {strides = array<i32>} : memref<10x512xf32, #tpu.memory_space<vmem>>, vector<1x16xf32>,
    %swap3A_212 = vector.shape_cast %swap3A_211 : vector<1x16xf32> to vector<16xf32>
    %swap3A_213 = vector.shape_cast %scan3A_57#25 : vector<16xf32> to vector<1x16xf32>
    tpu.vector_store %arg8[%swap3A_209, %swap3A_210], %swap3A_213 {strides = array<i32>} : memref<10x512xf32, #tpu.memory_space<vmem>>, vector<1x16xf32>,
    %swap3A_214 = arith.constant 6 : i32
    %swap3A_215 = arith.index_cast %swap3A_214 : i32 to index
    %swap3A_216 = arith.constant 32 : index
    %swap3A_217 = tpu.vector_load %arg8[%swap3A_215, %swap3A_216] {strides = array<i32>} : memref<10x512xf32, #tpu.memory_space<vmem>>, vector<1x16xf32>,
    %swap3A_218 = vector.shape_cast %swap3A_217 : vector<1x16xf32> to vector<16xf32>
    %swap3A_219 = vector.shape_cast %scan3A_57#26 : vector<16xf32> to vector<1x16xf32>
    tpu.vector_store %arg8[%swap3A_215, %swap3A_216], %swap3A_219 {strides = array<i32>} : memref<10x512xf32, #tpu.memory_space<vmem>>, vector<1x16xf32>,
    %swap3A_220 = arith.constant 6 : i32
    %swap3A_221 = arith.index_cast %swap3A_220 : i32 to index
    %swap3A_222 = arith.constant 48 : index
    %swap3A_223 = tpu.vector_load %arg8[%swap3A_221, %swap3A_222] {strides = array<i32>} : memref<10x512xf32, #tpu.memory_space<vmem>>, vector<1x16xf32>,
    %swap3A_224 = vector.shape_cast %swap3A_223 : vector<1x16xf32> to vector<16xf32>
    %swap3A_225 = vector.shape_cast %scan3A_57#27 : vector<16xf32> to vector<1x16xf32>
    tpu.vector_store %arg8[%swap3A_221, %swap3A_222], %swap3A_225 {strides = array<i32>} : memref<10x512xf32, #tpu.memory_space<vmem>>, vector<1x16xf32>,
    %swap3A_226 = arith.constant 7 : i32
    %swap3A_227 = arith.index_cast %swap3A_226 : i32 to index
    %swap3A_228 = arith.constant 0 : index
    %swap3A_229 = tpu.vector_load %arg8[%swap3A_227, %swap3A_228] {strides = array<i32>} : memref<10x512xf32, #tpu.memory_space<vmem>>, vector<1x16xf32>,
    %swap3A_230 = vector.shape_cast %swap3A_229 : vector<1x16xf32> to vector<16xf32>
    %swap3A_231 = vector.shape_cast %scan3A_57#28 : vector<16xf32> to vector<1x16xf32>
    tpu.vector_store %arg8[%swap3A_227, %swap3A_228], %swap3A_231 {strides = array<i32>} : memref<10x512xf32, #tpu.memory_space<vmem>>, vector<1x16xf32>,
    %swap3A_232 = arith.constant 7 : i32
    %swap3A_233 = arith.index_cast %swap3A_232 : i32 to index
    %swap3A_234 = arith.constant 16 : index
    %swap3A_235 = tpu.vector_load %arg8[%swap3A_233, %swap3A_234] {strides = array<i32>} : memref<10x512xf32, #tpu.memory_space<vmem>>, vector<1x16xf32>,
    %swap3A_236 = vector.shape_cast %swap3A_235 : vector<1x16xf32> to vector<16xf32>
    %swap3A_237 = vector.shape_cast %scan3A_57#29 : vector<16xf32> to vector<1x16xf32>
    tpu.vector_store %arg8[%swap3A_233, %swap3A_234], %swap3A_237 {strides = array<i32>} : memref<10x512xf32, #tpu.memory_space<vmem>>, vector<1x16xf32>,
    %swap3A_238 = arith.constant 7 : i32
    %swap3A_239 = arith.index_cast %swap3A_238 : i32 to index
    %swap3A_240 = arith.constant 32 : index
    %swap3A_241 = tpu.vector_load %arg8[%swap3A_239, %swap3A_240] {strides = array<i32>} : memref<10x512xf32, #tpu.memory_space<vmem>>, vector<1x16xf32>,
    %swap3A_242 = vector.shape_cast %swap3A_241 : vector<1x16xf32> to vector<16xf32>
    %swap3A_243 = vector.shape_cast %scan3A_57#30 : vector<16xf32> to vector<1x16xf32>
    tpu.vector_store %arg8[%swap3A_239, %swap3A_240], %swap3A_243 {strides = array<i32>} : memref<10x512xf32, #tpu.memory_space<vmem>>, vector<1x16xf32>,
    %swap3A_244 = arith.constant 7 : i32
    %swap3A_245 = arith.index_cast %swap3A_244 : i32 to index
    %swap3A_246 = arith.constant 48 : index
    %swap3A_247 = tpu.vector_load %arg8[%swap3A_245, %swap3A_246] {strides = array<i32>} : memref<10x512xf32, #tpu.memory_space<vmem>>, vector<1x16xf32>,
    %swap3A_248 = vector.shape_cast %swap3A_247 : vector<1x16xf32> to vector<16xf32>
    %swap3A_249 = vector.shape_cast %scan3A_57#31 : vector<16xf32> to vector<1x16xf32>
    tpu.vector_store %arg8[%swap3A_245, %swap3A_246], %swap3A_249 {strides = array<i32>} : memref<10x512xf32, #tpu.memory_space<vmem>>, vector<1x16xf32>,
    %swap3A_250 = arith.constant 8 : i32
    %swap3A_251 = arith.index_cast %swap3A_250 : i32 to index
    %swap3A_252 = arith.constant 0 : index
    %swap3A_253 = tpu.vector_load %arg8[%swap3A_251, %swap3A_252] {strides = array<i32>} : memref<10x512xf32, #tpu.memory_space<vmem>>, vector<1x16xf32>,
    %swap3A_254 = vector.shape_cast %swap3A_253 : vector<1x16xf32> to vector<16xf32>
    %swap3A_255 = vector.shape_cast %scan3A_57#32 : vector<16xf32> to vector<1x16xf32>
    tpu.vector_store %arg8[%swap3A_251, %swap3A_252], %swap3A_255 {strides = array<i32>} : memref<10x512xf32, #tpu.memory_space<vmem>>, vector<1x16xf32>,
    %swap3A_256 = arith.constant 8 : i32
    %swap3A_257 = arith.index_cast %swap3A_256 : i32 to index
    %swap3A_258 = arith.constant 16 : index
    %swap3A_259 = tpu.vector_load %arg8[%swap3A_257, %swap3A_258] {strides = array<i32>} : memref<10x512xf32, #tpu.memory_space<vmem>>, vector<1x16xf32>,
    %swap3A_260 = vector.shape_cast %swap3A_259 : vector<1x16xf32> to vector<16xf32>
    %swap3A_261 = vector.shape_cast %scan3A_57#33 : vector<16xf32> to vector<1x16xf32>
    tpu.vector_store %arg8[%swap3A_257, %swap3A_258], %swap3A_261 {strides = array<i32>} : memref<10x512xf32, #tpu.memory_space<vmem>>, vector<1x16xf32>,
    %swap3A_262 = arith.constant 8 : i32
    %swap3A_263 = arith.index_cast %swap3A_262 : i32 to index
    %swap3A_264 = arith.constant 32 : index
    %swap3A_265 = tpu.vector_load %arg8[%swap3A_263, %swap3A_264] {strides = array<i32>} : memref<10x512xf32, #tpu.memory_space<vmem>>, vector<1x16xf32>,
    %swap3A_266 = vector.shape_cast %swap3A_265 : vector<1x16xf32> to vector<16xf32>
    %swap3A_267 = vector.shape_cast %scan3A_57#34 : vector<16xf32> to vector<1x16xf32>
    tpu.vector_store %arg8[%swap3A_263, %swap3A_264], %swap3A_267 {strides = array<i32>} : memref<10x512xf32, #tpu.memory_space<vmem>>, vector<1x16xf32>,
    %swap3A_268 = arith.constant 8 : i32
    %swap3A_269 = arith.index_cast %swap3A_268 : i32 to index
    %swap3A_270 = arith.constant 48 : index
    %swap3A_271 = tpu.vector_load %arg8[%swap3A_269, %swap3A_270] {strides = array<i32>} : memref<10x512xf32, #tpu.memory_space<vmem>>, vector<1x16xf32>,
    %swap3A_272 = vector.shape_cast %swap3A_271 : vector<1x16xf32> to vector<16xf32>
    %swap3A_273 = vector.shape_cast %scan3A_57#35 : vector<16xf32> to vector<1x16xf32>
    tpu.vector_store %arg8[%swap3A_269, %swap3A_270], %swap3A_273 {strides = array<i32>} : memref<10x512xf32, #tpu.memory_space<vmem>>, vector<1x16xf32>,
    %swap3A_274 = arith.constant 9 : i32
    %swap3A_275 = arith.index_cast %swap3A_274 : i32 to index
    %swap3A_276 = arith.constant 0 : index
    %swap3A_277 = tpu.vector_load %arg8[%swap3A_275, %swap3A_276] {strides = array<i32>} : memref<10x512xf32, #tpu.memory_space<vmem>>, vector<1x16xf32>,
    %swap3A_278 = vector.shape_cast %swap3A_277 : vector<1x16xf32> to vector<16xf32>
    %swap3A_279 = vector.shape_cast %scan3A_57#36 : vector<16xf32> to vector<1x16xf32>
    tpu.vector_store %arg8[%swap3A_275, %swap3A_276], %swap3A_279 {strides = array<i32>} : memref<10x512xf32, #tpu.memory_space<vmem>>, vector<1x16xf32>,
    %swap3A_280 = arith.constant 9 : i32
    %swap3A_281 = arith.index_cast %swap3A_280 : i32 to index
    %swap3A_282 = arith.constant 16 : index
    %swap3A_283 = tpu.vector_load %arg8[%swap3A_281, %swap3A_282] {strides = array<i32>} : memref<10x512xf32, #tpu.memory_space<vmem>>, vector<1x16xf32>,
    %swap3A_284 = vector.shape_cast %swap3A_283 : vector<1x16xf32> to vector<16xf32>
    %swap3A_285 = vector.shape_cast %scan3A_57#37 : vector<16xf32> to vector<1x16xf32>
    tpu.vector_store %arg8[%swap3A_281, %swap3A_282], %swap3A_285 {strides = array<i32>} : memref<10x512xf32, #tpu.memory_space<vmem>>, vector<1x16xf32>,
    %swap3A_286 = arith.constant 9 : i32
    %swap3A_287 = arith.index_cast %swap3A_286 : i32 to index
    %swap3A_288 = arith.constant 32 : index
    %swap3A_289 = tpu.vector_load %arg8[%swap3A_287, %swap3A_288] {strides = array<i32>} : memref<10x512xf32, #tpu.memory_space<vmem>>, vector<1x16xf32>,
    %swap3A_290 = vector.shape_cast %swap3A_289 : vector<1x16xf32> to vector<16xf32>
    %swap3A_291 = vector.shape_cast %scan3A_57#38 : vector<16xf32> to vector<1x16xf32>
    tpu.vector_store %arg8[%swap3A_287, %swap3A_288], %swap3A_291 {strides = array<i32>} : memref<10x512xf32, #tpu.memory_space<vmem>>, vector<1x16xf32>,
    %swap3A_292 = arith.constant 9 : i32
    %swap3A_293 = arith.index_cast %swap3A_292 : i32 to index
    %swap3A_294 = arith.constant 48 : index
    %swap3A_295 = tpu.vector_load %arg8[%swap3A_293, %swap3A_294] {strides = array<i32>} : memref<10x512xf32, #tpu.memory_space<vmem>>, vector<1x16xf32>,
    %swap3A_296 = vector.shape_cast %swap3A_295 : vector<1x16xf32> to vector<16xf32>
    %swap3A_297 = vector.shape_cast %scan3A_57#39 : vector<16xf32> to vector<1x16xf32>
    tpu.vector_store %arg8[%swap3A_293, %swap3A_294], %swap3A_297 {strides = array<i32>} : memref<10x512xf32, #tpu.memory_space<vmem>>, vector<1x16xf32>,
    %get3A_298 = arith.constant 0 : i32
    %get3A_299 = arith.index_cast %get3A_298 : i32 to index
    %get3A_300 = arith.constant 0 : index
    %get3A_301 = tpu.vector_load %arg9[%get3A_299, %get3A_300] {strides = array<i32>} : memref<10x16xf32, #tpu.memory_space<vmem>>, vector<1x16xf32>,
    %get3A_302 = vector.shape_cast %get3A_301 : vector<1x16xf32> to vector<16xf32>
    %get3A_303 = arith.constant 1 : i32
    %get3A_304 = arith.index_cast %get3A_303 : i32 to index
    %get3A_305 = arith.constant 0 : index
    %get3A_306 = tpu.vector_load %arg9[%get3A_304, %get3A_305] {strides = array<i32>} : memref<10x16xf32, #tpu.memory_space<vmem>>, vector<1x16xf32>,
    %get3A_307 = vector.shape_cast %get3A_306 : vector<1x16xf32> to vector<16xf32>
    %get3A_308 = arith.constant 2 : i32
    %get3A_309 = arith.index_cast %get3A_308 : i32 to index
    %get3A_310 = arith.constant 0 : index
    %get3A_311 = tpu.vector_load %arg9[%get3A_309, %get3A_310] {strides = array<i32>} : memref<10x16xf32, #tpu.memory_space<vmem>>, vector<1x16xf32>,
    %get3A_312 = vector.shape_cast %get3A_311 : vector<1x16xf32> to vector<16xf32>
    %get3A_313 = arith.constant 3 : i32
    %get3A_314 = arith.index_cast %get3A_313 : i32 to index
    %get3A_315 = arith.constant 0 : index
    %get3A_316 = tpu.vector_load %arg9[%get3A_314, %get3A_315] {strides = array<i32>} : memref<10x16xf32, #tpu.memory_space<vmem>>, vector<1x16xf32>,
    %get3A_317 = vector.shape_cast %get3A_316 : vector<1x16xf32> to vector<16xf32>
    %get3A_318 = arith.constant 4 : i32
    %get3A_319 = arith.index_cast %get3A_318 : i32 to index
    %get3A_320 = arith.constant 0 : index
    %get3A_321 = tpu.vector_load %arg9[%get3A_319, %get3A_320] {strides = array<i32>} : memref<10x16xf32, #tpu.memory_space<vmem>>, vector<1x16xf32>,
    %get3A_322 = vector.shape_cast %get3A_321 : vector<1x16xf32> to vector<16xf32>
    %get3A_323 = arith.constant 5 : i32
    %get3A_324 = arith.index_cast %get3A_323 : i32 to index
    %get3A_325 = arith.constant 0 : index
    %get3A_326 = tpu.vector_load %arg9[%get3A_324, %get3A_325] {strides = array<i32>} : memref<10x16xf32, #tpu.memory_space<vmem>>, vector<1x16xf32>,
    %get3A_327 = vector.shape_cast %get3A_326 : vector<1x16xf32> to vector<16xf32>
    %get3A_328 = arith.constant 6 : i32
    %get3A_329 = arith.index_cast %get3A_328 : i32 to index
    %get3A_330 = arith.constant 0 : index
    %get3A_331 = tpu.vector_load %arg9[%get3A_329, %get3A_330] {strides = array<i32>} : memref<10x16xf32, #tpu.memory_space<vmem>>, vector<1x16xf32>,
    %get3A_332 = vector.shape_cast %get3A_331 : vector<1x16xf32> to vector<16xf32>
    %get3A_333 = arith.constant 7 : i32
    %get3A_334 = arith.index_cast %get3A_333 : i32 to index
    %get3A_335 = arith.constant 0 : index
    %get3A_336 = tpu.vector_load %arg9[%get3A_334, %get3A_335] {strides = array<i32>} : memref<10x16xf32, #tpu.memory_space<vmem>>, vector<1x16xf32>,
    %get3A_337 = vector.shape_cast %get3A_336 : vector<1x16xf32> to vector<16xf32>
    %get3A_338 = arith.constant 8 : i32
    %get3A_339 = arith.index_cast %get3A_338 : i32 to index
    %get3A_340 = arith.constant 0 : index
    %get3A_341 = tpu.vector_load %arg9[%get3A_339, %get3A_340] {strides = array<i32>} : memref<10x16xf32, #tpu.memory_space<vmem>>, vector<1x16xf32>,
    %get3A_342 = vector.shape_cast %get3A_341 : vector<1x16xf32> to vector<16xf32>
    %get3A_343 = arith.constant 9 : i32
    %get3A_344 = arith.index_cast %get3A_343 : i32 to index
    %get3A_345 = arith.constant 0 : index
    %get3A_346 = tpu.vector_load %arg9[%get3A_344, %get3A_345] {strides = array<i32>} : memref<10x16xf32, #tpu.memory_space<vmem>>, vector<1x16xf32>,
    %get3A_347 = vector.shape_cast %get3A_346 : vector<1x16xf32> to vector<16xf32>
    %scan3A_348 = arith.constant 0 : i32
    %scan3A_349 = arith.constant 213 : i32
    %scan3A_350 = arith.addi %scan3A_348, %scan3A_349 : i32
    %scan3A_351 = arith.constant 1 : i32
    %scan3A_352:40 = scf.for %scan3A_2372 = %scan3A_348 to %scan3A_350 step %scan3A_351 iter_args(%scan3A_2373 = %get3A_302, %scan3A_2374 = %get3A_302, %scan3A_2375 = %get3A_302, %scan3A_2376 = %get3A_302, %scan3A_2377 = %get3A_307, %scan3A_2378 = %get3A_307, %scan3A_2379 = %get3A_307, %scan3A_2380 = %get3A_307, %scan3A_2381 = %get3A_312, %scan3A_2382 = %get3A_312, %scan3A_2383 = %get3A_312, %scan3A_2384 = %get3A_312, %scan3A_2385 = %get3A_317, %scan3A_2386 = %get3A_317, %scan3A_2387 = %get3A_317, %scan3A_2388 = %get3A_317, %scan3A_2389 = %get3A_322, %scan3A_2390 = %get3A_322, %scan3A_2391 = %get3A_322, %scan3A_2392 = %get3A_322, %scan3A_2393 = %get3A_327, %scan3A_2394 = %get3A_327, %scan3A_2395 = %get3A_327, %scan3A_2396 = %get3A_327, %scan3A_2397 = %get3A_332, %scan3A_2398 = %get3A_332, %scan3A_2399 = %get3A_332, %scan3A_2400 = %get3A_332, %scan3A_2401 = %get3A_337, %scan3A_2402 = %get3A_337, %scan3A_2403 = %get3A_337, %scan3A_2404 = %get3A_337, %scan3A_2405 = %get3A_342, %scan3A_2406 = %get3A_342, %scan3A_2407 = %get3A_342, %scan3A_2408 = %get3A_342, %scan3A_2409 = %get3A_347, %scan3A_2410 = %get3A_347, %scan3A_2411 = %get3A_347, %scan3A_2412 = %get3A_347) -> (vector<16xf32>, vector<16xf32>, vector<16xf32>, vector<16xf32>, vector<16xf32>, vector<16xf32>, vector<16xf32>, vector<16xf32>, vector<16xf32>, vector<16xf32>, vector<16xf32>, vector<16xf32>, vector<16xf32>, vector<16xf32>, vector<16xf32>, vector<16xf32>, vector<16xf32>, vector<16xf32>, vector<16xf32>, vector<16xf32>, vector<16xf32>, vector<16xf32>, vector<16xf32>, vector<16xf32>, vector<16xf32>, vector<16xf32>, vector<16xf32>, vector<16xf32>, vector<16xf32>, vector<16xf32>, vector<16xf32>, vector<16xf32>, vector<16xf32>, vector<16xf32>, vector<16xf32>, vector<16xf32>, vector<16xf32>, vector<16xf32>, vector<16xf32>, vector<16xf32>)  : i32 {
      %get3A_2413 = arith.index_cast %scan3A_2372 : i32 to index
      %get3A_2414 = arith.constant 64 : index
      %get3A_2415 = tpu.vector_load %arg6[%get3A_2413, %get3A_2414] {strides = array<i32>} : memref<213x256xf32, #tpu.memory_space<vmem>>, vector<1x16xf32>,
      %get3A_2416 = vector.shape_cast %get3A_2415 : vector<1x16xf32> to vector<16xf32>
      %get3A_2417 = arith.index_cast %scan3A_2372 : i32 to index
      %get3A_2418 = arith.constant 80 : index
      %get3A_2419 = tpu.vector_load %arg6[%get3A_2417, %get3A_2418] {strides = array<i32>} : memref<213x256xf32, #tpu.memory_space<vmem>>, vector<1x16xf32>,
      %get3A_2420 = vector.shape_cast %get3A_2419 : vector<1x16xf32> to vector<16xf32>
      %get3A_2421 = arith.index_cast %scan3A_2372 : i32 to index
      %get3A_2422 = arith.constant 96 : index
      %get3A_2423 = tpu.vector_load %arg6[%get3A_2421, %get3A_2422] {strides = array<i32>} : memref<213x256xf32, #tpu.memory_space<vmem>>, vector<1x16xf32>,
      %get3A_2424 = vector.shape_cast %get3A_2423 : vector<1x16xf32> to vector<16xf32>
      %get3A_2425 = arith.index_cast %scan3A_2372 : i32 to index
      %get3A_2426 = arith.constant 112 : index
      %get3A_2427 = tpu.vector_load %arg6[%get3A_2425, %get3A_2426] {strides = array<i32>} : memref<213x256xf32, #tpu.memory_space<vmem>>, vector<1x16xf32>,
      %get3A_2428 = vector.shape_cast %get3A_2427 : vector<1x16xf32> to vector<16xf32>
      %mul3A_2429 = arith.constant 16 : i32
      %mul3A_2430 = arith.muli %scan3A_2372, %mul3A_2429 : i32
      %get3A_2431 = arith.constant 0 : i32
      %get3A_2432 = arith.index_cast %get3A_2431 : i32 to index
      %get3A_2433 = arith.index_cast %mul3A_2430 : i32 to index
      %get3A_2434 = tpu.vector_load %arg7[%get3A_2432, %get3A_2433] {strides = array<i32>} : memref<10x3408xf32, #tpu.memory_space<vmem>>, vector<1x16xf32>,
      %get3A_2435 = vector.shape_cast %get3A_2434 : vector<1x16xf32> to vector<16xf32>
      %mul3A_2436 = arith.mulf %get3A_2416, %get3A_2435 : vector<16xf32>
      %add3A_2437 = arith.addf %scan3A_2373, %mul3A_2436 : vector<16xf32>
      %mul3A_2438 = arith.mulf %get3A_2420, %get3A_2435 : vector<16xf32>
      %add3A_2439 = arith.addf %scan3A_2374, %mul3A_2438 : vector<16xf32>
      %mul3A_2440 = arith.mulf %get3A_2424, %get3A_2435 : vector<16xf32>
      %add3A_2441 = arith.addf %scan3A_2375, %mul3A_2440 : vector<16xf32>
      %mul3A_2442 = arith.mulf %get3A_2428, %get3A_2435 : vector<16xf32>
      %add3A_2443 = arith.addf %scan3A_2376, %mul3A_2442 : vector<16xf32>
      %mul3A_2444 = arith.constant 16 : i32
      %mul3A_2445 = arith.muli %scan3A_2372, %mul3A_2444 : i32
      %get3A_2446 = arith.constant 1 : i32
      %get3A_2447 = arith.index_cast %get3A_2446 : i32 to index
      %get3A_2448 = arith.index_cast %mul3A_2445 : i32 to index
      %get3A_2449 = tpu.vector_load %arg7[%get3A_2447, %get3A_2448] {strides = array<i32>} : memref<10x3408xf32, #tpu.memory_space<vmem>>, vector<1x16xf32>,
      %get3A_2450 = vector.shape_cast %get3A_2449 : vector<1x16xf32> to vector<16xf32>
      %mul3A_2451 = arith.mulf %get3A_2416, %get3A_2450 : vector<16xf32>
      %add3A_2452 = arith.addf %scan3A_2377, %mul3A_2451 : vector<16xf32>
      %mul3A_2453 = arith.mulf %get3A_2420, %get3A_2450 : vector<16xf32>
      %add3A_2454 = arith.addf %scan3A_2378, %mul3A_2453 : vector<16xf32>
      %mul3A_2455 = arith.mulf %get3A_2424, %get3A_2450 : vector<16xf32>
      %add3A_2456 = arith.addf %scan3A_2379, %mul3A_2455 : vector<16xf32>
      %mul3A_2457 = arith.mulf %get3A_2428, %get3A_2450 : vector<16xf32>
      %add3A_2458 = arith.addf %scan3A_2380, %mul3A_2457 : vector<16xf32>
      %mul3A_2459 = arith.constant 16 : i32
      %mul3A_2460 = arith.muli %scan3A_2372, %mul3A_2459 : i32
      %get3A_2461 = arith.constant 2 : i32
      %get3A_2462 = arith.index_cast %get3A_2461 : i32 to index
      %get3A_2463 = arith.index_cast %mul3A_2460 : i32 to index
      %get3A_2464 = tpu.vector_load %arg7[%get3A_2462, %get3A_2463] {strides = array<i32>} : memref<10x3408xf32, #tpu.memory_space<vmem>>, vector<1x16xf32>,
      %get3A_2465 = vector.shape_cast %get3A_2464 : vector<1x16xf32> to vector<16xf32>
      %mul3A_2466 = arith.mulf %get3A_2416, %get3A_2465 : vector<16xf32>
      %add3A_2467 = arith.addf %scan3A_2381, %mul3A_2466 : vector<16xf32>
      %mul3A_2468 = arith.mulf %get3A_2420, %get3A_2465 : vector<16xf32>
      %add3A_2469 = arith.addf %scan3A_2382, %mul3A_2468 : vector<16xf32>
      %mul3A_2470 = arith.mulf %get3A_2424, %get3A_2465 : vector<16xf32>
      %add3A_2471 = arith.addf %scan3A_2383, %mul3A_2470 : vector<16xf32>
      %mul3A_2472 = arith.mulf %get3A_2428, %get3A_2465 : vector<16xf32>
      %add3A_2473 = arith.addf %scan3A_2384, %mul3A_2472 : vector<16xf32>
      %mul3A_2474 = arith.constant 16 : i32
      %mul3A_2475 = arith.muli %scan3A_2372, %mul3A_2474 : i32
      %get3A_2476 = arith.constant 3 : i32
      %get3A_2477 = arith.index_cast %get3A_2476 : i32 to index
      %get3A_2478 = arith.index_cast %mul3A_2475 : i32 to index
      %get3A_2479 = tpu.vector_load %arg7[%get3A_2477, %get3A_2478] {strides = array<i32>} : memref<10x3408xf32, #tpu.memory_space<vmem>>, vector<1x16xf32>,
      %get3A_2480 = vector.shape_cast %get3A_2479 : vector<1x16xf32> to vector<16xf32>
      %mul3A_2481 = arith.mulf %get3A_2416, %get3A_2480 : vector<16xf32>
      %add3A_2482 = arith.addf %scan3A_2385, %mul3A_2481 : vector<16xf32>
      %mul3A_2483 = arith.mulf %get3A_2420, %get3A_2480 : vector<16xf32>
      %add3A_2484 = arith.addf %scan3A_2386, %mul3A_2483 : vector<16xf32>
      %mul3A_2485 = arith.mulf %get3A_2424, %get3A_2480 : vector<16xf32>
      %add3A_2486 = arith.addf %scan3A_2387, %mul3A_2485 : vector<16xf32>
      %mul3A_2487 = arith.mulf %get3A_2428, %get3A_2480 : vector<16xf32>
      %add3A_2488 = arith.addf %scan3A_2388, %mul3A_2487 : vector<16xf32>
      %mul3A_2489 = arith.constant 16 : i32
      %mul3A_2490 = arith.muli %scan3A_2372, %mul3A_2489 : i32
      %get3A_2491 = arith.constant 4 : i32
      %get3A_2492 = arith.index_cast %get3A_2491 : i32 to index
      %get3A_2493 = arith.index_cast %mul3A_2490 : i32 to index
      %get3A_2494 = tpu.vector_load %arg7[%get3A_2492, %get3A_2493] {strides = array<i32>} : memref<10x3408xf32, #tpu.memory_space<vmem>>, vector<1x16xf32>,
      %get3A_2495 = vector.shape_cast %get3A_2494 : vector<1x16xf32> to vector<16xf32>
      %mul3A_2496 = arith.mulf %get3A_2416, %get3A_2495 : vector<16xf32>
      %add3A_2497 = arith.addf %scan3A_2389, %mul3A_2496 : vector<16xf32>
      %mul3A_2498 = arith.mulf %get3A_2420, %get3A_2495 : vector<16xf32>
      %add3A_2499 = arith.addf %scan3A_2390, %mul3A_2498 : vector<16xf32>
      %mul3A_2500 = arith.mulf %get3A_2424, %get3A_2495 : vector<16xf32>
      %add3A_2501 = arith.addf %scan3A_2391, %mul3A_2500 : vector<16xf32>
      %mul3A_2502 = arith.mulf %get3A_2428, %get3A_2495 : vector<16xf32>
      %add3A_2503 = arith.addf %scan3A_2392, %mul3A_2502 : vector<16xf32>
      %mul3A_2504 = arith.constant 16 : i32
      %mul3A_2505 = arith.muli %scan3A_2372, %mul3A_2504 : i32
      %get3A_2506 = arith.constant 5 : i32
      %get3A_2507 = arith.index_cast %get3A_2506 : i32 to index
      %get3A_2508 = arith.index_cast %mul3A_2505 : i32 to index
      %get3A_2509 = tpu.vector_load %arg7[%get3A_2507, %get3A_2508] {strides = array<i32>} : memref<10x3408xf32, #tpu.memory_space<vmem>>, vector<1x16xf32>,
      %get3A_2510 = vector.shape_cast %get3A_2509 : vector<1x16xf32> to vector<16xf32>
      %mul3A_2511 = arith.mulf %get3A_2416, %get3A_2510 : vector<16xf32>
      %add3A_2512 = arith.addf %scan3A_2393, %mul3A_2511 : vector<16xf32>
      %mul3A_2513 = arith.mulf %get3A_2420, %get3A_2510 : vector<16xf32>
      %add3A_2514 = arith.addf %scan3A_2394, %mul3A_2513 : vector<16xf32>
      %mul3A_2515 = arith.mulf %get3A_2424, %get3A_2510 : vector<16xf32>
      %add3A_2516 = arith.addf %scan3A_2395, %mul3A_2515 : vector<16xf32>
      %mul3A_2517 = arith.mulf %get3A_2428, %get3A_2510 : vector<16xf32>
      %add3A_2518 = arith.addf %scan3A_2396, %mul3A_2517 : vector<16xf32>
      %mul3A_2519 = arith.constant 16 : i32
      %mul3A_2520 = arith.muli %scan3A_2372, %mul3A_2519 : i32
      %get3A_2521 = arith.constant 6 : i32
      %get3A_2522 = arith.index_cast %get3A_2521 : i32 to index
      %get3A_2523 = arith.index_cast %mul3A_2520 : i32 to index
      %get3A_2524 = tpu.vector_load %arg7[%get3A_2522, %get3A_2523] {strides = array<i32>} : memref<10x3408xf32, #tpu.memory_space<vmem>>, vector<1x16xf32>,
      %get3A_2525 = vector.shape_cast %get3A_2524 : vector<1x16xf32> to vector<16xf32>
      %mul3A_2526 = arith.mulf %get3A_2416, %get3A_2525 : vector<16xf32>
      %add3A_2527 = arith.addf %scan3A_2397, %mul3A_2526 : vector<16xf32>
      %mul3A_2528 = arith.mulf %get3A_2420, %get3A_2525 : vector<16xf32>
      %add3A_2529 = arith.addf %scan3A_2398, %mul3A_2528 : vector<16xf32>
      %mul3A_2530 = arith.mulf %get3A_2424, %get3A_2525 : vector<16xf32>
      %add3A_2531 = arith.addf %scan3A_2399, %mul3A_2530 : vector<16xf32>
      %mul3A_2532 = arith.mulf %get3A_2428, %get3A_2525 : vector<16xf32>
      %add3A_2533 = arith.addf %scan3A_2400, %mul3A_2532 : vector<16xf32>
      %mul3A_2534 = arith.constant 16 : i32
      %mul3A_2535 = arith.muli %scan3A_2372, %mul3A_2534 : i32
      %get3A_2536 = arith.constant 7 : i32
      %get3A_2537 = arith.index_cast %get3A_2536 : i32 to index
      %get3A_2538 = arith.index_cast %mul3A_2535 : i32 to index
      %get3A_2539 = tpu.vector_load %arg7[%get3A_2537, %get3A_2538] {strides = array<i32>} : memref<10x3408xf32, #tpu.memory_space<vmem>>, vector<1x16xf32>,
      %get3A_2540 = vector.shape_cast %get3A_2539 : vector<1x16xf32> to vector<16xf32>
      %mul3A_2541 = arith.mulf %get3A_2416, %get3A_2540 : vector<16xf32>
      %add3A_2542 = arith.addf %scan3A_2401, %mul3A_2541 : vector<16xf32>
      %mul3A_2543 = arith.mulf %get3A_2420, %get3A_2540 : vector<16xf32>
      %add3A_2544 = arith.addf %scan3A_2402, %mul3A_2543 : vector<16xf32>
      %mul3A_2545 = arith.mulf %get3A_2424, %get3A_2540 : vector<16xf32>
      %add3A_2546 = arith.addf %scan3A_2403, %mul3A_2545 : vector<16xf32>
      %mul3A_2547 = arith.mulf %get3A_2428, %get3A_2540 : vector<16xf32>
      %add3A_2548 = arith.addf %scan3A_2404, %mul3A_2547 : vector<16xf32>
      %mul3A_2549 = arith.constant 16 : i32
      %mul3A_2550 = arith.muli %scan3A_2372, %mul3A_2549 : i32
      %get3A_2551 = arith.constant 8 : i32
      %get3A_2552 = arith.index_cast %get3A_2551 : i32 to index
      %get3A_2553 = arith.index_cast %mul3A_2550 : i32 to index
      %get3A_2554 = tpu.vector_load %arg7[%get3A_2552, %get3A_2553] {strides = array<i32>} : memref<10x3408xf32, #tpu.memory_space<vmem>>, vector<1x16xf32>,
      %get3A_2555 = vector.shape_cast %get3A_2554 : vector<1x16xf32> to vector<16xf32>
      %mul3A_2556 = arith.mulf %get3A_2416, %get3A_2555 : vector<16xf32>
      %add3A_2557 = arith.addf %scan3A_2405, %mul3A_2556 : vector<16xf32>
      %mul3A_2558 = arith.mulf %get3A_2420, %get3A_2555 : vector<16xf32>
      %add3A_2559 = arith.addf %scan3A_2406, %mul3A_2558 : vector<16xf32>
      %mul3A_2560 = arith.mulf %get3A_2424, %get3A_2555 : vector<16xf32>
      %add3A_2561 = arith.addf %scan3A_2407, %mul3A_2560 : vector<16xf32>
      %mul3A_2562 = arith.mulf %get3A_2428, %get3A_2555 : vector<16xf32>
      %add3A_2563 = arith.addf %scan3A_2408, %mul3A_2562 : vector<16xf32>
      %mul3A_2564 = arith.constant 16 : i32
      %mul3A_2565 = arith.muli %scan3A_2372, %mul3A_2564 : i32
      %get3A_2566 = arith.constant 9 : i32
      %get3A_2567 = arith.index_cast %get3A_2566 : i32 to index
      %get3A_2568 = arith.index_cast %mul3A_2565 : i32 to index
      %get3A_2569 = tpu.vector_load %arg7[%get3A_2567, %get3A_2568] {strides = array<i32>} : memref<10x3408xf32, #tpu.memory_space<vmem>>, vector<1x16xf32>,
      %get3A_2570 = vector.shape_cast %get3A_2569 : vector<1x16xf32> to vector<16xf32>
      %mul3A_2571 = arith.mulf %get3A_2416, %get3A_2570 : vector<16xf32>
      %add3A_2572 = arith.addf %scan3A_2409, %mul3A_2571 : vector<16xf32>
      %mul3A_2573 = arith.mulf %get3A_2420, %get3A_2570 : vector<16xf32>
      %add3A_2574 = arith.addf %scan3A_2410, %mul3A_2573 : vector<16xf32>
      %mul3A_2575 = arith.mulf %get3A_2424, %get3A_2570 : vector<16xf32>
      %add3A_2576 = arith.addf %scan3A_2411, %mul3A_2575 : vector<16xf32>
      %mul3A_2577 = arith.mulf %get3A_2428, %get3A_2570 : vector<16xf32>
      %add3A_2578 = arith.addf %scan3A_2412, %mul3A_2577 : vector<16xf32>
      scf.yield %add3A_2437, %add3A_2439, %add3A_2441, %add3A_2443, %add3A_2452, %add3A_2454, %add3A_2456, %add3A_2458, %add3A_2467, %add3A_2469, %add3A_2471, %add3A_2473, %add3A_2482, %add3A_2484, %add3A_2486, %add3A_2488, %add3A_2497, %add3A_2499, %add3A_2501, %add3A_2503, %add3A_2512, %add3A_2514, %add3A_2516, %add3A_2518, %add3A_2527, %add3A_2529, %add3A_2531, %add3A_2533, %add3A_2542, %add3A_2544, %add3A_2546, %add3A_2548, %add3A_2557, %add3A_2559, %add3A_2561, %add3A_2563, %add3A_2572, %add3A_2574, %add3A_2576, %add3A_2578 : vector<16xf32>, vector<16xf32>, vector<16xf32>, vector<16xf32>, vector<16xf32>, vector<16xf32>, vector<16xf32>, vector<16xf32>, vector<16xf32>, vector<16xf32>, vector<16xf32>, vector<16xf32>, vector<16xf32>, vector<16xf32>, vector<16xf32>, vector<16xf32>, vector<16xf32>, vector<16xf32>, vector<16xf32>, vector<16xf32>, vector<16xf32>, vector<16xf32>, vector<16xf32>, vector<16xf32>, vector<16xf32>, vector<16xf32>, vector<16xf32>, vector<16xf32>, vector<16xf32>, vector<16xf32>, vector<16xf32>, vector<16xf32>, vector<16xf32>, vector<16xf32>, vector<16xf32>, vector<16xf32>, vector<16xf32>, vector<16xf32>, vector<16xf32>, vector<16xf32>
    }
    %scan3A_353 = arith.constant 213 : i32
    %swap3A_354 = arith.constant 0 : i32
    %swap3A_355 = arith.index_cast %swap3A_354 : i32 to index
    %swap3A_356 = arith.constant 64 : index
    %swap3A_357 = tpu.vector_load %arg8[%swap3A_355, %swap3A_356] {strides = array<i32>} : memref<10x512xf32, #tpu.memory_space<vmem>>, vector<1x16xf32>,
    %swap3A_358 = vector.shape_cast %swap3A_357 : vector<1x16xf32> to vector<16xf32>
    %swap3A_359 = vector.shape_cast %scan3A_352#0 : vector<16xf32> to vector<1x16xf32>
    tpu.vector_store %arg8[%swap3A_355, %swap3A_356], %swap3A_359 {strides = array<i32>} : memref<10x512xf32, #tpu.memory_space<vmem>>, vector<1x16xf32>,
    %swap3A_360 = arith.constant 0 : i32
    %swap3A_361 = arith.index_cast %swap3A_360 : i32 to index
    %swap3A_362 = arith.constant 80 : index
    %swap3A_363 = tpu.vector_load %arg8[%swap3A_361, %swap3A_362] {strides = array<i32>} : memref<10x512xf32, #tpu.memory_space<vmem>>, vector<1x16xf32>,
    %swap3A_364 = vector.shape_cast %swap3A_363 : vector<1x16xf32> to vector<16xf32>
    %swap3A_365 = vector.shape_cast %scan3A_352#1 : vector<16xf32> to vector<1x16xf32>
    tpu.vector_store %arg8[%swap3A_361, %swap3A_362], %swap3A_365 {strides = array<i32>} : memref<10x512xf32, #tpu.memory_space<vmem>>, vector<1x16xf32>,
    %swap3A_366 = arith.constant 0 : i32
    %swap3A_367 = arith.index_cast %swap3A_366 : i32 to index
    %swap3A_368 = arith.constant 96 : index
    %swap3A_369 = tpu.vector_load %arg8[%swap3A_367, %swap3A_368] {strides = array<i32>} : memref<10x512xf32, #tpu.memory_space<vmem>>, vector<1x16xf32>,
    %swap3A_370 = vector.shape_cast %swap3A_369 : vector<1x16xf32> to vector<16xf32>
    %swap3A_371 = vector.shape_cast %scan3A_352#2 : vector<16xf32> to vector<1x16xf32>
    tpu.vector_store %arg8[%swap3A_367, %swap3A_368], %swap3A_371 {strides = array<i32>} : memref<10x512xf32, #tpu.memory_space<vmem>>, vector<1x16xf32>,
    %swap3A_372 = arith.constant 0 : i32
    %swap3A_373 = arith.index_cast %swap3A_372 : i32 to index
    %swap3A_374 = arith.constant 112 : index
    %swap3A_375 = tpu.vector_load %arg8[%swap3A_373, %swap3A_374] {strides = array<i32>} : memref<10x512xf32, #tpu.memory_space<vmem>>, vector<1x16xf32>,
    %swap3A_376 = vector.shape_cast %swap3A_375 : vector<1x16xf32> to vector<16xf32>
    %swap3A_377 = vector.shape_cast %scan3A_352#3 : vector<16xf32> to vector<1x16xf32>
    tpu.vector_store %arg8[%swap3A_373, %swap3A_374], %swap3A_377 {strides = array<i32>} : memref<10x512xf32, #tpu.memory_space<vmem>>, vector<1x16xf32>,
    %swap3A_378 = arith.constant 1 : i32
    %swap3A_379 = arith.index_cast %swap3A_378 : i32 to index
    %swap3A_380 = arith.constant 64 : index
    %swap3A_381 = tpu.vector_load %arg8[%swap3A_379, %swap3A_380] {strides = array<i32>} : memref<10x512xf32, #tpu.memory_space<vmem>>, vector<1x16xf32>,
    %swap3A_382 = vector.shape_cast %swap3A_381 : vector<1x16xf32> to vector<16xf32>
    %swap3A_383 = vector.shape_cast %scan3A_352#4 : vector<16xf32> to vector<1x16xf32>
    tpu.vector_store %arg8[%swap3A_379, %swap3A_380], %swap3A_383 {strides = array<i32>} : memref<10x512xf32, #tpu.memory_space<vmem>>, vector<1x16xf32>,
    %swap3A_384 = arith.constant 1 : i32
    %swap3A_385 = arith.index_cast %swap3A_384 : i32 to index
    %swap3A_386 = arith.constant 80 : index
    %swap3A_387 = tpu.vector_load %arg8[%swap3A_385, %swap3A_386] {strides = array<i32>} : memref<10x512xf32, #tpu.memory_space<vmem>>, vector<1x16xf32>,
    %swap3A_388 = vector.shape_cast %swap3A_387 : vector<1x16xf32> to vector<16xf32>
    %swap3A_389 = vector.shape_cast %scan3A_352#5 : vector<16xf32> to vector<1x16xf32>
    tpu.vector_store %arg8[%swap3A_385, %swap3A_386], %swap3A_389 {strides = array<i32>} : memref<10x512xf32, #tpu.memory_space<vmem>>, vector<1x16xf32>,
    %swap3A_390 = arith.constant 1 : i32
    %swap3A_391 = arith.index_cast %swap3A_390 : i32 to index
    %swap3A_392 = arith.constant 96 : index
    %swap3A_393 = tpu.vector_load %arg8[%swap3A_391, %swap3A_392] {strides = array<i32>} : memref<10x512xf32, #tpu.memory_space<vmem>>, vector<1x16xf32>,
    %swap3A_394 = vector.shape_cast %swap3A_393 : vector<1x16xf32> to vector<16xf32>
    %swap3A_395 = vector.shape_cast %scan3A_352#6 : vector<16xf32> to vector<1x16xf32>
    tpu.vector_store %arg8[%swap3A_391, %swap3A_392], %swap3A_395 {strides = array<i32>} : memref<10x512xf32, #tpu.memory_space<vmem>>, vector<1x16xf32>,
    %swap3A_396 = arith.constant 1 : i32
    %swap3A_397 = arith.index_cast %swap3A_396 : i32 to index
    %swap3A_398 = arith.constant 112 : index
    %swap3A_399 = tpu.vector_load %arg8[%swap3A_397, %swap3A_398] {strides = array<i32>} : memref<10x512xf32, #tpu.memory_space<vmem>>, vector<1x16xf32>,
    %swap3A_400 = vector.shape_cast %swap3A_399 : vector<1x16xf32> to vector<16xf32>
    %swap3A_401 = vector.shape_cast %scan3A_352#7 : vector<16xf32> to vector<1x16xf32>
    tpu.vector_store %arg8[%swap3A_397, %swap3A_398], %swap3A_401 {strides = array<i32>} : memref<10x512xf32, #tpu.memory_space<vmem>>, vector<1x16xf32>,
    %swap3A_402 = arith.constant 2 : i32
    %swap3A_403 = arith.index_cast %swap3A_402 : i32 to index
    %swap3A_404 = arith.constant 64 : index
    %swap3A_405 = tpu.vector_load %arg8[%swap3A_403, %swap3A_404] {strides = array<i32>} : memref<10x512xf32, #tpu.memory_space<vmem>>, vector<1x16xf32>,
    %swap3A_406 = vector.shape_cast %swap3A_405 : vector<1x16xf32> to vector<16xf32>
    %swap3A_407 = vector.shape_cast %scan3A_352#8 : vector<16xf32> to vector<1x16xf32>
    tpu.vector_store %arg8[%swap3A_403, %swap3A_404], %swap3A_407 {strides = array<i32>} : memref<10x512xf32, #tpu.memory_space<vmem>>, vector<1x16xf32>,
    %swap3A_408 = arith.constant 2 : i32
    %swap3A_409 = arith.index_cast %swap3A_408 : i32 to index
    %swap3A_410 = arith.constant 80 : index
    %swap3A_411 = tpu.vector_load %arg8[%swap3A_409, %swap3A_410] {strides = array<i32>} : memref<10x512xf32, #tpu.memory_space<vmem>>, vector<1x16xf32>,
    %swap3A_412 = vector.shape_cast %swap3A_411 : vector<1x16xf32> to vector<16xf32>
    %swap3A_413 = vector.shape_cast %scan3A_352#9 : vector<16xf32> to vector<1x16xf32>
    tpu.vector_store %arg8[%swap3A_409, %swap3A_410], %swap3A_413 {strides = array<i32>} : memref<10x512xf32, #tpu.memory_space<vmem>>, vector<1x16xf32>,
    %swap3A_414 = arith.constant 2 : i32
    %swap3A_415 = arith.index_cast %swap3A_414 : i32 to index
    %swap3A_416 = arith.constant 96 : index
    %swap3A_417 = tpu.vector_load %arg8[%swap3A_415, %swap3A_416] {strides = array<i32>} : memref<10x512xf32, #tpu.memory_space<vmem>>, vector<1x16xf32>,
    %swap3A_418 = vector.shape_cast %swap3A_417 : vector<1x16xf32> to vector<16xf32>
    %swap3A_419 = vector.shape_cast %scan3A_352#10 : vector<16xf32> to vector<1x16xf32>
    tpu.vector_store %arg8[%swap3A_415, %swap3A_416], %swap3A_419 {strides = array<i32>} : memref<10x512xf32, #tpu.memory_space<vmem>>, vector<1x16xf32>,
    %swap3A_420 = arith.constant 2 : i32
    %swap3A_421 = arith.index_cast %swap3A_420 : i32 to index
    %swap3A_422 = arith.constant 112 : index
    %swap3A_423 = tpu.vector_load %arg8[%swap3A_421, %swap3A_422] {strides = array<i32>} : memref<10x512xf32, #tpu.memory_space<vmem>>, vector<1x16xf32>,
    %swap3A_424 = vector.shape_cast %swap3A_423 : vector<1x16xf32> to vector<16xf32>
    %swap3A_425 = vector.shape_cast %scan3A_352#11 : vector<16xf32> to vector<1x16xf32>
    tpu.vector_store %arg8[%swap3A_421, %swap3A_422], %swap3A_425 {strides = array<i32>} : memref<10x512xf32, #tpu.memory_space<vmem>>, vector<1x16xf32>,
    %swap3A_426 = arith.constant 3 : i32
    %swap3A_427 = arith.index_cast %swap3A_426 : i32 to index
    %swap3A_428 = arith.constant 64 : index
    %swap3A_429 = tpu.vector_load %arg8[%swap3A_427, %swap3A_428] {strides = array<i32>} : memref<10x512xf32, #tpu.memory_space<vmem>>, vector<1x16xf32>,
    %swap3A_430 = vector.shape_cast %swap3A_429 : vector<1x16xf32> to vector<16xf32>
    %swap3A_431 = vector.shape_cast %scan3A_352#12 : vector<16xf32> to vector<1x16xf32>
    tpu.vector_store %arg8[%swap3A_427, %swap3A_428], %swap3A_431 {strides = array<i32>} : memref<10x512xf32, #tpu.memory_space<vmem>>, vector<1x16xf32>,
    %swap3A_432 = arith.constant 3 : i32
    %swap3A_433 = arith.index_cast %swap3A_432 : i32 to index
    %swap3A_434 = arith.constant 80 : index
    %swap3A_435 = tpu.vector_load %arg8[%swap3A_433, %swap3A_434] {strides = array<i32>} : memref<10x512xf32, #tpu.memory_space<vmem>>, vector<1x16xf32>,
    %swap3A_436 = vector.shape_cast %swap3A_435 : vector<1x16xf32> to vector<16xf32>
    %swap3A_437 = vector.shape_cast %scan3A_352#13 : vector<16xf32> to vector<1x16xf32>
    tpu.vector_store %arg8[%swap3A_433, %swap3A_434], %swap3A_437 {strides = array<i32>} : memref<10x512xf32, #tpu.memory_space<vmem>>, vector<1x16xf32>,
    %swap3A_438 = arith.constant 3 : i32
    %swap3A_439 = arith.index_cast %swap3A_438 : i32 to index
    %swap3A_440 = arith.constant 96 : index
    %swap3A_441 = tpu.vector_load %arg8[%swap3A_439, %swap3A_440] {strides = array<i32>} : memref<10x512xf32, #tpu.memory_space<vmem>>, vector<1x16xf32>,
    %swap3A_442 = vector.shape_cast %swap3A_441 : vector<1x16xf32> to vector<16xf32>
    %swap3A_443 = vector.shape_cast %scan3A_352#14 : vector<16xf32> to vector<1x16xf32>
    tpu.vector_store %arg8[%swap3A_439, %swap3A_440], %swap3A_443 {strides = array<i32>} : memref<10x512xf32, #tpu.memory_space<vmem>>, vector<1x16xf32>,
    %swap3A_444 = arith.constant 3 : i32
    %swap3A_445 = arith.index_cast %swap3A_444 : i32 to index
    %swap3A_446 = arith.constant 112 : index
    %swap3A_447 = tpu.vector_load %arg8[%swap3A_445, %swap3A_446] {strides = array<i32>} : memref<10x512xf32, #tpu.memory_space<vmem>>, vector<1x16xf32>,
    %swap3A_448 = vector.shape_cast %swap3A_447 : vector<1x16xf32> to vector<16xf32>
    %swap3A_449 = vector.shape_cast %scan3A_352#15 : vector<16xf32> to vector<1x16xf32>
    tpu.vector_store %arg8[%swap3A_445, %swap3A_446], %swap3A_449 {strides = array<i32>} : memref<10x512xf32, #tpu.memory_space<vmem>>, vector<1x16xf32>,
    %swap3A_450 = arith.constant 4 : i32
    %swap3A_451 = arith.index_cast %swap3A_450 : i32 to index
    %swap3A_452 = arith.constant 64 : index
    %swap3A_453 = tpu.vector_load %arg8[%swap3A_451, %swap3A_452] {strides = array<i32>} : memref<10x512xf32, #tpu.memory_space<vmem>>, vector<1x16xf32>,
    %swap3A_454 = vector.shape_cast %swap3A_453 : vector<1x16xf32> to vector<16xf32>
    %swap3A_455 = vector.shape_cast %scan3A_352#16 : vector<16xf32> to vector<1x16xf32>
    tpu.vector_store %arg8[%swap3A_451, %swap3A_452], %swap3A_455 {strides = array<i32>} : memref<10x512xf32, #tpu.memory_space<vmem>>, vector<1x16xf32>,
    %swap3A_456 = arith.constant 4 : i32
    %swap3A_457 = arith.index_cast %swap3A_456 : i32 to index
    %swap3A_458 = arith.constant 80 : index
    %swap3A_459 = tpu.vector_load %arg8[%swap3A_457, %swap3A_458] {strides = array<i32>} : memref<10x512xf32, #tpu.memory_space<vmem>>, vector<1x16xf32>,
    %swap3A_460 = vector.shape_cast %swap3A_459 : vector<1x16xf32> to vector<16xf32>
    %swap3A_461 = vector.shape_cast %scan3A_352#17 : vector<16xf32> to vector<1x16xf32>
    tpu.vector_store %arg8[%swap3A_457, %swap3A_458], %swap3A_461 {strides = array<i32>} : memref<10x512xf32, #tpu.memory_space<vmem>>, vector<1x16xf32>,
    %swap3A_462 = arith.constant 4 : i32
    %swap3A_463 = arith.index_cast %swap3A_462 : i32 to index
    %swap3A_464 = arith.constant 96 : index
    %swap3A_465 = tpu.vector_load %arg8[%swap3A_463, %swap3A_464] {strides = array<i32>} : memref<10x512xf32, #tpu.memory_space<vmem>>, vector<1x16xf32>,
    %swap3A_466 = vector.shape_cast %swap3A_465 : vector<1x16xf32> to vector<16xf32>
    %swap3A_467 = vector.shape_cast %scan3A_352#18 : vector<16xf32> to vector<1x16xf32>
    tpu.vector_store %arg8[%swap3A_463, %swap3A_464], %swap3A_467 {strides = array<i32>} : memref<10x512xf32, #tpu.memory_space<vmem>>, vector<1x16xf32>,
    %swap3A_468 = arith.constant 4 : i32
    %swap3A_469 = arith.index_cast %swap3A_468 : i32 to index
    %swap3A_470 = arith.constant 112 : index
    %swap3A_471 = tpu.vector_load %arg8[%swap3A_469, %swap3A_470] {strides = array<i32>} : memref<10x512xf32, #tpu.memory_space<vmem>>, vector<1x16xf32>,
    %swap3A_472 = vector.shape_cast %swap3A_471 : vector<1x16xf32> to vector<16xf32>
    %swap3A_473 = vector.shape_cast %scan3A_352#19 : vector<16xf32> to vector<1x16xf32>
    tpu.vector_store %arg8[%swap3A_469, %swap3A_470], %swap3A_473 {strides = array<i32>} : memref<10x512xf32, #tpu.memory_space<vmem>>, vector<1x16xf32>,
    %swap3A_474 = arith.constant 5 : i32
    %swap3A_475 = arith.index_cast %swap3A_474 : i32 to index
    %swap3A_476 = arith.constant 64 : index
    %swap3A_477 = tpu.vector_load %arg8[%swap3A_475, %swap3A_476] {strides = array<i32>} : memref<10x512xf32, #tpu.memory_space<vmem>>, vector<1x16xf32>,
    %swap3A_478 = vector.shape_cast %swap3A_477 : vector<1x16xf32> to vector<16xf32>
    %swap3A_479 = vector.shape_cast %scan3A_352#20 : vector<16xf32> to vector<1x16xf32>
    tpu.vector_store %arg8[%swap3A_475, %swap3A_476], %swap3A_479 {strides = array<i32>} : memref<10x512xf32, #tpu.memory_space<vmem>>, vector<1x16xf32>,
    %swap3A_480 = arith.constant 5 : i32
    %swap3A_481 = arith.index_cast %swap3A_480 : i32 to index
    %swap3A_482 = arith.constant 80 : index
    %swap3A_483 = tpu.vector_load %arg8[%swap3A_481, %swap3A_482] {strides = array<i32>} : memref<10x512xf32, #tpu.memory_space<vmem>>, vector<1x16xf32>,
    %swap3A_484 = vector.shape_cast %swap3A_483 : vector<1x16xf32> to vector<16xf32>
    %swap3A_485 = vector.shape_cast %scan3A_352#21 : vector<16xf32> to vector<1x16xf32>
    tpu.vector_store %arg8[%swap3A_481, %swap3A_482], %swap3A_485 {strides = array<i32>} : memref<10x512xf32, #tpu.memory_space<vmem>>, vector<1x16xf32>,
    %swap3A_486 = arith.constant 5 : i32
    %swap3A_487 = arith.index_cast %swap3A_486 : i32 to index
    %swap3A_488 = arith.constant 96 : index
    %swap3A_489 = tpu.vector_load %arg8[%swap3A_487, %swap3A_488] {strides = array<i32>} : memref<10x512xf32, #tpu.memory_space<vmem>>, vector<1x16xf32>,
    %swap3A_490 = vector.shape_cast %swap3A_489 : vector<1x16xf32> to vector<16xf32>
    %swap3A_491 = vector.shape_cast %scan3A_352#22 : vector<16xf32> to vector<1x16xf32>
    tpu.vector_store %arg8[%swap3A_487, %swap3A_488], %swap3A_491 {strides = array<i32>} : memref<10x512xf32, #tpu.memory_space<vmem>>, vector<1x16xf32>,
    %swap3A_492 = arith.constant 5 : i32
    %swap3A_493 = arith.index_cast %swap3A_492 : i32 to index
    %swap3A_494 = arith.constant 112 : index
    %swap3A_495 = tpu.vector_load %arg8[%swap3A_493, %swap3A_494] {strides = array<i32>} : memref<10x512xf32, #tpu.memory_space<vmem>>, vector<1x16xf32>,
    %swap3A_496 = vector.shape_cast %swap3A_495 : vector<1x16xf32> to vector<16xf32>
    %swap3A_497 = vector.shape_cast %scan3A_352#23 : vector<16xf32> to vector<1x16xf32>
    tpu.vector_store %arg8[%swap3A_493, %swap3A_494], %swap3A_497 {strides = array<i32>} : memref<10x512xf32, #tpu.memory_space<vmem>>, vector<1x16xf32>,
    %swap3A_498 = arith.constant 6 : i32
    %swap3A_499 = arith.index_cast %swap3A_498 : i32 to index
    %swap3A_500 = arith.constant 64 : index
    %swap3A_501 = tpu.vector_load %arg8[%swap3A_499, %swap3A_500] {strides = array<i32>} : memref<10x512xf32, #tpu.memory_space<vmem>>, vector<1x16xf32>,
    %swap3A_502 = vector.shape_cast %swap3A_501 : vector<1x16xf32> to vector<16xf32>
    %swap3A_503 = vector.shape_cast %scan3A_352#24 : vector<16xf32> to vector<1x16xf32>
    tpu.vector_store %arg8[%swap3A_499, %swap3A_500], %swap3A_503 {strides = array<i32>} : memref<10x512xf32, #tpu.memory_space<vmem>>, vector<1x16xf32>,
    %swap3A_504 = arith.constant 6 : i32
    %swap3A_505 = arith.index_cast %swap3A_504 : i32 to index
    %swap3A_506 = arith.constant 80 : index
    %swap3A_507 = tpu.vector_load %arg8[%swap3A_505, %swap3A_506] {strides = array<i32>} : memref<10x512xf32, #tpu.memory_space<vmem>>, vector<1x16xf32>,
    %swap3A_508 = vector.shape_cast %swap3A_507 : vector<1x16xf32> to vector<16xf32>
    %swap3A_509 = vector.shape_cast %scan3A_352#25 : vector<16xf32> to vector<1x16xf32>
    tpu.vector_store %arg8[%swap3A_505, %swap3A_506], %swap3A_509 {strides = array<i32>} : memref<10x512xf32, #tpu.memory_space<vmem>>, vector<1x16xf32>,
    %swap3A_510 = arith.constant 6 : i32
    %swap3A_511 = arith.index_cast %swap3A_510 : i32 to index
    %swap3A_512 = arith.constant 96 : index
    %swap3A_513 = tpu.vector_load %arg8[%swap3A_511, %swap3A_512] {strides = array<i32>} : memref<10x512xf32, #tpu.memory_space<vmem>>, vector<1x16xf32>,
    %swap3A_514 = vector.shape_cast %swap3A_513 : vector<1x16xf32> to vector<16xf32>
    %swap3A_515 = vector.shape_cast %scan3A_352#26 : vector<16xf32> to vector<1x16xf32>
    tpu.vector_store %arg8[%swap3A_511, %swap3A_512], %swap3A_515 {strides = array<i32>} : memref<10x512xf32, #tpu.memory_space<vmem>>, vector<1x16xf32>,
    %swap3A_516 = arith.constant 6 : i32
    %swap3A_517 = arith.index_cast %swap3A_516 : i32 to index
    %swap3A_518 = arith.constant 112 : index
    %swap3A_519 = tpu.vector_load %arg8[%swap3A_517, %swap3A_518] {strides = array<i32>} : memref<10x512xf32, #tpu.memory_space<vmem>>, vector<1x16xf32>,
    %swap3A_520 = vector.shape_cast %swap3A_519 : vector<1x16xf32> to vector<16xf32>
    %swap3A_521 = vector.shape_cast %scan3A_352#27 : vector<16xf32> to vector<1x16xf32>
    tpu.vector_store %arg8[%swap3A_517, %swap3A_518], %swap3A_521 {strides = array<i32>} : memref<10x512xf32, #tpu.memory_space<vmem>>, vector<1x16xf32>,
    %swap3A_522 = arith.constant 7 : i32
    %swap3A_523 = arith.index_cast %swap3A_522 : i32 to index
    %swap3A_524 = arith.constant 64 : index
    %swap3A_525 = tpu.vector_load %arg8[%swap3A_523, %swap3A_524] {strides = array<i32>} : memref<10x512xf32, #tpu.memory_space<vmem>>, vector<1x16xf32>,
    %swap3A_526 = vector.shape_cast %swap3A_525 : vector<1x16xf32> to vector<16xf32>
    %swap3A_527 = vector.shape_cast %scan3A_352#28 : vector<16xf32> to vector<1x16xf32>
    tpu.vector_store %arg8[%swap3A_523, %swap3A_524], %swap3A_527 {strides = array<i32>} : memref<10x512xf32, #tpu.memory_space<vmem>>, vector<1x16xf32>,
    %swap3A_528 = arith.constant 7 : i32
    %swap3A_529 = arith.index_cast %swap3A_528 : i32 to index
    %swap3A_530 = arith.constant 80 : index
    %swap3A_531 = tpu.vector_load %arg8[%swap3A_529, %swap3A_530] {strides = array<i32>} : memref<10x512xf32, #tpu.memory_space<vmem>>, vector<1x16xf32>,
    %swap3A_532 = vector.shape_cast %swap3A_531 : vector<1x16xf32> to vector<16xf32>
    %swap3A_533 = vector.shape_cast %scan3A_352#29 : vector<16xf32> to vector<1x16xf32>
    tpu.vector_store %arg8[%swap3A_529, %swap3A_530], %swap3A_533 {strides = array<i32>} : memref<10x512xf32, #tpu.memory_space<vmem>>, vector<1x16xf32>,
    %swap3A_534 = arith.constant 7 : i32
    %swap3A_535 = arith.index_cast %swap3A_534 : i32 to index
    %swap3A_536 = arith.constant 96 : index
    %swap3A_537 = tpu.vector_load %arg8[%swap3A_535, %swap3A_536] {strides = array<i32>} : memref<10x512xf32, #tpu.memory_space<vmem>>, vector<1x16xf32>,
    %swap3A_538 = vector.shape_cast %swap3A_537 : vector<1x16xf32> to vector<16xf32>
    %swap3A_539 = vector.shape_cast %scan3A_352#30 : vector<16xf32> to vector<1x16xf32>
    tpu.vector_store %arg8[%swap3A_535, %swap3A_536], %swap3A_539 {strides = array<i32>} : memref<10x512xf32, #tpu.memory_space<vmem>>, vector<1x16xf32>,
    %swap3A_540 = arith.constant 7 : i32
    %swap3A_541 = arith.index_cast %swap3A_540 : i32 to index
    %swap3A_542 = arith.constant 112 : index
    %swap3A_543 = tpu.vector_load %arg8[%swap3A_541, %swap3A_542] {strides = array<i32>} : memref<10x512xf32, #tpu.memory_space<vmem>>, vector<1x16xf32>,
    %swap3A_544 = vector.shape_cast %swap3A_543 : vector<1x16xf32> to vector<16xf32>
    %swap3A_545 = vector.shape_cast %scan3A_352#31 : vector<16xf32> to vector<1x16xf32>
    tpu.vector_store %arg8[%swap3A_541, %swap3A_542], %swap3A_545 {strides = array<i32>} : memref<10x512xf32, #tpu.memory_space<vmem>>, vector<1x16xf32>,
    %swap3A_546 = arith.constant 8 : i32
    %swap3A_547 = arith.index_cast %swap3A_546 : i32 to index
    %swap3A_548 = arith.constant 64 : index
    %swap3A_549 = tpu.vector_load %arg8[%swap3A_547, %swap3A_548] {strides = array<i32>} : memref<10x512xf32, #tpu.memory_space<vmem>>, vector<1x16xf32>,
    %swap3A_550 = vector.shape_cast %swap3A_549 : vector<1x16xf32> to vector<16xf32>
    %swap3A_551 = vector.shape_cast %scan3A_352#32 : vector<16xf32> to vector<1x16xf32>
    tpu.vector_store %arg8[%swap3A_547, %swap3A_548], %swap3A_551 {strides = array<i32>} : memref<10x512xf32, #tpu.memory_space<vmem>>, vector<1x16xf32>,
    %swap3A_552 = arith.constant 8 : i32
    %swap3A_553 = arith.index_cast %swap3A_552 : i32 to index
    %swap3A_554 = arith.constant 80 : index
    %swap3A_555 = tpu.vector_load %arg8[%swap3A_553, %swap3A_554] {strides = array<i32>} : memref<10x512xf32, #tpu.memory_space<vmem>>, vector<1x16xf32>,
    %swap3A_556 = vector.shape_cast %swap3A_555 : vector<1x16xf32> to vector<16xf32>
    %swap3A_557 = vector.shape_cast %scan3A_352#33 : vector<16xf32> to vector<1x16xf32>
    tpu.vector_store %arg8[%swap3A_553, %swap3A_554], %swap3A_557 {strides = array<i32>} : memref<10x512xf32, #tpu.memory_space<vmem>>, vector<1x16xf32>,
    %swap3A_558 = arith.constant 8 : i32
    %swap3A_559 = arith.index_cast %swap3A_558 : i32 to index
    %swap3A_560 = arith.constant 96 : index
    %swap3A_561 = tpu.vector_load %arg8[%swap3A_559, %swap3A_560] {strides = array<i32>} : memref<10x512xf32, #tpu.memory_space<vmem>>, vector<1x16xf32>,
    %swap3A_562 = vector.shape_cast %swap3A_561 : vector<1x16xf32> to vector<16xf32>
    %swap3A_563 = vector.shape_cast %scan3A_352#34 : vector<16xf32> to vector<1x16xf32>
    tpu.vector_store %arg8[%swap3A_559, %swap3A_560], %swap3A_563 {strides = array<i32>} : memref<10x512xf32, #tpu.memory_space<vmem>>, vector<1x16xf32>,
    %swap3A_564 = arith.constant 8 : i32
    %swap3A_565 = arith.index_cast %swap3A_564 : i32 to index
    %swap3A_566 = arith.constant 112 : index
    %swap3A_567 = tpu.vector_load %arg8[%swap3A_565, %swap3A_566] {strides = array<i32>} : memref<10x512xf32, #tpu.memory_space<vmem>>, vector<1x16xf32>,
    %swap3A_568 = vector.shape_cast %swap3A_567 : vector<1x16xf32> to vector<16xf32>
    %swap3A_569 = vector.shape_cast %scan3A_352#35 : vector<16xf32> to vector<1x16xf32>
    tpu.vector_store %arg8[%swap3A_565, %swap3A_566], %swap3A_569 {strides = array<i32>} : memref<10x512xf32, #tpu.memory_space<vmem>>, vector<1x16xf32>,
    %swap3A_570 = arith.constant 9 : i32
    %swap3A_571 = arith.index_cast %swap3A_570 : i32 to index
    %swap3A_572 = arith.constant 64 : index
    %swap3A_573 = tpu.vector_load %arg8[%swap3A_571, %swap3A_572] {strides = array<i32>} : memref<10x512xf32, #tpu.memory_space<vmem>>, vector<1x16xf32>,
    %swap3A_574 = vector.shape_cast %swap3A_573 : vector<1x16xf32> to vector<16xf32>
    %swap3A_575 = vector.shape_cast %scan3A_352#36 : vector<16xf32> to vector<1x16xf32>
    tpu.vector_store %arg8[%swap3A_571, %swap3A_572], %swap3A_575 {strides = array<i32>} : memref<10x512xf32, #tpu.memory_space<vmem>>, vector<1x16xf32>,
    %swap3A_576 = arith.constant 9 : i32
    %swap3A_577 = arith.index_cast %swap3A_576 : i32 to index
    %swap3A_578 = arith.constant 80 : index
    %swap3A_579 = tpu.vector_load %arg8[%swap3A_577, %swap3A_578] {strides = array<i32>} : memref<10x512xf32, #tpu.memory_space<vmem>>, vector<1x16xf32>,
    %swap3A_580 = vector.shape_cast %swap3A_579 : vector<1x16xf32> to vector<16xf32>
    %swap3A_581 = vector.shape_cast %scan3A_352#37 : vector<16xf32> to vector<1x16xf32>
    tpu.vector_store %arg8[%swap3A_577, %swap3A_578], %swap3A_581 {strides = array<i32>} : memref<10x512xf32, #tpu.memory_space<vmem>>, vector<1x16xf32>,
    %swap3A_582 = arith.constant 9 : i32
    %swap3A_583 = arith.index_cast %swap3A_582 : i32 to index
    %swap3A_584 = arith.constant 96 : index
    %swap3A_585 = tpu.vector_load %arg8[%swap3A_583, %swap3A_584] {strides = array<i32>} : memref<10x512xf32, #tpu.memory_space<vmem>>, vector<1x16xf32>,
    %swap3A_586 = vector.shape_cast %swap3A_585 : vector<1x16xf32> to vector<16xf32>
    %swap3A_587 = vector.shape_cast %scan3A_352#38 : vector<16xf32> to vector<1x16xf32>
    tpu.vector_store %arg8[%swap3A_583, %swap3A_584], %swap3A_587 {strides = array<i32>} : memref<10x512xf32, #tpu.memory_space<vmem>>, vector<1x16xf32>,
    %swap3A_588 = arith.constant 9 : i32
    %swap3A_589 = arith.index_cast %swap3A_588 : i32 to index
    %swap3A_590 = arith.constant 112 : index
    %swap3A_591 = tpu.vector_load %arg8[%swap3A_589, %swap3A_590] {strides = array<i32>} : memref<10x512xf32, #tpu.memory_space<vmem>>, vector<1x16xf32>,
    %swap3A_592 = vector.shape_cast %swap3A_591 : vector<1x16xf32> to vector<16xf32>
    %swap3A_593 = vector.shape_cast %scan3A_352#39 : vector<16xf32> to vector<1x16xf32>
    tpu.vector_store %arg8[%swap3A_589, %swap3A_590], %swap3A_593 {strides = array<i32>} : memref<10x512xf32, #tpu.memory_space<vmem>>, vector<1x16xf32>,
    %get3A_594 = arith.constant 0 : i32
    %get3A_595 = arith.index_cast %get3A_594 : i32 to index
    %get3A_596 = arith.constant 0 : index
    %get3A_597 = tpu.vector_load %arg9[%get3A_595, %get3A_596] {strides = array<i32>} : memref<10x16xf32, #tpu.memory_space<vmem>>, vector<1x16xf32>,
    %get3A_598 = vector.shape_cast %get3A_597 : vector<1x16xf32> to vector<16xf32>
    %get3A_599 = arith.constant 1 : i32
    %get3A_600 = arith.index_cast %get3A_599 : i32 to index
    %get3A_601 = arith.constant 0 : index
    %get3A_602 = tpu.vector_load %arg9[%get3A_600, %get3A_601] {strides = array<i32>} : memref<10x16xf32, #tpu.memory_space<vmem>>, vector<1x16xf32>,
    %get3A_603 = vector.shape_cast %get3A_602 : vector<1x16xf32> to vector<16xf32>
    %get3A_604 = arith.constant 2 : i32
    %get3A_605 = arith.index_cast %get3A_604 : i32 to index
    %get3A_606 = arith.constant 0 : index
    %get3A_607 = tpu.vector_load %arg9[%get3A_605, %get3A_606] {strides = array<i32>} : memref<10x16xf32, #tpu.memory_space<vmem>>, vector<1x16xf32>,
    %get3A_608 = vector.shape_cast %get3A_607 : vector<1x16xf32> to vector<16xf32>
    %get3A_609 = arith.constant 3 : i32
    %get3A_610 = arith.index_cast %get3A_609 : i32 to index
    %get3A_611 = arith.constant 0 : index
    %get3A_612 = tpu.vector_load %arg9[%get3A_610, %get3A_611] {strides = array<i32>} : memref<10x16xf32, #tpu.memory_space<vmem>>, vector<1x16xf32>,
    %get3A_613 = vector.shape_cast %get3A_612 : vector<1x16xf32> to vector<16xf32>
    %get3A_614 = arith.constant 4 : i32
    %get3A_615 = arith.index_cast %get3A_614 : i32 to index
    %get3A_616 = arith.constant 0 : index
    %get3A_617 = tpu.vector_load %arg9[%get3A_615, %get3A_616] {strides = array<i32>} : memref<10x16xf32, #tpu.memory_space<vmem>>, vector<1x16xf32>,
    %get3A_618 = vector.shape_cast %get3A_617 : vector<1x16xf32> to vector<16xf32>
    %get3A_619 = arith.constant 5 : i32
    %get3A_620 = arith.index_cast %get3A_619 : i32 to index
    %get3A_621 = arith.constant 0 : index
    %get3A_622 = tpu.vector_load %arg9[%get3A_620, %get3A_621] {strides = array<i32>} : memref<10x16xf32, #tpu.memory_space<vmem>>, vector<1x16xf32>,
    %get3A_623 = vector.shape_cast %get3A_622 : vector<1x16xf32> to vector<16xf32>
    %get3A_624 = arith.constant 6 : i32
    %get3A_625 = arith.index_cast %get3A_624 : i32 to index
    %get3A_626 = arith.constant 0 : index
    %get3A_627 = tpu.vector_load %arg9[%get3A_625, %get3A_626] {strides = array<i32>} : memref<10x16xf32, #tpu.memory_space<vmem>>, vector<1x16xf32>,
    %get3A_628 = vector.shape_cast %get3A_627 : vector<1x16xf32> to vector<16xf32>
    %get3A_629 = arith.constant 7 : i32
    %get3A_630 = arith.index_cast %get3A_629 : i32 to index
    %get3A_631 = arith.constant 0 : index
    %get3A_632 = tpu.vector_load %arg9[%get3A_630, %get3A_631] {strides = array<i32>} : memref<10x16xf32, #tpu.memory_space<vmem>>, vector<1x16xf32>,
    %get3A_633 = vector.shape_cast %get3A_632 : vector<1x16xf32> to vector<16xf32>
    %get3A_634 = arith.constant 8 : i32
    %get3A_635 = arith.index_cast %get3A_634 : i32 to index
    %get3A_636 = arith.constant 0 : index
    %get3A_637 = tpu.vector_load %arg9[%get3A_635, %get3A_636] {strides = array<i32>} : memref<10x16xf32, #tpu.memory_space<vmem>>, vector<1x16xf32>,
    %get3A_638 = vector.shape_cast %get3A_637 : vector<1x16xf32> to vector<16xf32>
    %get3A_639 = arith.constant 9 : i32
    %get3A_640 = arith.index_cast %get3A_639 : i32 to index
    %get3A_641 = arith.constant 0 : index
    %get3A_642 = tpu.vector_load %arg9[%get3A_640, %get3A_641] {strides = array<i32>} : memref<10x16xf32, #tpu.memory_space<vmem>>, vector<1x16xf32>,
    %get3A_643 = vector.shape_cast %get3A_642 : vector<1x16xf32> to vector<16xf32>
    %scan3A_644 = arith.constant 0 : i32
    %scan3A_645 = arith.constant 213 : i32
    %scan3A_646 = arith.addi %scan3A_644, %scan3A_645 : i32
    %scan3A_647 = arith.constant 1 : i32
    %scan3A_648:40 = scf.for %scan3A_2372 = %scan3A_644 to %scan3A_646 step %scan3A_647 iter_args(%scan3A_2373 = %get3A_598, %scan3A_2374 = %get3A_598, %scan3A_2375 = %get3A_598, %scan3A_2376 = %get3A_598, %scan3A_2377 = %get3A_603, %scan3A_2378 = %get3A_603, %scan3A_2379 = %get3A_603, %scan3A_2380 = %get3A_603, %scan3A_2381 = %get3A_608, %scan3A_2382 = %get3A_608, %scan3A_2383 = %get3A_608, %scan3A_2384 = %get3A_608, %scan3A_2385 = %get3A_613, %scan3A_2386 = %get3A_613, %scan3A_2387 = %get3A_613, %scan3A_2388 = %get3A_613, %scan3A_2389 = %get3A_618, %scan3A_2390 = %get3A_618, %scan3A_2391 = %get3A_618, %scan3A_2392 = %get3A_618, %scan3A_2393 = %get3A_623, %scan3A_2394 = %get3A_623, %scan3A_2395 = %get3A_623, %scan3A_2396 = %get3A_623, %scan3A_2397 = %get3A_628, %scan3A_2398 = %get3A_628, %scan3A_2399 = %get3A_628, %scan3A_2400 = %get3A_628, %scan3A_2401 = %get3A_633, %scan3A_2402 = %get3A_633, %scan3A_2403 = %get3A_633, %scan3A_2404 = %get3A_633, %scan3A_2405 = %get3A_638, %scan3A_2406 = %get3A_638, %scan3A_2407 = %get3A_638, %scan3A_2408 = %get3A_638, %scan3A_2409 = %get3A_643, %scan3A_2410 = %get3A_643, %scan3A_2411 = %get3A_643, %scan3A_2412 = %get3A_643) -> (vector<16xf32>, vector<16xf32>, vector<16xf32>, vector<16xf32>, vector<16xf32>, vector<16xf32>, vector<16xf32>, vector<16xf32>, vector<16xf32>, vector<16xf32>, vector<16xf32>, vector<16xf32>, vector<16xf32>, vector<16xf32>, vector<16xf32>, vector<16xf32>, vector<16xf32>, vector<16xf32>, vector<16xf32>, vector<16xf32>, vector<16xf32>, vector<16xf32>, vector<16xf32>, vector<16xf32>, vector<16xf32>, vector<16xf32>, vector<16xf32>, vector<16xf32>, vector<16xf32>, vector<16xf32>, vector<16xf32>, vector<16xf32>, vector<16xf32>, vector<16xf32>, vector<16xf32>, vector<16xf32>, vector<16xf32>, vector<16xf32>, vector<16xf32>, vector<16xf32>)  : i32 {
      %get3A_2413 = arith.index_cast %scan3A_2372 : i32 to index
      %get3A_2414 = arith.constant 128 : index
      %get3A_2415 = tpu.vector_load %arg6[%get3A_2413, %get3A_2414] {strides = array<i32>} : memref<213x256xf32, #tpu.memory_space<vmem>>, vector<1x16xf32>,
      %get3A_2416 = vector.shape_cast %get3A_2415 : vector<1x16xf32> to vector<16xf32>
      %get3A_2417 = arith.index_cast %scan3A_2372 : i32 to index
      %get3A_2418 = arith.constant 144 : index
      %get3A_2419 = tpu.vector_load %arg6[%get3A_2417, %get3A_2418] {strides = array<i32>} : memref<213x256xf32, #tpu.memory_space<vmem>>, vector<1x16xf32>,
      %get3A_2420 = vector.shape_cast %get3A_2419 : vector<1x16xf32> to vector<16xf32>
      %get3A_2421 = arith.index_cast %scan3A_2372 : i32 to index
      %get3A_2422 = arith.constant 160 : index
      %get3A_2423 = tpu.vector_load %arg6[%get3A_2421, %get3A_2422] {strides = array<i32>} : memref<213x256xf32, #tpu.memory_space<vmem>>, vector<1x16xf32>,
      %get3A_2424 = vector.shape_cast %get3A_2423 : vector<1x16xf32> to vector<16xf32>
      %get3A_2425 = arith.index_cast %scan3A_2372 : i32 to index
      %get3A_2426 = arith.constant 176 : index
      %get3A_2427 = tpu.vector_load %arg6[%get3A_2425, %get3A_2426] {strides = array<i32>} : memref<213x256xf32, #tpu.memory_space<vmem>>, vector<1x16xf32>,
      %get3A_2428 = vector.shape_cast %get3A_2427 : vector<1x16xf32> to vector<16xf32>
      %mul3A_2429 = arith.constant 16 : i32
      %mul3A_2430 = arith.muli %scan3A_2372, %mul3A_2429 : i32
      %get3A_2431 = arith.constant 0 : i32
      %get3A_2432 = arith.index_cast %get3A_2431 : i32 to index
      %get3A_2433 = arith.index_cast %mul3A_2430 : i32 to index
      %get3A_2434 = tpu.vector_load %arg7[%get3A_2432, %get3A_2433] {strides = array<i32>} : memref<10x3408xf32, #tpu.memory_space<vmem>>, vector<1x16xf32>,
      %get3A_2435 = vector.shape_cast %get3A_2434 : vector<1x16xf32> to vector<16xf32>
      %mul3A_2436 = arith.mulf %get3A_2416, %get3A_2435 : vector<16xf32>
      %add3A_2437 = arith.addf %scan3A_2373, %mul3A_2436 : vector<16xf32>
      %mul3A_2438 = arith.mulf %get3A_2420, %get3A_2435 : vector<16xf32>
      %add3A_2439 = arith.addf %scan3A_2374, %mul3A_2438 : vector<16xf32>
      %mul3A_2440 = arith.mulf %get3A_2424, %get3A_2435 : vector<16xf32>
      %add3A_2441 = arith.addf %scan3A_2375, %mul3A_2440 : vector<16xf32>
      %mul3A_2442 = arith.mulf %get3A_2428, %get3A_2435 : vector<16xf32>
      %add3A_2443 = arith.addf %scan3A_2376, %mul3A_2442 : vector<16xf32>
      %mul3A_2444 = arith.constant 16 : i32
      %mul3A_2445 = arith.muli %scan3A_2372, %mul3A_2444 : i32
      %get3A_2446 = arith.constant 1 : i32
      %get3A_2447 = arith.index_cast %get3A_2446 : i32 to index
      %get3A_2448 = arith.index_cast %mul3A_2445 : i32 to index
      %get3A_2449 = tpu.vector_load %arg7[%get3A_2447, %get3A_2448] {strides = array<i32>} : memref<10x3408xf32, #tpu.memory_space<vmem>>, vector<1x16xf32>,
      %get3A_2450 = vector.shape_cast %get3A_2449 : vector<1x16xf32> to vector<16xf32>
      %mul3A_2451 = arith.mulf %get3A_2416, %get3A_2450 : vector<16xf32>
      %add3A_2452 = arith.addf %scan3A_2377, %mul3A_2451 : vector<16xf32>
      %mul3A_2453 = arith.mulf %get3A_2420, %get3A_2450 : vector<16xf32>
      %add3A_2454 = arith.addf %scan3A_2378, %mul3A_2453 : vector<16xf32>
      %mul3A_2455 = arith.mulf %get3A_2424, %get3A_2450 : vector<16xf32>
      %add3A_2456 = arith.addf %scan3A_2379, %mul3A_2455 : vector<16xf32>
      %mul3A_2457 = arith.mulf %get3A_2428, %get3A_2450 : vector<16xf32>
      %add3A_2458 = arith.addf %scan3A_2380, %mul3A_2457 : vector<16xf32>
      %mul3A_2459 = arith.constant 16 : i32
      %mul3A_2460 = arith.muli %scan3A_2372, %mul3A_2459 : i32
      %get3A_2461 = arith.constant 2 : i32
      %get3A_2462 = arith.index_cast %get3A_2461 : i32 to index
      %get3A_2463 = arith.index_cast %mul3A_2460 : i32 to index
      %get3A_2464 = tpu.vector_load %arg7[%get3A_2462, %get3A_2463] {strides = array<i32>} : memref<10x3408xf32, #tpu.memory_space<vmem>>, vector<1x16xf32>,
      %get3A_2465 = vector.shape_cast %get3A_2464 : vector<1x16xf32> to vector<16xf32>
      %mul3A_2466 = arith.mulf %get3A_2416, %get3A_2465 : vector<16xf32>
      %add3A_2467 = arith.addf %scan3A_2381, %mul3A_2466 : vector<16xf32>
      %mul3A_2468 = arith.mulf %get3A_2420, %get3A_2465 : vector<16xf32>
      %add3A_2469 = arith.addf %scan3A_2382, %mul3A_2468 : vector<16xf32>
      %mul3A_2470 = arith.mulf %get3A_2424, %get3A_2465 : vector<16xf32>
      %add3A_2471 = arith.addf %scan3A_2383, %mul3A_2470 : vector<16xf32>
      %mul3A_2472 = arith.mulf %get3A_2428, %get3A_2465 : vector<16xf32>
      %add3A_2473 = arith.addf %scan3A_2384, %mul3A_2472 : vector<16xf32>
      %mul3A_2474 = arith.constant 16 : i32
      %mul3A_2475 = arith.muli %scan3A_2372, %mul3A_2474 : i32
      %get3A_2476 = arith.constant 3 : i32
      %get3A_2477 = arith.index_cast %get3A_2476 : i32 to index
      %get3A_2478 = arith.index_cast %mul3A_2475 : i32 to index
      %get3A_2479 = tpu.vector_load %arg7[%get3A_2477, %get3A_2478] {strides = array<i32>} : memref<10x3408xf32, #tpu.memory_space<vmem>>, vector<1x16xf32>,
      %get3A_2480 = vector.shape_cast %get3A_2479 : vector<1x16xf32> to vector<16xf32>
      %mul3A_2481 = arith.mulf %get3A_2416, %get3A_2480 : vector<16xf32>
      %add3A_2482 = arith.addf %scan3A_2385, %mul3A_2481 : vector<16xf32>
      %mul3A_2483 = arith.mulf %get3A_2420, %get3A_2480 : vector<16xf32>
      %add3A_2484 = arith.addf %scan3A_2386, %mul3A_2483 : vector<16xf32>
      %mul3A_2485 = arith.mulf %get3A_2424, %get3A_2480 : vector<16xf32>
      %add3A_2486 = arith.addf %scan3A_2387, %mul3A_2485 : vector<16xf32>
      %mul3A_2487 = arith.mulf %get3A_2428, %get3A_2480 : vector<16xf32>
      %add3A_2488 = arith.addf %scan3A_2388, %mul3A_2487 : vector<16xf32>
      %mul3A_2489 = arith.constant 16 : i32
      %mul3A_2490 = arith.muli %scan3A_2372, %mul3A_2489 : i32
      %get3A_2491 = arith.constant 4 : i32
      %get3A_2492 = arith.index_cast %get3A_2491 : i32 to index
      %get3A_2493 = arith.index_cast %mul3A_2490 : i32 to index
      %get3A_2494 = tpu.vector_load %arg7[%get3A_2492, %get3A_2493] {strides = array<i32>} : memref<10x3408xf32, #tpu.memory_space<vmem>>, vector<1x16xf32>,
      %get3A_2495 = vector.shape_cast %get3A_2494 : vector<1x16xf32> to vector<16xf32>
      %mul3A_2496 = arith.mulf %get3A_2416, %get3A_2495 : vector<16xf32>
      %add3A_2497 = arith.addf %scan3A_2389, %mul3A_2496 : vector<16xf32>
      %mul3A_2498 = arith.mulf %get3A_2420, %get3A_2495 : vector<16xf32>
      %add3A_2499 = arith.addf %scan3A_2390, %mul3A_2498 : vector<16xf32>
      %mul3A_2500 = arith.mulf %get3A_2424, %get3A_2495 : vector<16xf32>
      %add3A_2501 = arith.addf %scan3A_2391, %mul3A_2500 : vector<16xf32>
      %mul3A_2502 = arith.mulf %get3A_2428, %get3A_2495 : vector<16xf32>
      %add3A_2503 = arith.addf %scan3A_2392, %mul3A_2502 : vector<16xf32>
      %mul3A_2504 = arith.constant 16 : i32
      %mul3A_2505 = arith.muli %scan3A_2372, %mul3A_2504 : i32
      %get3A_2506 = arith.constant 5 : i32
      %get3A_2507 = arith.index_cast %get3A_2506 : i32 to index
      %get3A_2508 = arith.index_cast %mul3A_2505 : i32 to index
      %get3A_2509 = tpu.vector_load %arg7[%get3A_2507, %get3A_2508] {strides = array<i32>} : memref<10x3408xf32, #tpu.memory_space<vmem>>, vector<1x16xf32>,
      %get3A_2510 = vector.shape_cast %get3A_2509 : vector<1x16xf32> to vector<16xf32>
      %mul3A_2511 = arith.mulf %get3A_2416, %get3A_2510 : vector<16xf32>
      %add3A_2512 = arith.addf %scan3A_2393, %mul3A_2511 : vector<16xf32>
      %mul3A_2513 = arith.mulf %get3A_2420, %get3A_2510 : vector<16xf32>
      %add3A_2514 = arith.addf %scan3A_2394, %mul3A_2513 : vector<16xf32>
      %mul3A_2515 = arith.mulf %get3A_2424, %get3A_2510 : vector<16xf32>
      %add3A_2516 = arith.addf %scan3A_2395, %mul3A_2515 : vector<16xf32>
      %mul3A_2517 = arith.mulf %get3A_2428, %get3A_2510 : vector<16xf32>
      %add3A_2518 = arith.addf %scan3A_2396, %mul3A_2517 : vector<16xf32>
      %mul3A_2519 = arith.constant 16 : i32
      %mul3A_2520 = arith.muli %scan3A_2372, %mul3A_2519 : i32
      %get3A_2521 = arith.constant 6 : i32
      %get3A_2522 = arith.index_cast %get3A_2521 : i32 to index
      %get3A_2523 = arith.index_cast %mul3A_2520 : i32 to index
      %get3A_2524 = tpu.vector_load %arg7[%get3A_2522, %get3A_2523] {strides = array<i32>} : memref<10x3408xf32, #tpu.memory_space<vmem>>, vector<1x16xf32>,
      %get3A_2525 = vector.shape_cast %get3A_2524 : vector<1x16xf32> to vector<16xf32>
      %mul3A_2526 = arith.mulf %get3A_2416, %get3A_2525 : vector<16xf32>
      %add3A_2527 = arith.addf %scan3A_2397, %mul3A_2526 : vector<16xf32>
      %mul3A_2528 = arith.mulf %get3A_2420, %get3A_2525 : vector<16xf32>
      %add3A_2529 = arith.addf %scan3A_2398, %mul3A_2528 : vector<16xf32>
      %mul3A_2530 = arith.mulf %get3A_2424, %get3A_2525 : vector<16xf32>
      %add3A_2531 = arith.addf %scan3A_2399, %mul3A_2530 : vector<16xf32>
      %mul3A_2532 = arith.mulf %get3A_2428, %get3A_2525 : vector<16xf32>
      %add3A_2533 = arith.addf %scan3A_2400, %mul3A_2532 : vector<16xf32>
      %mul3A_2534 = arith.constant 16 : i32
      %mul3A_2535 = arith.muli %scan3A_2372, %mul3A_2534 : i32
      %get3A_2536 = arith.constant 7 : i32
      %get3A_2537 = arith.index_cast %get3A_2536 : i32 to index
      %get3A_2538 = arith.index_cast %mul3A_2535 : i32 to index
      %get3A_2539 = tpu.vector_load %arg7[%get3A_2537, %get3A_2538] {strides = array<i32>} : memref<10x3408xf32, #tpu.memory_space<vmem>>, vector<1x16xf32>,
      %get3A_2540 = vector.shape_cast %get3A_2539 : vector<1x16xf32> to vector<16xf32>
      %mul3A_2541 = arith.mulf %get3A_2416, %get3A_2540 : vector<16xf32>
      %add3A_2542 = arith.addf %scan3A_2401, %mul3A_2541 : vector<16xf32>
      %mul3A_2543 = arith.mulf %get3A_2420, %get3A_2540 : vector<16xf32>
      %add3A_2544 = arith.addf %scan3A_2402, %mul3A_2543 : vector<16xf32>
      %mul3A_2545 = arith.mulf %get3A_2424, %get3A_2540 : vector<16xf32>
      %add3A_2546 = arith.addf %scan3A_2403, %mul3A_2545 : vector<16xf32>
      %mul3A_2547 = arith.mulf %get3A_2428, %get3A_2540 : vector<16xf32>
      %add3A_2548 = arith.addf %scan3A_2404, %mul3A_2547 : vector<16xf32>
      %mul3A_2549 = arith.constant 16 : i32
      %mul3A_2550 = arith.muli %scan3A_2372, %mul3A_2549 : i32
      %get3A_2551 = arith.constant 8 : i32
      %get3A_2552 = arith.index_cast %get3A_2551 : i32 to index
      %get3A_2553 = arith.index_cast %mul3A_2550 : i32 to index
      %get3A_2554 = tpu.vector_load %arg7[%get3A_2552, %get3A_2553] {strides = array<i32>} : memref<10x3408xf32, #tpu.memory_space<vmem>>, vector<1x16xf32>,
      %get3A_2555 = vector.shape_cast %get3A_2554 : vector<1x16xf32> to vector<16xf32>
      %mul3A_2556 = arith.mulf %get3A_2416, %get3A_2555 : vector<16xf32>
      %add3A_2557 = arith.addf %scan3A_2405, %mul3A_2556 : vector<16xf32>
      %mul3A_2558 = arith.mulf %get3A_2420, %get3A_2555 : vector<16xf32>
      %add3A_2559 = arith.addf %scan3A_2406, %mul3A_2558 : vector<16xf32>
      %mul3A_2560 = arith.mulf %get3A_2424, %get3A_2555 : vector<16xf32>
      %add3A_2561 = arith.addf %scan3A_2407, %mul3A_2560 : vector<16xf32>
      %mul3A_2562 = arith.mulf %get3A_2428, %get3A_2555 : vector<16xf32>
      %add3A_2563 = arith.addf %scan3A_2408, %mul3A_2562 : vector<16xf32>
      %mul3A_2564 = arith.constant 16 : i32
      %mul3A_2565 = arith.muli %scan3A_2372, %mul3A_2564 : i32
      %get3A_2566 = arith.constant 9 : i32
      %get3A_2567 = arith.index_cast %get3A_2566 : i32 to index
      %get3A_2568 = arith.index_cast %mul3A_2565 : i32 to index
      %get3A_2569 = tpu.vector_load %arg7[%get3A_2567, %get3A_2568] {strides = array<i32>} : memref<10x3408xf32, #tpu.memory_space<vmem>>, vector<1x16xf32>,
      %get3A_2570 = vector.shape_cast %get3A_2569 : vector<1x16xf32> to vector<16xf32>
      %mul3A_2571 = arith.mulf %get3A_2416, %get3A_2570 : vector<16xf32>
      %add3A_2572 = arith.addf %scan3A_2409, %mul3A_2571 : vector<16xf32>
      %mul3A_2573 = arith.mulf %get3A_2420, %get3A_2570 : vector<16xf32>
      %add3A_2574 = arith.addf %scan3A_2410, %mul3A_2573 : vector<16xf32>
      %mul3A_2575 = arith.mulf %get3A_2424, %get3A_2570 : vector<16xf32>
      %add3A_2576 = arith.addf %scan3A_2411, %mul3A_2575 : vector<16xf32>
      %mul3A_2577 = arith.mulf %get3A_2428, %get3A_2570 : vector<16xf32>
      %add3A_2578 = arith.addf %scan3A_2412, %mul3A_2577 : vector<16xf32>
      scf.yield %add3A_2437, %add3A_2439, %add3A_2441, %add3A_2443, %add3A_2452, %add3A_2454, %add3A_2456, %add3A_2458, %add3A_2467, %add3A_2469, %add3A_2471, %add3A_2473, %add3A_2482, %add3A_2484, %add3A_2486, %add3A_2488, %add3A_2497, %add3A_2499, %add3A_2501, %add3A_2503, %add3A_2512, %add3A_2514, %add3A_2516, %add3A_2518, %add3A_2527, %add3A_2529, %add3A_2531, %add3A_2533, %add3A_2542, %add3A_2544, %add3A_2546, %add3A_2548, %add3A_2557, %add3A_2559, %add3A_2561, %add3A_2563, %add3A_2572, %add3A_2574, %add3A_2576, %add3A_2578 : vector<16xf32>, vector<16xf32>, vector<16xf32>, vector<16xf32>, vector<16xf32>, vector<16xf32>, vector<16xf32>, vector<16xf32>, vector<16xf32>, vector<16xf32>, vector<16xf32>, vector<16xf32>, vector<16xf32>, vector<16xf32>, vector<16xf32>, vector<16xf32>, vector<16xf32>, vector<16xf32>, vector<16xf32>, vector<16xf32>, vector<16xf32>, vector<16xf32>, vector<16xf32>, vector<16xf32>, vector<16xf32>, vector<16xf32>, vector<16xf32>, vector<16xf32>, vector<16xf32>, vector<16xf32>, vector<16xf32>, vector<16xf32>, vector<16xf32>, vector<16xf32>, vector<16xf32>, vector<16xf32>, vector<16xf32>, vector<16xf32>, vector<16xf32>, vector<16xf32>
    }
    %scan3A_649 = arith.constant 213 : i32
    %swap3A_650 = arith.constant 0 : i32
    %swap3A_651 = arith.index_cast %swap3A_650 : i32 to index
    %swap3A_652 = arith.constant 128 : index
    %swap3A_653 = tpu.vector_load %arg8[%swap3A_651, %swap3A_652] {strides = array<i32>} : memref<10x512xf32, #tpu.memory_space<vmem>>, vector<1x16xf32>,
    %swap3A_654 = vector.shape_cast %swap3A_653 : vector<1x16xf32> to vector<16xf32>
    %swap3A_655 = vector.shape_cast %scan3A_648#0 : vector<16xf32> to vector<1x16xf32>
    tpu.vector_store %arg8[%swap3A_651, %swap3A_652], %swap3A_655 {strides = array<i32>} : memref<10x512xf32, #tpu.memory_space<vmem>>, vector<1x16xf32>,
    %swap3A_656 = arith.constant 0 : i32
    %swap3A_657 = arith.index_cast %swap3A_656 : i32 to index
    %swap3A_658 = arith.constant 144 : index
    %swap3A_659 = tpu.vector_load %arg8[%swap3A_657, %swap3A_658] {strides = array<i32>} : memref<10x512xf32, #tpu.memory_space<vmem>>, vector<1x16xf32>,
    %swap3A_660 = vector.shape_cast %swap3A_659 : vector<1x16xf32> to vector<16xf32>
    %swap3A_661 = vector.shape_cast %scan3A_648#1 : vector<16xf32> to vector<1x16xf32>
    tpu.vector_store %arg8[%swap3A_657, %swap3A_658], %swap3A_661 {strides = array<i32>} : memref<10x512xf32, #tpu.memory_space<vmem>>, vector<1x16xf32>,
    %swap3A_662 = arith.constant 0 : i32
    %swap3A_663 = arith.index_cast %swap3A_662 : i32 to index
    %swap3A_664 = arith.constant 160 : index
    %swap3A_665 = tpu.vector_load %arg8[%swap3A_663, %swap3A_664] {strides = array<i32>} : memref<10x512xf32, #tpu.memory_space<vmem>>, vector<1x16xf32>,
    %swap3A_666 = vector.shape_cast %swap3A_665 : vector<1x16xf32> to vector<16xf32>
    %swap3A_667 = vector.shape_cast %scan3A_648#2 : vector<16xf32> to vector<1x16xf32>
    tpu.vector_store %arg8[%swap3A_663, %swap3A_664], %swap3A_667 {strides = array<i32>} : memref<10x512xf32, #tpu.memory_space<vmem>>, vector<1x16xf32>,
    %swap3A_668 = arith.constant 0 : i32
    %swap3A_669 = arith.index_cast %swap3A_668 : i32 to index
    %swap3A_670 = arith.constant 176 : index
    %swap3A_671 = tpu.vector_load %arg8[%swap3A_669, %swap3A_670] {strides = array<i32>} : memref<10x512xf32, #tpu.memory_space<vmem>>, vector<1x16xf32>,
    %swap3A_672 = vector.shape_cast %swap3A_671 : vector<1x16xf32> to vector<16xf32>
    %swap3A_673 = vector.shape_cast %scan3A_648#3 : vector<16xf32> to vector<1x16xf32>
    tpu.vector_store %arg8[%swap3A_669, %swap3A_670], %swap3A_673 {strides = array<i32>} : memref<10x512xf32, #tpu.memory_space<vmem>>, vector<1x16xf32>,
    %swap3A_674 = arith.constant 1 : i32
    %swap3A_675 = arith.index_cast %swap3A_674 : i32 to index
    %swap3A_676 = arith.constant 128 : index
    %swap3A_677 = tpu.vector_load %arg8[%swap3A_675, %swap3A_676] {strides = array<i32>} : memref<10x512xf32, #tpu.memory_space<vmem>>, vector<1x16xf32>,
    %swap3A_678 = vector.shape_cast %swap3A_677 : vector<1x16xf32> to vector<16xf32>
    %swap3A_679 = vector.shape_cast %scan3A_648#4 : vector<16xf32> to vector<1x16xf32>
    tpu.vector_store %arg8[%swap3A_675, %swap3A_676], %swap3A_679 {strides = array<i32>} : memref<10x512xf32, #tpu.memory_space<vmem>>, vector<1x16xf32>,
    %swap3A_680 = arith.constant 1 : i32
    %swap3A_681 = arith.index_cast %swap3A_680 : i32 to index
    %swap3A_682 = arith.constant 144 : index
    %swap3A_683 = tpu.vector_load %arg8[%swap3A_681, %swap3A_682] {strides = array<i32>} : memref<10x512xf32, #tpu.memory_space<vmem>>, vector<1x16xf32>,
    %swap3A_684 = vector.shape_cast %swap3A_683 : vector<1x16xf32> to vector<16xf32>
    %swap3A_685 = vector.shape_cast %scan3A_648#5 : vector<16xf32> to vector<1x16xf32>
    tpu.vector_store %arg8[%swap3A_681, %swap3A_682], %swap3A_685 {strides = array<i32>} : memref<10x512xf32, #tpu.memory_space<vmem>>, vector<1x16xf32>,
    %swap3A_686 = arith.constant 1 : i32
    %swap3A_687 = arith.index_cast %swap3A_686 : i32 to index
    %swap3A_688 = arith.constant 160 : index
    %swap3A_689 = tpu.vector_load %arg8[%swap3A_687, %swap3A_688] {strides = array<i32>} : memref<10x512xf32, #tpu.memory_space<vmem>>, vector<1x16xf32>,
    %swap3A_690 = vector.shape_cast %swap3A_689 : vector<1x16xf32> to vector<16xf32>
    %swap3A_691 = vector.shape_cast %scan3A_648#6 : vector<16xf32> to vector<1x16xf32>
    tpu.vector_store %arg8[%swap3A_687, %swap3A_688], %swap3A_691 {strides = array<i32>} : memref<10x512xf32, #tpu.memory_space<vmem>>, vector<1x16xf32>,
    %swap3A_692 = arith.constant 1 : i32
    %swap3A_693 = arith.index_cast %swap3A_692 : i32 to index
    %swap3A_694 = arith.constant 176 : index
    %swap3A_695 = tpu.vector_load %arg8[%swap3A_693, %swap3A_694] {strides = array<i32>} : memref<10x512xf32, #tpu.memory_space<vmem>>, vector<1x16xf32>,
    %swap3A_696 = vector.shape_cast %swap3A_695 : vector<1x16xf32> to vector<16xf32>
    %swap3A_697 = vector.shape_cast %scan3A_648#7 : vector<16xf32> to vector<1x16xf32>
    tpu.vector_store %arg8[%swap3A_693, %swap3A_694], %swap3A_697 {strides = array<i32>} : memref<10x512xf32, #tpu.memory_space<vmem>>, vector<1x16xf32>,
    %swap3A_698 = arith.constant 2 : i32
    %swap3A_699 = arith.index_cast %swap3A_698 : i32 to index
    %swap3A_700 = arith.constant 128 : index
    %swap3A_701 = tpu.vector_load %arg8[%swap3A_699, %swap3A_700] {strides = array<i32>} : memref<10x512xf32, #tpu.memory_space<vmem>>, vector<1x16xf32>,
    %swap3A_702 = vector.shape_cast %swap3A_701 : vector<1x16xf32> to vector<16xf32>
    %swap3A_703 = vector.shape_cast %scan3A_648#8 : vector<16xf32> to vector<1x16xf32>
    tpu.vector_store %arg8[%swap3A_699, %swap3A_700], %swap3A_703 {strides = array<i32>} : memref<10x512xf32, #tpu.memory_space<vmem>>, vector<1x16xf32>,
    %swap3A_704 = arith.constant 2 : i32
    %swap3A_705 = arith.index_cast %swap3A_704 : i32 to index
    %swap3A_706 = arith.constant 144 : index
    %swap3A_707 = tpu.vector_load %arg8[%swap3A_705, %swap3A_706] {strides = array<i32>} : memref<10x512xf32, #tpu.memory_space<vmem>>, vector<1x16xf32>,
    %swap3A_708 = vector.shape_cast %swap3A_707 : vector<1x16xf32> to vector<16xf32>
    %swap3A_709 = vector.shape_cast %scan3A_648#9 : vector<16xf32> to vector<1x16xf32>
    tpu.vector_store %arg8[%swap3A_705, %swap3A_706], %swap3A_709 {strides = array<i32>} : memref<10x512xf32, #tpu.memory_space<vmem>>, vector<1x16xf32>,
    %swap3A_710 = arith.constant 2 : i32
    %swap3A_711 = arith.index_cast %swap3A_710 : i32 to index
    %swap3A_712 = arith.constant 160 : index
    %swap3A_713 = tpu.vector_load %arg8[%swap3A_711, %swap3A_712] {strides = array<i32>} : memref<10x512xf32, #tpu.memory_space<vmem>>, vector<1x16xf32>,
    %swap3A_714 = vector.shape_cast %swap3A_713 : vector<1x16xf32> to vector<16xf32>
    %swap3A_715 = vector.shape_cast %scan3A_648#10 : vector<16xf32> to vector<1x16xf32>
    tpu.vector_store %arg8[%swap3A_711, %swap3A_712], %swap3A_715 {strides = array<i32>} : memref<10x512xf32, #tpu.memory_space<vmem>>, vector<1x16xf32>,
    %swap3A_716 = arith.constant 2 : i32
    %swap3A_717 = arith.index_cast %swap3A_716 : i32 to index
    %swap3A_718 = arith.constant 176 : index
    %swap3A_719 = tpu.vector_load %arg8[%swap3A_717, %swap3A_718] {strides = array<i32>} : memref<10x512xf32, #tpu.memory_space<vmem>>, vector<1x16xf32>,
    %swap3A_720 = vector.shape_cast %swap3A_719 : vector<1x16xf32> to vector<16xf32>
    %swap3A_721 = vector.shape_cast %scan3A_648#11 : vector<16xf32> to vector<1x16xf32>
    tpu.vector_store %arg8[%swap3A_717, %swap3A_718], %swap3A_721 {strides = array<i32>} : memref<10x512xf32, #tpu.memory_space<vmem>>, vector<1x16xf32>,
    %swap3A_722 = arith.constant 3 : i32
    %swap3A_723 = arith.index_cast %swap3A_722 : i32 to index
    %swap3A_724 = arith.constant 128 : index
    %swap3A_725 = tpu.vector_load %arg8[%swap3A_723, %swap3A_724] {strides = array<i32>} : memref<10x512xf32, #tpu.memory_space<vmem>>, vector<1x16xf32>,
    %swap3A_726 = vector.shape_cast %swap3A_725 : vector<1x16xf32> to vector<16xf32>
    %swap3A_727 = vector.shape_cast %scan3A_648#12 : vector<16xf32> to vector<1x16xf32>
    tpu.vector_store %arg8[%swap3A_723, %swap3A_724], %swap3A_727 {strides = array<i32>} : memref<10x512xf32, #tpu.memory_space<vmem>>, vector<1x16xf32>,
    %swap3A_728 = arith.constant 3 : i32
    %swap3A_729 = arith.index_cast %swap3A_728 : i32 to index
    %swap3A_730 = arith.constant 144 : index
    %swap3A_731 = tpu.vector_load %arg8[%swap3A_729, %swap3A_730] {strides = array<i32>} : memref<10x512xf32, #tpu.memory_space<vmem>>, vector<1x16xf32>,
    %swap3A_732 = vector.shape_cast %swap3A_731 : vector<1x16xf32> to vector<16xf32>
    %swap3A_733 = vector.shape_cast %scan3A_648#13 : vector<16xf32> to vector<1x16xf32>
    tpu.vector_store %arg8[%swap3A_729, %swap3A_730], %swap3A_733 {strides = array<i32>} : memref<10x512xf32, #tpu.memory_space<vmem>>, vector<1x16xf32>,
    %swap3A_734 = arith.constant 3 : i32
    %swap3A_735 = arith.index_cast %swap3A_734 : i32 to index
    %swap3A_736 = arith.constant 160 : index
    %swap3A_737 = tpu.vector_load %arg8[%swap3A_735, %swap3A_736] {strides = array<i32>} : memref<10x512xf32, #tpu.memory_space<vmem>>, vector<1x16xf32>,
    %swap3A_738 = vector.shape_cast %swap3A_737 : vector<1x16xf32> to vector<16xf32>
    %swap3A_739 = vector.shape_cast %scan3A_648#14 : vector<16xf32> to vector<1x16xf32>
    tpu.vector_store %arg8[%swap3A_735, %swap3A_736], %swap3A_739 {strides = array<i32>} : memref<10x512xf32, #tpu.memory_space<vmem>>, vector<1x16xf32>,
    %swap3A_740 = arith.constant 3 : i32
    %swap3A_741 = arith.index_cast %swap3A_740 : i32 to index
    %swap3A_742 = arith.constant 176 : index
    %swap3A_743 = tpu.vector_load %arg8[%swap3A_741, %swap3A_742] {strides = array<i32>} : memref<10x512xf32, #tpu.memory_space<vmem>>, vector<1x16xf32>,
    %swap3A_744 = vector.shape_cast %swap3A_743 : vector<1x16xf32> to vector<16xf32>
    %swap3A_745 = vector.shape_cast %scan3A_648#15 : vector<16xf32> to vector<1x16xf32>
    tpu.vector_store %arg8[%swap3A_741, %swap3A_742], %swap3A_745 {strides = array<i32>} : memref<10x512xf32, #tpu.memory_space<vmem>>, vector<1x16xf32>,
    %swap3A_746 = arith.constant 4 : i32
    %swap3A_747 = arith.index_cast %swap3A_746 : i32 to index
    %swap3A_748 = arith.constant 128 : index
    %swap3A_749 = tpu.vector_load %arg8[%swap3A_747, %swap3A_748] {strides = array<i32>} : memref<10x512xf32, #tpu.memory_space<vmem>>, vector<1x16xf32>,
    %swap3A_750 = vector.shape_cast %swap3A_749 : vector<1x16xf32> to vector<16xf32>
    %swap3A_751 = vector.shape_cast %scan3A_648#16 : vector<16xf32> to vector<1x16xf32>
    tpu.vector_store %arg8[%swap3A_747, %swap3A_748], %swap3A_751 {strides = array<i32>} : memref<10x512xf32, #tpu.memory_space<vmem>>, vector<1x16xf32>,
    %swap3A_752 = arith.constant 4 : i32
    %swap3A_753 = arith.index_cast %swap3A_752 : i32 to index
    %swap3A_754 = arith.constant 144 : index
    %swap3A_755 = tpu.vector_load %arg8[%swap3A_753, %swap3A_754] {strides = array<i32>} : memref<10x512xf32, #tpu.memory_space<vmem>>, vector<1x16xf32>,
    %swap3A_756 = vector.shape_cast %swap3A_755 : vector<1x16xf32> to vector<16xf32>
    %swap3A_757 = vector.shape_cast %scan3A_648#17 : vector<16xf32> to vector<1x16xf32>
    tpu.vector_store %arg8[%swap3A_753, %swap3A_754], %swap3A_757 {strides = array<i32>} : memref<10x512xf32, #tpu.memory_space<vmem>>, vector<1x16xf32>,
    %swap3A_758 = arith.constant 4 : i32
    %swap3A_759 = arith.index_cast %swap3A_758 : i32 to index
    %swap3A_760 = arith.constant 160 : index
    %swap3A_761 = tpu.vector_load %arg8[%swap3A_759, %swap3A_760] {strides = array<i32>} : memref<10x512xf32, #tpu.memory_space<vmem>>, vector<1x16xf32>,
    %swap3A_762 = vector.shape_cast %swap3A_761 : vector<1x16xf32> to vector<16xf32>
    %swap3A_763 = vector.shape_cast %scan3A_648#18 : vector<16xf32> to vector<1x16xf32>
    tpu.vector_store %arg8[%swap3A_759, %swap3A_760], %swap3A_763 {strides = array<i32>} : memref<10x512xf32, #tpu.memory_space<vmem>>, vector<1x16xf32>,
    %swap3A_764 = arith.constant 4 : i32
    %swap3A_765 = arith.index_cast %swap3A_764 : i32 to index
    %swap3A_766 = arith.constant 176 : index
    %swap3A_767 = tpu.vector_load %arg8[%swap3A_765, %swap3A_766] {strides = array<i32>} : memref<10x512xf32, #tpu.memory_space<vmem>>, vector<1x16xf32>,
    %swap3A_768 = vector.shape_cast %swap3A_767 : vector<1x16xf32> to vector<16xf32>
    %swap3A_769 = vector.shape_cast %scan3A_648#19 : vector<16xf32> to vector<1x16xf32>
    tpu.vector_store %arg8[%swap3A_765, %swap3A_766], %swap3A_769 {strides = array<i32>} : memref<10x512xf32, #tpu.memory_space<vmem>>, vector<1x16xf32>,
    %swap3A_770 = arith.constant 5 : i32
    %swap3A_771 = arith.index_cast %swap3A_770 : i32 to index
    %swap3A_772 = arith.constant 128 : index
    %swap3A_773 = tpu.vector_load %arg8[%swap3A_771, %swap3A_772] {strides = array<i32>} : memref<10x512xf32, #tpu.memory_space<vmem>>, vector<1x16xf32>,
    %swap3A_774 = vector.shape_cast %swap3A_773 : vector<1x16xf32> to vector<16xf32>
    %swap3A_775 = vector.shape_cast %scan3A_648#20 : vector<16xf32> to vector<1x16xf32>
    tpu.vector_store %arg8[%swap3A_771, %swap3A_772], %swap3A_775 {strides = array<i32>} : memref<10x512xf32, #tpu.memory_space<vmem>>, vector<1x16xf32>,
    %swap3A_776 = arith.constant 5 : i32
    %swap3A_777 = arith.index_cast %swap3A_776 : i32 to index
    %swap3A_778 = arith.constant 144 : index
    %swap3A_779 = tpu.vector_load %arg8[%swap3A_777, %swap3A_778] {strides = array<i32>} : memref<10x512xf32, #tpu.memory_space<vmem>>, vector<1x16xf32>,
    %swap3A_780 = vector.shape_cast %swap3A_779 : vector<1x16xf32> to vector<16xf32>
    %swap3A_781 = vector.shape_cast %scan3A_648#21 : vector<16xf32> to vector<1x16xf32>
    tpu.vector_store %arg8[%swap3A_777, %swap3A_778], %swap3A_781 {strides = array<i32>} : memref<10x512xf32, #tpu.memory_space<vmem>>, vector<1x16xf32>,
    %swap3A_782 = arith.constant 5 : i32
    %swap3A_783 = arith.index_cast %swap3A_782 : i32 to index
    %swap3A_784 = arith.constant 160 : index
    %swap3A_785 = tpu.vector_load %arg8[%swap3A_783, %swap3A_784] {strides = array<i32>} : memref<10x512xf32, #tpu.memory_space<vmem>>, vector<1x16xf32>,
    %swap3A_786 = vector.shape_cast %swap3A_785 : vector<1x16xf32> to vector<16xf32>
    %swap3A_787 = vector.shape_cast %scan3A_648#22 : vector<16xf32> to vector<1x16xf32>
    tpu.vector_store %arg8[%swap3A_783, %swap3A_784], %swap3A_787 {strides = array<i32>} : memref<10x512xf32, #tpu.memory_space<vmem>>, vector<1x16xf32>,
    %swap3A_788 = arith.constant 5 : i32
    %swap3A_789 = arith.index_cast %swap3A_788 : i32 to index
    %swap3A_790 = arith.constant 176 : index
    %swap3A_791 = tpu.vector_load %arg8[%swap3A_789, %swap3A_790] {strides = array<i32>} : memref<10x512xf32, #tpu.memory_space<vmem>>, vector<1x16xf32>,
    %swap3A_792 = vector.shape_cast %swap3A_791 : vector<1x16xf32> to vector<16xf32>
    %swap3A_793 = vector.shape_cast %scan3A_648#23 : vector<16xf32> to vector<1x16xf32>
    tpu.vector_store %arg8[%swap3A_789, %swap3A_790], %swap3A_793 {strides = array<i32>} : memref<10x512xf32, #tpu.memory_space<vmem>>, vector<1x16xf32>,
    %swap3A_794 = arith.constant 6 : i32
    %swap3A_795 = arith.index_cast %swap3A_794 : i32 to index
    %swap3A_796 = arith.constant 128 : index
    %swap3A_797 = tpu.vector_load %arg8[%swap3A_795, %swap3A_796] {strides = array<i32>} : memref<10x512xf32, #tpu.memory_space<vmem>>, vector<1x16xf32>,
    %swap3A_798 = vector.shape_cast %swap3A_797 : vector<1x16xf32> to vector<16xf32>
    %swap3A_799 = vector.shape_cast %scan3A_648#24 : vector<16xf32> to vector<1x16xf32>
    tpu.vector_store %arg8[%swap3A_795, %swap3A_796], %swap3A_799 {strides = array<i32>} : memref<10x512xf32, #tpu.memory_space<vmem>>, vector<1x16xf32>,
    %swap3A_800 = arith.constant 6 : i32
    %swap3A_801 = arith.index_cast %swap3A_800 : i32 to index
    %swap3A_802 = arith.constant 144 : index
    %swap3A_803 = tpu.vector_load %arg8[%swap3A_801, %swap3A_802] {strides = array<i32>} : memref<10x512xf32, #tpu.memory_space<vmem>>, vector<1x16xf32>,
    %swap3A_804 = vector.shape_cast %swap3A_803 : vector<1x16xf32> to vector<16xf32>
    %swap3A_805 = vector.shape_cast %scan3A_648#25 : vector<16xf32> to vector<1x16xf32>
    tpu.vector_store %arg8[%swap3A_801, %swap3A_802], %swap3A_805 {strides = array<i32>} : memref<10x512xf32, #tpu.memory_space<vmem>>, vector<1x16xf32>,
    %swap3A_806 = arith.constant 6 : i32
    %swap3A_807 = arith.index_cast %swap3A_806 : i32 to index
    %swap3A_808 = arith.constant 160 : index
    %swap3A_809 = tpu.vector_load %arg8[%swap3A_807, %swap3A_808] {strides = array<i32>} : memref<10x512xf32, #tpu.memory_space<vmem>>, vector<1x16xf32>,
    %swap3A_810 = vector.shape_cast %swap3A_809 : vector<1x16xf32> to vector<16xf32>
    %swap3A_811 = vector.shape_cast %scan3A_648#26 : vector<16xf32> to vector<1x16xf32>
    tpu.vector_store %arg8[%swap3A_807, %swap3A_808], %swap3A_811 {strides = array<i32>} : memref<10x512xf32, #tpu.memory_space<vmem>>, vector<1x16xf32>,
    %swap3A_812 = arith.constant 6 : i32
    %swap3A_813 = arith.index_cast %swap3A_812 : i32 to index
    %swap3A_814 = arith.constant 176 : index
    %swap3A_815 = tpu.vector_load %arg8[%swap3A_813, %swap3A_814] {strides = array<i32>} : memref<10x512xf32, #tpu.memory_space<vmem>>, vector<1x16xf32>,
    %swap3A_816 = vector.shape_cast %swap3A_815 : vector<1x16xf32> to vector<16xf32>
    %swap3A_817 = vector.shape_cast %scan3A_648#27 : vector<16xf32> to vector<1x16xf32>
    tpu.vector_store %arg8[%swap3A_813, %swap3A_814], %swap3A_817 {strides = array<i32>} : memref<10x512xf32, #tpu.memory_space<vmem>>, vector<1x16xf32>,
    %swap3A_818 = arith.constant 7 : i32
    %swap3A_819 = arith.index_cast %swap3A_818 : i32 to index
    %swap3A_820 = arith.constant 128 : index
    %swap3A_821 = tpu.vector_load %arg8[%swap3A_819, %swap3A_820] {strides = array<i32>} : memref<10x512xf32, #tpu.memory_space<vmem>>, vector<1x16xf32>,
    %swap3A_822 = vector.shape_cast %swap3A_821 : vector<1x16xf32> to vector<16xf32>
    %swap3A_823 = vector.shape_cast %scan3A_648#28 : vector<16xf32> to vector<1x16xf32>
    tpu.vector_store %arg8[%swap3A_819, %swap3A_820], %swap3A_823 {strides = array<i32>} : memref<10x512xf32, #tpu.memory_space<vmem>>, vector<1x16xf32>,
    %swap3A_824 = arith.constant 7 : i32
    %swap3A_825 = arith.index_cast %swap3A_824 : i32 to index
    %swap3A_826 = arith.constant 144 : index
    %swap3A_827 = tpu.vector_load %arg8[%swap3A_825, %swap3A_826] {strides = array<i32>} : memref<10x512xf32, #tpu.memory_space<vmem>>, vector<1x16xf32>,
    %swap3A_828 = vector.shape_cast %swap3A_827 : vector<1x16xf32> to vector<16xf32>
    %swap3A_829 = vector.shape_cast %scan3A_648#29 : vector<16xf32> to vector<1x16xf32>
    tpu.vector_store %arg8[%swap3A_825, %swap3A_826], %swap3A_829 {strides = array<i32>} : memref<10x512xf32, #tpu.memory_space<vmem>>, vector<1x16xf32>,
    %swap3A_830 = arith.constant 7 : i32
    %swap3A_831 = arith.index_cast %swap3A_830 : i32 to index
    %swap3A_832 = arith.constant 160 : index
    %swap3A_833 = tpu.vector_load %arg8[%swap3A_831, %swap3A_832] {strides = array<i32>} : memref<10x512xf32, #tpu.memory_space<vmem>>, vector<1x16xf32>,
    %swap3A_834 = vector.shape_cast %swap3A_833 : vector<1x16xf32> to vector<16xf32>
    %swap3A_835 = vector.shape_cast %scan3A_648#30 : vector<16xf32> to vector<1x16xf32>
    tpu.vector_store %arg8[%swap3A_831, %swap3A_832], %swap3A_835 {strides = array<i32>} : memref<10x512xf32, #tpu.memory_space<vmem>>, vector<1x16xf32>,
    %swap3A_836 = arith.constant 7 : i32
    %swap3A_837 = arith.index_cast %swap3A_836 : i32 to index
    %swap3A_838 = arith.constant 176 : index
    %swap3A_839 = tpu.vector_load %arg8[%swap3A_837, %swap3A_838] {strides = array<i32>} : memref<10x512xf32, #tpu.memory_space<vmem>>, vector<1x16xf32>,
    %swap3A_840 = vector.shape_cast %swap3A_839 : vector<1x16xf32> to vector<16xf32>
    %swap3A_841 = vector.shape_cast %scan3A_648#31 : vector<16xf32> to vector<1x16xf32>
    tpu.vector_store %arg8[%swap3A_837, %swap3A_838], %swap3A_841 {strides = array<i32>} : memref<10x512xf32, #tpu.memory_space<vmem>>, vector<1x16xf32>,
    %swap3A_842 = arith.constant 8 : i32
    %swap3A_843 = arith.index_cast %swap3A_842 : i32 to index
    %swap3A_844 = arith.constant 128 : index
    %swap3A_845 = tpu.vector_load %arg8[%swap3A_843, %swap3A_844] {strides = array<i32>} : memref<10x512xf32, #tpu.memory_space<vmem>>, vector<1x16xf32>,
    %swap3A_846 = vector.shape_cast %swap3A_845 : vector<1x16xf32> to vector<16xf32>
    %swap3A_847 = vector.shape_cast %scan3A_648#32 : vector<16xf32> to vector<1x16xf32>
    tpu.vector_store %arg8[%swap3A_843, %swap3A_844], %swap3A_847 {strides = array<i32>} : memref<10x512xf32, #tpu.memory_space<vmem>>, vector<1x16xf32>,
    %swap3A_848 = arith.constant 8 : i32
    %swap3A_849 = arith.index_cast %swap3A_848 : i32 to index
    %swap3A_850 = arith.constant 144 : index
    %swap3A_851 = tpu.vector_load %arg8[%swap3A_849, %swap3A_850] {strides = array<i32>} : memref<10x512xf32, #tpu.memory_space<vmem>>, vector<1x16xf32>,
    %swap3A_852 = vector.shape_cast %swap3A_851 : vector<1x16xf32> to vector<16xf32>
    %swap3A_853 = vector.shape_cast %scan3A_648#33 : vector<16xf32> to vector<1x16xf32>
    tpu.vector_store %arg8[%swap3A_849, %swap3A_850], %swap3A_853 {strides = array<i32>} : memref<10x512xf32, #tpu.memory_space<vmem>>, vector<1x16xf32>,
    %swap3A_854 = arith.constant 8 : i32
    %swap3A_855 = arith.index_cast %swap3A_854 : i32 to index
    %swap3A_856 = arith.constant 160 : index
    %swap3A_857 = tpu.vector_load %arg8[%swap3A_855, %swap3A_856] {strides = array<i32>} : memref<10x512xf32, #tpu.memory_space<vmem>>, vector<1x16xf32>,
    %swap3A_858 = vector.shape_cast %swap3A_857 : vector<1x16xf32> to vector<16xf32>
    %swap3A_859 = vector.shape_cast %scan3A_648#34 : vector<16xf32> to vector<1x16xf32>
    tpu.vector_store %arg8[%swap3A_855, %swap3A_856], %swap3A_859 {strides = array<i32>} : memref<10x512xf32, #tpu.memory_space<vmem>>, vector<1x16xf32>,
    %swap3A_860 = arith.constant 8 : i32
    %swap3A_861 = arith.index_cast %swap3A_860 : i32 to index
    %swap3A_862 = arith.constant 176 : index
    %swap3A_863 = tpu.vector_load %arg8[%swap3A_861, %swap3A_862] {strides = array<i32>} : memref<10x512xf32, #tpu.memory_space<vmem>>, vector<1x16xf32>,
    %swap3A_864 = vector.shape_cast %swap3A_863 : vector<1x16xf32> to vector<16xf32>
    %swap3A_865 = vector.shape_cast %scan3A_648#35 : vector<16xf32> to vector<1x16xf32>
    tpu.vector_store %arg8[%swap3A_861, %swap3A_862], %swap3A_865 {strides = array<i32>} : memref<10x512xf32, #tpu.memory_space<vmem>>, vector<1x16xf32>,
    %swap3A_866 = arith.constant 9 : i32
    %swap3A_867 = arith.index_cast %swap3A_866 : i32 to index
    %swap3A_868 = arith.constant 128 : index
    %swap3A_869 = tpu.vector_load %arg8[%swap3A_867, %swap3A_868] {strides = array<i32>} : memref<10x512xf32, #tpu.memory_space<vmem>>, vector<1x16xf32>,
    %swap3A_870 = vector.shape_cast %swap3A_869 : vector<1x16xf32> to vector<16xf32>
    %swap3A_871 = vector.shape_cast %scan3A_648#36 : vector<16xf32> to vector<1x16xf32>
    tpu.vector_store %arg8[%swap3A_867, %swap3A_868], %swap3A_871 {strides = array<i32>} : memref<10x512xf32, #tpu.memory_space<vmem>>, vector<1x16xf32>,
    %swap3A_872 = arith.constant 9 : i32
    %swap3A_873 = arith.index_cast %swap3A_872 : i32 to index
    %swap3A_874 = arith.constant 144 : index
    %swap3A_875 = tpu.vector_load %arg8[%swap3A_873, %swap3A_874] {strides = array<i32>} : memref<10x512xf32, #tpu.memory_space<vmem>>, vector<1x16xf32>,
    %swap3A_876 = vector.shape_cast %swap3A_875 : vector<1x16xf32> to vector<16xf32>
    %swap3A_877 = vector.shape_cast %scan3A_648#37 : vector<16xf32> to vector<1x16xf32>
    tpu.vector_store %arg8[%swap3A_873, %swap3A_874], %swap3A_877 {strides = array<i32>} : memref<10x512xf32, #tpu.memory_space<vmem>>, vector<1x16xf32>,
    %swap3A_878 = arith.constant 9 : i32
    %swap3A_879 = arith.index_cast %swap3A_878 : i32 to index
    %swap3A_880 = arith.constant 160 : index
    %swap3A_881 = tpu.vector_load %arg8[%swap3A_879, %swap3A_880] {strides = array<i32>} : memref<10x512xf32, #tpu.memory_space<vmem>>, vector<1x16xf32>,
    %swap3A_882 = vector.shape_cast %swap3A_881 : vector<1x16xf32> to vector<16xf32>
    %swap3A_883 = vector.shape_cast %scan3A_648#38 : vector<16xf32> to vector<1x16xf32>
    tpu.vector_store %arg8[%swap3A_879, %swap3A_880], %swap3A_883 {strides = array<i32>} : memref<10x512xf32, #tpu.memory_space<vmem>>, vector<1x16xf32>,
    %swap3A_884 = arith.constant 9 : i32
    %swap3A_885 = arith.index_cast %swap3A_884 : i32 to index
    %swap3A_886 = arith.constant 176 : index
    %swap3A_887 = tpu.vector_load %arg8[%swap3A_885, %swap3A_886] {strides = array<i32>} : memref<10x512xf32, #tpu.memory_space<vmem>>, vector<1x16xf32>,
    %swap3A_888 = vector.shape_cast %swap3A_887 : vector<1x16xf32> to vector<16xf32>
    %swap3A_889 = vector.shape_cast %scan3A_648#39 : vector<16xf32> to vector<1x16xf32>
    tpu.vector_store %arg8[%swap3A_885, %swap3A_886], %swap3A_889 {strides = array<i32>} : memref<10x512xf32, #tpu.memory_space<vmem>>, vector<1x16xf32>,
    %get3A_890 = arith.constant 0 : i32
    %get3A_891 = arith.index_cast %get3A_890 : i32 to index
    %get3A_892 = arith.constant 0 : index
    %get3A_893 = tpu.vector_load %arg9[%get3A_891, %get3A_892] {strides = array<i32>} : memref<10x16xf32, #tpu.memory_space<vmem>>, vector<1x16xf32>,
    %get3A_894 = vector.shape_cast %get3A_893 : vector<1x16xf32> to vector<16xf32>
    %get3A_895 = arith.constant 1 : i32
    %get3A_896 = arith.index_cast %get3A_895 : i32 to index
    %get3A_897 = arith.constant 0 : index
    %get3A_898 = tpu.vector_load %arg9[%get3A_896, %get3A_897] {strides = array<i32>} : memref<10x16xf32, #tpu.memory_space<vmem>>, vector<1x16xf32>,
    %get3A_899 = vector.shape_cast %get3A_898 : vector<1x16xf32> to vector<16xf32>
    %get3A_900 = arith.constant 2 : i32
    %get3A_901 = arith.index_cast %get3A_900 : i32 to index
    %get3A_902 = arith.constant 0 : index
    %get3A_903 = tpu.vector_load %arg9[%get3A_901, %get3A_902] {strides = array<i32>} : memref<10x16xf32, #tpu.memory_space<vmem>>, vector<1x16xf32>,
    %get3A_904 = vector.shape_cast %get3A_903 : vector<1x16xf32> to vector<16xf32>
    %get3A_905 = arith.constant 3 : i32
    %get3A_906 = arith.index_cast %get3A_905 : i32 to index
    %get3A_907 = arith.constant 0 : index
    %get3A_908 = tpu.vector_load %arg9[%get3A_906, %get3A_907] {strides = array<i32>} : memref<10x16xf32, #tpu.memory_space<vmem>>, vector<1x16xf32>,
    %get3A_909 = vector.shape_cast %get3A_908 : vector<1x16xf32> to vector<16xf32>
    %get3A_910 = arith.constant 4 : i32
    %get3A_911 = arith.index_cast %get3A_910 : i32 to index
    %get3A_912 = arith.constant 0 : index
    %get3A_913 = tpu.vector_load %arg9[%get3A_911, %get3A_912] {strides = array<i32>} : memref<10x16xf32, #tpu.memory_space<vmem>>, vector<1x16xf32>,
    %get3A_914 = vector.shape_cast %get3A_913 : vector<1x16xf32> to vector<16xf32>
    %get3A_915 = arith.constant 5 : i32
    %get3A_916 = arith.index_cast %get3A_915 : i32 to index
    %get3A_917 = arith.constant 0 : index
    %get3A_918 = tpu.vector_load %arg9[%get3A_916, %get3A_917] {strides = array<i32>} : memref<10x16xf32, #tpu.memory_space<vmem>>, vector<1x16xf32>,
    %get3A_919 = vector.shape_cast %get3A_918 : vector<1x16xf32> to vector<16xf32>
    %get3A_920 = arith.constant 6 : i32
    %get3A_921 = arith.index_cast %get3A_920 : i32 to index
    %get3A_922 = arith.constant 0 : index
    %get3A_923 = tpu.vector_load %arg9[%get3A_921, %get3A_922] {strides = array<i32>} : memref<10x16xf32, #tpu.memory_space<vmem>>, vector<1x16xf32>,
    %get3A_924 = vector.shape_cast %get3A_923 : vector<1x16xf32> to vector<16xf32>
    %get3A_925 = arith.constant 7 : i32
    %get3A_926 = arith.index_cast %get3A_925 : i32 to index
    %get3A_927 = arith.constant 0 : index
    %get3A_928 = tpu.vector_load %arg9[%get3A_926, %get3A_927] {strides = array<i32>} : memref<10x16xf32, #tpu.memory_space<vmem>>, vector<1x16xf32>,
    %get3A_929 = vector.shape_cast %get3A_928 : vector<1x16xf32> to vector<16xf32>
    %get3A_930 = arith.constant 8 : i32
    %get3A_931 = arith.index_cast %get3A_930 : i32 to index
    %get3A_932 = arith.constant 0 : index
    %get3A_933 = tpu.vector_load %arg9[%get3A_931, %get3A_932] {strides = array<i32>} : memref<10x16xf32, #tpu.memory_space<vmem>>, vector<1x16xf32>,
    %get3A_934 = vector.shape_cast %get3A_933 : vector<1x16xf32> to vector<16xf32>
    %get3A_935 = arith.constant 9 : i32
    %get3A_936 = arith.index_cast %get3A_935 : i32 to index
    %get3A_937 = arith.constant 0 : index
    %get3A_938 = tpu.vector_load %arg9[%get3A_936, %get3A_937] {strides = array<i32>} : memref<10x16xf32, #tpu.memory_space<vmem>>, vector<1x16xf32>,
    %get3A_939 = vector.shape_cast %get3A_938 : vector<1x16xf32> to vector<16xf32>
    %scan3A_940 = arith.constant 0 : i32
    %scan3A_941 = arith.constant 213 : i32
    %scan3A_942 = arith.addi %scan3A_940, %scan3A_941 : i32
    %scan3A_943 = arith.constant 1 : i32
    %scan3A_944:40 = scf.for %scan3A_2372 = %scan3A_940 to %scan3A_942 step %scan3A_943 iter_args(%scan3A_2373 = %get3A_894, %scan3A_2374 = %get3A_894, %scan3A_2375 = %get3A_894, %scan3A_2376 = %get3A_894, %scan3A_2377 = %get3A_899, %scan3A_2378 = %get3A_899, %scan3A_2379 = %get3A_899, %scan3A_2380 = %get3A_899, %scan3A_2381 = %get3A_904, %scan3A_2382 = %get3A_904, %scan3A_2383 = %get3A_904, %scan3A_2384 = %get3A_904, %scan3A_2385 = %get3A_909, %scan3A_2386 = %get3A_909, %scan3A_2387 = %get3A_909, %scan3A_2388 = %get3A_909, %scan3A_2389 = %get3A_914, %scan3A_2390 = %get3A_914, %scan3A_2391 = %get3A_914, %scan3A_2392 = %get3A_914, %scan3A_2393 = %get3A_919, %scan3A_2394 = %get3A_919, %scan3A_2395 = %get3A_919, %scan3A_2396 = %get3A_919, %scan3A_2397 = %get3A_924, %scan3A_2398 = %get3A_924, %scan3A_2399 = %get3A_924, %scan3A_2400 = %get3A_924, %scan3A_2401 = %get3A_929, %scan3A_2402 = %get3A_929, %scan3A_2403 = %get3A_929, %scan3A_2404 = %get3A_929, %scan3A_2405 = %get3A_934, %scan3A_2406 = %get3A_934, %scan3A_2407 = %get3A_934, %scan3A_2408 = %get3A_934, %scan3A_2409 = %get3A_939, %scan3A_2410 = %get3A_939, %scan3A_2411 = %get3A_939, %scan3A_2412 = %get3A_939) -> (vector<16xf32>, vector<16xf32>, vector<16xf32>, vector<16xf32>, vector<16xf32>, vector<16xf32>, vector<16xf32>, vector<16xf32>, vector<16xf32>, vector<16xf32>, vector<16xf32>, vector<16xf32>, vector<16xf32>, vector<16xf32>, vector<16xf32>, vector<16xf32>, vector<16xf32>, vector<16xf32>, vector<16xf32>, vector<16xf32>, vector<16xf32>, vector<16xf32>, vector<16xf32>, vector<16xf32>, vector<16xf32>, vector<16xf32>, vector<16xf32>, vector<16xf32>, vector<16xf32>, vector<16xf32>, vector<16xf32>, vector<16xf32>, vector<16xf32>, vector<16xf32>, vector<16xf32>, vector<16xf32>, vector<16xf32>, vector<16xf32>, vector<16xf32>, vector<16xf32>)  : i32 {
      %get3A_2413 = arith.index_cast %scan3A_2372 : i32 to index
      %get3A_2414 = arith.constant 192 : index
      %get3A_2415 = tpu.vector_load %arg6[%get3A_2413, %get3A_2414] {strides = array<i32>} : memref<213x256xf32, #tpu.memory_space<vmem>>, vector<1x16xf32>,
      %get3A_2416 = vector.shape_cast %get3A_2415 : vector<1x16xf32> to vector<16xf32>
      %get3A_2417 = arith.index_cast %scan3A_2372 : i32 to index
      %get3A_2418 = arith.constant 208 : index
      %get3A_2419 = tpu.vector_load %arg6[%get3A_2417, %get3A_2418] {strides = array<i32>} : memref<213x256xf32, #tpu.memory_space<vmem>>, vector<1x16xf32>,
      %get3A_2420 = vector.shape_cast %get3A_2419 : vector<1x16xf32> to vector<16xf32>
      %get3A_2421 = arith.index_cast %scan3A_2372 : i32 to index
      %get3A_2422 = arith.constant 224 : index
      %get3A_2423 = tpu.vector_load %arg6[%get3A_2421, %get3A_2422] {strides = array<i32>} : memref<213x256xf32, #tpu.memory_space<vmem>>, vector<1x16xf32>,
      %get3A_2424 = vector.shape_cast %get3A_2423 : vector<1x16xf32> to vector<16xf32>
      %get3A_2425 = arith.index_cast %scan3A_2372 : i32 to index
      %get3A_2426 = arith.constant 240 : index
      %get3A_2427 = tpu.vector_load %arg6[%get3A_2425, %get3A_2426] {strides = array<i32>} : memref<213x256xf32, #tpu.memory_space<vmem>>, vector<1x16xf32>,
      %get3A_2428 = vector.shape_cast %get3A_2427 : vector<1x16xf32> to vector<16xf32>
      %mul3A_2429 = arith.constant 16 : i32
      %mul3A_2430 = arith.muli %scan3A_2372, %mul3A_2429 : i32
      %get3A_2431 = arith.constant 0 : i32
      %get3A_2432 = arith.index_cast %get3A_2431 : i32 to index
      %get3A_2433 = arith.index_cast %mul3A_2430 : i32 to index
      %get3A_2434 = tpu.vector_load %arg7[%get3A_2432, %get3A_2433] {strides = array<i32>} : memref<10x3408xf32, #tpu.memory_space<vmem>>, vector<1x16xf32>,
      %get3A_2435 = vector.shape_cast %get3A_2434 : vector<1x16xf32> to vector<16xf32>
      %mul3A_2436 = arith.mulf %get3A_2416, %get3A_2435 : vector<16xf32>
      %add3A_2437 = arith.addf %scan3A_2373, %mul3A_2436 : vector<16xf32>
      %mul3A_2438 = arith.mulf %get3A_2420, %get3A_2435 : vector<16xf32>
      %add3A_2439 = arith.addf %scan3A_2374, %mul3A_2438 : vector<16xf32>
      %mul3A_2440 = arith.mulf %get3A_2424, %get3A_2435 : vector<16xf32>
      %add3A_2441 = arith.addf %scan3A_2375, %mul3A_2440 : vector<16xf32>
      %mul3A_2442 = arith.mulf %get3A_2428, %get3A_2435 : vector<16xf32>
      %add3A_2443 = arith.addf %scan3A_2376, %mul3A_2442 : vector<16xf32>
      %mul3A_2444 = arith.constant 16 : i32
      %mul3A_2445 = arith.muli %scan3A_2372, %mul3A_2444 : i32
      %get3A_2446 = arith.constant 1 : i32
      %get3A_2447 = arith.index_cast %get3A_2446 : i32 to index
      %get3A_2448 = arith.index_cast %mul3A_2445 : i32 to index
      %get3A_2449 = tpu.vector_load %arg7[%get3A_2447, %get3A_2448] {strides = array<i32>} : memref<10x3408xf32, #tpu.memory_space<vmem>>, vector<1x16xf32>,
      %get3A_2450 = vector.shape_cast %get3A_2449 : vector<1x16xf32> to vector<16xf32>
      %mul3A_2451 = arith.mulf %get3A_2416, %get3A_2450 : vector<16xf32>
      %add3A_2452 = arith.addf %scan3A_2377, %mul3A_2451 : vector<16xf32>
      %mul3A_2453 = arith.mulf %get3A_2420, %get3A_2450 : vector<16xf32>
      %add3A_2454 = arith.addf %scan3A_2378, %mul3A_2453 : vector<16xf32>
      %mul3A_2455 = arith.mulf %get3A_2424, %get3A_2450 : vector<16xf32>
      %add3A_2456 = arith.addf %scan3A_2379, %mul3A_2455 : vector<16xf32>
      %mul3A_2457 = arith.mulf %get3A_2428, %get3A_2450 : vector<16xf32>
      %add3A_2458 = arith.addf %scan3A_2380, %mul3A_2457 : vector<16xf32>
      %mul3A_2459 = arith.constant 16 : i32
      %mul3A_2460 = arith.muli %scan3A_2372, %mul3A_2459 : i32
      %get3A_2461 = arith.constant 2 : i32
      %get3A_2462 = arith.index_cast %get3A_2461 : i32 to index
      %get3A_2463 = arith.index_cast %mul3A_2460 : i32 to index
      %get3A_2464 = tpu.vector_load %arg7[%get3A_2462, %get3A_2463] {strides = array<i32>} : memref<10x3408xf32, #tpu.memory_space<vmem>>, vector<1x16xf32>,
      %get3A_2465 = vector.shape_cast %get3A_2464 : vector<1x16xf32> to vector<16xf32>
      %mul3A_2466 = arith.mulf %get3A_2416, %get3A_2465 : vector<16xf32>
      %add3A_2467 = arith.addf %scan3A_2381, %mul3A_2466 : vector<16xf32>
      %mul3A_2468 = arith.mulf %get3A_2420, %get3A_2465 : vector<16xf32>
      %add3A_2469 = arith.addf %scan3A_2382, %mul3A_2468 : vector<16xf32>
      %mul3A_2470 = arith.mulf %get3A_2424, %get3A_2465 : vector<16xf32>
      %add3A_2471 = arith.addf %scan3A_2383, %mul3A_2470 : vector<16xf32>
      %mul3A_2472 = arith.mulf %get3A_2428, %get3A_2465 : vector<16xf32>
      %add3A_2473 = arith.addf %scan3A_2384, %mul3A_2472 : vector<16xf32>
      %mul3A_2474 = arith.constant 16 : i32
      %mul3A_2475 = arith.muli %scan3A_2372, %mul3A_2474 : i32
      %get3A_2476 = arith.constant 3 : i32
      %get3A_2477 = arith.index_cast %get3A_2476 : i32 to index
      %get3A_2478 = arith.index_cast %mul3A_2475 : i32 to index
      %get3A_2479 = tpu.vector_load %arg7[%get3A_2477, %get3A_2478] {strides = array<i32>} : memref<10x3408xf32, #tpu.memory_space<vmem>>, vector<1x16xf32>,
      %get3A_2480 = vector.shape_cast %get3A_2479 : vector<1x16xf32> to vector<16xf32>
      %mul3A_2481 = arith.mulf %get3A_2416, %get3A_2480 : vector<16xf32>
      %add3A_2482 = arith.addf %scan3A_2385, %mul3A_2481 : vector<16xf32>
      %mul3A_2483 = arith.mulf %get3A_2420, %get3A_2480 : vector<16xf32>
      %add3A_2484 = arith.addf %scan3A_2386, %mul3A_2483 : vector<16xf32>
      %mul3A_2485 = arith.mulf %get3A_2424, %get3A_2480 : vector<16xf32>
      %add3A_2486 = arith.addf %scan3A_2387, %mul3A_2485 : vector<16xf32>
      %mul3A_2487 = arith.mulf %get3A_2428, %get3A_2480 : vector<16xf32>
      %add3A_2488 = arith.addf %scan3A_2388, %mul3A_2487 : vector<16xf32>
      %mul3A_2489 = arith.constant 16 : i32
      %mul3A_2490 = arith.muli %scan3A_2372, %mul3A_2489 : i32
      %get3A_2491 = arith.constant 4 : i32
      %get3A_2492 = arith.index_cast %get3A_2491 : i32 to index
      %get3A_2493 = arith.index_cast %mul3A_2490 : i32 to index
      %get3A_2494 = tpu.vector_load %arg7[%get3A_2492, %get3A_2493] {strides = array<i32>} : memref<10x3408xf32, #tpu.memory_space<vmem>>, vector<1x16xf32>,
      %get3A_2495 = vector.shape_cast %get3A_2494 : vector<1x16xf32> to vector<16xf32>
      %mul3A_2496 = arith.mulf %get3A_2416, %get3A_2495 : vector<16xf32>
      %add3A_2497 = arith.addf %scan3A_2389, %mul3A_2496 : vector<16xf32>
      %mul3A_2498 = arith.mulf %get3A_2420, %get3A_2495 : vector<16xf32>
      %add3A_2499 = arith.addf %scan3A_2390, %mul3A_2498 : vector<16xf32>
      %mul3A_2500 = arith.mulf %get3A_2424, %get3A_2495 : vector<16xf32>
      %add3A_2501 = arith.addf %scan3A_2391, %mul3A_2500 : vector<16xf32>
      %mul3A_2502 = arith.mulf %get3A_2428, %get3A_2495 : vector<16xf32>
      %add3A_2503 = arith.addf %scan3A_2392, %mul3A_2502 : vector<16xf32>
      %mul3A_2504 = arith.constant 16 : i32
      %mul3A_2505 = arith.muli %scan3A_2372, %mul3A_2504 : i32
      %get3A_2506 = arith.constant 5 : i32
      %get3A_2507 = arith.index_cast %get3A_2506 : i32 to index
      %get3A_2508 = arith.index_cast %mul3A_2505 : i32 to index
      %get3A_2509 = tpu.vector_load %arg7[%get3A_2507, %get3A_2508] {strides = array<i32>} : memref<10x3408xf32, #tpu.memory_space<vmem>>, vector<1x16xf32>,
      %get3A_2510 = vector.shape_cast %get3A_2509 : vector<1x16xf32> to vector<16xf32>
      %mul3A_2511 = arith.mulf %get3A_2416, %get3A_2510 : vector<16xf32>
      %add3A_2512 = arith.addf %scan3A_2393, %mul3A_2511 : vector<16xf32>
      %mul3A_2513 = arith.mulf %get3A_2420, %get3A_2510 : vector<16xf32>
      %add3A_2514 = arith.addf %scan3A_2394, %mul3A_2513 : vector<16xf32>
      %mul3A_2515 = arith.mulf %get3A_2424, %get3A_2510 : vector<16xf32>
      %add3A_2516 = arith.addf %scan3A_2395, %mul3A_2515 : vector<16xf32>
      %mul3A_2517 = arith.mulf %get3A_2428, %get3A_2510 : vector<16xf32>
      %add3A_2518 = arith.addf %scan3A_2396, %mul3A_2517 : vector<16xf32>
      %mul3A_2519 = arith.constant 16 : i32
      %mul3A_2520 = arith.muli %scan3A_2372, %mul3A_2519 : i32
      %get3A_2521 = arith.constant 6 : i32
      %get3A_2522 = arith.index_cast %get3A_2521 : i32 to index
      %get3A_2523 = arith.index_cast %mul3A_2520 : i32 to index
      %get3A_2524 = tpu.vector_load %arg7[%get3A_2522, %get3A_2523] {strides = array<i32>} : memref<10x3408xf32, #tpu.memory_space<vmem>>, vector<1x16xf32>,
      %get3A_2525 = vector.shape_cast %get3A_2524 : vector<1x16xf32> to vector<16xf32>
      %mul3A_2526 = arith.mulf %get3A_2416, %get3A_2525 : vector<16xf32>
      %add3A_2527 = arith.addf %scan3A_2397, %mul3A_2526 : vector<16xf32>
      %mul3A_2528 = arith.mulf %get3A_2420, %get3A_2525 : vector<16xf32>
      %add3A_2529 = arith.addf %scan3A_2398, %mul3A_2528 : vector<16xf32>
      %mul3A_2530 = arith.mulf %get3A_2424, %get3A_2525 : vector<16xf32>
      %add3A_2531 = arith.addf %scan3A_2399, %mul3A_2530 : vector<16xf32>
      %mul3A_2532 = arith.mulf %get3A_2428, %get3A_2525 : vector<16xf32>
      %add3A_2533 = arith.addf %scan3A_2400, %mul3A_2532 : vector<16xf32>
      %mul3A_2534 = arith.constant 16 : i32
      %mul3A_2535 = arith.muli %scan3A_2372, %mul3A_2534 : i32
      %get3A_2536 = arith.constant 7 : i32
      %get3A_2537 = arith.index_cast %get3A_2536 : i32 to index
      %get3A_2538 = arith.index_cast %mul3A_2535 : i32 to index
      %get3A_2539 = tpu.vector_load %arg7[%get3A_2537, %get3A_2538] {strides = array<i32>} : memref<10x3408xf32, #tpu.memory_space<vmem>>, vector<1x16xf32>,
      %get3A_2540 = vector.shape_cast %get3A_2539 : vector<1x16xf32> to vector<16xf32>
      %mul3A_2541 = arith.mulf %get3A_2416, %get3A_2540 : vector<16xf32>
      %add3A_2542 = arith.addf %scan3A_2401, %mul3A_2541 : vector<16xf32>
      %mul3A_2543 = arith.mulf %get3A_2420, %get3A_2540 : vector<16xf32>
      %add3A_2544 = arith.addf %scan3A_2402, %mul3A_2543 : vector<16xf32>
      %mul3A_2545 = arith.mulf %get3A_2424, %get3A_2540 : vector<16xf32>
      %add3A_2546 = arith.addf %scan3A_2403, %mul3A_2545 : vector<16xf32>
      %mul3A_2547 = arith.mulf %get3A_2428, %get3A_2540 : vector<16xf32>
      %add3A_2548 = arith.addf %scan3A_2404, %mul3A_2547 : vector<16xf32>
      %mul3A_2549 = arith.constant 16 : i32
      %mul3A_2550 = arith.muli %scan3A_2372, %mul3A_2549 : i32
      %get3A_2551 = arith.constant 8 : i32
      %get3A_2552 = arith.index_cast %get3A_2551 : i32 to index
      %get3A_2553 = arith.index_cast %mul3A_2550 : i32 to index
      %get3A_2554 = tpu.vector_load %arg7[%get3A_2552, %get3A_2553] {strides = array<i32>} : memref<10x3408xf32, #tpu.memory_space<vmem>>, vector<1x16xf32>,
      %get3A_2555 = vector.shape_cast %get3A_2554 : vector<1x16xf32> to vector<16xf32>
      %mul3A_2556 = arith.mulf %get3A_2416, %get3A_2555 : vector<16xf32>
      %add3A_2557 = arith.addf %scan3A_2405, %mul3A_2556 : vector<16xf32>
      %mul3A_2558 = arith.mulf %get3A_2420, %get3A_2555 : vector<16xf32>
      %add3A_2559 = arith.addf %scan3A_2406, %mul3A_2558 : vector<16xf32>
      %mul3A_2560 = arith.mulf %get3A_2424, %get3A_2555 : vector<16xf32>
      %add3A_2561 = arith.addf %scan3A_2407, %mul3A_2560 : vector<16xf32>
      %mul3A_2562 = arith.mulf %get3A_2428, %get3A_2555 : vector<16xf32>
      %add3A_2563 = arith.addf %scan3A_2408, %mul3A_2562 : vector<16xf32>
      %mul3A_2564 = arith.constant 16 : i32
      %mul3A_2565 = arith.muli %scan3A_2372, %mul3A_2564 : i32
      %get3A_2566 = arith.constant 9 : i32
      %get3A_2567 = arith.index_cast %get3A_2566 : i32 to index
      %get3A_2568 = arith.index_cast %mul3A_2565 : i32 to index
      %get3A_2569 = tpu.vector_load %arg7[%get3A_2567, %get3A_2568] {strides = array<i32>} : memref<10x3408xf32, #tpu.memory_space<vmem>>, vector<1x16xf32>,
      %get3A_2570 = vector.shape_cast %get3A_2569 : vector<1x16xf32> to vector<16xf32>
      %mul3A_2571 = arith.mulf %get3A_2416, %get3A_2570 : vector<16xf32>
      %add3A_2572 = arith.addf %scan3A_2409, %mul3A_2571 : vector<16xf32>
      %mul3A_2573 = arith.mulf %get3A_2420, %get3A_2570 : vector<16xf32>
      %add3A_2574 = arith.addf %scan3A_2410, %mul3A_2573 : vector<16xf32>
      %mul3A_2575 = arith.mulf %get3A_2424, %get3A_2570 : vector<16xf32>
      %add3A_2576 = arith.addf %scan3A_2411, %mul3A_2575 : vector<16xf32>
      %mul3A_2577 = arith.mulf %get3A_2428, %get3A_2570 : vector<16xf32>
      %add3A_2578 = arith.addf %scan3A_2412, %mul3A_2577 : vector<16xf32>
      scf.yield %add3A_2437, %add3A_2439, %add3A_2441, %add3A_2443, %add3A_2452, %add3A_2454, %add3A_2456, %add3A_2458, %add3A_2467, %add3A_2469, %add3A_2471, %add3A_2473, %add3A_2482, %add3A_2484, %add3A_2486, %add3A_2488, %add3A_2497, %add3A_2499, %add3A_2501, %add3A_2503, %add3A_2512, %add3A_2514, %add3A_2516, %add3A_2518, %add3A_2527, %add3A_2529, %add3A_2531, %add3A_2533, %add3A_2542, %add3A_2544, %add3A_2546, %add3A_2548, %add3A_2557, %add3A_2559, %add3A_2561, %add3A_2563, %add3A_2572, %add3A_2574, %add3A_2576, %add3A_2578 : vector<16xf32>, vector<16xf32>, vector<16xf32>, vector<16xf32>, vector<16xf32>, vector<16xf32>, vector<16xf32>, vector<16xf32>, vector<16xf32>, vector<16xf32>, vector<16xf32>, vector<16xf32>, vector<16xf32>, vector<16xf32>, vector<16xf32>, vector<16xf32>, vector<16xf32>, vector<16xf32>, vector<16xf32>, vector<16xf32>, vector<16xf32>, vector<16xf32>, vector<16xf32>, vector<16xf32>, vector<16xf32>, vector<16xf32>, vector<16xf32>, vector<16xf32>, vector<16xf32>, vector<16xf32>, vector<16xf32>, vector<16xf32>, vector<16xf32>, vector<16xf32>, vector<16xf32>, vector<16xf32>, vector<16xf32>, vector<16xf32>, vector<16xf32>, vector<16xf32>
    }
    %scan3A_945 = arith.constant 213 : i32
    %swap3A_946 = arith.constant 0 : i32
    %swap3A_947 = arith.index_cast %swap3A_946 : i32 to index
    %swap3A_948 = arith.constant 192 : index
    %swap3A_949 = tpu.vector_load %arg8[%swap3A_947, %swap3A_948] {strides = array<i32>} : memref<10x512xf32, #tpu.memory_space<vmem>>, vector<1x16xf32>,
    %swap3A_950 = vector.shape_cast %swap3A_949 : vector<1x16xf32> to vector<16xf32>
    %swap3A_951 = vector.shape_cast %scan3A_944#0 : vector<16xf32> to vector<1x16xf32>
    tpu.vector_store %arg8[%swap3A_947, %swap3A_948], %swap3A_951 {strides = array<i32>} : memref<10x512xf32, #tpu.memory_space<vmem>>, vector<1x16xf32>,
    %swap3A_952 = arith.constant 0 : i32
    %swap3A_953 = arith.index_cast %swap3A_952 : i32 to index
    %swap3A_954 = arith.constant 208 : index
    %swap3A_955 = tpu.vector_load %arg8[%swap3A_953, %swap3A_954] {strides = array<i32>} : memref<10x512xf32, #tpu.memory_space<vmem>>, vector<1x16xf32>,
    %swap3A_956 = vector.shape_cast %swap3A_955 : vector<1x16xf32> to vector<16xf32>
    %swap3A_957 = vector.shape_cast %scan3A_944#1 : vector<16xf32> to vector<1x16xf32>
    tpu.vector_store %arg8[%swap3A_953, %swap3A_954], %swap3A_957 {strides = array<i32>} : memref<10x512xf32, #tpu.memory_space<vmem>>, vector<1x16xf32>,
    %swap3A_958 = arith.constant 0 : i32
    %swap3A_959 = arith.index_cast %swap3A_958 : i32 to index
    %swap3A_960 = arith.constant 224 : index
    %swap3A_961 = tpu.vector_load %arg8[%swap3A_959, %swap3A_960] {strides = array<i32>} : memref<10x512xf32, #tpu.memory_space<vmem>>, vector<1x16xf32>,
    %swap3A_962 = vector.shape_cast %swap3A_961 : vector<1x16xf32> to vector<16xf32>
    %swap3A_963 = vector.shape_cast %scan3A_944#2 : vector<16xf32> to vector<1x16xf32>
    tpu.vector_store %arg8[%swap3A_959, %swap3A_960], %swap3A_963 {strides = array<i32>} : memref<10x512xf32, #tpu.memory_space<vmem>>, vector<1x16xf32>,
    %swap3A_964 = arith.constant 0 : i32
    %swap3A_965 = arith.index_cast %swap3A_964 : i32 to index
    %swap3A_966 = arith.constant 240 : index
    %swap3A_967 = tpu.vector_load %arg8[%swap3A_965, %swap3A_966] {strides = array<i32>} : memref<10x512xf32, #tpu.memory_space<vmem>>, vector<1x16xf32>,
    %swap3A_968 = vector.shape_cast %swap3A_967 : vector<1x16xf32> to vector<16xf32>
    %swap3A_969 = vector.shape_cast %scan3A_944#3 : vector<16xf32> to vector<1x16xf32>
    tpu.vector_store %arg8[%swap3A_965, %swap3A_966], %swap3A_969 {strides = array<i32>} : memref<10x512xf32, #tpu.memory_space<vmem>>, vector<1x16xf32>,
    %swap3A_970 = arith.constant 1 : i32
    %swap3A_971 = arith.index_cast %swap3A_970 : i32 to index
    %swap3A_972 = arith.constant 192 : index
    %swap3A_973 = tpu.vector_load %arg8[%swap3A_971, %swap3A_972] {strides = array<i32>} : memref<10x512xf32, #tpu.memory_space<vmem>>, vector<1x16xf32>,
    %swap3A_974 = vector.shape_cast %swap3A_973 : vector<1x16xf32> to vector<16xf32>
    %swap3A_975 = vector.shape_cast %scan3A_944#4 : vector<16xf32> to vector<1x16xf32>
    tpu.vector_store %arg8[%swap3A_971, %swap3A_972], %swap3A_975 {strides = array<i32>} : memref<10x512xf32, #tpu.memory_space<vmem>>, vector<1x16xf32>,
    %swap3A_976 = arith.constant 1 : i32
    %swap3A_977 = arith.index_cast %swap3A_976 : i32 to index
    %swap3A_978 = arith.constant 208 : index
    %swap3A_979 = tpu.vector_load %arg8[%swap3A_977, %swap3A_978] {strides = array<i32>} : memref<10x512xf32, #tpu.memory_space<vmem>>, vector<1x16xf32>,
    %swap3A_980 = vector.shape_cast %swap3A_979 : vector<1x16xf32> to vector<16xf32>
    %swap3A_981 = vector.shape_cast %scan3A_944#5 : vector<16xf32> to vector<1x16xf32>
    tpu.vector_store %arg8[%swap3A_977, %swap3A_978], %swap3A_981 {strides = array<i32>} : memref<10x512xf32, #tpu.memory_space<vmem>>, vector<1x16xf32>,
    %swap3A_982 = arith.constant 1 : i32
    %swap3A_983 = arith.index_cast %swap3A_982 : i32 to index
    %swap3A_984 = arith.constant 224 : index
    %swap3A_985 = tpu.vector_load %arg8[%swap3A_983, %swap3A_984] {strides = array<i32>} : memref<10x512xf32, #tpu.memory_space<vmem>>, vector<1x16xf32>,
    %swap3A_986 = vector.shape_cast %swap3A_985 : vector<1x16xf32> to vector<16xf32>
    %swap3A_987 = vector.shape_cast %scan3A_944#6 : vector<16xf32> to vector<1x16xf32>
    tpu.vector_store %arg8[%swap3A_983, %swap3A_984], %swap3A_987 {strides = array<i32>} : memref<10x512xf32, #tpu.memory_space<vmem>>, vector<1x16xf32>,
    %swap3A_988 = arith.constant 1 : i32
    %swap3A_989 = arith.index_cast %swap3A_988 : i32 to index
    %swap3A_990 = arith.constant 240 : index
    %swap3A_991 = tpu.vector_load %arg8[%swap3A_989, %swap3A_990] {strides = array<i32>} : memref<10x512xf32, #tpu.memory_space<vmem>>, vector<1x16xf32>,
    %swap3A_992 = vector.shape_cast %swap3A_991 : vector<1x16xf32> to vector<16xf32>
    %swap3A_993 = vector.shape_cast %scan3A_944#7 : vector<16xf32> to vector<1x16xf32>
    tpu.vector_store %arg8[%swap3A_989, %swap3A_990], %swap3A_993 {strides = array<i32>} : memref<10x512xf32, #tpu.memory_space<vmem>>, vector<1x16xf32>,
    %swap3A_994 = arith.constant 2 : i32
    %swap3A_995 = arith.index_cast %swap3A_994 : i32 to index
    %swap3A_996 = arith.constant 192 : index
    %swap3A_997 = tpu.vector_load %arg8[%swap3A_995, %swap3A_996] {strides = array<i32>} : memref<10x512xf32, #tpu.memory_space<vmem>>, vector<1x16xf32>,
    %swap3A_998 = vector.shape_cast %swap3A_997 : vector<1x16xf32> to vector<16xf32>
    %swap3A_999 = vector.shape_cast %scan3A_944#8 : vector<16xf32> to vector<1x16xf32>
    tpu.vector_store %arg8[%swap3A_995, %swap3A_996], %swap3A_999 {strides = array<i32>} : memref<10x512xf32, #tpu.memory_space<vmem>>, vector<1x16xf32>,
    %swap3A_1000 = arith.constant 2 : i32
    %swap3A_1001 = arith.index_cast %swap3A_1000 : i32 to index
    %swap3A_1002 = arith.constant 208 : index
    %swap3A_1003 = tpu.vector_load %arg8[%swap3A_1001, %swap3A_1002] {strides = array<i32>} : memref<10x512xf32, #tpu.memory_space<vmem>>, vector<1x16xf32>,
    %swap3A_1004 = vector.shape_cast %swap3A_1003 : vector<1x16xf32> to vector<16xf32>
    %swap3A_1005 = vector.shape_cast %scan3A_944#9 : vector<16xf32> to vector<1x16xf32>
    tpu.vector_store %arg8[%swap3A_1001, %swap3A_1002], %swap3A_1005 {strides = array<i32>} : memref<10x512xf32, #tpu.memory_space<vmem>>, vector<1x16xf32>,
    %swap3A_1006 = arith.constant 2 : i32
    %swap3A_1007 = arith.index_cast %swap3A_1006 : i32 to index
    %swap3A_1008 = arith.constant 224 : index
    %swap3A_1009 = tpu.vector_load %arg8[%swap3A_1007, %swap3A_1008] {strides = array<i32>} : memref<10x512xf32, #tpu.memory_space<vmem>>, vector<1x16xf32>,
    %swap3A_1010 = vector.shape_cast %swap3A_1009 : vector<1x16xf32> to vector<16xf32>
    %swap3A_1011 = vector.shape_cast %scan3A_944#10 : vector<16xf32> to vector<1x16xf32>
    tpu.vector_store %arg8[%swap3A_1007, %swap3A_1008], %swap3A_1011 {strides = array<i32>} : memref<10x512xf32, #tpu.memory_space<vmem>>, vector<1x16xf32>,
    %swap3A_1012 = arith.constant 2 : i32
    %swap3A_1013 = arith.index_cast %swap3A_1012 : i32 to index
    %swap3A_1014 = arith.constant 240 : index
    %swap3A_1015 = tpu.vector_load %arg8[%swap3A_1013, %swap3A_1014] {strides = array<i32>} : memref<10x512xf32, #tpu.memory_space<vmem>>, vector<1x16xf32>,
    %swap3A_1016 = vector.shape_cast %swap3A_1015 : vector<1x16xf32> to vector<16xf32>
    %swap3A_1017 = vector.shape_cast %scan3A_944#11 : vector<16xf32> to vector<1x16xf32>
    tpu.vector_store %arg8[%swap3A_1013, %swap3A_1014], %swap3A_1017 {strides = array<i32>} : memref<10x512xf32, #tpu.memory_space<vmem>>, vector<1x16xf32>,
    %swap3A_1018 = arith.constant 3 : i32
    %swap3A_1019 = arith.index_cast %swap3A_1018 : i32 to index
    %swap3A_1020 = arith.constant 192 : index
    %swap3A_1021 = tpu.vector_load %arg8[%swap3A_1019, %swap3A_1020] {strides = array<i32>} : memref<10x512xf32, #tpu.memory_space<vmem>>, vector<1x16xf32>,
    %swap3A_1022 = vector.shape_cast %swap3A_1021 : vector<1x16xf32> to vector<16xf32>
    %swap3A_1023 = vector.shape_cast %scan3A_944#12 : vector<16xf32> to vector<1x16xf32>
    tpu.vector_store %arg8[%swap3A_1019, %swap3A_1020], %swap3A_1023 {strides = array<i32>} : memref<10x512xf32, #tpu.memory_space<vmem>>, vector<1x16xf32>,
    %swap3A_1024 = arith.constant 3 : i32
    %swap3A_1025 = arith.index_cast %swap3A_1024 : i32 to index
    %swap3A_1026 = arith.constant 208 : index
    %swap3A_1027 = tpu.vector_load %arg8[%swap3A_1025, %swap3A_1026] {strides = array<i32>} : memref<10x512xf32, #tpu.memory_space<vmem>>, vector<1x16xf32>,
    %swap3A_1028 = vector.shape_cast %swap3A_1027 : vector<1x16xf32> to vector<16xf32>
    %swap3A_1029 = vector.shape_cast %scan3A_944#13 : vector<16xf32> to vector<1x16xf32>
    tpu.vector_store %arg8[%swap3A_1025, %swap3A_1026], %swap3A_1029 {strides = array<i32>} : memref<10x512xf32, #tpu.memory_space<vmem>>, vector<1x16xf32>,
    %swap3A_1030 = arith.constant 3 : i32
    %swap3A_1031 = arith.index_cast %swap3A_1030 : i32 to index
    %swap3A_1032 = arith.constant 224 : index
    %swap3A_1033 = tpu.vector_load %arg8[%swap3A_1031, %swap3A_1032] {strides = array<i32>} : memref<10x512xf32, #tpu.memory_space<vmem>>, vector<1x16xf32>,
    %swap3A_1034 = vector.shape_cast %swap3A_1033 : vector<1x16xf32> to vector<16xf32>
    %swap3A_1035 = vector.shape_cast %scan3A_944#14 : vector<16xf32> to vector<1x16xf32>
    tpu.vector_store %arg8[%swap3A_1031, %swap3A_1032], %swap3A_1035 {strides = array<i32>} : memref<10x512xf32, #tpu.memory_space<vmem>>, vector<1x16xf32>,
    %swap3A_1036 = arith.constant 3 : i32
    %swap3A_1037 = arith.index_cast %swap3A_1036 : i32 to index
    %swap3A_1038 = arith.constant 240 : index
    %swap3A_1039 = tpu.vector_load %arg8[%swap3A_1037, %swap3A_1038] {strides = array<i32>} : memref<10x512xf32, #tpu.memory_space<vmem>>, vector<1x16xf32>,
    %swap3A_1040 = vector.shape_cast %swap3A_1039 : vector<1x16xf32> to vector<16xf32>
    %swap3A_1041 = vector.shape_cast %scan3A_944#15 : vector<16xf32> to vector<1x16xf32>
    tpu.vector_store %arg8[%swap3A_1037, %swap3A_1038], %swap3A_1041 {strides = array<i32>} : memref<10x512xf32, #tpu.memory_space<vmem>>, vector<1x16xf32>,
    %swap3A_1042 = arith.constant 4 : i32
    %swap3A_1043 = arith.index_cast %swap3A_1042 : i32 to index
    %swap3A_1044 = arith.constant 192 : index
    %swap3A_1045 = tpu.vector_load %arg8[%swap3A_1043, %swap3A_1044] {strides = array<i32>} : memref<10x512xf32, #tpu.memory_space<vmem>>, vector<1x16xf32>,
    %swap3A_1046 = vector.shape_cast %swap3A_1045 : vector<1x16xf32> to vector<16xf32>
    %swap3A_1047 = vector.shape_cast %scan3A_944#16 : vector<16xf32> to vector<1x16xf32>
    tpu.vector_store %arg8[%swap3A_1043, %swap3A_1044], %swap3A_1047 {strides = array<i32>} : memref<10x512xf32, #tpu.memory_space<vmem>>, vector<1x16xf32>,
    %swap3A_1048 = arith.constant 4 : i32
    %swap3A_1049 = arith.index_cast %swap3A_1048 : i32 to index
    %swap3A_1050 = arith.constant 208 : index
    %swap3A_1051 = tpu.vector_load %arg8[%swap3A_1049, %swap3A_1050] {strides = array<i32>} : memref<10x512xf32, #tpu.memory_space<vmem>>, vector<1x16xf32>,
    %swap3A_1052 = vector.shape_cast %swap3A_1051 : vector<1x16xf32> to vector<16xf32>
    %swap3A_1053 = vector.shape_cast %scan3A_944#17 : vector<16xf32> to vector<1x16xf32>
    tpu.vector_store %arg8[%swap3A_1049, %swap3A_1050], %swap3A_1053 {strides = array<i32>} : memref<10x512xf32, #tpu.memory_space<vmem>>, vector<1x16xf32>,
    %swap3A_1054 = arith.constant 4 : i32
    %swap3A_1055 = arith.index_cast %swap3A_1054 : i32 to index
    %swap3A_1056 = arith.constant 224 : index
    %swap3A_1057 = tpu.vector_load %arg8[%swap3A_1055, %swap3A_1056] {strides = array<i32>} : memref<10x512xf32, #tpu.memory_space<vmem>>, vector<1x16xf32>,
    %swap3A_1058 = vector.shape_cast %swap3A_1057 : vector<1x16xf32> to vector<16xf32>
    %swap3A_1059 = vector.shape_cast %scan3A_944#18 : vector<16xf32> to vector<1x16xf32>
    tpu.vector_store %arg8[%swap3A_1055, %swap3A_1056], %swap3A_1059 {strides = array<i32>} : memref<10x512xf32, #tpu.memory_space<vmem>>, vector<1x16xf32>,
    %swap3A_1060 = arith.constant 4 : i32
    %swap3A_1061 = arith.index_cast %swap3A_1060 : i32 to index
    %swap3A_1062 = arith.constant 240 : index
    %swap3A_1063 = tpu.vector_load %arg8[%swap3A_1061, %swap3A_1062] {strides = array<i32>} : memref<10x512xf32, #tpu.memory_space<vmem>>, vector<1x16xf32>,
    %swap3A_1064 = vector.shape_cast %swap3A_1063 : vector<1x16xf32> to vector<16xf32>
    %swap3A_1065 = vector.shape_cast %scan3A_944#19 : vector<16xf32> to vector<1x16xf32>
    tpu.vector_store %arg8[%swap3A_1061, %swap3A_1062], %swap3A_1065 {strides = array<i32>} : memref<10x512xf32, #tpu.memory_space<vmem>>, vector<1x16xf32>,
    %swap3A_1066 = arith.constant 5 : i32
    %swap3A_1067 = arith.index_cast %swap3A_1066 : i32 to index
    %swap3A_1068 = arith.constant 192 : index
    %swap3A_1069 = tpu.vector_load %arg8[%swap3A_1067, %swap3A_1068] {strides = array<i32>} : memref<10x512xf32, #tpu.memory_space<vmem>>, vector<1x16xf32>,
    %swap3A_1070 = vector.shape_cast %swap3A_1069 : vector<1x16xf32> to vector<16xf32>
    %swap3A_1071 = vector.shape_cast %scan3A_944#20 : vector<16xf32> to vector<1x16xf32>
    tpu.vector_store %arg8[%swap3A_1067, %swap3A_1068], %swap3A_1071 {strides = array<i32>} : memref<10x512xf32, #tpu.memory_space<vmem>>, vector<1x16xf32>,
    %swap3A_1072 = arith.constant 5 : i32
    %swap3A_1073 = arith.index_cast %swap3A_1072 : i32 to index
    %swap3A_1074 = arith.constant 208 : index
    %swap3A_1075 = tpu.vector_load %arg8[%swap3A_1073, %swap3A_1074] {strides = array<i32>} : memref<10x512xf32, #tpu.memory_space<vmem>>, vector<1x16xf32>,
    %swap3A_1076 = vector.shape_cast %swap3A_1075 : vector<1x16xf32> to vector<16xf32>
    %swap3A_1077 = vector.shape_cast %scan3A_944#21 : vector<16xf32> to vector<1x16xf32>
    tpu.vector_store %arg8[%swap3A_1073, %swap3A_1074], %swap3A_1077 {strides = array<i32>} : memref<10x512xf32, #tpu.memory_space<vmem>>, vector<1x16xf32>,
    %swap3A_1078 = arith.constant 5 : i32
    %swap3A_1079 = arith.index_cast %swap3A_1078 : i32 to index
    %swap3A_1080 = arith.constant 224 : index
    %swap3A_1081 = tpu.vector_load %arg8[%swap3A_1079, %swap3A_1080] {strides = array<i32>} : memref<10x512xf32, #tpu.memory_space<vmem>>, vector<1x16xf32>,
    %swap3A_1082 = vector.shape_cast %swap3A_1081 : vector<1x16xf32> to vector<16xf32>
    %swap3A_1083 = vector.shape_cast %scan3A_944#22 : vector<16xf32> to vector<1x16xf32>
    tpu.vector_store %arg8[%swap3A_1079, %swap3A_1080], %swap3A_1083 {strides = array<i32>} : memref<10x512xf32, #tpu.memory_space<vmem>>, vector<1x16xf32>,
    %swap3A_1084 = arith.constant 5 : i32
    %swap3A_1085 = arith.index_cast %swap3A_1084 : i32 to index
    %swap3A_1086 = arith.constant 240 : index
    %swap3A_1087 = tpu.vector_load %arg8[%swap3A_1085, %swap3A_1086] {strides = array<i32>} : memref<10x512xf32, #tpu.memory_space<vmem>>, vector<1x16xf32>,
    %swap3A_1088 = vector.shape_cast %swap3A_1087 : vector<1x16xf32> to vector<16xf32>
    %swap3A_1089 = vector.shape_cast %scan3A_944#23 : vector<16xf32> to vector<1x16xf32>
    tpu.vector_store %arg8[%swap3A_1085, %swap3A_1086], %swap3A_1089 {strides = array<i32>} : memref<10x512xf32, #tpu.memory_space<vmem>>, vector<1x16xf32>,
    %swap3A_1090 = arith.constant 6 : i32
    %swap3A_1091 = arith.index_cast %swap3A_1090 : i32 to index
    %swap3A_1092 = arith.constant 192 : index
    %swap3A_1093 = tpu.vector_load %arg8[%swap3A_1091, %swap3A_1092] {strides = array<i32>} : memref<10x512xf32, #tpu.memory_space<vmem>>, vector<1x16xf32>,
    %swap3A_1094 = vector.shape_cast %swap3A_1093 : vector<1x16xf32> to vector<16xf32>
    %swap3A_1095 = vector.shape_cast %scan3A_944#24 : vector<16xf32> to vector<1x16xf32>
    tpu.vector_store %arg8[%swap3A_1091, %swap3A_1092], %swap3A_1095 {strides = array<i32>} : memref<10x512xf32, #tpu.memory_space<vmem>>, vector<1x16xf32>,
    %swap3A_1096 = arith.constant 6 : i32
    %swap3A_1097 = arith.index_cast %swap3A_1096 : i32 to index
    %swap3A_1098 = arith.constant 208 : index
    %swap3A_1099 = tpu.vector_load %arg8[%swap3A_1097, %swap3A_1098] {strides = array<i32>} : memref<10x512xf32, #tpu.memory_space<vmem>>, vector<1x16xf32>,
    %swap3A_1100 = vector.shape_cast %swap3A_1099 : vector<1x16xf32> to vector<16xf32>
    %swap3A_1101 = vector.shape_cast %scan3A_944#25 : vector<16xf32> to vector<1x16xf32>
    tpu.vector_store %arg8[%swap3A_1097, %swap3A_1098], %swap3A_1101 {strides = array<i32>} : memref<10x512xf32, #tpu.memory_space<vmem>>, vector<1x16xf32>,
    %swap3A_1102 = arith.constant 6 : i32
    %swap3A_1103 = arith.index_cast %swap3A_1102 : i32 to index
    %swap3A_1104 = arith.constant 224 : index
    %swap3A_1105 = tpu.vector_load %arg8[%swap3A_1103, %swap3A_1104] {strides = array<i32>} : memref<10x512xf32, #tpu.memory_space<vmem>>, vector<1x16xf32>,
    %swap3A_1106 = vector.shape_cast %swap3A_1105 : vector<1x16xf32> to vector<16xf32>
    %swap3A_1107 = vector.shape_cast %scan3A_944#26 : vector<16xf32> to vector<1x16xf32>
    tpu.vector_store %arg8[%swap3A_1103, %swap3A_1104], %swap3A_1107 {strides = array<i32>} : memref<10x512xf32, #tpu.memory_space<vmem>>, vector<1x16xf32>,
    %swap3A_1108 = arith.constant 6 : i32
    %swap3A_1109 = arith.index_cast %swap3A_1108 : i32 to index
    %swap3A_1110 = arith.constant 240 : index
    %swap3A_1111 = tpu.vector_load %arg8[%swap3A_1109, %swap3A_1110] {strides = array<i32>} : memref<10x512xf32, #tpu.memory_space<vmem>>, vector<1x16xf32>,
    %swap3A_1112 = vector.shape_cast %swap3A_1111 : vector<1x16xf32> to vector<16xf32>
    %swap3A_1113 = vector.shape_cast %scan3A_944#27 : vector<16xf32> to vector<1x16xf32>
    tpu.vector_store %arg8[%swap3A_1109, %swap3A_1110], %swap3A_1113 {strides = array<i32>} : memref<10x512xf32, #tpu.memory_space<vmem>>, vector<1x16xf32>,
    %swap3A_1114 = arith.constant 7 : i32
    %swap3A_1115 = arith.index_cast %swap3A_1114 : i32 to index
    %swap3A_1116 = arith.constant 192 : index
    %swap3A_1117 = tpu.vector_load %arg8[%swap3A_1115, %swap3A_1116] {strides = array<i32>} : memref<10x512xf32, #tpu.memory_space<vmem>>, vector<1x16xf32>,
    %swap3A_1118 = vector.shape_cast %swap3A_1117 : vector<1x16xf32> to vector<16xf32>
    %swap3A_1119 = vector.shape_cast %scan3A_944#28 : vector<16xf32> to vector<1x16xf32>
    tpu.vector_store %arg8[%swap3A_1115, %swap3A_1116], %swap3A_1119 {strides = array<i32>} : memref<10x512xf32, #tpu.memory_space<vmem>>, vector<1x16xf32>,
    %swap3A_1120 = arith.constant 7 : i32
    %swap3A_1121 = arith.index_cast %swap3A_1120 : i32 to index
    %swap3A_1122 = arith.constant 208 : index
    %swap3A_1123 = tpu.vector_load %arg8[%swap3A_1121, %swap3A_1122] {strides = array<i32>} : memref<10x512xf32, #tpu.memory_space<vmem>>, vector<1x16xf32>,
    %swap3A_1124 = vector.shape_cast %swap3A_1123 : vector<1x16xf32> to vector<16xf32>
    %swap3A_1125 = vector.shape_cast %scan3A_944#29 : vector<16xf32> to vector<1x16xf32>
    tpu.vector_store %arg8[%swap3A_1121, %swap3A_1122], %swap3A_1125 {strides = array<i32>} : memref<10x512xf32, #tpu.memory_space<vmem>>, vector<1x16xf32>,
    %swap3A_1126 = arith.constant 7 : i32
    %swap3A_1127 = arith.index_cast %swap3A_1126 : i32 to index
    %swap3A_1128 = arith.constant 224 : index
    %swap3A_1129 = tpu.vector_load %arg8[%swap3A_1127, %swap3A_1128] {strides = array<i32>} : memref<10x512xf32, #tpu.memory_space<vmem>>, vector<1x16xf32>,
    %swap3A_1130 = vector.shape_cast %swap3A_1129 : vector<1x16xf32> to vector<16xf32>
    %swap3A_1131 = vector.shape_cast %scan3A_944#30 : vector<16xf32> to vector<1x16xf32>
    tpu.vector_store %arg8[%swap3A_1127, %swap3A_1128], %swap3A_1131 {strides = array<i32>} : memref<10x512xf32, #tpu.memory_space<vmem>>, vector<1x16xf32>,
    %swap3A_1132 = arith.constant 7 : i32
    %swap3A_1133 = arith.index_cast %swap3A_1132 : i32 to index
    %swap3A_1134 = arith.constant 240 : index
    %swap3A_1135 = tpu.vector_load %arg8[%swap3A_1133, %swap3A_1134] {strides = array<i32>} : memref<10x512xf32, #tpu.memory_space<vmem>>, vector<1x16xf32>,
    %swap3A_1136 = vector.shape_cast %swap3A_1135 : vector<1x16xf32> to vector<16xf32>
    %swap3A_1137 = vector.shape_cast %scan3A_944#31 : vector<16xf32> to vector<1x16xf32>
    tpu.vector_store %arg8[%swap3A_1133, %swap3A_1134], %swap3A_1137 {strides = array<i32>} : memref<10x512xf32, #tpu.memory_space<vmem>>, vector<1x16xf32>,
    %swap3A_1138 = arith.constant 8 : i32
    %swap3A_1139 = arith.index_cast %swap3A_1138 : i32 to index
    %swap3A_1140 = arith.constant 192 : index
    %swap3A_1141 = tpu.vector_load %arg8[%swap3A_1139, %swap3A_1140] {strides = array<i32>} : memref<10x512xf32, #tpu.memory_space<vmem>>, vector<1x16xf32>,
    %swap3A_1142 = vector.shape_cast %swap3A_1141 : vector<1x16xf32> to vector<16xf32>
    %swap3A_1143 = vector.shape_cast %scan3A_944#32 : vector<16xf32> to vector<1x16xf32>
    tpu.vector_store %arg8[%swap3A_1139, %swap3A_1140], %swap3A_1143 {strides = array<i32>} : memref<10x512xf32, #tpu.memory_space<vmem>>, vector<1x16xf32>,
    %swap3A_1144 = arith.constant 8 : i32
    %swap3A_1145 = arith.index_cast %swap3A_1144 : i32 to index
    %swap3A_1146 = arith.constant 208 : index
    %swap3A_1147 = tpu.vector_load %arg8[%swap3A_1145, %swap3A_1146] {strides = array<i32>} : memref<10x512xf32, #tpu.memory_space<vmem>>, vector<1x16xf32>,
    %swap3A_1148 = vector.shape_cast %swap3A_1147 : vector<1x16xf32> to vector<16xf32>
    %swap3A_1149 = vector.shape_cast %scan3A_944#33 : vector<16xf32> to vector<1x16xf32>
    tpu.vector_store %arg8[%swap3A_1145, %swap3A_1146], %swap3A_1149 {strides = array<i32>} : memref<10x512xf32, #tpu.memory_space<vmem>>, vector<1x16xf32>,
    %swap3A_1150 = arith.constant 8 : i32
    %swap3A_1151 = arith.index_cast %swap3A_1150 : i32 to index
    %swap3A_1152 = arith.constant 224 : index
    %swap3A_1153 = tpu.vector_load %arg8[%swap3A_1151, %swap3A_1152] {strides = array<i32>} : memref<10x512xf32, #tpu.memory_space<vmem>>, vector<1x16xf32>,
    %swap3A_1154 = vector.shape_cast %swap3A_1153 : vector<1x16xf32> to vector<16xf32>
    %swap3A_1155 = vector.shape_cast %scan3A_944#34 : vector<16xf32> to vector<1x16xf32>
    tpu.vector_store %arg8[%swap3A_1151, %swap3A_1152], %swap3A_1155 {strides = array<i32>} : memref<10x512xf32, #tpu.memory_space<vmem>>, vector<1x16xf32>,
    %swap3A_1156 = arith.constant 8 : i32
    %swap3A_1157 = arith.index_cast %swap3A_1156 : i32 to index
    %swap3A_1158 = arith.constant 240 : index
    %swap3A_1159 = tpu.vector_load %arg8[%swap3A_1157, %swap3A_1158] {strides = array<i32>} : memref<10x512xf32, #tpu.memory_space<vmem>>, vector<1x16xf32>,
    %swap3A_1160 = vector.shape_cast %swap3A_1159 : vector<1x16xf32> to vector<16xf32>
    %swap3A_1161 = vector.shape_cast %scan3A_944#35 : vector<16xf32> to vector<1x16xf32>
    tpu.vector_store %arg8[%swap3A_1157, %swap3A_1158], %swap3A_1161 {strides = array<i32>} : memref<10x512xf32, #tpu.memory_space<vmem>>, vector<1x16xf32>,
    %swap3A_1162 = arith.constant 9 : i32
    %swap3A_1163 = arith.index_cast %swap3A_1162 : i32 to index
    %swap3A_1164 = arith.constant 192 : index
    %swap3A_1165 = tpu.vector_load %arg8[%swap3A_1163, %swap3A_1164] {strides = array<i32>} : memref<10x512xf32, #tpu.memory_space<vmem>>, vector<1x16xf32>,
    %swap3A_1166 = vector.shape_cast %swap3A_1165 : vector<1x16xf32> to vector<16xf32>
    %swap3A_1167 = vector.shape_cast %scan3A_944#36 : vector<16xf32> to vector<1x16xf32>
    tpu.vector_store %arg8[%swap3A_1163, %swap3A_1164], %swap3A_1167 {strides = array<i32>} : memref<10x512xf32, #tpu.memory_space<vmem>>, vector<1x16xf32>,
    %swap3A_1168 = arith.constant 9 : i32
    %swap3A_1169 = arith.index_cast %swap3A_1168 : i32 to index
    %swap3A_1170 = arith.constant 208 : index
    %swap3A_1171 = tpu.vector_load %arg8[%swap3A_1169, %swap3A_1170] {strides = array<i32>} : memref<10x512xf32, #tpu.memory_space<vmem>>, vector<1x16xf32>,
    %swap3A_1172 = vector.shape_cast %swap3A_1171 : vector<1x16xf32> to vector<16xf32>
    %swap3A_1173 = vector.shape_cast %scan3A_944#37 : vector<16xf32> to vector<1x16xf32>
    tpu.vector_store %arg8[%swap3A_1169, %swap3A_1170], %swap3A_1173 {strides = array<i32>} : memref<10x512xf32, #tpu.memory_space<vmem>>, vector<1x16xf32>,
    %swap3A_1174 = arith.constant 9 : i32
    %swap3A_1175 = arith.index_cast %swap3A_1174 : i32 to index
    %swap3A_1176 = arith.constant 224 : index
    %swap3A_1177 = tpu.vector_load %arg8[%swap3A_1175, %swap3A_1176] {strides = array<i32>} : memref<10x512xf32, #tpu.memory_space<vmem>>, vector<1x16xf32>,
    %swap3A_1178 = vector.shape_cast %swap3A_1177 : vector<1x16xf32> to vector<16xf32>
    %swap3A_1179 = vector.shape_cast %scan3A_944#38 : vector<16xf32> to vector<1x16xf32>
    tpu.vector_store %arg8[%swap3A_1175, %swap3A_1176], %swap3A_1179 {strides = array<i32>} : memref<10x512xf32, #tpu.memory_space<vmem>>, vector<1x16xf32>,
    %swap3A_1180 = arith.constant 9 : i32
    %swap3A_1181 = arith.index_cast %swap3A_1180 : i32 to index
    %swap3A_1182 = arith.constant 240 : index
    %swap3A_1183 = tpu.vector_load %arg8[%swap3A_1181, %swap3A_1182] {strides = array<i32>} : memref<10x512xf32, #tpu.memory_space<vmem>>, vector<1x16xf32>,
    %swap3A_1184 = vector.shape_cast %swap3A_1183 : vector<1x16xf32> to vector<16xf32>
    %swap3A_1185 = vector.shape_cast %scan3A_944#39 : vector<16xf32> to vector<1x16xf32>
    tpu.vector_store %arg8[%swap3A_1181, %swap3A_1182], %swap3A_1185 {strides = array<i32>} : memref<10x512xf32, #tpu.memory_space<vmem>>, vector<1x16xf32>,
    %add3A_1186 = arith.constant 256 : i32
    %add3A_1187 = arith.addi %mul3A_2, %add3A_1186 : i32
    "tpu.region"() ({
      %run_scoped3A = tpu.sem_alloc : memref<!tpu.dma_semaphore, #tpu.memory_space<semaphore_mem>>
      %dma_start3A = arith.constant 0 : i32
      %dma_start3A_2372 = tpu.memref_slice %arg2[%dma_start3A, %add3A_1187] : memref<213x16384xf32, #tpu.memory_space<hbm>> -> memref<213x256xf32, #tpu.memory_space<hbm>>
      %dma_start3A_2373 = arith.constant 0 : i32
      %dma_start3A_2374 = tpu.memref_slice %arg2[%dma_start3A_2373, %add3A_1187] : memref<213x16384xf32, #tpu.memory_space<hbm>> -> memref<213x256xf32, #tpu.memory_space<hbm>>
      tpu.enqueue_dma source(%dma_start3A_2374 : memref<213x256xf32, #tpu.memory_space<hbm>>) target(%arg6 : memref<213x256xf32, #tpu.memory_space<vmem>>) target_semaphore(%run_scoped3A : memref<!tpu.dma_semaphore, #tpu.memory_space<semaphore_mem>>)
      %dma_wait3A = arith.constant 0 : i32
      %dma_wait3A_2375 = tpu.memref_slice %arg2[%dma_wait3A, %add3A_1187] : memref<213x16384xf32, #tpu.memory_space<hbm>> -> memref<213x256xf32, #tpu.memory_space<hbm>>
      %dma_wait3A_2376 = arith.constant 0 : i32
      %dma_wait3A_2377 = tpu.memref_slice %arg2[%dma_wait3A_2376, %add3A_1187] : memref<213x16384xf32, #tpu.memory_space<hbm>> -> memref<213x256xf32, #tpu.memory_space<hbm>>
      tpu.wait_dma2 semaphore(%run_scoped3A : memref<!tpu.dma_semaphore, #tpu.memory_space<semaphore_mem>>) src(%dma_wait3A_2377 : memref<213x256xf32, #tpu.memory_space<hbm>>) dst(%arg6 : memref<213x256xf32, #tpu.memory_space<vmem>>)
      tpu.yield
    }) : () -> ()
    %get3A_1188 = arith.constant 0 : i32
    %get3A_1189 = arith.index_cast %get3A_1188 : i32 to index
    %get3A_1190 = arith.constant 0 : index
    %get3A_1191 = tpu.vector_load %arg9[%get3A_1189, %get3A_1190] {strides = array<i32>} : memref<10x16xf32, #tpu.memory_space<vmem>>, vector<1x16xf32>,
    %get3A_1192 = vector.shape_cast %get3A_1191 : vector<1x16xf32> to vector<16xf32>
    %get3A_1193 = arith.constant 1 : i32
    %get3A_1194 = arith.index_cast %get3A_1193 : i32 to index
    %get3A_1195 = arith.constant 0 : index
    %get3A_1196 = tpu.vector_load %arg9[%get3A_1194, %get3A_1195] {strides = array<i32>} : memref<10x16xf32, #tpu.memory_space<vmem>>, vector<1x16xf32>,
    %get3A_1197 = vector.shape_cast %get3A_1196 : vector<1x16xf32> to vector<16xf32>
    %get3A_1198 = arith.constant 2 : i32
    %get3A_1199 = arith.index_cast %get3A_1198 : i32 to index
    %get3A_1200 = arith.constant 0 : index
    %get3A_1201 = tpu.vector_load %arg9[%get3A_1199, %get3A_1200] {strides = array<i32>} : memref<10x16xf32, #tpu.memory_space<vmem>>, vector<1x16xf32>,
    %get3A_1202 = vector.shape_cast %get3A_1201 : vector<1x16xf32> to vector<16xf32>
    %get3A_1203 = arith.constant 3 : i32
    %get3A_1204 = arith.index_cast %get3A_1203 : i32 to index
    %get3A_1205 = arith.constant 0 : index
    %get3A_1206 = tpu.vector_load %arg9[%get3A_1204, %get3A_1205] {strides = array<i32>} : memref<10x16xf32, #tpu.memory_space<vmem>>, vector<1x16xf32>,
    %get3A_1207 = vector.shape_cast %get3A_1206 : vector<1x16xf32> to vector<16xf32>
    %get3A_1208 = arith.constant 4 : i32
    %get3A_1209 = arith.index_cast %get3A_1208 : i32 to index
    %get3A_1210 = arith.constant 0 : index
    %get3A_1211 = tpu.vector_load %arg9[%get3A_1209, %get3A_1210] {strides = array<i32>} : memref<10x16xf32, #tpu.memory_space<vmem>>, vector<1x16xf32>,
    %get3A_1212 = vector.shape_cast %get3A_1211 : vector<1x16xf32> to vector<16xf32>
    %get3A_1213 = arith.constant 5 : i32
    %get3A_1214 = arith.index_cast %get3A_1213 : i32 to index
    %get3A_1215 = arith.constant 0 : index
    %get3A_1216 = tpu.vector_load %arg9[%get3A_1214, %get3A_1215] {strides = array<i32>} : memref<10x16xf32, #tpu.memory_space<vmem>>, vector<1x16xf32>,
    %get3A_1217 = vector.shape_cast %get3A_1216 : vector<1x16xf32> to vector<16xf32>
    %get3A_1218 = arith.constant 6 : i32
    %get3A_1219 = arith.index_cast %get3A_1218 : i32 to index
    %get3A_1220 = arith.constant 0 : index
    %get3A_1221 = tpu.vector_load %arg9[%get3A_1219, %get3A_1220] {strides = array<i32>} : memref<10x16xf32, #tpu.memory_space<vmem>>, vector<1x16xf32>,
    %get3A_1222 = vector.shape_cast %get3A_1221 : vector<1x16xf32> to vector<16xf32>
    %get3A_1223 = arith.constant 7 : i32
    %get3A_1224 = arith.index_cast %get3A_1223 : i32 to index
    %get3A_1225 = arith.constant 0 : index
    %get3A_1226 = tpu.vector_load %arg9[%get3A_1224, %get3A_1225] {strides = array<i32>} : memref<10x16xf32, #tpu.memory_space<vmem>>, vector<1x16xf32>,
    %get3A_1227 = vector.shape_cast %get3A_1226 : vector<1x16xf32> to vector<16xf32>
    %get3A_1228 = arith.constant 8 : i32
    %get3A_1229 = arith.index_cast %get3A_1228 : i32 to index
    %get3A_1230 = arith.constant 0 : index
    %get3A_1231 = tpu.vector_load %arg9[%get3A_1229, %get3A_1230] {strides = array<i32>} : memref<10x16xf32, #tpu.memory_space<vmem>>, vector<1x16xf32>,
    %get3A_1232 = vector.shape_cast %get3A_1231 : vector<1x16xf32> to vector<16xf32>
    %get3A_1233 = arith.constant 9 : i32
    %get3A_1234 = arith.index_cast %get3A_1233 : i32 to index
    %get3A_1235 = arith.constant 0 : index
    %get3A_1236 = tpu.vector_load %arg9[%get3A_1234, %get3A_1235] {strides = array<i32>} : memref<10x16xf32, #tpu.memory_space<vmem>>, vector<1x16xf32>,
    %get3A_1237 = vector.shape_cast %get3A_1236 : vector<1x16xf32> to vector<16xf32>
    %scan3A_1238 = arith.constant 0 : i32
    %scan3A_1239 = arith.constant 213 : i32
    %scan3A_1240 = arith.addi %scan3A_1238, %scan3A_1239 : i32
    %scan3A_1241 = arith.constant 1 : i32
    %scan3A_1242:40 = scf.for %scan3A_2372 = %scan3A_1238 to %scan3A_1240 step %scan3A_1241 iter_args(%scan3A_2373 = %get3A_1192, %scan3A_2374 = %get3A_1192, %scan3A_2375 = %get3A_1192, %scan3A_2376 = %get3A_1192, %scan3A_2377 = %get3A_1197, %scan3A_2378 = %get3A_1197, %scan3A_2379 = %get3A_1197, %scan3A_2380 = %get3A_1197, %scan3A_2381 = %get3A_1202, %scan3A_2382 = %get3A_1202, %scan3A_2383 = %get3A_1202, %scan3A_2384 = %get3A_1202, %scan3A_2385 = %get3A_1207, %scan3A_2386 = %get3A_1207, %scan3A_2387 = %get3A_1207, %scan3A_2388 = %get3A_1207, %scan3A_2389 = %get3A_1212, %scan3A_2390 = %get3A_1212, %scan3A_2391 = %get3A_1212, %scan3A_2392 = %get3A_1212, %scan3A_2393 = %get3A_1217, %scan3A_2394 = %get3A_1217, %scan3A_2395 = %get3A_1217, %scan3A_2396 = %get3A_1217, %scan3A_2397 = %get3A_1222, %scan3A_2398 = %get3A_1222, %scan3A_2399 = %get3A_1222, %scan3A_2400 = %get3A_1222, %scan3A_2401 = %get3A_1227, %scan3A_2402 = %get3A_1227, %scan3A_2403 = %get3A_1227, %scan3A_2404 = %get3A_1227, %scan3A_2405 = %get3A_1232, %scan3A_2406 = %get3A_1232, %scan3A_2407 = %get3A_1232, %scan3A_2408 = %get3A_1232, %scan3A_2409 = %get3A_1237, %scan3A_2410 = %get3A_1237, %scan3A_2411 = %get3A_1237, %scan3A_2412 = %get3A_1237) -> (vector<16xf32>, vector<16xf32>, vector<16xf32>, vector<16xf32>, vector<16xf32>, vector<16xf32>, vector<16xf32>, vector<16xf32>, vector<16xf32>, vector<16xf32>, vector<16xf32>, vector<16xf32>, vector<16xf32>, vector<16xf32>, vector<16xf32>, vector<16xf32>, vector<16xf32>, vector<16xf32>, vector<16xf32>, vector<16xf32>, vector<16xf32>, vector<16xf32>, vector<16xf32>, vector<16xf32>, vector<16xf32>, vector<16xf32>, vector<16xf32>, vector<16xf32>, vector<16xf32>, vector<16xf32>, vector<16xf32>, vector<16xf32>, vector<16xf32>, vector<16xf32>, vector<16xf32>, vector<16xf32>, vector<16xf32>, vector<16xf32>, vector<16xf32>, vector<16xf32>)  : i32 {
      %get3A_2413 = arith.index_cast %scan3A_2372 : i32 to index
      %get3A_2414 = arith.constant 0 : index
      %get3A_2415 = tpu.vector_load %arg6[%get3A_2413, %get3A_2414] {strides = array<i32>} : memref<213x256xf32, #tpu.memory_space<vmem>>, vector<1x16xf32>,
      %get3A_2416 = vector.shape_cast %get3A_2415 : vector<1x16xf32> to vector<16xf32>
      %get3A_2417 = arith.index_cast %scan3A_2372 : i32 to index
      %get3A_2418 = arith.constant 16 : index
      %get3A_2419 = tpu.vector_load %arg6[%get3A_2417, %get3A_2418] {strides = array<i32>} : memref<213x256xf32, #tpu.memory_space<vmem>>, vector<1x16xf32>,
      %get3A_2420 = vector.shape_cast %get3A_2419 : vector<1x16xf32> to vector<16xf32>
      %get3A_2421 = arith.index_cast %scan3A_2372 : i32 to index
      %get3A_2422 = arith.constant 32 : index
      %get3A_2423 = tpu.vector_load %arg6[%get3A_2421, %get3A_2422] {strides = array<i32>} : memref<213x256xf32, #tpu.memory_space<vmem>>, vector<1x16xf32>,
      %get3A_2424 = vector.shape_cast %get3A_2423 : vector<1x16xf32> to vector<16xf32>
      %get3A_2425 = arith.index_cast %scan3A_2372 : i32 to index
      %get3A_2426 = arith.constant 48 : index
      %get3A_2427 = tpu.vector_load %arg6[%get3A_2425, %get3A_2426] {strides = array<i32>} : memref<213x256xf32, #tpu.memory_space<vmem>>, vector<1x16xf32>,
      %get3A_2428 = vector.shape_cast %get3A_2427 : vector<1x16xf32> to vector<16xf32>
      %mul3A_2429 = arith.constant 16 : i32
      %mul3A_2430 = arith.muli %scan3A_2372, %mul3A_2429 : i32
      %get3A_2431 = arith.constant 0 : i32
      %get3A_2432 = arith.index_cast %get3A_2431 : i32 to index
      %get3A_2433 = arith.index_cast %mul3A_2430 : i32 to index
      %get3A_2434 = tpu.vector_load %arg7[%get3A_2432, %get3A_2433] {strides = array<i32>} : memref<10x3408xf32, #tpu.memory_space<vmem>>, vector<1x16xf32>,
      %get3A_2435 = vector.shape_cast %get3A_2434 : vector<1x16xf32> to vector<16xf32>
      %mul3A_2436 = arith.mulf %get3A_2416, %get3A_2435 : vector<16xf32>
      %add3A_2437 = arith.addf %scan3A_2373, %mul3A_2436 : vector<16xf32>
      %mul3A_2438 = arith.mulf %get3A_2420, %get3A_2435 : vector<16xf32>
      %add3A_2439 = arith.addf %scan3A_2374, %mul3A_2438 : vector<16xf32>
      %mul3A_2440 = arith.mulf %get3A_2424, %get3A_2435 : vector<16xf32>
      %add3A_2441 = arith.addf %scan3A_2375, %mul3A_2440 : vector<16xf32>
      %mul3A_2442 = arith.mulf %get3A_2428, %get3A_2435 : vector<16xf32>
      %add3A_2443 = arith.addf %scan3A_2376, %mul3A_2442 : vector<16xf32>
      %mul3A_2444 = arith.constant 16 : i32
      %mul3A_2445 = arith.muli %scan3A_2372, %mul3A_2444 : i32
      %get3A_2446 = arith.constant 1 : i32
      %get3A_2447 = arith.index_cast %get3A_2446 : i32 to index
      %get3A_2448 = arith.index_cast %mul3A_2445 : i32 to index
      %get3A_2449 = tpu.vector_load %arg7[%get3A_2447, %get3A_2448] {strides = array<i32>} : memref<10x3408xf32, #tpu.memory_space<vmem>>, vector<1x16xf32>,
      %get3A_2450 = vector.shape_cast %get3A_2449 : vector<1x16xf32> to vector<16xf32>
      %mul3A_2451 = arith.mulf %get3A_2416, %get3A_2450 : vector<16xf32>
      %add3A_2452 = arith.addf %scan3A_2377, %mul3A_2451 : vector<16xf32>
      %mul3A_2453 = arith.mulf %get3A_2420, %get3A_2450 : vector<16xf32>
      %add3A_2454 = arith.addf %scan3A_2378, %mul3A_2453 : vector<16xf32>
      %mul3A_2455 = arith.mulf %get3A_2424, %get3A_2450 : vector<16xf32>
      %add3A_2456 = arith.addf %scan3A_2379, %mul3A_2455 : vector<16xf32>
      %mul3A_2457 = arith.mulf %get3A_2428, %get3A_2450 : vector<16xf32>
      %add3A_2458 = arith.addf %scan3A_2380, %mul3A_2457 : vector<16xf32>
      %mul3A_2459 = arith.constant 16 : i32
      %mul3A_2460 = arith.muli %scan3A_2372, %mul3A_2459 : i32
      %get3A_2461 = arith.constant 2 : i32
      %get3A_2462 = arith.index_cast %get3A_2461 : i32 to index
      %get3A_2463 = arith.index_cast %mul3A_2460 : i32 to index
      %get3A_2464 = tpu.vector_load %arg7[%get3A_2462, %get3A_2463] {strides = array<i32>} : memref<10x3408xf32, #tpu.memory_space<vmem>>, vector<1x16xf32>,
      %get3A_2465 = vector.shape_cast %get3A_2464 : vector<1x16xf32> to vector<16xf32>
      %mul3A_2466 = arith.mulf %get3A_2416, %get3A_2465 : vector<16xf32>
      %add3A_2467 = arith.addf %scan3A_2381, %mul3A_2466 : vector<16xf32>
      %mul3A_2468 = arith.mulf %get3A_2420, %get3A_2465 : vector<16xf32>
      %add3A_2469 = arith.addf %scan3A_2382, %mul3A_2468 : vector<16xf32>
      %mul3A_2470 = arith.mulf %get3A_2424, %get3A_2465 : vector<16xf32>
      %add3A_2471 = arith.addf %scan3A_2383, %mul3A_2470 : vector<16xf32>
      %mul3A_2472 = arith.mulf %get3A_2428, %get3A_2465 : vector<16xf32>
      %add3A_2473 = arith.addf %scan3A_2384, %mul3A_2472 : vector<16xf32>
      %mul3A_2474 = arith.constant 16 : i32
      %mul3A_2475 = arith.muli %scan3A_2372, %mul3A_2474 : i32
      %get3A_2476 = arith.constant 3 : i32
      %get3A_2477 = arith.index_cast %get3A_2476 : i32 to index
      %get3A_2478 = arith.index_cast %mul3A_2475 : i32 to index
      %get3A_2479 = tpu.vector_load %arg7[%get3A_2477, %get3A_2478] {strides = array<i32>} : memref<10x3408xf32, #tpu.memory_space<vmem>>, vector<1x16xf32>,
      %get3A_2480 = vector.shape_cast %get3A_2479 : vector<1x16xf32> to vector<16xf32>
      %mul3A_2481 = arith.mulf %get3A_2416, %get3A_2480 : vector<16xf32>
      %add3A_2482 = arith.addf %scan3A_2385, %mul3A_2481 : vector<16xf32>
      %mul3A_2483 = arith.mulf %get3A_2420, %get3A_2480 : vector<16xf32>
      %add3A_2484 = arith.addf %scan3A_2386, %mul3A_2483 : vector<16xf32>
      %mul3A_2485 = arith.mulf %get3A_2424, %get3A_2480 : vector<16xf32>
      %add3A_2486 = arith.addf %scan3A_2387, %mul3A_2485 : vector<16xf32>
      %mul3A_2487 = arith.mulf %get3A_2428, %get3A_2480 : vector<16xf32>
      %add3A_2488 = arith.addf %scan3A_2388, %mul3A_2487 : vector<16xf32>
      %mul3A_2489 = arith.constant 16 : i32
      %mul3A_2490 = arith.muli %scan3A_2372, %mul3A_2489 : i32
      %get3A_2491 = arith.constant 4 : i32
      %get3A_2492 = arith.index_cast %get3A_2491 : i32 to index
      %get3A_2493 = arith.index_cast %mul3A_2490 : i32 to index
      %get3A_2494 = tpu.vector_load %arg7[%get3A_2492, %get3A_2493] {strides = array<i32>} : memref<10x3408xf32, #tpu.memory_space<vmem>>, vector<1x16xf32>,
      %get3A_2495 = vector.shape_cast %get3A_2494 : vector<1x16xf32> to vector<16xf32>
      %mul3A_2496 = arith.mulf %get3A_2416, %get3A_2495 : vector<16xf32>
      %add3A_2497 = arith.addf %scan3A_2389, %mul3A_2496 : vector<16xf32>
      %mul3A_2498 = arith.mulf %get3A_2420, %get3A_2495 : vector<16xf32>
      %add3A_2499 = arith.addf %scan3A_2390, %mul3A_2498 : vector<16xf32>
      %mul3A_2500 = arith.mulf %get3A_2424, %get3A_2495 : vector<16xf32>
      %add3A_2501 = arith.addf %scan3A_2391, %mul3A_2500 : vector<16xf32>
      %mul3A_2502 = arith.mulf %get3A_2428, %get3A_2495 : vector<16xf32>
      %add3A_2503 = arith.addf %scan3A_2392, %mul3A_2502 : vector<16xf32>
      %mul3A_2504 = arith.constant 16 : i32
      %mul3A_2505 = arith.muli %scan3A_2372, %mul3A_2504 : i32
      %get3A_2506 = arith.constant 5 : i32
      %get3A_2507 = arith.index_cast %get3A_2506 : i32 to index
      %get3A_2508 = arith.index_cast %mul3A_2505 : i32 to index
      %get3A_2509 = tpu.vector_load %arg7[%get3A_2507, %get3A_2508] {strides = array<i32>} : memref<10x3408xf32, #tpu.memory_space<vmem>>, vector<1x16xf32>,
      %get3A_2510 = vector.shape_cast %get3A_2509 : vector<1x16xf32> to vector<16xf32>
      %mul3A_2511 = arith.mulf %get3A_2416, %get3A_2510 : vector<16xf32>
      %add3A_2512 = arith.addf %scan3A_2393, %mul3A_2511 : vector<16xf32>
      %mul3A_2513 = arith.mulf %get3A_2420, %get3A_2510 : vector<16xf32>
      %add3A_2514 = arith.addf %scan3A_2394, %mul3A_2513 : vector<16xf32>
      %mul3A_2515 = arith.mulf %get3A_2424, %get3A_2510 : vector<16xf32>
      %add3A_2516 = arith.addf %scan3A_2395, %mul3A_2515 : vector<16xf32>
      %mul3A_2517 = arith.mulf %get3A_2428, %get3A_2510 : vector<16xf32>
      %add3A_2518 = arith.addf %scan3A_2396, %mul3A_2517 : vector<16xf32>
      %mul3A_2519 = arith.constant 16 : i32
      %mul3A_2520 = arith.muli %scan3A_2372, %mul3A_2519 : i32
      %get3A_2521 = arith.constant 6 : i32
      %get3A_2522 = arith.index_cast %get3A_2521 : i32 to index
      %get3A_2523 = arith.index_cast %mul3A_2520 : i32 to index
      %get3A_2524 = tpu.vector_load %arg7[%get3A_2522, %get3A_2523] {strides = array<i32>} : memref<10x3408xf32, #tpu.memory_space<vmem>>, vector<1x16xf32>,
      %get3A_2525 = vector.shape_cast %get3A_2524 : vector<1x16xf32> to vector<16xf32>
      %mul3A_2526 = arith.mulf %get3A_2416, %get3A_2525 : vector<16xf32>
      %add3A_2527 = arith.addf %scan3A_2397, %mul3A_2526 : vector<16xf32>
      %mul3A_2528 = arith.mulf %get3A_2420, %get3A_2525 : vector<16xf32>
      %add3A_2529 = arith.addf %scan3A_2398, %mul3A_2528 : vector<16xf32>
      %mul3A_2530 = arith.mulf %get3A_2424, %get3A_2525 : vector<16xf32>
      %add3A_2531 = arith.addf %scan3A_2399, %mul3A_2530 : vector<16xf32>
      %mul3A_2532 = arith.mulf %get3A_2428, %get3A_2525 : vector<16xf32>
      %add3A_2533 = arith.addf %scan3A_2400, %mul3A_2532 : vector<16xf32>
      %mul3A_2534 = arith.constant 16 : i32
      %mul3A_2535 = arith.muli %scan3A_2372, %mul3A_2534 : i32
      %get3A_2536 = arith.constant 7 : i32
      %get3A_2537 = arith.index_cast %get3A_2536 : i32 to index
      %get3A_2538 = arith.index_cast %mul3A_2535 : i32 to index
      %get3A_2539 = tpu.vector_load %arg7[%get3A_2537, %get3A_2538] {strides = array<i32>} : memref<10x3408xf32, #tpu.memory_space<vmem>>, vector<1x16xf32>,
      %get3A_2540 = vector.shape_cast %get3A_2539 : vector<1x16xf32> to vector<16xf32>
      %mul3A_2541 = arith.mulf %get3A_2416, %get3A_2540 : vector<16xf32>
      %add3A_2542 = arith.addf %scan3A_2401, %mul3A_2541 : vector<16xf32>
      %mul3A_2543 = arith.mulf %get3A_2420, %get3A_2540 : vector<16xf32>
      %add3A_2544 = arith.addf %scan3A_2402, %mul3A_2543 : vector<16xf32>
      %mul3A_2545 = arith.mulf %get3A_2424, %get3A_2540 : vector<16xf32>
      %add3A_2546 = arith.addf %scan3A_2403, %mul3A_2545 : vector<16xf32>
      %mul3A_2547 = arith.mulf %get3A_2428, %get3A_2540 : vector<16xf32>
      %add3A_2548 = arith.addf %scan3A_2404, %mul3A_2547 : vector<16xf32>
      %mul3A_2549 = arith.constant 16 : i32
      %mul3A_2550 = arith.muli %scan3A_2372, %mul3A_2549 : i32
      %get3A_2551 = arith.constant 8 : i32
      %get3A_2552 = arith.index_cast %get3A_2551 : i32 to index
      %get3A_2553 = arith.index_cast %mul3A_2550 : i32 to index
      %get3A_2554 = tpu.vector_load %arg7[%get3A_2552, %get3A_2553] {strides = array<i32>} : memref<10x3408xf32, #tpu.memory_space<vmem>>, vector<1x16xf32>,
      %get3A_2555 = vector.shape_cast %get3A_2554 : vector<1x16xf32> to vector<16xf32>
      %mul3A_2556 = arith.mulf %get3A_2416, %get3A_2555 : vector<16xf32>
      %add3A_2557 = arith.addf %scan3A_2405, %mul3A_2556 : vector<16xf32>
      %mul3A_2558 = arith.mulf %get3A_2420, %get3A_2555 : vector<16xf32>
      %add3A_2559 = arith.addf %scan3A_2406, %mul3A_2558 : vector<16xf32>
      %mul3A_2560 = arith.mulf %get3A_2424, %get3A_2555 : vector<16xf32>
      %add3A_2561 = arith.addf %scan3A_2407, %mul3A_2560 : vector<16xf32>
      %mul3A_2562 = arith.mulf %get3A_2428, %get3A_2555 : vector<16xf32>
      %add3A_2563 = arith.addf %scan3A_2408, %mul3A_2562 : vector<16xf32>
      %mul3A_2564 = arith.constant 16 : i32
      %mul3A_2565 = arith.muli %scan3A_2372, %mul3A_2564 : i32
      %get3A_2566 = arith.constant 9 : i32
      %get3A_2567 = arith.index_cast %get3A_2566 : i32 to index
      %get3A_2568 = arith.index_cast %mul3A_2565 : i32 to index
      %get3A_2569 = tpu.vector_load %arg7[%get3A_2567, %get3A_2568] {strides = array<i32>} : memref<10x3408xf32, #tpu.memory_space<vmem>>, vector<1x16xf32>,
      %get3A_2570 = vector.shape_cast %get3A_2569 : vector<1x16xf32> to vector<16xf32>
      %mul3A_2571 = arith.mulf %get3A_2416, %get3A_2570 : vector<16xf32>
      %add3A_2572 = arith.addf %scan3A_2409, %mul3A_2571 : vector<16xf32>
      %mul3A_2573 = arith.mulf %get3A_2420, %get3A_2570 : vector<16xf32>
      %add3A_2574 = arith.addf %scan3A_2410, %mul3A_2573 : vector<16xf32>
      %mul3A_2575 = arith.mulf %get3A_2424, %get3A_2570 : vector<16xf32>
      %add3A_2576 = arith.addf %scan3A_2411, %mul3A_2575 : vector<16xf32>
      %mul3A_2577 = arith.mulf %get3A_2428, %get3A_2570 : vector<16xf32>
      %add3A_2578 = arith.addf %scan3A_2412, %mul3A_2577 : vector<16xf32>
      scf.yield %add3A_2437, %add3A_2439, %add3A_2441, %add3A_2443, %add3A_2452, %add3A_2454, %add3A_2456, %add3A_2458, %add3A_2467, %add3A_2469, %add3A_2471, %add3A_2473, %add3A_2482, %add3A_2484, %add3A_2486, %add3A_2488, %add3A_2497, %add3A_2499, %add3A_2501, %add3A_2503, %add3A_2512, %add3A_2514, %add3A_2516, %add3A_2518, %add3A_2527, %add3A_2529, %add3A_2531, %add3A_2533, %add3A_2542, %add3A_2544, %add3A_2546, %add3A_2548, %add3A_2557, %add3A_2559, %add3A_2561, %add3A_2563, %add3A_2572, %add3A_2574, %add3A_2576, %add3A_2578 : vector<16xf32>, vector<16xf32>, vector<16xf32>, vector<16xf32>, vector<16xf32>, vector<16xf32>, vector<16xf32>, vector<16xf32>, vector<16xf32>, vector<16xf32>, vector<16xf32>, vector<16xf32>, vector<16xf32>, vector<16xf32>, vector<16xf32>, vector<16xf32>, vector<16xf32>, vector<16xf32>, vector<16xf32>, vector<16xf32>, vector<16xf32>, vector<16xf32>, vector<16xf32>, vector<16xf32>, vector<16xf32>, vector<16xf32>, vector<16xf32>, vector<16xf32>, vector<16xf32>, vector<16xf32>, vector<16xf32>, vector<16xf32>, vector<16xf32>, vector<16xf32>, vector<16xf32>, vector<16xf32>, vector<16xf32>, vector<16xf32>, vector<16xf32>, vector<16xf32>
    }
    %scan3A_1243 = arith.constant 213 : i32
    %swap3A_1244 = arith.constant 0 : i32
    %swap3A_1245 = arith.index_cast %swap3A_1244 : i32 to index
    %swap3A_1246 = arith.constant 256 : index
    %swap3A_1247 = tpu.vector_load %arg8[%swap3A_1245, %swap3A_1246] {strides = array<i32>} : memref<10x512xf32, #tpu.memory_space<vmem>>, vector<1x16xf32>,
    %swap3A_1248 = vector.shape_cast %swap3A_1247 : vector<1x16xf32> to vector<16xf32>
    %swap3A_1249 = vector.shape_cast %scan3A_1242#0 : vector<16xf32> to vector<1x16xf32>
    tpu.vector_store %arg8[%swap3A_1245, %swap3A_1246], %swap3A_1249 {strides = array<i32>} : memref<10x512xf32, #tpu.memory_space<vmem>>, vector<1x16xf32>,
    %swap3A_1250 = arith.constant 0 : i32
    %swap3A_1251 = arith.index_cast %swap3A_1250 : i32 to index
    %swap3A_1252 = arith.constant 272 : index
    %swap3A_1253 = tpu.vector_load %arg8[%swap3A_1251, %swap3A_1252] {strides = array<i32>} : memref<10x512xf32, #tpu.memory_space<vmem>>, vector<1x16xf32>,
    %swap3A_1254 = vector.shape_cast %swap3A_1253 : vector<1x16xf32> to vector<16xf32>
    %swap3A_1255 = vector.shape_cast %scan3A_1242#1 : vector<16xf32> to vector<1x16xf32>
    tpu.vector_store %arg8[%swap3A_1251, %swap3A_1252], %swap3A_1255 {strides = array<i32>} : memref<10x512xf32, #tpu.memory_space<vmem>>, vector<1x16xf32>,
    %swap3A_1256 = arith.constant 0 : i32
    %swap3A_1257 = arith.index_cast %swap3A_1256 : i32 to index
    %swap3A_1258 = arith.constant 288 : index
    %swap3A_1259 = tpu.vector_load %arg8[%swap3A_1257, %swap3A_1258] {strides = array<i32>} : memref<10x512xf32, #tpu.memory_space<vmem>>, vector<1x16xf32>,
    %swap3A_1260 = vector.shape_cast %swap3A_1259 : vector<1x16xf32> to vector<16xf32>
    %swap3A_1261 = vector.shape_cast %scan3A_1242#2 : vector<16xf32> to vector<1x16xf32>
    tpu.vector_store %arg8[%swap3A_1257, %swap3A_1258], %swap3A_1261 {strides = array<i32>} : memref<10x512xf32, #tpu.memory_space<vmem>>, vector<1x16xf32>,
    %swap3A_1262 = arith.constant 0 : i32
    %swap3A_1263 = arith.index_cast %swap3A_1262 : i32 to index
    %swap3A_1264 = arith.constant 304 : index
    %swap3A_1265 = tpu.vector_load %arg8[%swap3A_1263, %swap3A_1264] {strides = array<i32>} : memref<10x512xf32, #tpu.memory_space<vmem>>, vector<1x16xf32>,
    %swap3A_1266 = vector.shape_cast %swap3A_1265 : vector<1x16xf32> to vector<16xf32>
    %swap3A_1267 = vector.shape_cast %scan3A_1242#3 : vector<16xf32> to vector<1x16xf32>
    tpu.vector_store %arg8[%swap3A_1263, %swap3A_1264], %swap3A_1267 {strides = array<i32>} : memref<10x512xf32, #tpu.memory_space<vmem>>, vector<1x16xf32>,
    %swap3A_1268 = arith.constant 1 : i32
    %swap3A_1269 = arith.index_cast %swap3A_1268 : i32 to index
    %swap3A_1270 = arith.constant 256 : index
    %swap3A_1271 = tpu.vector_load %arg8[%swap3A_1269, %swap3A_1270] {strides = array<i32>} : memref<10x512xf32, #tpu.memory_space<vmem>>, vector<1x16xf32>,
    %swap3A_1272 = vector.shape_cast %swap3A_1271 : vector<1x16xf32> to vector<16xf32>
    %swap3A_1273 = vector.shape_cast %scan3A_1242#4 : vector<16xf32> to vector<1x16xf32>
    tpu.vector_store %arg8[%swap3A_1269, %swap3A_1270], %swap3A_1273 {strides = array<i32>} : memref<10x512xf32, #tpu.memory_space<vmem>>, vector<1x16xf32>,
    %swap3A_1274 = arith.constant 1 : i32
    %swap3A_1275 = arith.index_cast %swap3A_1274 : i32 to index
    %swap3A_1276 = arith.constant 272 : index
    %swap3A_1277 = tpu.vector_load %arg8[%swap3A_1275, %swap3A_1276] {strides = array<i32>} : memref<10x512xf32, #tpu.memory_space<vmem>>, vector<1x16xf32>,
    %swap3A_1278 = vector.shape_cast %swap3A_1277 : vector<1x16xf32> to vector<16xf32>
    %swap3A_1279 = vector.shape_cast %scan3A_1242#5 : vector<16xf32> to vector<1x16xf32>
    tpu.vector_store %arg8[%swap3A_1275, %swap3A_1276], %swap3A_1279 {strides = array<i32>} : memref<10x512xf32, #tpu.memory_space<vmem>>, vector<1x16xf32>,
    %swap3A_1280 = arith.constant 1 : i32
    %swap3A_1281 = arith.index_cast %swap3A_1280 : i32 to index
    %swap3A_1282 = arith.constant 288 : index
    %swap3A_1283 = tpu.vector_load %arg8[%swap3A_1281, %swap3A_1282] {strides = array<i32>} : memref<10x512xf32, #tpu.memory_space<vmem>>, vector<1x16xf32>,
    %swap3A_1284 = vector.shape_cast %swap3A_1283 : vector<1x16xf32> to vector<16xf32>
    %swap3A_1285 = vector.shape_cast %scan3A_1242#6 : vector<16xf32> to vector<1x16xf32>
    tpu.vector_store %arg8[%swap3A_1281, %swap3A_1282], %swap3A_1285 {strides = array<i32>} : memref<10x512xf32, #tpu.memory_space<vmem>>, vector<1x16xf32>,
    %swap3A_1286 = arith.constant 1 : i32
    %swap3A_1287 = arith.index_cast %swap3A_1286 : i32 to index
    %swap3A_1288 = arith.constant 304 : index
    %swap3A_1289 = tpu.vector_load %arg8[%swap3A_1287, %swap3A_1288] {strides = array<i32>} : memref<10x512xf32, #tpu.memory_space<vmem>>, vector<1x16xf32>,
    %swap3A_1290 = vector.shape_cast %swap3A_1289 : vector<1x16xf32> to vector<16xf32>
    %swap3A_1291 = vector.shape_cast %scan3A_1242#7 : vector<16xf32> to vector<1x16xf32>
    tpu.vector_store %arg8[%swap3A_1287, %swap3A_1288], %swap3A_1291 {strides = array<i32>} : memref<10x512xf32, #tpu.memory_space<vmem>>, vector<1x16xf32>,
    %swap3A_1292 = arith.constant 2 : i32
    %swap3A_1293 = arith.index_cast %swap3A_1292 : i32 to index
    %swap3A_1294 = arith.constant 256 : index
    %swap3A_1295 = tpu.vector_load %arg8[%swap3A_1293, %swap3A_1294] {strides = array<i32>} : memref<10x512xf32, #tpu.memory_space<vmem>>, vector<1x16xf32>,
    %swap3A_1296 = vector.shape_cast %swap3A_1295 : vector<1x16xf32> to vector<16xf32>
    %swap3A_1297 = vector.shape_cast %scan3A_1242#8 : vector<16xf32> to vector<1x16xf32>
    tpu.vector_store %arg8[%swap3A_1293, %swap3A_1294], %swap3A_1297 {strides = array<i32>} : memref<10x512xf32, #tpu.memory_space<vmem>>, vector<1x16xf32>,
    %swap3A_1298 = arith.constant 2 : i32
    %swap3A_1299 = arith.index_cast %swap3A_1298 : i32 to index
    %swap3A_1300 = arith.constant 272 : index
    %swap3A_1301 = tpu.vector_load %arg8[%swap3A_1299, %swap3A_1300] {strides = array<i32>} : memref<10x512xf32, #tpu.memory_space<vmem>>, vector<1x16xf32>,
    %swap3A_1302 = vector.shape_cast %swap3A_1301 : vector<1x16xf32> to vector<16xf32>
    %swap3A_1303 = vector.shape_cast %scan3A_1242#9 : vector<16xf32> to vector<1x16xf32>
    tpu.vector_store %arg8[%swap3A_1299, %swap3A_1300], %swap3A_1303 {strides = array<i32>} : memref<10x512xf32, #tpu.memory_space<vmem>>, vector<1x16xf32>,
    %swap3A_1304 = arith.constant 2 : i32
    %swap3A_1305 = arith.index_cast %swap3A_1304 : i32 to index
    %swap3A_1306 = arith.constant 288 : index
    %swap3A_1307 = tpu.vector_load %arg8[%swap3A_1305, %swap3A_1306] {strides = array<i32>} : memref<10x512xf32, #tpu.memory_space<vmem>>, vector<1x16xf32>,
    %swap3A_1308 = vector.shape_cast %swap3A_1307 : vector<1x16xf32> to vector<16xf32>
    %swap3A_1309 = vector.shape_cast %scan3A_1242#10 : vector<16xf32> to vector<1x16xf32>
    tpu.vector_store %arg8[%swap3A_1305, %swap3A_1306], %swap3A_1309 {strides = array<i32>} : memref<10x512xf32, #tpu.memory_space<vmem>>, vector<1x16xf32>,
    %swap3A_1310 = arith.constant 2 : i32
    %swap3A_1311 = arith.index_cast %swap3A_1310 : i32 to index
    %swap3A_1312 = arith.constant 304 : index
    %swap3A_1313 = tpu.vector_load %arg8[%swap3A_1311, %swap3A_1312] {strides = array<i32>} : memref<10x512xf32, #tpu.memory_space<vmem>>, vector<1x16xf32>,
    %swap3A_1314 = vector.shape_cast %swap3A_1313 : vector<1x16xf32> to vector<16xf32>
    %swap3A_1315 = vector.shape_cast %scan3A_1242#11 : vector<16xf32> to vector<1x16xf32>
    tpu.vector_store %arg8[%swap3A_1311, %swap3A_1312], %swap3A_1315 {strides = array<i32>} : memref<10x512xf32, #tpu.memory_space<vmem>>, vector<1x16xf32>,
    %swap3A_1316 = arith.constant 3 : i32
    %swap3A_1317 = arith.index_cast %swap3A_1316 : i32 to index
    %swap3A_1318 = arith.constant 256 : index
    %swap3A_1319 = tpu.vector_load %arg8[%swap3A_1317, %swap3A_1318] {strides = array<i32>} : memref<10x512xf32, #tpu.memory_space<vmem>>, vector<1x16xf32>,
    %swap3A_1320 = vector.shape_cast %swap3A_1319 : vector<1x16xf32> to vector<16xf32>
    %swap3A_1321 = vector.shape_cast %scan3A_1242#12 : vector<16xf32> to vector<1x16xf32>
    tpu.vector_store %arg8[%swap3A_1317, %swap3A_1318], %swap3A_1321 {strides = array<i32>} : memref<10x512xf32, #tpu.memory_space<vmem>>, vector<1x16xf32>,
    %swap3A_1322 = arith.constant 3 : i32
    %swap3A_1323 = arith.index_cast %swap3A_1322 : i32 to index
    %swap3A_1324 = arith.constant 272 : index
    %swap3A_1325 = tpu.vector_load %arg8[%swap3A_1323, %swap3A_1324] {strides = array<i32>} : memref<10x512xf32, #tpu.memory_space<vmem>>, vector<1x16xf32>,
    %swap3A_1326 = vector.shape_cast %swap3A_1325 : vector<1x16xf32> to vector<16xf32>
    %swap3A_1327 = vector.shape_cast %scan3A_1242#13 : vector<16xf32> to vector<1x16xf32>
    tpu.vector_store %arg8[%swap3A_1323, %swap3A_1324], %swap3A_1327 {strides = array<i32>} : memref<10x512xf32, #tpu.memory_space<vmem>>, vector<1x16xf32>,
    %swap3A_1328 = arith.constant 3 : i32
    %swap3A_1329 = arith.index_cast %swap3A_1328 : i32 to index
    %swap3A_1330 = arith.constant 288 : index
    %swap3A_1331 = tpu.vector_load %arg8[%swap3A_1329, %swap3A_1330] {strides = array<i32>} : memref<10x512xf32, #tpu.memory_space<vmem>>, vector<1x16xf32>,
    %swap3A_1332 = vector.shape_cast %swap3A_1331 : vector<1x16xf32> to vector<16xf32>
    %swap3A_1333 = vector.shape_cast %scan3A_1242#14 : vector<16xf32> to vector<1x16xf32>
    tpu.vector_store %arg8[%swap3A_1329, %swap3A_1330], %swap3A_1333 {strides = array<i32>} : memref<10x512xf32, #tpu.memory_space<vmem>>, vector<1x16xf32>,
    %swap3A_1334 = arith.constant 3 : i32
    %swap3A_1335 = arith.index_cast %swap3A_1334 : i32 to index
    %swap3A_1336 = arith.constant 304 : index
    %swap3A_1337 = tpu.vector_load %arg8[%swap3A_1335, %swap3A_1336] {strides = array<i32>} : memref<10x512xf32, #tpu.memory_space<vmem>>, vector<1x16xf32>,
    %swap3A_1338 = vector.shape_cast %swap3A_1337 : vector<1x16xf32> to vector<16xf32>
    %swap3A_1339 = vector.shape_cast %scan3A_1242#15 : vector<16xf32> to vector<1x16xf32>
    tpu.vector_store %arg8[%swap3A_1335, %swap3A_1336], %swap3A_1339 {strides = array<i32>} : memref<10x512xf32, #tpu.memory_space<vmem>>, vector<1x16xf32>,
    %swap3A_1340 = arith.constant 4 : i32
    %swap3A_1341 = arith.index_cast %swap3A_1340 : i32 to index
    %swap3A_1342 = arith.constant 256 : index
    %swap3A_1343 = tpu.vector_load %arg8[%swap3A_1341, %swap3A_1342] {strides = array<i32>} : memref<10x512xf32, #tpu.memory_space<vmem>>, vector<1x16xf32>,
    %swap3A_1344 = vector.shape_cast %swap3A_1343 : vector<1x16xf32> to vector<16xf32>
    %swap3A_1345 = vector.shape_cast %scan3A_1242#16 : vector<16xf32> to vector<1x16xf32>
    tpu.vector_store %arg8[%swap3A_1341, %swap3A_1342], %swap3A_1345 {strides = array<i32>} : memref<10x512xf32, #tpu.memory_space<vmem>>, vector<1x16xf32>,
    %swap3A_1346 = arith.constant 4 : i32
    %swap3A_1347 = arith.index_cast %swap3A_1346 : i32 to index
    %swap3A_1348 = arith.constant 272 : index
    %swap3A_1349 = tpu.vector_load %arg8[%swap3A_1347, %swap3A_1348] {strides = array<i32>} : memref<10x512xf32, #tpu.memory_space<vmem>>, vector<1x16xf32>,
    %swap3A_1350 = vector.shape_cast %swap3A_1349 : vector<1x16xf32> to vector<16xf32>
    %swap3A_1351 = vector.shape_cast %scan3A_1242#17 : vector<16xf32> to vector<1x16xf32>
    tpu.vector_store %arg8[%swap3A_1347, %swap3A_1348], %swap3A_1351 {strides = array<i32>} : memref<10x512xf32, #tpu.memory_space<vmem>>, vector<1x16xf32>,
    %swap3A_1352 = arith.constant 4 : i32
    %swap3A_1353 = arith.index_cast %swap3A_1352 : i32 to index
    %swap3A_1354 = arith.constant 288 : index
    %swap3A_1355 = tpu.vector_load %arg8[%swap3A_1353, %swap3A_1354] {strides = array<i32>} : memref<10x512xf32, #tpu.memory_space<vmem>>, vector<1x16xf32>,
    %swap3A_1356 = vector.shape_cast %swap3A_1355 : vector<1x16xf32> to vector<16xf32>
    %swap3A_1357 = vector.shape_cast %scan3A_1242#18 : vector<16xf32> to vector<1x16xf32>
    tpu.vector_store %arg8[%swap3A_1353, %swap3A_1354], %swap3A_1357 {strides = array<i32>} : memref<10x512xf32, #tpu.memory_space<vmem>>, vector<1x16xf32>,
    %swap3A_1358 = arith.constant 4 : i32
    %swap3A_1359 = arith.index_cast %swap3A_1358 : i32 to index
    %swap3A_1360 = arith.constant 304 : index
    %swap3A_1361 = tpu.vector_load %arg8[%swap3A_1359, %swap3A_1360] {strides = array<i32>} : memref<10x512xf32, #tpu.memory_space<vmem>>, vector<1x16xf32>,
    %swap3A_1362 = vector.shape_cast %swap3A_1361 : vector<1x16xf32> to vector<16xf32>
    %swap3A_1363 = vector.shape_cast %scan3A_1242#19 : vector<16xf32> to vector<1x16xf32>
    tpu.vector_store %arg8[%swap3A_1359, %swap3A_1360], %swap3A_1363 {strides = array<i32>} : memref<10x512xf32, #tpu.memory_space<vmem>>, vector<1x16xf32>,
    %swap3A_1364 = arith.constant 5 : i32
    %swap3A_1365 = arith.index_cast %swap3A_1364 : i32 to index
    %swap3A_1366 = arith.constant 256 : index
    %swap3A_1367 = tpu.vector_load %arg8[%swap3A_1365, %swap3A_1366] {strides = array<i32>} : memref<10x512xf32, #tpu.memory_space<vmem>>, vector<1x16xf32>,
    %swap3A_1368 = vector.shape_cast %swap3A_1367 : vector<1x16xf32> to vector<16xf32>
    %swap3A_1369 = vector.shape_cast %scan3A_1242#20 : vector<16xf32> to vector<1x16xf32>
    tpu.vector_store %arg8[%swap3A_1365, %swap3A_1366], %swap3A_1369 {strides = array<i32>} : memref<10x512xf32, #tpu.memory_space<vmem>>, vector<1x16xf32>,
    %swap3A_1370 = arith.constant 5 : i32
    %swap3A_1371 = arith.index_cast %swap3A_1370 : i32 to index
    %swap3A_1372 = arith.constant 272 : index
    %swap3A_1373 = tpu.vector_load %arg8[%swap3A_1371, %swap3A_1372] {strides = array<i32>} : memref<10x512xf32, #tpu.memory_space<vmem>>, vector<1x16xf32>,
    %swap3A_1374 = vector.shape_cast %swap3A_1373 : vector<1x16xf32> to vector<16xf32>
    %swap3A_1375 = vector.shape_cast %scan3A_1242#21 : vector<16xf32> to vector<1x16xf32>
    tpu.vector_store %arg8[%swap3A_1371, %swap3A_1372], %swap3A_1375 {strides = array<i32>} : memref<10x512xf32, #tpu.memory_space<vmem>>, vector<1x16xf32>,
    %swap3A_1376 = arith.constant 5 : i32
    %swap3A_1377 = arith.index_cast %swap3A_1376 : i32 to index
    %swap3A_1378 = arith.constant 288 : index
    %swap3A_1379 = tpu.vector_load %arg8[%swap3A_1377, %swap3A_1378] {strides = array<i32>} : memref<10x512xf32, #tpu.memory_space<vmem>>, vector<1x16xf32>,
    %swap3A_1380 = vector.shape_cast %swap3A_1379 : vector<1x16xf32> to vector<16xf32>
    %swap3A_1381 = vector.shape_cast %scan3A_1242#22 : vector<16xf32> to vector<1x16xf32>
    tpu.vector_store %arg8[%swap3A_1377, %swap3A_1378], %swap3A_1381 {strides = array<i32>} : memref<10x512xf32, #tpu.memory_space<vmem>>, vector<1x16xf32>,
    %swap3A_1382 = arith.constant 5 : i32
    %swap3A_1383 = arith.index_cast %swap3A_1382 : i32 to index
    %swap3A_1384 = arith.constant 304 : index
    %swap3A_1385 = tpu.vector_load %arg8[%swap3A_1383, %swap3A_1384] {strides = array<i32>} : memref<10x512xf32, #tpu.memory_space<vmem>>, vector<1x16xf32>,
    %swap3A_1386 = vector.shape_cast %swap3A_1385 : vector<1x16xf32> to vector<16xf32>
    %swap3A_1387 = vector.shape_cast %scan3A_1242#23 : vector<16xf32> to vector<1x16xf32>
    tpu.vector_store %arg8[%swap3A_1383, %swap3A_1384], %swap3A_1387 {strides = array<i32>} : memref<10x512xf32, #tpu.memory_space<vmem>>, vector<1x16xf32>,
    %swap3A_1388 = arith.constant 6 : i32
    %swap3A_1389 = arith.index_cast %swap3A_1388 : i32 to index
    %swap3A_1390 = arith.constant 256 : index
    %swap3A_1391 = tpu.vector_load %arg8[%swap3A_1389, %swap3A_1390] {strides = array<i32>} : memref<10x512xf32, #tpu.memory_space<vmem>>, vector<1x16xf32>,
    %swap3A_1392 = vector.shape_cast %swap3A_1391 : vector<1x16xf32> to vector<16xf32>
    %swap3A_1393 = vector.shape_cast %scan3A_1242#24 : vector<16xf32> to vector<1x16xf32>
    tpu.vector_store %arg8[%swap3A_1389, %swap3A_1390], %swap3A_1393 {strides = array<i32>} : memref<10x512xf32, #tpu.memory_space<vmem>>, vector<1x16xf32>,
    %swap3A_1394 = arith.constant 6 : i32
    %swap3A_1395 = arith.index_cast %swap3A_1394 : i32 to index
    %swap3A_1396 = arith.constant 272 : index
    %swap3A_1397 = tpu.vector_load %arg8[%swap3A_1395, %swap3A_1396] {strides = array<i32>} : memref<10x512xf32, #tpu.memory_space<vmem>>, vector<1x16xf32>,
    %swap3A_1398 = vector.shape_cast %swap3A_1397 : vector<1x16xf32> to vector<16xf32>
    %swap3A_1399 = vector.shape_cast %scan3A_1242#25 : vector<16xf32> to vector<1x16xf32>
    tpu.vector_store %arg8[%swap3A_1395, %swap3A_1396], %swap3A_1399 {strides = array<i32>} : memref<10x512xf32, #tpu.memory_space<vmem>>, vector<1x16xf32>,
    %swap3A_1400 = arith.constant 6 : i32
    %swap3A_1401 = arith.index_cast %swap3A_1400 : i32 to index
    %swap3A_1402 = arith.constant 288 : index
    %swap3A_1403 = tpu.vector_load %arg8[%swap3A_1401, %swap3A_1402] {strides = array<i32>} : memref<10x512xf32, #tpu.memory_space<vmem>>, vector<1x16xf32>,
    %swap3A_1404 = vector.shape_cast %swap3A_1403 : vector<1x16xf32> to vector<16xf32>
    %swap3A_1405 = vector.shape_cast %scan3A_1242#26 : vector<16xf32> to vector<1x16xf32>
    tpu.vector_store %arg8[%swap3A_1401, %swap3A_1402], %swap3A_1405 {strides = array<i32>} : memref<10x512xf32, #tpu.memory_space<vmem>>, vector<1x16xf32>,
    %swap3A_1406 = arith.constant 6 : i32
    %swap3A_1407 = arith.index_cast %swap3A_1406 : i32 to index
    %swap3A_1408 = arith.constant 304 : index
    %swap3A_1409 = tpu.vector_load %arg8[%swap3A_1407, %swap3A_1408] {strides = array<i32>} : memref<10x512xf32, #tpu.memory_space<vmem>>, vector<1x16xf32>,
    %swap3A_1410 = vector.shape_cast %swap3A_1409 : vector<1x16xf32> to vector<16xf32>
    %swap3A_1411 = vector.shape_cast %scan3A_1242#27 : vector<16xf32> to vector<1x16xf32>
    tpu.vector_store %arg8[%swap3A_1407, %swap3A_1408], %swap3A_1411 {strides = array<i32>} : memref<10x512xf32, #tpu.memory_space<vmem>>, vector<1x16xf32>,
    %swap3A_1412 = arith.constant 7 : i32
    %swap3A_1413 = arith.index_cast %swap3A_1412 : i32 to index
    %swap3A_1414 = arith.constant 256 : index
    %swap3A_1415 = tpu.vector_load %arg8[%swap3A_1413, %swap3A_1414] {strides = array<i32>} : memref<10x512xf32, #tpu.memory_space<vmem>>, vector<1x16xf32>,
    %swap3A_1416 = vector.shape_cast %swap3A_1415 : vector<1x16xf32> to vector<16xf32>
    %swap3A_1417 = vector.shape_cast %scan3A_1242#28 : vector<16xf32> to vector<1x16xf32>
    tpu.vector_store %arg8[%swap3A_1413, %swap3A_1414], %swap3A_1417 {strides = array<i32>} : memref<10x512xf32, #tpu.memory_space<vmem>>, vector<1x16xf32>,
    %swap3A_1418 = arith.constant 7 : i32
    %swap3A_1419 = arith.index_cast %swap3A_1418 : i32 to index
    %swap3A_1420 = arith.constant 272 : index
    %swap3A_1421 = tpu.vector_load %arg8[%swap3A_1419, %swap3A_1420] {strides = array<i32>} : memref<10x512xf32, #tpu.memory_space<vmem>>, vector<1x16xf32>,
    %swap3A_1422 = vector.shape_cast %swap3A_1421 : vector<1x16xf32> to vector<16xf32>
    %swap3A_1423 = vector.shape_cast %scan3A_1242#29 : vector<16xf32> to vector<1x16xf32>
    tpu.vector_store %arg8[%swap3A_1419, %swap3A_1420], %swap3A_1423 {strides = array<i32>} : memref<10x512xf32, #tpu.memory_space<vmem>>, vector<1x16xf32>,
    %swap3A_1424 = arith.constant 7 : i32
    %swap3A_1425 = arith.index_cast %swap3A_1424 : i32 to index
    %swap3A_1426 = arith.constant 288 : index
    %swap3A_1427 = tpu.vector_load %arg8[%swap3A_1425, %swap3A_1426] {strides = array<i32>} : memref<10x512xf32, #tpu.memory_space<vmem>>, vector<1x16xf32>,
    %swap3A_1428 = vector.shape_cast %swap3A_1427 : vector<1x16xf32> to vector<16xf32>
    %swap3A_1429 = vector.shape_cast %scan3A_1242#30 : vector<16xf32> to vector<1x16xf32>
    tpu.vector_store %arg8[%swap3A_1425, %swap3A_1426], %swap3A_1429 {strides = array<i32>} : memref<10x512xf32, #tpu.memory_space<vmem>>, vector<1x16xf32>,
    %swap3A_1430 = arith.constant 7 : i32
    %swap3A_1431 = arith.index_cast %swap3A_1430 : i32 to index
    %swap3A_1432 = arith.constant 304 : index
    %swap3A_1433 = tpu.vector_load %arg8[%swap3A_1431, %swap3A_1432] {strides = array<i32>} : memref<10x512xf32, #tpu.memory_space<vmem>>, vector<1x16xf32>,
    %swap3A_1434 = vector.shape_cast %swap3A_1433 : vector<1x16xf32> to vector<16xf32>
    %swap3A_1435 = vector.shape_cast %scan3A_1242#31 : vector<16xf32> to vector<1x16xf32>
    tpu.vector_store %arg8[%swap3A_1431, %swap3A_1432], %swap3A_1435 {strides = array<i32>} : memref<10x512xf32, #tpu.memory_space<vmem>>, vector<1x16xf32>,
    %swap3A_1436 = arith.constant 8 : i32
    %swap3A_1437 = arith.index_cast %swap3A_1436 : i32 to index
    %swap3A_1438 = arith.constant 256 : index
    %swap3A_1439 = tpu.vector_load %arg8[%swap3A_1437, %swap3A_1438] {strides = array<i32>} : memref<10x512xf32, #tpu.memory_space<vmem>>, vector<1x16xf32>,
    %swap3A_1440 = vector.shape_cast %swap3A_1439 : vector<1x16xf32> to vector<16xf32>
    %swap3A_1441 = vector.shape_cast %scan3A_1242#32 : vector<16xf32> to vector<1x16xf32>
    tpu.vector_store %arg8[%swap3A_1437, %swap3A_1438], %swap3A_1441 {strides = array<i32>} : memref<10x512xf32, #tpu.memory_space<vmem>>, vector<1x16xf32>,
    %swap3A_1442 = arith.constant 8 : i32
    %swap3A_1443 = arith.index_cast %swap3A_1442 : i32 to index
    %swap3A_1444 = arith.constant 272 : index
    %swap3A_1445 = tpu.vector_load %arg8[%swap3A_1443, %swap3A_1444] {strides = array<i32>} : memref<10x512xf32, #tpu.memory_space<vmem>>, vector<1x16xf32>,
    %swap3A_1446 = vector.shape_cast %swap3A_1445 : vector<1x16xf32> to vector<16xf32>
    %swap3A_1447 = vector.shape_cast %scan3A_1242#33 : vector<16xf32> to vector<1x16xf32>
    tpu.vector_store %arg8[%swap3A_1443, %swap3A_1444], %swap3A_1447 {strides = array<i32>} : memref<10x512xf32, #tpu.memory_space<vmem>>, vector<1x16xf32>,
    %swap3A_1448 = arith.constant 8 : i32
    %swap3A_1449 = arith.index_cast %swap3A_1448 : i32 to index
    %swap3A_1450 = arith.constant 288 : index
    %swap3A_1451 = tpu.vector_load %arg8[%swap3A_1449, %swap3A_1450] {strides = array<i32>} : memref<10x512xf32, #tpu.memory_space<vmem>>, vector<1x16xf32>,
    %swap3A_1452 = vector.shape_cast %swap3A_1451 : vector<1x16xf32> to vector<16xf32>
    %swap3A_1453 = vector.shape_cast %scan3A_1242#34 : vector<16xf32> to vector<1x16xf32>
    tpu.vector_store %arg8[%swap3A_1449, %swap3A_1450], %swap3A_1453 {strides = array<i32>} : memref<10x512xf32, #tpu.memory_space<vmem>>, vector<1x16xf32>,
    %swap3A_1454 = arith.constant 8 : i32
    %swap3A_1455 = arith.index_cast %swap3A_1454 : i32 to index
    %swap3A_1456 = arith.constant 304 : index
    %swap3A_1457 = tpu.vector_load %arg8[%swap3A_1455, %swap3A_1456] {strides = array<i32>} : memref<10x512xf32, #tpu.memory_space<vmem>>, vector<1x16xf32>,
    %swap3A_1458 = vector.shape_cast %swap3A_1457 : vector<1x16xf32> to vector<16xf32>
    %swap3A_1459 = vector.shape_cast %scan3A_1242#35 : vector<16xf32> to vector<1x16xf32>
    tpu.vector_store %arg8[%swap3A_1455, %swap3A_1456], %swap3A_1459 {strides = array<i32>} : memref<10x512xf32, #tpu.memory_space<vmem>>, vector<1x16xf32>,
    %swap3A_1460 = arith.constant 9 : i32
    %swap3A_1461 = arith.index_cast %swap3A_1460 : i32 to index
    %swap3A_1462 = arith.constant 256 : index
    %swap3A_1463 = tpu.vector_load %arg8[%swap3A_1461, %swap3A_1462] {strides = array<i32>} : memref<10x512xf32, #tpu.memory_space<vmem>>, vector<1x16xf32>,
    %swap3A_1464 = vector.shape_cast %swap3A_1463 : vector<1x16xf32> to vector<16xf32>
    %swap3A_1465 = vector.shape_cast %scan3A_1242#36 : vector<16xf32> to vector<1x16xf32>
    tpu.vector_store %arg8[%swap3A_1461, %swap3A_1462], %swap3A_1465 {strides = array<i32>} : memref<10x512xf32, #tpu.memory_space<vmem>>, vector<1x16xf32>,
    %swap3A_1466 = arith.constant 9 : i32
    %swap3A_1467 = arith.index_cast %swap3A_1466 : i32 to index
    %swap3A_1468 = arith.constant 272 : index
    %swap3A_1469 = tpu.vector_load %arg8[%swap3A_1467, %swap3A_1468] {strides = array<i32>} : memref<10x512xf32, #tpu.memory_space<vmem>>, vector<1x16xf32>,
    %swap3A_1470 = vector.shape_cast %swap3A_1469 : vector<1x16xf32> to vector<16xf32>
    %swap3A_1471 = vector.shape_cast %scan3A_1242#37 : vector<16xf32> to vector<1x16xf32>
    tpu.vector_store %arg8[%swap3A_1467, %swap3A_1468], %swap3A_1471 {strides = array<i32>} : memref<10x512xf32, #tpu.memory_space<vmem>>, vector<1x16xf32>,
    %swap3A_1472 = arith.constant 9 : i32
    %swap3A_1473 = arith.index_cast %swap3A_1472 : i32 to index
    %swap3A_1474 = arith.constant 288 : index
    %swap3A_1475 = tpu.vector_load %arg8[%swap3A_1473, %swap3A_1474] {strides = array<i32>} : memref<10x512xf32, #tpu.memory_space<vmem>>, vector<1x16xf32>,
    %swap3A_1476 = vector.shape_cast %swap3A_1475 : vector<1x16xf32> to vector<16xf32>
    %swap3A_1477 = vector.shape_cast %scan3A_1242#38 : vector<16xf32> to vector<1x16xf32>
    tpu.vector_store %arg8[%swap3A_1473, %swap3A_1474], %swap3A_1477 {strides = array<i32>} : memref<10x512xf32, #tpu.memory_space<vmem>>, vector<1x16xf32>,
    %swap3A_1478 = arith.constant 9 : i32
    %swap3A_1479 = arith.index_cast %swap3A_1478 : i32 to index
    %swap3A_1480 = arith.constant 304 : index
    %swap3A_1481 = tpu.vector_load %arg8[%swap3A_1479, %swap3A_1480] {strides = array<i32>} : memref<10x512xf32, #tpu.memory_space<vmem>>, vector<1x16xf32>,
    %swap3A_1482 = vector.shape_cast %swap3A_1481 : vector<1x16xf32> to vector<16xf32>
    %swap3A_1483 = vector.shape_cast %scan3A_1242#39 : vector<16xf32> to vector<1x16xf32>
    tpu.vector_store %arg8[%swap3A_1479, %swap3A_1480], %swap3A_1483 {strides = array<i32>} : memref<10x512xf32, #tpu.memory_space<vmem>>, vector<1x16xf32>,
    %get3A_1484 = arith.constant 0 : i32
    %get3A_1485 = arith.index_cast %get3A_1484 : i32 to index
    %get3A_1486 = arith.constant 0 : index
    %get3A_1487 = tpu.vector_load %arg9[%get3A_1485, %get3A_1486] {strides = array<i32>} : memref<10x16xf32, #tpu.memory_space<vmem>>, vector<1x16xf32>,
    %get3A_1488 = vector.shape_cast %get3A_1487 : vector<1x16xf32> to vector<16xf32>
    %get3A_1489 = arith.constant 1 : i32
    %get3A_1490 = arith.index_cast %get3A_1489 : i32 to index
    %get3A_1491 = arith.constant 0 : index
    %get3A_1492 = tpu.vector_load %arg9[%get3A_1490, %get3A_1491] {strides = array<i32>} : memref<10x16xf32, #tpu.memory_space<vmem>>, vector<1x16xf32>,
    %get3A_1493 = vector.shape_cast %get3A_1492 : vector<1x16xf32> to vector<16xf32>
    %get3A_1494 = arith.constant 2 : i32
    %get3A_1495 = arith.index_cast %get3A_1494 : i32 to index
    %get3A_1496 = arith.constant 0 : index
    %get3A_1497 = tpu.vector_load %arg9[%get3A_1495, %get3A_1496] {strides = array<i32>} : memref<10x16xf32, #tpu.memory_space<vmem>>, vector<1x16xf32>,
    %get3A_1498 = vector.shape_cast %get3A_1497 : vector<1x16xf32> to vector<16xf32>
    %get3A_1499 = arith.constant 3 : i32
    %get3A_1500 = arith.index_cast %get3A_1499 : i32 to index
    %get3A_1501 = arith.constant 0 : index
    %get3A_1502 = tpu.vector_load %arg9[%get3A_1500, %get3A_1501] {strides = array<i32>} : memref<10x16xf32, #tpu.memory_space<vmem>>, vector<1x16xf32>,
    %get3A_1503 = vector.shape_cast %get3A_1502 : vector<1x16xf32> to vector<16xf32>
    %get3A_1504 = arith.constant 4 : i32
    %get3A_1505 = arith.index_cast %get3A_1504 : i32 to index
    %get3A_1506 = arith.constant 0 : index
    %get3A_1507 = tpu.vector_load %arg9[%get3A_1505, %get3A_1506] {strides = array<i32>} : memref<10x16xf32, #tpu.memory_space<vmem>>, vector<1x16xf32>,
    %get3A_1508 = vector.shape_cast %get3A_1507 : vector<1x16xf32> to vector<16xf32>
    %get3A_1509 = arith.constant 5 : i32
    %get3A_1510 = arith.index_cast %get3A_1509 : i32 to index
    %get3A_1511 = arith.constant 0 : index
    %get3A_1512 = tpu.vector_load %arg9[%get3A_1510, %get3A_1511] {strides = array<i32>} : memref<10x16xf32, #tpu.memory_space<vmem>>, vector<1x16xf32>,
    %get3A_1513 = vector.shape_cast %get3A_1512 : vector<1x16xf32> to vector<16xf32>
    %get3A_1514 = arith.constant 6 : i32
    %get3A_1515 = arith.index_cast %get3A_1514 : i32 to index
    %get3A_1516 = arith.constant 0 : index
    %get3A_1517 = tpu.vector_load %arg9[%get3A_1515, %get3A_1516] {strides = array<i32>} : memref<10x16xf32, #tpu.memory_space<vmem>>, vector<1x16xf32>,
    %get3A_1518 = vector.shape_cast %get3A_1517 : vector<1x16xf32> to vector<16xf32>
    %get3A_1519 = arith.constant 7 : i32
    %get3A_1520 = arith.index_cast %get3A_1519 : i32 to index
    %get3A_1521 = arith.constant 0 : index
    %get3A_1522 = tpu.vector_load %arg9[%get3A_1520, %get3A_1521] {strides = array<i32>} : memref<10x16xf32, #tpu.memory_space<vmem>>, vector<1x16xf32>,
    %get3A_1523 = vector.shape_cast %get3A_1522 : vector<1x16xf32> to vector<16xf32>
    %get3A_1524 = arith.constant 8 : i32
    %get3A_1525 = arith.index_cast %get3A_1524 : i32 to index
    %get3A_1526 = arith.constant 0 : index
    %get3A_1527 = tpu.vector_load %arg9[%get3A_1525, %get3A_1526] {strides = array<i32>} : memref<10x16xf32, #tpu.memory_space<vmem>>, vector<1x16xf32>,
    %get3A_1528 = vector.shape_cast %get3A_1527 : vector<1x16xf32> to vector<16xf32>
    %get3A_1529 = arith.constant 9 : i32
    %get3A_1530 = arith.index_cast %get3A_1529 : i32 to index
    %get3A_1531 = arith.constant 0 : index
    %get3A_1532 = tpu.vector_load %arg9[%get3A_1530, %get3A_1531] {strides = array<i32>} : memref<10x16xf32, #tpu.memory_space<vmem>>, vector<1x16xf32>,
    %get3A_1533 = vector.shape_cast %get3A_1532 : vector<1x16xf32> to vector<16xf32>
    %scan3A_1534 = arith.constant 0 : i32
    %scan3A_1535 = arith.constant 213 : i32
    %scan3A_1536 = arith.addi %scan3A_1534, %scan3A_1535 : i32
    %scan3A_1537 = arith.constant 1 : i32
    %scan3A_1538:40 = scf.for %scan3A_2372 = %scan3A_1534 to %scan3A_1536 step %scan3A_1537 iter_args(%scan3A_2373 = %get3A_1488, %scan3A_2374 = %get3A_1488, %scan3A_2375 = %get3A_1488, %scan3A_2376 = %get3A_1488, %scan3A_2377 = %get3A_1493, %scan3A_2378 = %get3A_1493, %scan3A_2379 = %get3A_1493, %scan3A_2380 = %get3A_1493, %scan3A_2381 = %get3A_1498, %scan3A_2382 = %get3A_1498, %scan3A_2383 = %get3A_1498, %scan3A_2384 = %get3A_1498, %scan3A_2385 = %get3A_1503, %scan3A_2386 = %get3A_1503, %scan3A_2387 = %get3A_1503, %scan3A_2388 = %get3A_1503, %scan3A_2389 = %get3A_1508, %scan3A_2390 = %get3A_1508, %scan3A_2391 = %get3A_1508, %scan3A_2392 = %get3A_1508, %scan3A_2393 = %get3A_1513, %scan3A_2394 = %get3A_1513, %scan3A_2395 = %get3A_1513, %scan3A_2396 = %get3A_1513, %scan3A_2397 = %get3A_1518, %scan3A_2398 = %get3A_1518, %scan3A_2399 = %get3A_1518, %scan3A_2400 = %get3A_1518, %scan3A_2401 = %get3A_1523, %scan3A_2402 = %get3A_1523, %scan3A_2403 = %get3A_1523, %scan3A_2404 = %get3A_1523, %scan3A_2405 = %get3A_1528, %scan3A_2406 = %get3A_1528, %scan3A_2407 = %get3A_1528, %scan3A_2408 = %get3A_1528, %scan3A_2409 = %get3A_1533, %scan3A_2410 = %get3A_1533, %scan3A_2411 = %get3A_1533, %scan3A_2412 = %get3A_1533) -> (vector<16xf32>, vector<16xf32>, vector<16xf32>, vector<16xf32>, vector<16xf32>, vector<16xf32>, vector<16xf32>, vector<16xf32>, vector<16xf32>, vector<16xf32>, vector<16xf32>, vector<16xf32>, vector<16xf32>, vector<16xf32>, vector<16xf32>, vector<16xf32>, vector<16xf32>, vector<16xf32>, vector<16xf32>, vector<16xf32>, vector<16xf32>, vector<16xf32>, vector<16xf32>, vector<16xf32>, vector<16xf32>, vector<16xf32>, vector<16xf32>, vector<16xf32>, vector<16xf32>, vector<16xf32>, vector<16xf32>, vector<16xf32>, vector<16xf32>, vector<16xf32>, vector<16xf32>, vector<16xf32>, vector<16xf32>, vector<16xf32>, vector<16xf32>, vector<16xf32>)  : i32 {
      %get3A_2413 = arith.index_cast %scan3A_2372 : i32 to index
      %get3A_2414 = arith.constant 64 : index
      %get3A_2415 = tpu.vector_load %arg6[%get3A_2413, %get3A_2414] {strides = array<i32>} : memref<213x256xf32, #tpu.memory_space<vmem>>, vector<1x16xf32>,
      %get3A_2416 = vector.shape_cast %get3A_2415 : vector<1x16xf32> to vector<16xf32>
      %get3A_2417 = arith.index_cast %scan3A_2372 : i32 to index
      %get3A_2418 = arith.constant 80 : index
      %get3A_2419 = tpu.vector_load %arg6[%get3A_2417, %get3A_2418] {strides = array<i32>} : memref<213x256xf32, #tpu.memory_space<vmem>>, vector<1x16xf32>,
      %get3A_2420 = vector.shape_cast %get3A_2419 : vector<1x16xf32> to vector<16xf32>
      %get3A_2421 = arith.index_cast %scan3A_2372 : i32 to index
      %get3A_2422 = arith.constant 96 : index
      %get3A_2423 = tpu.vector_load %arg6[%get3A_2421, %get3A_2422] {strides = array<i32>} : memref<213x256xf32, #tpu.memory_space<vmem>>, vector<1x16xf32>,
      %get3A_2424 = vector.shape_cast %get3A_2423 : vector<1x16xf32> to vector<16xf32>
      %get3A_2425 = arith.index_cast %scan3A_2372 : i32 to index
      %get3A_2426 = arith.constant 112 : index
      %get3A_2427 = tpu.vector_load %arg6[%get3A_2425, %get3A_2426] {strides = array<i32>} : memref<213x256xf32, #tpu.memory_space<vmem>>, vector<1x16xf32>,
      %get3A_2428 = vector.shape_cast %get3A_2427 : vector<1x16xf32> to vector<16xf32>
      %mul3A_2429 = arith.constant 16 : i32
      %mul3A_2430 = arith.muli %scan3A_2372, %mul3A_2429 : i32
      %get3A_2431 = arith.constant 0 : i32
      %get3A_2432 = arith.index_cast %get3A_2431 : i32 to index
      %get3A_2433 = arith.index_cast %mul3A_2430 : i32 to index
      %get3A_2434 = tpu.vector_load %arg7[%get3A_2432, %get3A_2433] {strides = array<i32>} : memref<10x3408xf32, #tpu.memory_space<vmem>>, vector<1x16xf32>,
      %get3A_2435 = vector.shape_cast %get3A_2434 : vector<1x16xf32> to vector<16xf32>
      %mul3A_2436 = arith.mulf %get3A_2416, %get3A_2435 : vector<16xf32>
      %add3A_2437 = arith.addf %scan3A_2373, %mul3A_2436 : vector<16xf32>
      %mul3A_2438 = arith.mulf %get3A_2420, %get3A_2435 : vector<16xf32>
      %add3A_2439 = arith.addf %scan3A_2374, %mul3A_2438 : vector<16xf32>
      %mul3A_2440 = arith.mulf %get3A_2424, %get3A_2435 : vector<16xf32>
      %add3A_2441 = arith.addf %scan3A_2375, %mul3A_2440 : vector<16xf32>
      %mul3A_2442 = arith.mulf %get3A_2428, %get3A_2435 : vector<16xf32>
      %add3A_2443 = arith.addf %scan3A_2376, %mul3A_2442 : vector<16xf32>
      %mul3A_2444 = arith.constant 16 : i32
      %mul3A_2445 = arith.muli %scan3A_2372, %mul3A_2444 : i32
      %get3A_2446 = arith.constant 1 : i32
      %get3A_2447 = arith.index_cast %get3A_2446 : i32 to index
      %get3A_2448 = arith.index_cast %mul3A_2445 : i32 to index
      %get3A_2449 = tpu.vector_load %arg7[%get3A_2447, %get3A_2448] {strides = array<i32>} : memref<10x3408xf32, #tpu.memory_space<vmem>>, vector<1x16xf32>,
      %get3A_2450 = vector.shape_cast %get3A_2449 : vector<1x16xf32> to vector<16xf32>
      %mul3A_2451 = arith.mulf %get3A_2416, %get3A_2450 : vector<16xf32>
      %add3A_2452 = arith.addf %scan3A_2377, %mul3A_2451 : vector<16xf32>
      %mul3A_2453 = arith.mulf %get3A_2420, %get3A_2450 : vector<16xf32>
      %add3A_2454 = arith.addf %scan3A_2378, %mul3A_2453 : vector<16xf32>
      %mul3A_2455 = arith.mulf %get3A_2424, %get3A_2450 : vector<16xf32>
      %add3A_2456 = arith.addf %scan3A_2379, %mul3A_2455 : vector<16xf32>
      %mul3A_2457 = arith.mulf %get3A_2428, %get3A_2450 : vector<16xf32>
      %add3A_2458 = arith.addf %scan3A_2380, %mul3A_2457 : vector<16xf32>
      %mul3A_2459 = arith.constant 16 : i32
      %mul3A_2460 = arith.muli %scan3A_2372, %mul3A_2459 : i32
      %get3A_2461 = arith.constant 2 : i32
      %get3A_2462 = arith.index_cast %get3A_2461 : i32 to index
      %get3A_2463 = arith.index_cast %mul3A_2460 : i32 to index
      %get3A_2464 = tpu.vector_load %arg7[%get3A_2462, %get3A_2463] {strides = array<i32>} : memref<10x3408xf32, #tpu.memory_space<vmem>>, vector<1x16xf32>,
      %get3A_2465 = vector.shape_cast %get3A_2464 : vector<1x16xf32> to vector<16xf32>
      %mul3A_2466 = arith.mulf %get3A_2416, %get3A_2465 : vector<16xf32>
      %add3A_2467 = arith.addf %scan3A_2381, %mul3A_2466 : vector<16xf32>
      %mul3A_2468 = arith.mulf %get3A_2420, %get3A_2465 : vector<16xf32>
      %add3A_2469 = arith.addf %scan3A_2382, %mul3A_2468 : vector<16xf32>
      %mul3A_2470 = arith.mulf %get3A_2424, %get3A_2465 : vector<16xf32>
      %add3A_2471 = arith.addf %scan3A_2383, %mul3A_2470 : vector<16xf32>
      %mul3A_2472 = arith.mulf %get3A_2428, %get3A_2465 : vector<16xf32>
      %add3A_2473 = arith.addf %scan3A_2384, %mul3A_2472 : vector<16xf32>
      %mul3A_2474 = arith.constant 16 : i32
      %mul3A_2475 = arith.muli %scan3A_2372, %mul3A_2474 : i32
      %get3A_2476 = arith.constant 3 : i32
      %get3A_2477 = arith.index_cast %get3A_2476 : i32 to index
      %get3A_2478 = arith.index_cast %mul3A_2475 : i32 to index
      %get3A_2479 = tpu.vector_load %arg7[%get3A_2477, %get3A_2478] {strides = array<i32>} : memref<10x3408xf32, #tpu.memory_space<vmem>>, vector<1x16xf32>,
      %get3A_2480 = vector.shape_cast %get3A_2479 : vector<1x16xf32> to vector<16xf32>
      %mul3A_2481 = arith.mulf %get3A_2416, %get3A_2480 : vector<16xf32>
      %add3A_2482 = arith.addf %scan3A_2385, %mul3A_2481 : vector<16xf32>
      %mul3A_2483 = arith.mulf %get3A_2420, %get3A_2480 : vector<16xf32>
      %add3A_2484 = arith.addf %scan3A_2386, %mul3A_2483 : vector<16xf32>
      %mul3A_2485 = arith.mulf %get3A_2424, %get3A_2480 : vector<16xf32>
      %add3A_2486 = arith.addf %scan3A_2387, %mul3A_2485 : vector<16xf32>
      %mul3A_2487 = arith.mulf %get3A_2428, %get3A_2480 : vector<16xf32>
      %add3A_2488 = arith.addf %scan3A_2388, %mul3A_2487 : vector<16xf32>
      %mul3A_2489 = arith.constant 16 : i32
      %mul3A_2490 = arith.muli %scan3A_2372, %mul3A_2489 : i32
      %get3A_2491 = arith.constant 4 : i32
      %get3A_2492 = arith.index_cast %get3A_2491 : i32 to index
      %get3A_2493 = arith.index_cast %mul3A_2490 : i32 to index
      %get3A_2494 = tpu.vector_load %arg7[%get3A_2492, %get3A_2493] {strides = array<i32>} : memref<10x3408xf32, #tpu.memory_space<vmem>>, vector<1x16xf32>,
      %get3A_2495 = vector.shape_cast %get3A_2494 : vector<1x16xf32> to vector<16xf32>
      %mul3A_2496 = arith.mulf %get3A_2416, %get3A_2495 : vector<16xf32>
      %add3A_2497 = arith.addf %scan3A_2389, %mul3A_2496 : vector<16xf32>
      %mul3A_2498 = arith.mulf %get3A_2420, %get3A_2495 : vector<16xf32>
      %add3A_2499 = arith.addf %scan3A_2390, %mul3A_2498 : vector<16xf32>
      %mul3A_2500 = arith.mulf %get3A_2424, %get3A_2495 : vector<16xf32>
      %add3A_2501 = arith.addf %scan3A_2391, %mul3A_2500 : vector<16xf32>
      %mul3A_2502 = arith.mulf %get3A_2428, %get3A_2495 : vector<16xf32>
      %add3A_2503 = arith.addf %scan3A_2392, %mul3A_2502 : vector<16xf32>
      %mul3A_2504 = arith.constant 16 : i32
      %mul3A_2505 = arith.muli %scan3A_2372, %mul3A_2504 : i32
      %get3A_2506 = arith.constant 5 : i32
      %get3A_2507 = arith.index_cast %get3A_2506 : i32 to index
      %get3A_2508 = arith.index_cast %mul3A_2505 : i32 to index
      %get3A_2509 = tpu.vector_load %arg7[%get3A_2507, %get3A_2508] {strides = array<i32>} : memref<10x3408xf32, #tpu.memory_space<vmem>>, vector<1x16xf32>,
      %get3A_2510 = vector.shape_cast %get3A_2509 : vector<1x16xf32> to vector<16xf32>
      %mul3A_2511 = arith.mulf %get3A_2416, %get3A_2510 : vector<16xf32>
      %add3A_2512 = arith.addf %scan3A_2393, %mul3A_2511 : vector<16xf32>
      %mul3A_2513 = arith.mulf %get3A_2420, %get3A_2510 : vector<16xf32>
      %add3A_2514 = arith.addf %scan3A_2394, %mul3A_2513 : vector<16xf32>
      %mul3A_2515 = arith.mulf %get3A_2424, %get3A_2510 : vector<16xf32>
      %add3A_2516 = arith.addf %scan3A_2395, %mul3A_2515 : vector<16xf32>
      %mul3A_2517 = arith.mulf %get3A_2428, %get3A_2510 : vector<16xf32>
      %add3A_2518 = arith.addf %scan3A_2396, %mul3A_2517 : vector<16xf32>
      %mul3A_2519 = arith.constant 16 : i32
      %mul3A_2520 = arith.muli %scan3A_2372, %mul3A_2519 : i32
      %get3A_2521 = arith.constant 6 : i32
      %get3A_2522 = arith.index_cast %get3A_2521 : i32 to index
      %get3A_2523 = arith.index_cast %mul3A_2520 : i32 to index
      %get3A_2524 = tpu.vector_load %arg7[%get3A_2522, %get3A_2523] {strides = array<i32>} : memref<10x3408xf32, #tpu.memory_space<vmem>>, vector<1x16xf32>,
      %get3A_2525 = vector.shape_cast %get3A_2524 : vector<1x16xf32> to vector<16xf32>
      %mul3A_2526 = arith.mulf %get3A_2416, %get3A_2525 : vector<16xf32>
      %add3A_2527 = arith.addf %scan3A_2397, %mul3A_2526 : vector<16xf32>
      %mul3A_2528 = arith.mulf %get3A_2420, %get3A_2525 : vector<16xf32>
      %add3A_2529 = arith.addf %scan3A_2398, %mul3A_2528 : vector<16xf32>
      %mul3A_2530 = arith.mulf %get3A_2424, %get3A_2525 : vector<16xf32>
      %add3A_2531 = arith.addf %scan3A_2399, %mul3A_2530 : vector<16xf32>
      %mul3A_2532 = arith.mulf %get3A_2428, %get3A_2525 : vector<16xf32>
      %add3A_2533 = arith.addf %scan3A_2400, %mul3A_2532 : vector<16xf32>
      %mul3A_2534 = arith.constant 16 : i32
      %mul3A_2535 = arith.muli %scan3A_2372, %mul3A_2534 : i32
      %get3A_2536 = arith.constant 7 : i32
      %get3A_2537 = arith.index_cast %get3A_2536 : i32 to index
      %get3A_2538 = arith.index_cast %mul3A_2535 : i32 to index
      %get3A_2539 = tpu.vector_load %arg7[%get3A_2537, %get3A_2538] {strides = array<i32>} : memref<10x3408xf32, #tpu.memory_space<vmem>>, vector<1x16xf32>,
      %get3A_2540 = vector.shape_cast %get3A_2539 : vector<1x16xf32> to vector<16xf32>
      %mul3A_2541 = arith.mulf %get3A_2416, %get3A_2540 : vector<16xf32>
      %add3A_2542 = arith.addf %scan3A_2401, %mul3A_2541 : vector<16xf32>
      %mul3A_2543 = arith.mulf %get3A_2420, %get3A_2540 : vector<16xf32>
      %add3A_2544 = arith.addf %scan3A_2402, %mul3A_2543 : vector<16xf32>
      %mul3A_2545 = arith.mulf %get3A_2424, %get3A_2540 : vector<16xf32>
      %add3A_2546 = arith.addf %scan3A_2403, %mul3A_2545 : vector<16xf32>
      %mul3A_2547 = arith.mulf %get3A_2428, %get3A_2540 : vector<16xf32>
      %add3A_2548 = arith.addf %scan3A_2404, %mul3A_2547 : vector<16xf32>
      %mul3A_2549 = arith.constant 16 : i32
      %mul3A_2550 = arith.muli %scan3A_2372, %mul3A_2549 : i32
      %get3A_2551 = arith.constant 8 : i32
      %get3A_2552 = arith.index_cast %get3A_2551 : i32 to index
      %get3A_2553 = arith.index_cast %mul3A_2550 : i32 to index
      %get3A_2554 = tpu.vector_load %arg7[%get3A_2552, %get3A_2553] {strides = array<i32>} : memref<10x3408xf32, #tpu.memory_space<vmem>>, vector<1x16xf32>,
      %get3A_2555 = vector.shape_cast %get3A_2554 : vector<1x16xf32> to vector<16xf32>
      %mul3A_2556 = arith.mulf %get3A_2416, %get3A_2555 : vector<16xf32>
      %add3A_2557 = arith.addf %scan3A_2405, %mul3A_2556 : vector<16xf32>
      %mul3A_2558 = arith.mulf %get3A_2420, %get3A_2555 : vector<16xf32>
      %add3A_2559 = arith.addf %scan3A_2406, %mul3A_2558 : vector<16xf32>
      %mul3A_2560 = arith.mulf %get3A_2424, %get3A_2555 : vector<16xf32>
      %add3A_2561 = arith.addf %scan3A_2407, %mul3A_2560 : vector<16xf32>
      %mul3A_2562 = arith.mulf %get3A_2428, %get3A_2555 : vector<16xf32>
      %add3A_2563 = arith.addf %scan3A_2408, %mul3A_2562 : vector<16xf32>
      %mul3A_2564 = arith.constant 16 : i32
      %mul3A_2565 = arith.muli %scan3A_2372, %mul3A_2564 : i32
      %get3A_2566 = arith.constant 9 : i32
      %get3A_2567 = arith.index_cast %get3A_2566 : i32 to index
      %get3A_2568 = arith.index_cast %mul3A_2565 : i32 to index
      %get3A_2569 = tpu.vector_load %arg7[%get3A_2567, %get3A_2568] {strides = array<i32>} : memref<10x3408xf32, #tpu.memory_space<vmem>>, vector<1x16xf32>,
      %get3A_2570 = vector.shape_cast %get3A_2569 : vector<1x16xf32> to vector<16xf32>
      %mul3A_2571 = arith.mulf %get3A_2416, %get3A_2570 : vector<16xf32>
      %add3A_2572 = arith.addf %scan3A_2409, %mul3A_2571 : vector<16xf32>
      %mul3A_2573 = arith.mulf %get3A_2420, %get3A_2570 : vector<16xf32>
      %add3A_2574 = arith.addf %scan3A_2410, %mul3A_2573 : vector<16xf32>
      %mul3A_2575 = arith.mulf %get3A_2424, %get3A_2570 : vector<16xf32>
      %add3A_2576 = arith.addf %scan3A_2411, %mul3A_2575 : vector<16xf32>
      %mul3A_2577 = arith.mulf %get3A_2428, %get3A_2570 : vector<16xf32>
      %add3A_2578 = arith.addf %scan3A_2412, %mul3A_2577 : vector<16xf32>
      scf.yield %add3A_2437, %add3A_2439, %add3A_2441, %add3A_2443, %add3A_2452, %add3A_2454, %add3A_2456, %add3A_2458, %add3A_2467, %add3A_2469, %add3A_2471, %add3A_2473, %add3A_2482, %add3A_2484, %add3A_2486, %add3A_2488, %add3A_2497, %add3A_2499, %add3A_2501, %add3A_2503, %add3A_2512, %add3A_2514, %add3A_2516, %add3A_2518, %add3A_2527, %add3A_2529, %add3A_2531, %add3A_2533, %add3A_2542, %add3A_2544, %add3A_2546, %add3A_2548, %add3A_2557, %add3A_2559, %add3A_2561, %add3A_2563, %add3A_2572, %add3A_2574, %add3A_2576, %add3A_2578 : vector<16xf32>, vector<16xf32>, vector<16xf32>, vector<16xf32>, vector<16xf32>, vector<16xf32>, vector<16xf32>, vector<16xf32>, vector<16xf32>, vector<16xf32>, vector<16xf32>, vector<16xf32>, vector<16xf32>, vector<16xf32>, vector<16xf32>, vector<16xf32>, vector<16xf32>, vector<16xf32>, vector<16xf32>, vector<16xf32>, vector<16xf32>, vector<16xf32>, vector<16xf32>, vector<16xf32>, vector<16xf32>, vector<16xf32>, vector<16xf32>, vector<16xf32>, vector<16xf32>, vector<16xf32>, vector<16xf32>, vector<16xf32>, vector<16xf32>, vector<16xf32>, vector<16xf32>, vector<16xf32>, vector<16xf32>, vector<16xf32>, vector<16xf32>, vector<16xf32>
    }
    %scan3A_1539 = arith.constant 213 : i32
    %swap3A_1540 = arith.constant 0 : i32
    %swap3A_1541 = arith.index_cast %swap3A_1540 : i32 to index
    %swap3A_1542 = arith.constant 320 : index
    %swap3A_1543 = tpu.vector_load %arg8[%swap3A_1541, %swap3A_1542] {strides = array<i32>} : memref<10x512xf32, #tpu.memory_space<vmem>>, vector<1x16xf32>,
    %swap3A_1544 = vector.shape_cast %swap3A_1543 : vector<1x16xf32> to vector<16xf32>
    %swap3A_1545 = vector.shape_cast %scan3A_1538#0 : vector<16xf32> to vector<1x16xf32>
    tpu.vector_store %arg8[%swap3A_1541, %swap3A_1542], %swap3A_1545 {strides = array<i32>} : memref<10x512xf32, #tpu.memory_space<vmem>>, vector<1x16xf32>,
    %swap3A_1546 = arith.constant 0 : i32
    %swap3A_1547 = arith.index_cast %swap3A_1546 : i32 to index
    %swap3A_1548 = arith.constant 336 : index
    %swap3A_1549 = tpu.vector_load %arg8[%swap3A_1547, %swap3A_1548] {strides = array<i32>} : memref<10x512xf32, #tpu.memory_space<vmem>>, vector<1x16xf32>,
    %swap3A_1550 = vector.shape_cast %swap3A_1549 : vector<1x16xf32> to vector<16xf32>
    %swap3A_1551 = vector.shape_cast %scan3A_1538#1 : vector<16xf32> to vector<1x16xf32>
    tpu.vector_store %arg8[%swap3A_1547, %swap3A_1548], %swap3A_1551 {strides = array<i32>} : memref<10x512xf32, #tpu.memory_space<vmem>>, vector<1x16xf32>,
    %swap3A_1552 = arith.constant 0 : i32
    %swap3A_1553 = arith.index_cast %swap3A_1552 : i32 to index
    %swap3A_1554 = arith.constant 352 : index
    %swap3A_1555 = tpu.vector_load %arg8[%swap3A_1553, %swap3A_1554] {strides = array<i32>} : memref<10x512xf32, #tpu.memory_space<vmem>>, vector<1x16xf32>,
    %swap3A_1556 = vector.shape_cast %swap3A_1555 : vector<1x16xf32> to vector<16xf32>
    %swap3A_1557 = vector.shape_cast %scan3A_1538#2 : vector<16xf32> to vector<1x16xf32>
    tpu.vector_store %arg8[%swap3A_1553, %swap3A_1554], %swap3A_1557 {strides = array<i32>} : memref<10x512xf32, #tpu.memory_space<vmem>>, vector<1x16xf32>,
    %swap3A_1558 = arith.constant 0 : i32
    %swap3A_1559 = arith.index_cast %swap3A_1558 : i32 to index
    %swap3A_1560 = arith.constant 368 : index
    %swap3A_1561 = tpu.vector_load %arg8[%swap3A_1559, %swap3A_1560] {strides = array<i32>} : memref<10x512xf32, #tpu.memory_space<vmem>>, vector<1x16xf32>,
    %swap3A_1562 = vector.shape_cast %swap3A_1561 : vector<1x16xf32> to vector<16xf32>
    %swap3A_1563 = vector.shape_cast %scan3A_1538#3 : vector<16xf32> to vector<1x16xf32>
    tpu.vector_store %arg8[%swap3A_1559, %swap3A_1560], %swap3A_1563 {strides = array<i32>} : memref<10x512xf32, #tpu.memory_space<vmem>>, vector<1x16xf32>,
    %swap3A_1564 = arith.constant 1 : i32
    %swap3A_1565 = arith.index_cast %swap3A_1564 : i32 to index
    %swap3A_1566 = arith.constant 320 : index
    %swap3A_1567 = tpu.vector_load %arg8[%swap3A_1565, %swap3A_1566] {strides = array<i32>} : memref<10x512xf32, #tpu.memory_space<vmem>>, vector<1x16xf32>,
    %swap3A_1568 = vector.shape_cast %swap3A_1567 : vector<1x16xf32> to vector<16xf32>
    %swap3A_1569 = vector.shape_cast %scan3A_1538#4 : vector<16xf32> to vector<1x16xf32>
    tpu.vector_store %arg8[%swap3A_1565, %swap3A_1566], %swap3A_1569 {strides = array<i32>} : memref<10x512xf32, #tpu.memory_space<vmem>>, vector<1x16xf32>,
    %swap3A_1570 = arith.constant 1 : i32
    %swap3A_1571 = arith.index_cast %swap3A_1570 : i32 to index
    %swap3A_1572 = arith.constant 336 : index
    %swap3A_1573 = tpu.vector_load %arg8[%swap3A_1571, %swap3A_1572] {strides = array<i32>} : memref<10x512xf32, #tpu.memory_space<vmem>>, vector<1x16xf32>,
    %swap3A_1574 = vector.shape_cast %swap3A_1573 : vector<1x16xf32> to vector<16xf32>
    %swap3A_1575 = vector.shape_cast %scan3A_1538#5 : vector<16xf32> to vector<1x16xf32>
    tpu.vector_store %arg8[%swap3A_1571, %swap3A_1572], %swap3A_1575 {strides = array<i32>} : memref<10x512xf32, #tpu.memory_space<vmem>>, vector<1x16xf32>,
    %swap3A_1576 = arith.constant 1 : i32
    %swap3A_1577 = arith.index_cast %swap3A_1576 : i32 to index
    %swap3A_1578 = arith.constant 352 : index
    %swap3A_1579 = tpu.vector_load %arg8[%swap3A_1577, %swap3A_1578] {strides = array<i32>} : memref<10x512xf32, #tpu.memory_space<vmem>>, vector<1x16xf32>,
    %swap3A_1580 = vector.shape_cast %swap3A_1579 : vector<1x16xf32> to vector<16xf32>
    %swap3A_1581 = vector.shape_cast %scan3A_1538#6 : vector<16xf32> to vector<1x16xf32>
    tpu.vector_store %arg8[%swap3A_1577, %swap3A_1578], %swap3A_1581 {strides = array<i32>} : memref<10x512xf32, #tpu.memory_space<vmem>>, vector<1x16xf32>,
    %swap3A_1582 = arith.constant 1 : i32
    %swap3A_1583 = arith.index_cast %swap3A_1582 : i32 to index
    %swap3A_1584 = arith.constant 368 : index
    %swap3A_1585 = tpu.vector_load %arg8[%swap3A_1583, %swap3A_1584] {strides = array<i32>} : memref<10x512xf32, #tpu.memory_space<vmem>>, vector<1x16xf32>,
    %swap3A_1586 = vector.shape_cast %swap3A_1585 : vector<1x16xf32> to vector<16xf32>
    %swap3A_1587 = vector.shape_cast %scan3A_1538#7 : vector<16xf32> to vector<1x16xf32>
    tpu.vector_store %arg8[%swap3A_1583, %swap3A_1584], %swap3A_1587 {strides = array<i32>} : memref<10x512xf32, #tpu.memory_space<vmem>>, vector<1x16xf32>,
    %swap3A_1588 = arith.constant 2 : i32
    %swap3A_1589 = arith.index_cast %swap3A_1588 : i32 to index
    %swap3A_1590 = arith.constant 320 : index
    %swap3A_1591 = tpu.vector_load %arg8[%swap3A_1589, %swap3A_1590] {strides = array<i32>} : memref<10x512xf32, #tpu.memory_space<vmem>>, vector<1x16xf32>,
    %swap3A_1592 = vector.shape_cast %swap3A_1591 : vector<1x16xf32> to vector<16xf32>
    %swap3A_1593 = vector.shape_cast %scan3A_1538#8 : vector<16xf32> to vector<1x16xf32>
    tpu.vector_store %arg8[%swap3A_1589, %swap3A_1590], %swap3A_1593 {strides = array<i32>} : memref<10x512xf32, #tpu.memory_space<vmem>>, vector<1x16xf32>,
    %swap3A_1594 = arith.constant 2 : i32
    %swap3A_1595 = arith.index_cast %swap3A_1594 : i32 to index
    %swap3A_1596 = arith.constant 336 : index
    %swap3A_1597 = tpu.vector_load %arg8[%swap3A_1595, %swap3A_1596] {strides = array<i32>} : memref<10x512xf32, #tpu.memory_space<vmem>>, vector<1x16xf32>,
    %swap3A_1598 = vector.shape_cast %swap3A_1597 : vector<1x16xf32> to vector<16xf32>
    %swap3A_1599 = vector.shape_cast %scan3A_1538#9 : vector<16xf32> to vector<1x16xf32>
    tpu.vector_store %arg8[%swap3A_1595, %swap3A_1596], %swap3A_1599 {strides = array<i32>} : memref<10x512xf32, #tpu.memory_space<vmem>>, vector<1x16xf32>,
    %swap3A_1600 = arith.constant 2 : i32
    %swap3A_1601 = arith.index_cast %swap3A_1600 : i32 to index
    %swap3A_1602 = arith.constant 352 : index
    %swap3A_1603 = tpu.vector_load %arg8[%swap3A_1601, %swap3A_1602] {strides = array<i32>} : memref<10x512xf32, #tpu.memory_space<vmem>>, vector<1x16xf32>,
    %swap3A_1604 = vector.shape_cast %swap3A_1603 : vector<1x16xf32> to vector<16xf32>
    %swap3A_1605 = vector.shape_cast %scan3A_1538#10 : vector<16xf32> to vector<1x16xf32>
    tpu.vector_store %arg8[%swap3A_1601, %swap3A_1602], %swap3A_1605 {strides = array<i32>} : memref<10x512xf32, #tpu.memory_space<vmem>>, vector<1x16xf32>,
    %swap3A_1606 = arith.constant 2 : i32
    %swap3A_1607 = arith.index_cast %swap3A_1606 : i32 to index
    %swap3A_1608 = arith.constant 368 : index
    %swap3A_1609 = tpu.vector_load %arg8[%swap3A_1607, %swap3A_1608] {strides = array<i32>} : memref<10x512xf32, #tpu.memory_space<vmem>>, vector<1x16xf32>,
    %swap3A_1610 = vector.shape_cast %swap3A_1609 : vector<1x16xf32> to vector<16xf32>
    %swap3A_1611 = vector.shape_cast %scan3A_1538#11 : vector<16xf32> to vector<1x16xf32>
    tpu.vector_store %arg8[%swap3A_1607, %swap3A_1608], %swap3A_1611 {strides = array<i32>} : memref<10x512xf32, #tpu.memory_space<vmem>>, vector<1x16xf32>,
    %swap3A_1612 = arith.constant 3 : i32
    %swap3A_1613 = arith.index_cast %swap3A_1612 : i32 to index
    %swap3A_1614 = arith.constant 320 : index
    %swap3A_1615 = tpu.vector_load %arg8[%swap3A_1613, %swap3A_1614] {strides = array<i32>} : memref<10x512xf32, #tpu.memory_space<vmem>>, vector<1x16xf32>,
    %swap3A_1616 = vector.shape_cast %swap3A_1615 : vector<1x16xf32> to vector<16xf32>
    %swap3A_1617 = vector.shape_cast %scan3A_1538#12 : vector<16xf32> to vector<1x16xf32>
    tpu.vector_store %arg8[%swap3A_1613, %swap3A_1614], %swap3A_1617 {strides = array<i32>} : memref<10x512xf32, #tpu.memory_space<vmem>>, vector<1x16xf32>,
    %swap3A_1618 = arith.constant 3 : i32
    %swap3A_1619 = arith.index_cast %swap3A_1618 : i32 to index
    %swap3A_1620 = arith.constant 336 : index
    %swap3A_1621 = tpu.vector_load %arg8[%swap3A_1619, %swap3A_1620] {strides = array<i32>} : memref<10x512xf32, #tpu.memory_space<vmem>>, vector<1x16xf32>,
    %swap3A_1622 = vector.shape_cast %swap3A_1621 : vector<1x16xf32> to vector<16xf32>
    %swap3A_1623 = vector.shape_cast %scan3A_1538#13 : vector<16xf32> to vector<1x16xf32>
    tpu.vector_store %arg8[%swap3A_1619, %swap3A_1620], %swap3A_1623 {strides = array<i32>} : memref<10x512xf32, #tpu.memory_space<vmem>>, vector<1x16xf32>,
    %swap3A_1624 = arith.constant 3 : i32
    %swap3A_1625 = arith.index_cast %swap3A_1624 : i32 to index
    %swap3A_1626 = arith.constant 352 : index
    %swap3A_1627 = tpu.vector_load %arg8[%swap3A_1625, %swap3A_1626] {strides = array<i32>} : memref<10x512xf32, #tpu.memory_space<vmem>>, vector<1x16xf32>,
    %swap3A_1628 = vector.shape_cast %swap3A_1627 : vector<1x16xf32> to vector<16xf32>
    %swap3A_1629 = vector.shape_cast %scan3A_1538#14 : vector<16xf32> to vector<1x16xf32>
    tpu.vector_store %arg8[%swap3A_1625, %swap3A_1626], %swap3A_1629 {strides = array<i32>} : memref<10x512xf32, #tpu.memory_space<vmem>>, vector<1x16xf32>,
    %swap3A_1630 = arith.constant 3 : i32
    %swap3A_1631 = arith.index_cast %swap3A_1630 : i32 to index
    %swap3A_1632 = arith.constant 368 : index
    %swap3A_1633 = tpu.vector_load %arg8[%swap3A_1631, %swap3A_1632] {strides = array<i32>} : memref<10x512xf32, #tpu.memory_space<vmem>>, vector<1x16xf32>,
    %swap3A_1634 = vector.shape_cast %swap3A_1633 : vector<1x16xf32> to vector<16xf32>
    %swap3A_1635 = vector.shape_cast %scan3A_1538#15 : vector<16xf32> to vector<1x16xf32>
    tpu.vector_store %arg8[%swap3A_1631, %swap3A_1632], %swap3A_1635 {strides = array<i32>} : memref<10x512xf32, #tpu.memory_space<vmem>>, vector<1x16xf32>,
    %swap3A_1636 = arith.constant 4 : i32
    %swap3A_1637 = arith.index_cast %swap3A_1636 : i32 to index
    %swap3A_1638 = arith.constant 320 : index
    %swap3A_1639 = tpu.vector_load %arg8[%swap3A_1637, %swap3A_1638] {strides = array<i32>} : memref<10x512xf32, #tpu.memory_space<vmem>>, vector<1x16xf32>,
    %swap3A_1640 = vector.shape_cast %swap3A_1639 : vector<1x16xf32> to vector<16xf32>
    %swap3A_1641 = vector.shape_cast %scan3A_1538#16 : vector<16xf32> to vector<1x16xf32>
    tpu.vector_store %arg8[%swap3A_1637, %swap3A_1638], %swap3A_1641 {strides = array<i32>} : memref<10x512xf32, #tpu.memory_space<vmem>>, vector<1x16xf32>,
    %swap3A_1642 = arith.constant 4 : i32
    %swap3A_1643 = arith.index_cast %swap3A_1642 : i32 to index
    %swap3A_1644 = arith.constant 336 : index
    %swap3A_1645 = tpu.vector_load %arg8[%swap3A_1643, %swap3A_1644] {strides = array<i32>} : memref<10x512xf32, #tpu.memory_space<vmem>>, vector<1x16xf32>,
    %swap3A_1646 = vector.shape_cast %swap3A_1645 : vector<1x16xf32> to vector<16xf32>
    %swap3A_1647 = vector.shape_cast %scan3A_1538#17 : vector<16xf32> to vector<1x16xf32>
    tpu.vector_store %arg8[%swap3A_1643, %swap3A_1644], %swap3A_1647 {strides = array<i32>} : memref<10x512xf32, #tpu.memory_space<vmem>>, vector<1x16xf32>,
    %swap3A_1648 = arith.constant 4 : i32
    %swap3A_1649 = arith.index_cast %swap3A_1648 : i32 to index
    %swap3A_1650 = arith.constant 352 : index
    %swap3A_1651 = tpu.vector_load %arg8[%swap3A_1649, %swap3A_1650] {strides = array<i32>} : memref<10x512xf32, #tpu.memory_space<vmem>>, vector<1x16xf32>,
    %swap3A_1652 = vector.shape_cast %swap3A_1651 : vector<1x16xf32> to vector<16xf32>
    %swap3A_1653 = vector.shape_cast %scan3A_1538#18 : vector<16xf32> to vector<1x16xf32>
    tpu.vector_store %arg8[%swap3A_1649, %swap3A_1650], %swap3A_1653 {strides = array<i32>} : memref<10x512xf32, #tpu.memory_space<vmem>>, vector<1x16xf32>,
    %swap3A_1654 = arith.constant 4 : i32
    %swap3A_1655 = arith.index_cast %swap3A_1654 : i32 to index
    %swap3A_1656 = arith.constant 368 : index
    %swap3A_1657 = tpu.vector_load %arg8[%swap3A_1655, %swap3A_1656] {strides = array<i32>} : memref<10x512xf32, #tpu.memory_space<vmem>>, vector<1x16xf32>,
    %swap3A_1658 = vector.shape_cast %swap3A_1657 : vector<1x16xf32> to vector<16xf32>
    %swap3A_1659 = vector.shape_cast %scan3A_1538#19 : vector<16xf32> to vector<1x16xf32>
    tpu.vector_store %arg8[%swap3A_1655, %swap3A_1656], %swap3A_1659 {strides = array<i32>} : memref<10x512xf32, #tpu.memory_space<vmem>>, vector<1x16xf32>,
    %swap3A_1660 = arith.constant 5 : i32
    %swap3A_1661 = arith.index_cast %swap3A_1660 : i32 to index
    %swap3A_1662 = arith.constant 320 : index
    %swap3A_1663 = tpu.vector_load %arg8[%swap3A_1661, %swap3A_1662] {strides = array<i32>} : memref<10x512xf32, #tpu.memory_space<vmem>>, vector<1x16xf32>,
    %swap3A_1664 = vector.shape_cast %swap3A_1663 : vector<1x16xf32> to vector<16xf32>
    %swap3A_1665 = vector.shape_cast %scan3A_1538#20 : vector<16xf32> to vector<1x16xf32>
    tpu.vector_store %arg8[%swap3A_1661, %swap3A_1662], %swap3A_1665 {strides = array<i32>} : memref<10x512xf32, #tpu.memory_space<vmem>>, vector<1x16xf32>,
    %swap3A_1666 = arith.constant 5 : i32
    %swap3A_1667 = arith.index_cast %swap3A_1666 : i32 to index
    %swap3A_1668 = arith.constant 336 : index
    %swap3A_1669 = tpu.vector_load %arg8[%swap3A_1667, %swap3A_1668] {strides = array<i32>} : memref<10x512xf32, #tpu.memory_space<vmem>>, vector<1x16xf32>,
    %swap3A_1670 = vector.shape_cast %swap3A_1669 : vector<1x16xf32> to vector<16xf32>
    %swap3A_1671 = vector.shape_cast %scan3A_1538#21 : vector<16xf32> to vector<1x16xf32>
    tpu.vector_store %arg8[%swap3A_1667, %swap3A_1668], %swap3A_1671 {strides = array<i32>} : memref<10x512xf32, #tpu.memory_space<vmem>>, vector<1x16xf32>,
    %swap3A_1672 = arith.constant 5 : i32
    %swap3A_1673 = arith.index_cast %swap3A_1672 : i32 to index
    %swap3A_1674 = arith.constant 352 : index
    %swap3A_1675 = tpu.vector_load %arg8[%swap3A_1673, %swap3A_1674] {strides = array<i32>} : memref<10x512xf32, #tpu.memory_space<vmem>>, vector<1x16xf32>,
    %swap3A_1676 = vector.shape_cast %swap3A_1675 : vector<1x16xf32> to vector<16xf32>
    %swap3A_1677 = vector.shape_cast %scan3A_1538#22 : vector<16xf32> to vector<1x16xf32>
    tpu.vector_store %arg8[%swap3A_1673, %swap3A_1674], %swap3A_1677 {strides = array<i32>} : memref<10x512xf32, #tpu.memory_space<vmem>>, vector<1x16xf32>,
    %swap3A_1678 = arith.constant 5 : i32
    %swap3A_1679 = arith.index_cast %swap3A_1678 : i32 to index
    %swap3A_1680 = arith.constant 368 : index
    %swap3A_1681 = tpu.vector_load %arg8[%swap3A_1679, %swap3A_1680] {strides = array<i32>} : memref<10x512xf32, #tpu.memory_space<vmem>>, vector<1x16xf32>,
    %swap3A_1682 = vector.shape_cast %swap3A_1681 : vector<1x16xf32> to vector<16xf32>
    %swap3A_1683 = vector.shape_cast %scan3A_1538#23 : vector<16xf32> to vector<1x16xf32>
    tpu.vector_store %arg8[%swap3A_1679, %swap3A_1680], %swap3A_1683 {strides = array<i32>} : memref<10x512xf32, #tpu.memory_space<vmem>>, vector<1x16xf32>,
    %swap3A_1684 = arith.constant 6 : i32
    %swap3A_1685 = arith.index_cast %swap3A_1684 : i32 to index
    %swap3A_1686 = arith.constant 320 : index
    %swap3A_1687 = tpu.vector_load %arg8[%swap3A_1685, %swap3A_1686] {strides = array<i32>} : memref<10x512xf32, #tpu.memory_space<vmem>>, vector<1x16xf32>,
    %swap3A_1688 = vector.shape_cast %swap3A_1687 : vector<1x16xf32> to vector<16xf32>
    %swap3A_1689 = vector.shape_cast %scan3A_1538#24 : vector<16xf32> to vector<1x16xf32>
    tpu.vector_store %arg8[%swap3A_1685, %swap3A_1686], %swap3A_1689 {strides = array<i32>} : memref<10x512xf32, #tpu.memory_space<vmem>>, vector<1x16xf32>,
    %swap3A_1690 = arith.constant 6 : i32
    %swap3A_1691 = arith.index_cast %swap3A_1690 : i32 to index
    %swap3A_1692 = arith.constant 336 : index
    %swap3A_1693 = tpu.vector_load %arg8[%swap3A_1691, %swap3A_1692] {strides = array<i32>} : memref<10x512xf32, #tpu.memory_space<vmem>>, vector<1x16xf32>,
    %swap3A_1694 = vector.shape_cast %swap3A_1693 : vector<1x16xf32> to vector<16xf32>
    %swap3A_1695 = vector.shape_cast %scan3A_1538#25 : vector<16xf32> to vector<1x16xf32>
    tpu.vector_store %arg8[%swap3A_1691, %swap3A_1692], %swap3A_1695 {strides = array<i32>} : memref<10x512xf32, #tpu.memory_space<vmem>>, vector<1x16xf32>,
    %swap3A_1696 = arith.constant 6 : i32
    %swap3A_1697 = arith.index_cast %swap3A_1696 : i32 to index
    %swap3A_1698 = arith.constant 352 : index
    %swap3A_1699 = tpu.vector_load %arg8[%swap3A_1697, %swap3A_1698] {strides = array<i32>} : memref<10x512xf32, #tpu.memory_space<vmem>>, vector<1x16xf32>,
    %swap3A_1700 = vector.shape_cast %swap3A_1699 : vector<1x16xf32> to vector<16xf32>
    %swap3A_1701 = vector.shape_cast %scan3A_1538#26 : vector<16xf32> to vector<1x16xf32>
    tpu.vector_store %arg8[%swap3A_1697, %swap3A_1698], %swap3A_1701 {strides = array<i32>} : memref<10x512xf32, #tpu.memory_space<vmem>>, vector<1x16xf32>,
    %swap3A_1702 = arith.constant 6 : i32
    %swap3A_1703 = arith.index_cast %swap3A_1702 : i32 to index
    %swap3A_1704 = arith.constant 368 : index
    %swap3A_1705 = tpu.vector_load %arg8[%swap3A_1703, %swap3A_1704] {strides = array<i32>} : memref<10x512xf32, #tpu.memory_space<vmem>>, vector<1x16xf32>,
    %swap3A_1706 = vector.shape_cast %swap3A_1705 : vector<1x16xf32> to vector<16xf32>
    %swap3A_1707 = vector.shape_cast %scan3A_1538#27 : vector<16xf32> to vector<1x16xf32>
    tpu.vector_store %arg8[%swap3A_1703, %swap3A_1704], %swap3A_1707 {strides = array<i32>} : memref<10x512xf32, #tpu.memory_space<vmem>>, vector<1x16xf32>,
    %swap3A_1708 = arith.constant 7 : i32
    %swap3A_1709 = arith.index_cast %swap3A_1708 : i32 to index
    %swap3A_1710 = arith.constant 320 : index
    %swap3A_1711 = tpu.vector_load %arg8[%swap3A_1709, %swap3A_1710] {strides = array<i32>} : memref<10x512xf32, #tpu.memory_space<vmem>>, vector<1x16xf32>,
    %swap3A_1712 = vector.shape_cast %swap3A_1711 : vector<1x16xf32> to vector<16xf32>
    %swap3A_1713 = vector.shape_cast %scan3A_1538#28 : vector<16xf32> to vector<1x16xf32>
    tpu.vector_store %arg8[%swap3A_1709, %swap3A_1710], %swap3A_1713 {strides = array<i32>} : memref<10x512xf32, #tpu.memory_space<vmem>>, vector<1x16xf32>,
    %swap3A_1714 = arith.constant 7 : i32
    %swap3A_1715 = arith.index_cast %swap3A_1714 : i32 to index
    %swap3A_1716 = arith.constant 336 : index
    %swap3A_1717 = tpu.vector_load %arg8[%swap3A_1715, %swap3A_1716] {strides = array<i32>} : memref<10x512xf32, #tpu.memory_space<vmem>>, vector<1x16xf32>,
    %swap3A_1718 = vector.shape_cast %swap3A_1717 : vector<1x16xf32> to vector<16xf32>
    %swap3A_1719 = vector.shape_cast %scan3A_1538#29 : vector<16xf32> to vector<1x16xf32>
    tpu.vector_store %arg8[%swap3A_1715, %swap3A_1716], %swap3A_1719 {strides = array<i32>} : memref<10x512xf32, #tpu.memory_space<vmem>>, vector<1x16xf32>,
    %swap3A_1720 = arith.constant 7 : i32
    %swap3A_1721 = arith.index_cast %swap3A_1720 : i32 to index
    %swap3A_1722 = arith.constant 352 : index
    %swap3A_1723 = tpu.vector_load %arg8[%swap3A_1721, %swap3A_1722] {strides = array<i32>} : memref<10x512xf32, #tpu.memory_space<vmem>>, vector<1x16xf32>,
    %swap3A_1724 = vector.shape_cast %swap3A_1723 : vector<1x16xf32> to vector<16xf32>
    %swap3A_1725 = vector.shape_cast %scan3A_1538#30 : vector<16xf32> to vector<1x16xf32>
    tpu.vector_store %arg8[%swap3A_1721, %swap3A_1722], %swap3A_1725 {strides = array<i32>} : memref<10x512xf32, #tpu.memory_space<vmem>>, vector<1x16xf32>,
    %swap3A_1726 = arith.constant 7 : i32
    %swap3A_1727 = arith.index_cast %swap3A_1726 : i32 to index
    %swap3A_1728 = arith.constant 368 : index
    %swap3A_1729 = tpu.vector_load %arg8[%swap3A_1727, %swap3A_1728] {strides = array<i32>} : memref<10x512xf32, #tpu.memory_space<vmem>>, vector<1x16xf32>,
    %swap3A_1730 = vector.shape_cast %swap3A_1729 : vector<1x16xf32> to vector<16xf32>
    %swap3A_1731 = vector.shape_cast %scan3A_1538#31 : vector<16xf32> to vector<1x16xf32>
    tpu.vector_store %arg8[%swap3A_1727, %swap3A_1728], %swap3A_1731 {strides = array<i32>} : memref<10x512xf32, #tpu.memory_space<vmem>>, vector<1x16xf32>,
    %swap3A_1732 = arith.constant 8 : i32
    %swap3A_1733 = arith.index_cast %swap3A_1732 : i32 to index
    %swap3A_1734 = arith.constant 320 : index
    %swap3A_1735 = tpu.vector_load %arg8[%swap3A_1733, %swap3A_1734] {strides = array<i32>} : memref<10x512xf32, #tpu.memory_space<vmem>>, vector<1x16xf32>,
    %swap3A_1736 = vector.shape_cast %swap3A_1735 : vector<1x16xf32> to vector<16xf32>
    %swap3A_1737 = vector.shape_cast %scan3A_1538#32 : vector<16xf32> to vector<1x16xf32>
    tpu.vector_store %arg8[%swap3A_1733, %swap3A_1734], %swap3A_1737 {strides = array<i32>} : memref<10x512xf32, #tpu.memory_space<vmem>>, vector<1x16xf32>,
    %swap3A_1738 = arith.constant 8 : i32
    %swap3A_1739 = arith.index_cast %swap3A_1738 : i32 to index
    %swap3A_1740 = arith.constant 336 : index
    %swap3A_1741 = tpu.vector_load %arg8[%swap3A_1739, %swap3A_1740] {strides = array<i32>} : memref<10x512xf32, #tpu.memory_space<vmem>>, vector<1x16xf32>,
    %swap3A_1742 = vector.shape_cast %swap3A_1741 : vector<1x16xf32> to vector<16xf32>
    %swap3A_1743 = vector.shape_cast %scan3A_1538#33 : vector<16xf32> to vector<1x16xf32>
    tpu.vector_store %arg8[%swap3A_1739, %swap3A_1740], %swap3A_1743 {strides = array<i32>} : memref<10x512xf32, #tpu.memory_space<vmem>>, vector<1x16xf32>,
    %swap3A_1744 = arith.constant 8 : i32
    %swap3A_1745 = arith.index_cast %swap3A_1744 : i32 to index
    %swap3A_1746 = arith.constant 352 : index
    %swap3A_1747 = tpu.vector_load %arg8[%swap3A_1745, %swap3A_1746] {strides = array<i32>} : memref<10x512xf32, #tpu.memory_space<vmem>>, vector<1x16xf32>,
    %swap3A_1748 = vector.shape_cast %swap3A_1747 : vector<1x16xf32> to vector<16xf32>
    %swap3A_1749 = vector.shape_cast %scan3A_1538#34 : vector<16xf32> to vector<1x16xf32>
    tpu.vector_store %arg8[%swap3A_1745, %swap3A_1746], %swap3A_1749 {strides = array<i32>} : memref<10x512xf32, #tpu.memory_space<vmem>>, vector<1x16xf32>,
    %swap3A_1750 = arith.constant 8 : i32
    %swap3A_1751 = arith.index_cast %swap3A_1750 : i32 to index
    %swap3A_1752 = arith.constant 368 : index
    %swap3A_1753 = tpu.vector_load %arg8[%swap3A_1751, %swap3A_1752] {strides = array<i32>} : memref<10x512xf32, #tpu.memory_space<vmem>>, vector<1x16xf32>,
    %swap3A_1754 = vector.shape_cast %swap3A_1753 : vector<1x16xf32> to vector<16xf32>
    %swap3A_1755 = vector.shape_cast %scan3A_1538#35 : vector<16xf32> to vector<1x16xf32>
    tpu.vector_store %arg8[%swap3A_1751, %swap3A_1752], %swap3A_1755 {strides = array<i32>} : memref<10x512xf32, #tpu.memory_space<vmem>>, vector<1x16xf32>,
    %swap3A_1756 = arith.constant 9 : i32
    %swap3A_1757 = arith.index_cast %swap3A_1756 : i32 to index
    %swap3A_1758 = arith.constant 320 : index
    %swap3A_1759 = tpu.vector_load %arg8[%swap3A_1757, %swap3A_1758] {strides = array<i32>} : memref<10x512xf32, #tpu.memory_space<vmem>>, vector<1x16xf32>,
    %swap3A_1760 = vector.shape_cast %swap3A_1759 : vector<1x16xf32> to vector<16xf32>
    %swap3A_1761 = vector.shape_cast %scan3A_1538#36 : vector<16xf32> to vector<1x16xf32>
    tpu.vector_store %arg8[%swap3A_1757, %swap3A_1758], %swap3A_1761 {strides = array<i32>} : memref<10x512xf32, #tpu.memory_space<vmem>>, vector<1x16xf32>,
    %swap3A_1762 = arith.constant 9 : i32
    %swap3A_1763 = arith.index_cast %swap3A_1762 : i32 to index
    %swap3A_1764 = arith.constant 336 : index
    %swap3A_1765 = tpu.vector_load %arg8[%swap3A_1763, %swap3A_1764] {strides = array<i32>} : memref<10x512xf32, #tpu.memory_space<vmem>>, vector<1x16xf32>,
    %swap3A_1766 = vector.shape_cast %swap3A_1765 : vector<1x16xf32> to vector<16xf32>
    %swap3A_1767 = vector.shape_cast %scan3A_1538#37 : vector<16xf32> to vector<1x16xf32>
    tpu.vector_store %arg8[%swap3A_1763, %swap3A_1764], %swap3A_1767 {strides = array<i32>} : memref<10x512xf32, #tpu.memory_space<vmem>>, vector<1x16xf32>,
    %swap3A_1768 = arith.constant 9 : i32
    %swap3A_1769 = arith.index_cast %swap3A_1768 : i32 to index
    %swap3A_1770 = arith.constant 352 : index
    %swap3A_1771 = tpu.vector_load %arg8[%swap3A_1769, %swap3A_1770] {strides = array<i32>} : memref<10x512xf32, #tpu.memory_space<vmem>>, vector<1x16xf32>,
    %swap3A_1772 = vector.shape_cast %swap3A_1771 : vector<1x16xf32> to vector<16xf32>
    %swap3A_1773 = vector.shape_cast %scan3A_1538#38 : vector<16xf32> to vector<1x16xf32>
    tpu.vector_store %arg8[%swap3A_1769, %swap3A_1770], %swap3A_1773 {strides = array<i32>} : memref<10x512xf32, #tpu.memory_space<vmem>>, vector<1x16xf32>,
    %swap3A_1774 = arith.constant 9 : i32
    %swap3A_1775 = arith.index_cast %swap3A_1774 : i32 to index
    %swap3A_1776 = arith.constant 368 : index
    %swap3A_1777 = tpu.vector_load %arg8[%swap3A_1775, %swap3A_1776] {strides = array<i32>} : memref<10x512xf32, #tpu.memory_space<vmem>>, vector<1x16xf32>,
    %swap3A_1778 = vector.shape_cast %swap3A_1777 : vector<1x16xf32> to vector<16xf32>
    %swap3A_1779 = vector.shape_cast %scan3A_1538#39 : vector<16xf32> to vector<1x16xf32>
    tpu.vector_store %arg8[%swap3A_1775, %swap3A_1776], %swap3A_1779 {strides = array<i32>} : memref<10x512xf32, #tpu.memory_space<vmem>>, vector<1x16xf32>,
    %get3A_1780 = arith.constant 0 : i32
    %get3A_1781 = arith.index_cast %get3A_1780 : i32 to index
    %get3A_1782 = arith.constant 0 : index
    %get3A_1783 = tpu.vector_load %arg9[%get3A_1781, %get3A_1782] {strides = array<i32>} : memref<10x16xf32, #tpu.memory_space<vmem>>, vector<1x16xf32>,
    %get3A_1784 = vector.shape_cast %get3A_1783 : vector<1x16xf32> to vector<16xf32>
    %get3A_1785 = arith.constant 1 : i32
    %get3A_1786 = arith.index_cast %get3A_1785 : i32 to index
    %get3A_1787 = arith.constant 0 : index
    %get3A_1788 = tpu.vector_load %arg9[%get3A_1786, %get3A_1787] {strides = array<i32>} : memref<10x16xf32, #tpu.memory_space<vmem>>, vector<1x16xf32>,
    %get3A_1789 = vector.shape_cast %get3A_1788 : vector<1x16xf32> to vector<16xf32>
    %get3A_1790 = arith.constant 2 : i32
    %get3A_1791 = arith.index_cast %get3A_1790 : i32 to index
    %get3A_1792 = arith.constant 0 : index
    %get3A_1793 = tpu.vector_load %arg9[%get3A_1791, %get3A_1792] {strides = array<i32>} : memref<10x16xf32, #tpu.memory_space<vmem>>, vector<1x16xf32>,
    %get3A_1794 = vector.shape_cast %get3A_1793 : vector<1x16xf32> to vector<16xf32>
    %get3A_1795 = arith.constant 3 : i32
    %get3A_1796 = arith.index_cast %get3A_1795 : i32 to index
    %get3A_1797 = arith.constant 0 : index
    %get3A_1798 = tpu.vector_load %arg9[%get3A_1796, %get3A_1797] {strides = array<i32>} : memref<10x16xf32, #tpu.memory_space<vmem>>, vector<1x16xf32>,
    %get3A_1799 = vector.shape_cast %get3A_1798 : vector<1x16xf32> to vector<16xf32>
    %get3A_1800 = arith.constant 4 : i32
    %get3A_1801 = arith.index_cast %get3A_1800 : i32 to index
    %get3A_1802 = arith.constant 0 : index
    %get3A_1803 = tpu.vector_load %arg9[%get3A_1801, %get3A_1802] {strides = array<i32>} : memref<10x16xf32, #tpu.memory_space<vmem>>, vector<1x16xf32>,
    %get3A_1804 = vector.shape_cast %get3A_1803 : vector<1x16xf32> to vector<16xf32>
    %get3A_1805 = arith.constant 5 : i32
    %get3A_1806 = arith.index_cast %get3A_1805 : i32 to index
    %get3A_1807 = arith.constant 0 : index
    %get3A_1808 = tpu.vector_load %arg9[%get3A_1806, %get3A_1807] {strides = array<i32>} : memref<10x16xf32, #tpu.memory_space<vmem>>, vector<1x16xf32>,
    %get3A_1809 = vector.shape_cast %get3A_1808 : vector<1x16xf32> to vector<16xf32>
    %get3A_1810 = arith.constant 6 : i32
    %get3A_1811 = arith.index_cast %get3A_1810 : i32 to index
    %get3A_1812 = arith.constant 0 : index
    %get3A_1813 = tpu.vector_load %arg9[%get3A_1811, %get3A_1812] {strides = array<i32>} : memref<10x16xf32, #tpu.memory_space<vmem>>, vector<1x16xf32>,
    %get3A_1814 = vector.shape_cast %get3A_1813 : vector<1x16xf32> to vector<16xf32>
    %get3A_1815 = arith.constant 7 : i32
    %get3A_1816 = arith.index_cast %get3A_1815 : i32 to index
    %get3A_1817 = arith.constant 0 : index
    %get3A_1818 = tpu.vector_load %arg9[%get3A_1816, %get3A_1817] {strides = array<i32>} : memref<10x16xf32, #tpu.memory_space<vmem>>, vector<1x16xf32>,
    %get3A_1819 = vector.shape_cast %get3A_1818 : vector<1x16xf32> to vector<16xf32>
    %get3A_1820 = arith.constant 8 : i32
    %get3A_1821 = arith.index_cast %get3A_1820 : i32 to index
    %get3A_1822 = arith.constant 0 : index
    %get3A_1823 = tpu.vector_load %arg9[%get3A_1821, %get3A_1822] {strides = array<i32>} : memref<10x16xf32, #tpu.memory_space<vmem>>, vector<1x16xf32>,
    %get3A_1824 = vector.shape_cast %get3A_1823 : vector<1x16xf32> to vector<16xf32>
    %get3A_1825 = arith.constant 9 : i32
    %get3A_1826 = arith.index_cast %get3A_1825 : i32 to index
    %get3A_1827 = arith.constant 0 : index
    %get3A_1828 = tpu.vector_load %arg9[%get3A_1826, %get3A_1827] {strides = array<i32>} : memref<10x16xf32, #tpu.memory_space<vmem>>, vector<1x16xf32>,
    %get3A_1829 = vector.shape_cast %get3A_1828 : vector<1x16xf32> to vector<16xf32>
    %scan3A_1830 = arith.constant 0 : i32
    %scan3A_1831 = arith.constant 213 : i32
    %scan3A_1832 = arith.addi %scan3A_1830, %scan3A_1831 : i32
    %scan3A_1833 = arith.constant 1 : i32
    %scan3A_1834:40 = scf.for %scan3A_2372 = %scan3A_1830 to %scan3A_1832 step %scan3A_1833 iter_args(%scan3A_2373 = %get3A_1784, %scan3A_2374 = %get3A_1784, %scan3A_2375 = %get3A_1784, %scan3A_2376 = %get3A_1784, %scan3A_2377 = %get3A_1789, %scan3A_2378 = %get3A_1789, %scan3A_2379 = %get3A_1789, %scan3A_2380 = %get3A_1789, %scan3A_2381 = %get3A_1794, %scan3A_2382 = %get3A_1794, %scan3A_2383 = %get3A_1794, %scan3A_2384 = %get3A_1794, %scan3A_2385 = %get3A_1799, %scan3A_2386 = %get3A_1799, %scan3A_2387 = %get3A_1799, %scan3A_2388 = %get3A_1799, %scan3A_2389 = %get3A_1804, %scan3A_2390 = %get3A_1804, %scan3A_2391 = %get3A_1804, %scan3A_2392 = %get3A_1804, %scan3A_2393 = %get3A_1809, %scan3A_2394 = %get3A_1809, %scan3A_2395 = %get3A_1809, %scan3A_2396 = %get3A_1809, %scan3A_2397 = %get3A_1814, %scan3A_2398 = %get3A_1814, %scan3A_2399 = %get3A_1814, %scan3A_2400 = %get3A_1814, %scan3A_2401 = %get3A_1819, %scan3A_2402 = %get3A_1819, %scan3A_2403 = %get3A_1819, %scan3A_2404 = %get3A_1819, %scan3A_2405 = %get3A_1824, %scan3A_2406 = %get3A_1824, %scan3A_2407 = %get3A_1824, %scan3A_2408 = %get3A_1824, %scan3A_2409 = %get3A_1829, %scan3A_2410 = %get3A_1829, %scan3A_2411 = %get3A_1829, %scan3A_2412 = %get3A_1829) -> (vector<16xf32>, vector<16xf32>, vector<16xf32>, vector<16xf32>, vector<16xf32>, vector<16xf32>, vector<16xf32>, vector<16xf32>, vector<16xf32>, vector<16xf32>, vector<16xf32>, vector<16xf32>, vector<16xf32>, vector<16xf32>, vector<16xf32>, vector<16xf32>, vector<16xf32>, vector<16xf32>, vector<16xf32>, vector<16xf32>, vector<16xf32>, vector<16xf32>, vector<16xf32>, vector<16xf32>, vector<16xf32>, vector<16xf32>, vector<16xf32>, vector<16xf32>, vector<16xf32>, vector<16xf32>, vector<16xf32>, vector<16xf32>, vector<16xf32>, vector<16xf32>, vector<16xf32>, vector<16xf32>, vector<16xf32>, vector<16xf32>, vector<16xf32>, vector<16xf32>)  : i32 {
      %get3A_2413 = arith.index_cast %scan3A_2372 : i32 to index
      %get3A_2414 = arith.constant 128 : index
      %get3A_2415 = tpu.vector_load %arg6[%get3A_2413, %get3A_2414] {strides = array<i32>} : memref<213x256xf32, #tpu.memory_space<vmem>>, vector<1x16xf32>,
      %get3A_2416 = vector.shape_cast %get3A_2415 : vector<1x16xf32> to vector<16xf32>
      %get3A_2417 = arith.index_cast %scan3A_2372 : i32 to index
      %get3A_2418 = arith.constant 144 : index
      %get3A_2419 = tpu.vector_load %arg6[%get3A_2417, %get3A_2418] {strides = array<i32>} : memref<213x256xf32, #tpu.memory_space<vmem>>, vector<1x16xf32>,
      %get3A_2420 = vector.shape_cast %get3A_2419 : vector<1x16xf32> to vector<16xf32>
      %get3A_2421 = arith.index_cast %scan3A_2372 : i32 to index
      %get3A_2422 = arith.constant 160 : index
      %get3A_2423 = tpu.vector_load %arg6[%get3A_2421, %get3A_2422] {strides = array<i32>} : memref<213x256xf32, #tpu.memory_space<vmem>>, vector<1x16xf32>,
      %get3A_2424 = vector.shape_cast %get3A_2423 : vector<1x16xf32> to vector<16xf32>
      %get3A_2425 = arith.index_cast %scan3A_2372 : i32 to index
      %get3A_2426 = arith.constant 176 : index
      %get3A_2427 = tpu.vector_load %arg6[%get3A_2425, %get3A_2426] {strides = array<i32>} : memref<213x256xf32, #tpu.memory_space<vmem>>, vector<1x16xf32>,
      %get3A_2428 = vector.shape_cast %get3A_2427 : vector<1x16xf32> to vector<16xf32>
      %mul3A_2429 = arith.constant 16 : i32
      %mul3A_2430 = arith.muli %scan3A_2372, %mul3A_2429 : i32
      %get3A_2431 = arith.constant 0 : i32
      %get3A_2432 = arith.index_cast %get3A_2431 : i32 to index
      %get3A_2433 = arith.index_cast %mul3A_2430 : i32 to index
      %get3A_2434 = tpu.vector_load %arg7[%get3A_2432, %get3A_2433] {strides = array<i32>} : memref<10x3408xf32, #tpu.memory_space<vmem>>, vector<1x16xf32>,
      %get3A_2435 = vector.shape_cast %get3A_2434 : vector<1x16xf32> to vector<16xf32>
      %mul3A_2436 = arith.mulf %get3A_2416, %get3A_2435 : vector<16xf32>
      %add3A_2437 = arith.addf %scan3A_2373, %mul3A_2436 : vector<16xf32>
      %mul3A_2438 = arith.mulf %get3A_2420, %get3A_2435 : vector<16xf32>
      %add3A_2439 = arith.addf %scan3A_2374, %mul3A_2438 : vector<16xf32>
      %mul3A_2440 = arith.mulf %get3A_2424, %get3A_2435 : vector<16xf32>
      %add3A_2441 = arith.addf %scan3A_2375, %mul3A_2440 : vector<16xf32>
      %mul3A_2442 = arith.mulf %get3A_2428, %get3A_2435 : vector<16xf32>
      %add3A_2443 = arith.addf %scan3A_2376, %mul3A_2442 : vector<16xf32>
      %mul3A_2444 = arith.constant 16 : i32
      %mul3A_2445 = arith.muli %scan3A_2372, %mul3A_2444 : i32
      %get3A_2446 = arith.constant 1 : i32
      %get3A_2447 = arith.index_cast %get3A_2446 : i32 to index
      %get3A_2448 = arith.index_cast %mul3A_2445 : i32 to index
      %get3A_2449 = tpu.vector_load %arg7[%get3A_2447, %get3A_2448] {strides = array<i32>} : memref<10x3408xf32, #tpu.memory_space<vmem>>, vector<1x16xf32>,
      %get3A_2450 = vector.shape_cast %get3A_2449 : vector<1x16xf32> to vector<16xf32>
      %mul3A_2451 = arith.mulf %get3A_2416, %get3A_2450 : vector<16xf32>
      %add3A_2452 = arith.addf %scan3A_2377, %mul3A_2451 : vector<16xf32>
      %mul3A_2453 = arith.mulf %get3A_2420, %get3A_2450 : vector<16xf32>
      %add3A_2454 = arith.addf %scan3A_2378, %mul3A_2453 : vector<16xf32>
      %mul3A_2455 = arith.mulf %get3A_2424, %get3A_2450 : vector<16xf32>
      %add3A_2456 = arith.addf %scan3A_2379, %mul3A_2455 : vector<16xf32>
      %mul3A_2457 = arith.mulf %get3A_2428, %get3A_2450 : vector<16xf32>
      %add3A_2458 = arith.addf %scan3A_2380, %mul3A_2457 : vector<16xf32>
      %mul3A_2459 = arith.constant 16 : i32
      %mul3A_2460 = arith.muli %scan3A_2372, %mul3A_2459 : i32
      %get3A_2461 = arith.constant 2 : i32
      %get3A_2462 = arith.index_cast %get3A_2461 : i32 to index
      %get3A_2463 = arith.index_cast %mul3A_2460 : i32 to index
      %get3A_2464 = tpu.vector_load %arg7[%get3A_2462, %get3A_2463] {strides = array<i32>} : memref<10x3408xf32, #tpu.memory_space<vmem>>, vector<1x16xf32>,
      %get3A_2465 = vector.shape_cast %get3A_2464 : vector<1x16xf32> to vector<16xf32>
      %mul3A_2466 = arith.mulf %get3A_2416, %get3A_2465 : vector<16xf32>
      %add3A_2467 = arith.addf %scan3A_2381, %mul3A_2466 : vector<16xf32>
      %mul3A_2468 = arith.mulf %get3A_2420, %get3A_2465 : vector<16xf32>
      %add3A_2469 = arith.addf %scan3A_2382, %mul3A_2468 : vector<16xf32>
      %mul3A_2470 = arith.mulf %get3A_2424, %get3A_2465 : vector<16xf32>
      %add3A_2471 = arith.addf %scan3A_2383, %mul3A_2470 : vector<16xf32>
      %mul3A_2472 = arith.mulf %get3A_2428, %get3A_2465 : vector<16xf32>
      %add3A_2473 = arith.addf %scan3A_2384, %mul3A_2472 : vector<16xf32>
      %mul3A_2474 = arith.constant 16 : i32
      %mul3A_2475 = arith.muli %scan3A_2372, %mul3A_2474 : i32
      %get3A_2476 = arith.constant 3 : i32
      %get3A_2477 = arith.index_cast %get3A_2476 : i32 to index
      %get3A_2478 = arith.index_cast %mul3A_2475 : i32 to index
      %get3A_2479 = tpu.vector_load %arg7[%get3A_2477, %get3A_2478] {strides = array<i32>} : memref<10x3408xf32, #tpu.memory_space<vmem>>, vector<1x16xf32>,
      %get3A_2480 = vector.shape_cast %get3A_2479 : vector<1x16xf32> to vector<16xf32>
      %mul3A_2481 = arith.mulf %get3A_2416, %get3A_2480 : vector<16xf32>
      %add3A_2482 = arith.addf %scan3A_2385, %mul3A_2481 : vector<16xf32>
      %mul3A_2483 = arith.mulf %get3A_2420, %get3A_2480 : vector<16xf32>
      %add3A_2484 = arith.addf %scan3A_2386, %mul3A_2483 : vector<16xf32>
      %mul3A_2485 = arith.mulf %get3A_2424, %get3A_2480 : vector<16xf32>
      %add3A_2486 = arith.addf %scan3A_2387, %mul3A_2485 : vector<16xf32>
      %mul3A_2487 = arith.mulf %get3A_2428, %get3A_2480 : vector<16xf32>
      %add3A_2488 = arith.addf %scan3A_2388, %mul3A_2487 : vector<16xf32>
      %mul3A_2489 = arith.constant 16 : i32
      %mul3A_2490 = arith.muli %scan3A_2372, %mul3A_2489 : i32
      %get3A_2491 = arith.constant 4 : i32
      %get3A_2492 = arith.index_cast %get3A_2491 : i32 to index
      %get3A_2493 = arith.index_cast %mul3A_2490 : i32 to index
      %get3A_2494 = tpu.vector_load %arg7[%get3A_2492, %get3A_2493] {strides = array<i32>} : memref<10x3408xf32, #tpu.memory_space<vmem>>, vector<1x16xf32>,
      %get3A_2495 = vector.shape_cast %get3A_2494 : vector<1x16xf32> to vector<16xf32>
      %mul3A_2496 = arith.mulf %get3A_2416, %get3A_2495 : vector<16xf32>
      %add3A_2497 = arith.addf %scan3A_2389, %mul3A_2496 : vector<16xf32>
      %mul3A_2498 = arith.mulf %get3A_2420, %get3A_2495 : vector<16xf32>
      %add3A_2499 = arith.addf %scan3A_2390, %mul3A_2498 : vector<16xf32>
      %mul3A_2500 = arith.mulf %get3A_2424, %get3A_2495 : vector<16xf32>
      %add3A_2501 = arith.addf %scan3A_2391, %mul3A_2500 : vector<16xf32>
      %mul3A_2502 = arith.mulf %get3A_2428, %get3A_2495 : vector<16xf32>
      %add3A_2503 = arith.addf %scan3A_2392, %mul3A_2502 : vector<16xf32>
      %mul3A_2504 = arith.constant 16 : i32
      %mul3A_2505 = arith.muli %scan3A_2372, %mul3A_2504 : i32
      %get3A_2506 = arith.constant 5 : i32
      %get3A_2507 = arith.index_cast %get3A_2506 : i32 to index
      %get3A_2508 = arith.index_cast %mul3A_2505 : i32 to index
      %get3A_2509 = tpu.vector_load %arg7[%get3A_2507, %get3A_2508] {strides = array<i32>} : memref<10x3408xf32, #tpu.memory_space<vmem>>, vector<1x16xf32>,
      %get3A_2510 = vector.shape_cast %get3A_2509 : vector<1x16xf32> to vector<16xf32>
      %mul3A_2511 = arith.mulf %get3A_2416, %get3A_2510 : vector<16xf32>
      %add3A_2512 = arith.addf %scan3A_2393, %mul3A_2511 : vector<16xf32>
      %mul3A_2513 = arith.mulf %get3A_2420, %get3A_2510 : vector<16xf32>
      %add3A_2514 = arith.addf %scan3A_2394, %mul3A_2513 : vector<16xf32>
      %mul3A_2515 = arith.mulf %get3A_2424, %get3A_2510 : vector<16xf32>
      %add3A_2516 = arith.addf %scan3A_2395, %mul3A_2515 : vector<16xf32>
      %mul3A_2517 = arith.mulf %get3A_2428, %get3A_2510 : vector<16xf32>
      %add3A_2518 = arith.addf %scan3A_2396, %mul3A_2517 : vector<16xf32>
      %mul3A_2519 = arith.constant 16 : i32
      %mul3A_2520 = arith.muli %scan3A_2372, %mul3A_2519 : i32
      %get3A_2521 = arith.constant 6 : i32
      %get3A_2522 = arith.index_cast %get3A_2521 : i32 to index
      %get3A_2523 = arith.index_cast %mul3A_2520 : i32 to index
      %get3A_2524 = tpu.vector_load %arg7[%get3A_2522, %get3A_2523] {strides = array<i32>} : memref<10x3408xf32, #tpu.memory_space<vmem>>, vector<1x16xf32>,
      %get3A_2525 = vector.shape_cast %get3A_2524 : vector<1x16xf32> to vector<16xf32>
      %mul3A_2526 = arith.mulf %get3A_2416, %get3A_2525 : vector<16xf32>
      %add3A_2527 = arith.addf %scan3A_2397, %mul3A_2526 : vector<16xf32>
      %mul3A_2528 = arith.mulf %get3A_2420, %get3A_2525 : vector<16xf32>
      %add3A_2529 = arith.addf %scan3A_2398, %mul3A_2528 : vector<16xf32>
      %mul3A_2530 = arith.mulf %get3A_2424, %get3A_2525 : vector<16xf32>
      %add3A_2531 = arith.addf %scan3A_2399, %mul3A_2530 : vector<16xf32>
      %mul3A_2532 = arith.mulf %get3A_2428, %get3A_2525 : vector<16xf32>
      %add3A_2533 = arith.addf %scan3A_2400, %mul3A_2532 : vector<16xf32>
      %mul3A_2534 = arith.constant 16 : i32
      %mul3A_2535 = arith.muli %scan3A_2372, %mul3A_2534 : i32
      %get3A_2536 = arith.constant 7 : i32
      %get3A_2537 = arith.index_cast %get3A_2536 : i32 to index
      %get3A_2538 = arith.index_cast %mul3A_2535 : i32 to index
      %get3A_2539 = tpu.vector_load %arg7[%get3A_2537, %get3A_2538] {strides = array<i32>} : memref<10x3408xf32, #tpu.memory_space<vmem>>, vector<1x16xf32>,
      %get3A_2540 = vector.shape_cast %get3A_2539 : vector<1x16xf32> to vector<16xf32>
      %mul3A_2541 = arith.mulf %get3A_2416, %get3A_2540 : vector<16xf32>
      %add3A_2542 = arith.addf %scan3A_2401, %mul3A_2541 : vector<16xf32>
      %mul3A_2543 = arith.mulf %get3A_2420, %get3A_2540 : vector<16xf32>
      %add3A_2544 = arith.addf %scan3A_2402, %mul3A_2543 : vector<16xf32>
      %mul3A_2545 = arith.mulf %get3A_2424, %get3A_2540 : vector<16xf32>
      %add3A_2546 = arith.addf %scan3A_2403, %mul3A_2545 : vector<16xf32>
      %mul3A_2547 = arith.mulf %get3A_2428, %get3A_2540 : vector<16xf32>
      %add3A_2548 = arith.addf %scan3A_2404, %mul3A_2547 : vector<16xf32>
      %mul3A_2549 = arith.constant 16 : i32
      %mul3A_2550 = arith.muli %scan3A_2372, %mul3A_2549 : i32
      %get3A_2551 = arith.constant 8 : i32
      %get3A_2552 = arith.index_cast %get3A_2551 : i32 to index
      %get3A_2553 = arith.index_cast %mul3A_2550 : i32 to index
      %get3A_2554 = tpu.vector_load %arg7[%get3A_2552, %get3A_2553] {strides = array<i32>} : memref<10x3408xf32, #tpu.memory_space<vmem>>, vector<1x16xf32>,
      %get3A_2555 = vector.shape_cast %get3A_2554 : vector<1x16xf32> to vector<16xf32>
      %mul3A_2556 = arith.mulf %get3A_2416, %get3A_2555 : vector<16xf32>
      %add3A_2557 = arith.addf %scan3A_2405, %mul3A_2556 : vector<16xf32>
      %mul3A_2558 = arith.mulf %get3A_2420, %get3A_2555 : vector<16xf32>
      %add3A_2559 = arith.addf %scan3A_2406, %mul3A_2558 : vector<16xf32>
      %mul3A_2560 = arith.mulf %get3A_2424, %get3A_2555 : vector<16xf32>
      %add3A_2561 = arith.addf %scan3A_2407, %mul3A_2560 : vector<16xf32>
      %mul3A_2562 = arith.mulf %get3A_2428, %get3A_2555 : vector<16xf32>
      %add3A_2563 = arith.addf %scan3A_2408, %mul3A_2562 : vector<16xf32>
      %mul3A_2564 = arith.constant 16 : i32
      %mul3A_2565 = arith.muli %scan3A_2372, %mul3A_2564 : i32
      %get3A_2566 = arith.constant 9 : i32
      %get3A_2567 = arith.index_cast %get3A_2566 : i32 to index
      %get3A_2568 = arith.index_cast %mul3A_2565 : i32 to index
      %get3A_2569 = tpu.vector_load %arg7[%get3A_2567, %get3A_2568] {strides = array<i32>} : memref<10x3408xf32, #tpu.memory_space<vmem>>, vector<1x16xf32>,
      %get3A_2570 = vector.shape_cast %get3A_2569 : vector<1x16xf32> to vector<16xf32>
      %mul3A_2571 = arith.mulf %get3A_2416, %get3A_2570 : vector<16xf32>
      %add3A_2572 = arith.addf %scan3A_2409, %mul3A_2571 : vector<16xf32>
      %mul3A_2573 = arith.mulf %get3A_2420, %get3A_2570 : vector<16xf32>
      %add3A_2574 = arith.addf %scan3A_2410, %mul3A_2573 : vector<16xf32>
      %mul3A_2575 = arith.mulf %get3A_2424, %get3A_2570 : vector<16xf32>
      %add3A_2576 = arith.addf %scan3A_2411, %mul3A_2575 : vector<16xf32>
      %mul3A_2577 = arith.mulf %get3A_2428, %get3A_2570 : vector<16xf32>
      %add3A_2578 = arith.addf %scan3A_2412, %mul3A_2577 : vector<16xf32>
      scf.yield %add3A_2437, %add3A_2439, %add3A_2441, %add3A_2443, %add3A_2452, %add3A_2454, %add3A_2456, %add3A_2458, %add3A_2467, %add3A_2469, %add3A_2471, %add3A_2473, %add3A_2482, %add3A_2484, %add3A_2486, %add3A_2488, %add3A_2497, %add3A_2499, %add3A_2501, %add3A_2503, %add3A_2512, %add3A_2514, %add3A_2516, %add3A_2518, %add3A_2527, %add3A_2529, %add3A_2531, %add3A_2533, %add3A_2542, %add3A_2544, %add3A_2546, %add3A_2548, %add3A_2557, %add3A_2559, %add3A_2561, %add3A_2563, %add3A_2572, %add3A_2574, %add3A_2576, %add3A_2578 : vector<16xf32>, vector<16xf32>, vector<16xf32>, vector<16xf32>, vector<16xf32>, vector<16xf32>, vector<16xf32>, vector<16xf32>, vector<16xf32>, vector<16xf32>, vector<16xf32>, vector<16xf32>, vector<16xf32>, vector<16xf32>, vector<16xf32>, vector<16xf32>, vector<16xf32>, vector<16xf32>, vector<16xf32>, vector<16xf32>, vector<16xf32>, vector<16xf32>, vector<16xf32>, vector<16xf32>, vector<16xf32>, vector<16xf32>, vector<16xf32>, vector<16xf32>, vector<16xf32>, vector<16xf32>, vector<16xf32>, vector<16xf32>, vector<16xf32>, vector<16xf32>, vector<16xf32>, vector<16xf32>, vector<16xf32>, vector<16xf32>, vector<16xf32>, vector<16xf32>
    }
    %scan3A_1835 = arith.constant 213 : i32
    %swap3A_1836 = arith.constant 0 : i32
    %swap3A_1837 = arith.index_cast %swap3A_1836 : i32 to index
    %swap3A_1838 = arith.constant 384 : index
    %swap3A_1839 = tpu.vector_load %arg8[%swap3A_1837, %swap3A_1838] {strides = array<i32>} : memref<10x512xf32, #tpu.memory_space<vmem>>, vector<1x16xf32>,
    %swap3A_1840 = vector.shape_cast %swap3A_1839 : vector<1x16xf32> to vector<16xf32>
    %swap3A_1841 = vector.shape_cast %scan3A_1834#0 : vector<16xf32> to vector<1x16xf32>
    tpu.vector_store %arg8[%swap3A_1837, %swap3A_1838], %swap3A_1841 {strides = array<i32>} : memref<10x512xf32, #tpu.memory_space<vmem>>, vector<1x16xf32>,
    %swap3A_1842 = arith.constant 0 : i32
    %swap3A_1843 = arith.index_cast %swap3A_1842 : i32 to index
    %swap3A_1844 = arith.constant 400 : index
    %swap3A_1845 = tpu.vector_load %arg8[%swap3A_1843, %swap3A_1844] {strides = array<i32>} : memref<10x512xf32, #tpu.memory_space<vmem>>, vector<1x16xf32>,
    %swap3A_1846 = vector.shape_cast %swap3A_1845 : vector<1x16xf32> to vector<16xf32>
    %swap3A_1847 = vector.shape_cast %scan3A_1834#1 : vector<16xf32> to vector<1x16xf32>
    tpu.vector_store %arg8[%swap3A_1843, %swap3A_1844], %swap3A_1847 {strides = array<i32>} : memref<10x512xf32, #tpu.memory_space<vmem>>, vector<1x16xf32>,
    %swap3A_1848 = arith.constant 0 : i32
    %swap3A_1849 = arith.index_cast %swap3A_1848 : i32 to index
    %swap3A_1850 = arith.constant 416 : index
    %swap3A_1851 = tpu.vector_load %arg8[%swap3A_1849, %swap3A_1850] {strides = array<i32>} : memref<10x512xf32, #tpu.memory_space<vmem>>, vector<1x16xf32>,
    %swap3A_1852 = vector.shape_cast %swap3A_1851 : vector<1x16xf32> to vector<16xf32>
    %swap3A_1853 = vector.shape_cast %scan3A_1834#2 : vector<16xf32> to vector<1x16xf32>
    tpu.vector_store %arg8[%swap3A_1849, %swap3A_1850], %swap3A_1853 {strides = array<i32>} : memref<10x512xf32, #tpu.memory_space<vmem>>, vector<1x16xf32>,
    %swap3A_1854 = arith.constant 0 : i32
    %swap3A_1855 = arith.index_cast %swap3A_1854 : i32 to index
    %swap3A_1856 = arith.constant 432 : index
    %swap3A_1857 = tpu.vector_load %arg8[%swap3A_1855, %swap3A_1856] {strides = array<i32>} : memref<10x512xf32, #tpu.memory_space<vmem>>, vector<1x16xf32>,
    %swap3A_1858 = vector.shape_cast %swap3A_1857 : vector<1x16xf32> to vector<16xf32>
    %swap3A_1859 = vector.shape_cast %scan3A_1834#3 : vector<16xf32> to vector<1x16xf32>
    tpu.vector_store %arg8[%swap3A_1855, %swap3A_1856], %swap3A_1859 {strides = array<i32>} : memref<10x512xf32, #tpu.memory_space<vmem>>, vector<1x16xf32>,
    %swap3A_1860 = arith.constant 1 : i32
    %swap3A_1861 = arith.index_cast %swap3A_1860 : i32 to index
    %swap3A_1862 = arith.constant 384 : index
    %swap3A_1863 = tpu.vector_load %arg8[%swap3A_1861, %swap3A_1862] {strides = array<i32>} : memref<10x512xf32, #tpu.memory_space<vmem>>, vector<1x16xf32>,
    %swap3A_1864 = vector.shape_cast %swap3A_1863 : vector<1x16xf32> to vector<16xf32>
    %swap3A_1865 = vector.shape_cast %scan3A_1834#4 : vector<16xf32> to vector<1x16xf32>
    tpu.vector_store %arg8[%swap3A_1861, %swap3A_1862], %swap3A_1865 {strides = array<i32>} : memref<10x512xf32, #tpu.memory_space<vmem>>, vector<1x16xf32>,
    %swap3A_1866 = arith.constant 1 : i32
    %swap3A_1867 = arith.index_cast %swap3A_1866 : i32 to index
    %swap3A_1868 = arith.constant 400 : index
    %swap3A_1869 = tpu.vector_load %arg8[%swap3A_1867, %swap3A_1868] {strides = array<i32>} : memref<10x512xf32, #tpu.memory_space<vmem>>, vector<1x16xf32>,
    %swap3A_1870 = vector.shape_cast %swap3A_1869 : vector<1x16xf32> to vector<16xf32>
    %swap3A_1871 = vector.shape_cast %scan3A_1834#5 : vector<16xf32> to vector<1x16xf32>
    tpu.vector_store %arg8[%swap3A_1867, %swap3A_1868], %swap3A_1871 {strides = array<i32>} : memref<10x512xf32, #tpu.memory_space<vmem>>, vector<1x16xf32>,
    %swap3A_1872 = arith.constant 1 : i32
    %swap3A_1873 = arith.index_cast %swap3A_1872 : i32 to index
    %swap3A_1874 = arith.constant 416 : index
    %swap3A_1875 = tpu.vector_load %arg8[%swap3A_1873, %swap3A_1874] {strides = array<i32>} : memref<10x512xf32, #tpu.memory_space<vmem>>, vector<1x16xf32>,
    %swap3A_1876 = vector.shape_cast %swap3A_1875 : vector<1x16xf32> to vector<16xf32>
    %swap3A_1877 = vector.shape_cast %scan3A_1834#6 : vector<16xf32> to vector<1x16xf32>
    tpu.vector_store %arg8[%swap3A_1873, %swap3A_1874], %swap3A_1877 {strides = array<i32>} : memref<10x512xf32, #tpu.memory_space<vmem>>, vector<1x16xf32>,
    %swap3A_1878 = arith.constant 1 : i32
    %swap3A_1879 = arith.index_cast %swap3A_1878 : i32 to index
    %swap3A_1880 = arith.constant 432 : index
    %swap3A_1881 = tpu.vector_load %arg8[%swap3A_1879, %swap3A_1880] {strides = array<i32>} : memref<10x512xf32, #tpu.memory_space<vmem>>, vector<1x16xf32>,
    %swap3A_1882 = vector.shape_cast %swap3A_1881 : vector<1x16xf32> to vector<16xf32>
    %swap3A_1883 = vector.shape_cast %scan3A_1834#7 : vector<16xf32> to vector<1x16xf32>
    tpu.vector_store %arg8[%swap3A_1879, %swap3A_1880], %swap3A_1883 {strides = array<i32>} : memref<10x512xf32, #tpu.memory_space<vmem>>, vector<1x16xf32>,
    %swap3A_1884 = arith.constant 2 : i32
    %swap3A_1885 = arith.index_cast %swap3A_1884 : i32 to index
    %swap3A_1886 = arith.constant 384 : index
    %swap3A_1887 = tpu.vector_load %arg8[%swap3A_1885, %swap3A_1886] {strides = array<i32>} : memref<10x512xf32, #tpu.memory_space<vmem>>, vector<1x16xf32>,
    %swap3A_1888 = vector.shape_cast %swap3A_1887 : vector<1x16xf32> to vector<16xf32>
    %swap3A_1889 = vector.shape_cast %scan3A_1834#8 : vector<16xf32> to vector<1x16xf32>
    tpu.vector_store %arg8[%swap3A_1885, %swap3A_1886], %swap3A_1889 {strides = array<i32>} : memref<10x512xf32, #tpu.memory_space<vmem>>, vector<1x16xf32>,
    %swap3A_1890 = arith.constant 2 : i32
    %swap3A_1891 = arith.index_cast %swap3A_1890 : i32 to index
    %swap3A_1892 = arith.constant 400 : index
    %swap3A_1893 = tpu.vector_load %arg8[%swap3A_1891, %swap3A_1892] {strides = array<i32>} : memref<10x512xf32, #tpu.memory_space<vmem>>, vector<1x16xf32>,
    %swap3A_1894 = vector.shape_cast %swap3A_1893 : vector<1x16xf32> to vector<16xf32>
    %swap3A_1895 = vector.shape_cast %scan3A_1834#9 : vector<16xf32> to vector<1x16xf32>
    tpu.vector_store %arg8[%swap3A_1891, %swap3A_1892], %swap3A_1895 {strides = array<i32>} : memref<10x512xf32, #tpu.memory_space<vmem>>, vector<1x16xf32>,
    %swap3A_1896 = arith.constant 2 : i32
    %swap3A_1897 = arith.index_cast %swap3A_1896 : i32 to index
    %swap3A_1898 = arith.constant 416 : index
    %swap3A_1899 = tpu.vector_load %arg8[%swap3A_1897, %swap3A_1898] {strides = array<i32>} : memref<10x512xf32, #tpu.memory_space<vmem>>, vector<1x16xf32>,
    %swap3A_1900 = vector.shape_cast %swap3A_1899 : vector<1x16xf32> to vector<16xf32>
    %swap3A_1901 = vector.shape_cast %scan3A_1834#10 : vector<16xf32> to vector<1x16xf32>
    tpu.vector_store %arg8[%swap3A_1897, %swap3A_1898], %swap3A_1901 {strides = array<i32>} : memref<10x512xf32, #tpu.memory_space<vmem>>, vector<1x16xf32>,
    %swap3A_1902 = arith.constant 2 : i32
    %swap3A_1903 = arith.index_cast %swap3A_1902 : i32 to index
    %swap3A_1904 = arith.constant 432 : index
    %swap3A_1905 = tpu.vector_load %arg8[%swap3A_1903, %swap3A_1904] {strides = array<i32>} : memref<10x512xf32, #tpu.memory_space<vmem>>, vector<1x16xf32>,
    %swap3A_1906 = vector.shape_cast %swap3A_1905 : vector<1x16xf32> to vector<16xf32>
    %swap3A_1907 = vector.shape_cast %scan3A_1834#11 : vector<16xf32> to vector<1x16xf32>
    tpu.vector_store %arg8[%swap3A_1903, %swap3A_1904], %swap3A_1907 {strides = array<i32>} : memref<10x512xf32, #tpu.memory_space<vmem>>, vector<1x16xf32>,
    %swap3A_1908 = arith.constant 3 : i32
    %swap3A_1909 = arith.index_cast %swap3A_1908 : i32 to index
    %swap3A_1910 = arith.constant 384 : index
    %swap3A_1911 = tpu.vector_load %arg8[%swap3A_1909, %swap3A_1910] {strides = array<i32>} : memref<10x512xf32, #tpu.memory_space<vmem>>, vector<1x16xf32>,
    %swap3A_1912 = vector.shape_cast %swap3A_1911 : vector<1x16xf32> to vector<16xf32>
    %swap3A_1913 = vector.shape_cast %scan3A_1834#12 : vector<16xf32> to vector<1x16xf32>
    tpu.vector_store %arg8[%swap3A_1909, %swap3A_1910], %swap3A_1913 {strides = array<i32>} : memref<10x512xf32, #tpu.memory_space<vmem>>, vector<1x16xf32>,
    %swap3A_1914 = arith.constant 3 : i32
    %swap3A_1915 = arith.index_cast %swap3A_1914 : i32 to index
    %swap3A_1916 = arith.constant 400 : index
    %swap3A_1917 = tpu.vector_load %arg8[%swap3A_1915, %swap3A_1916] {strides = array<i32>} : memref<10x512xf32, #tpu.memory_space<vmem>>, vector<1x16xf32>,
    %swap3A_1918 = vector.shape_cast %swap3A_1917 : vector<1x16xf32> to vector<16xf32>
    %swap3A_1919 = vector.shape_cast %scan3A_1834#13 : vector<16xf32> to vector<1x16xf32>
    tpu.vector_store %arg8[%swap3A_1915, %swap3A_1916], %swap3A_1919 {strides = array<i32>} : memref<10x512xf32, #tpu.memory_space<vmem>>, vector<1x16xf32>,
    %swap3A_1920 = arith.constant 3 : i32
    %swap3A_1921 = arith.index_cast %swap3A_1920 : i32 to index
    %swap3A_1922 = arith.constant 416 : index
    %swap3A_1923 = tpu.vector_load %arg8[%swap3A_1921, %swap3A_1922] {strides = array<i32>} : memref<10x512xf32, #tpu.memory_space<vmem>>, vector<1x16xf32>,
    %swap3A_1924 = vector.shape_cast %swap3A_1923 : vector<1x16xf32> to vector<16xf32>
    %swap3A_1925 = vector.shape_cast %scan3A_1834#14 : vector<16xf32> to vector<1x16xf32>
    tpu.vector_store %arg8[%swap3A_1921, %swap3A_1922], %swap3A_1925 {strides = array<i32>} : memref<10x512xf32, #tpu.memory_space<vmem>>, vector<1x16xf32>,
    %swap3A_1926 = arith.constant 3 : i32
    %swap3A_1927 = arith.index_cast %swap3A_1926 : i32 to index
    %swap3A_1928 = arith.constant 432 : index
    %swap3A_1929 = tpu.vector_load %arg8[%swap3A_1927, %swap3A_1928] {strides = array<i32>} : memref<10x512xf32, #tpu.memory_space<vmem>>, vector<1x16xf32>,
    %swap3A_1930 = vector.shape_cast %swap3A_1929 : vector<1x16xf32> to vector<16xf32>
    %swap3A_1931 = vector.shape_cast %scan3A_1834#15 : vector<16xf32> to vector<1x16xf32>
    tpu.vector_store %arg8[%swap3A_1927, %swap3A_1928], %swap3A_1931 {strides = array<i32>} : memref<10x512xf32, #tpu.memory_space<vmem>>, vector<1x16xf32>,
    %swap3A_1932 = arith.constant 4 : i32
    %swap3A_1933 = arith.index_cast %swap3A_1932 : i32 to index
    %swap3A_1934 = arith.constant 384 : index
    %swap3A_1935 = tpu.vector_load %arg8[%swap3A_1933, %swap3A_1934] {strides = array<i32>} : memref<10x512xf32, #tpu.memory_space<vmem>>, vector<1x16xf32>,
    %swap3A_1936 = vector.shape_cast %swap3A_1935 : vector<1x16xf32> to vector<16xf32>
    %swap3A_1937 = vector.shape_cast %scan3A_1834#16 : vector<16xf32> to vector<1x16xf32>
    tpu.vector_store %arg8[%swap3A_1933, %swap3A_1934], %swap3A_1937 {strides = array<i32>} : memref<10x512xf32, #tpu.memory_space<vmem>>, vector<1x16xf32>,
    %swap3A_1938 = arith.constant 4 : i32
    %swap3A_1939 = arith.index_cast %swap3A_1938 : i32 to index
    %swap3A_1940 = arith.constant 400 : index
    %swap3A_1941 = tpu.vector_load %arg8[%swap3A_1939, %swap3A_1940] {strides = array<i32>} : memref<10x512xf32, #tpu.memory_space<vmem>>, vector<1x16xf32>,
    %swap3A_1942 = vector.shape_cast %swap3A_1941 : vector<1x16xf32> to vector<16xf32>
    %swap3A_1943 = vector.shape_cast %scan3A_1834#17 : vector<16xf32> to vector<1x16xf32>
    tpu.vector_store %arg8[%swap3A_1939, %swap3A_1940], %swap3A_1943 {strides = array<i32>} : memref<10x512xf32, #tpu.memory_space<vmem>>, vector<1x16xf32>,
    %swap3A_1944 = arith.constant 4 : i32
    %swap3A_1945 = arith.index_cast %swap3A_1944 : i32 to index
    %swap3A_1946 = arith.constant 416 : index
    %swap3A_1947 = tpu.vector_load %arg8[%swap3A_1945, %swap3A_1946] {strides = array<i32>} : memref<10x512xf32, #tpu.memory_space<vmem>>, vector<1x16xf32>,
    %swap3A_1948 = vector.shape_cast %swap3A_1947 : vector<1x16xf32> to vector<16xf32>
    %swap3A_1949 = vector.shape_cast %scan3A_1834#18 : vector<16xf32> to vector<1x16xf32>
    tpu.vector_store %arg8[%swap3A_1945, %swap3A_1946], %swap3A_1949 {strides = array<i32>} : memref<10x512xf32, #tpu.memory_space<vmem>>, vector<1x16xf32>,
    %swap3A_1950 = arith.constant 4 : i32
    %swap3A_1951 = arith.index_cast %swap3A_1950 : i32 to index
    %swap3A_1952 = arith.constant 432 : index
    %swap3A_1953 = tpu.vector_load %arg8[%swap3A_1951, %swap3A_1952] {strides = array<i32>} : memref<10x512xf32, #tpu.memory_space<vmem>>, vector<1x16xf32>,
    %swap3A_1954 = vector.shape_cast %swap3A_1953 : vector<1x16xf32> to vector<16xf32>
    %swap3A_1955 = vector.shape_cast %scan3A_1834#19 : vector<16xf32> to vector<1x16xf32>
    tpu.vector_store %arg8[%swap3A_1951, %swap3A_1952], %swap3A_1955 {strides = array<i32>} : memref<10x512xf32, #tpu.memory_space<vmem>>, vector<1x16xf32>,
    %swap3A_1956 = arith.constant 5 : i32
    %swap3A_1957 = arith.index_cast %swap3A_1956 : i32 to index
    %swap3A_1958 = arith.constant 384 : index
    %swap3A_1959 = tpu.vector_load %arg8[%swap3A_1957, %swap3A_1958] {strides = array<i32>} : memref<10x512xf32, #tpu.memory_space<vmem>>, vector<1x16xf32>,
    %swap3A_1960 = vector.shape_cast %swap3A_1959 : vector<1x16xf32> to vector<16xf32>
    %swap3A_1961 = vector.shape_cast %scan3A_1834#20 : vector<16xf32> to vector<1x16xf32>
    tpu.vector_store %arg8[%swap3A_1957, %swap3A_1958], %swap3A_1961 {strides = array<i32>} : memref<10x512xf32, #tpu.memory_space<vmem>>, vector<1x16xf32>,
    %swap3A_1962 = arith.constant 5 : i32
    %swap3A_1963 = arith.index_cast %swap3A_1962 : i32 to index
    %swap3A_1964 = arith.constant 400 : index
    %swap3A_1965 = tpu.vector_load %arg8[%swap3A_1963, %swap3A_1964] {strides = array<i32>} : memref<10x512xf32, #tpu.memory_space<vmem>>, vector<1x16xf32>,
    %swap3A_1966 = vector.shape_cast %swap3A_1965 : vector<1x16xf32> to vector<16xf32>
    %swap3A_1967 = vector.shape_cast %scan3A_1834#21 : vector<16xf32> to vector<1x16xf32>
    tpu.vector_store %arg8[%swap3A_1963, %swap3A_1964], %swap3A_1967 {strides = array<i32>} : memref<10x512xf32, #tpu.memory_space<vmem>>, vector<1x16xf32>,
    %swap3A_1968 = arith.constant 5 : i32
    %swap3A_1969 = arith.index_cast %swap3A_1968 : i32 to index
    %swap3A_1970 = arith.constant 416 : index
    %swap3A_1971 = tpu.vector_load %arg8[%swap3A_1969, %swap3A_1970] {strides = array<i32>} : memref<10x512xf32, #tpu.memory_space<vmem>>, vector<1x16xf32>,
    %swap3A_1972 = vector.shape_cast %swap3A_1971 : vector<1x16xf32> to vector<16xf32>
    %swap3A_1973 = vector.shape_cast %scan3A_1834#22 : vector<16xf32> to vector<1x16xf32>
    tpu.vector_store %arg8[%swap3A_1969, %swap3A_1970], %swap3A_1973 {strides = array<i32>} : memref<10x512xf32, #tpu.memory_space<vmem>>, vector<1x16xf32>,
    %swap3A_1974 = arith.constant 5 : i32
    %swap3A_1975 = arith.index_cast %swap3A_1974 : i32 to index
    %swap3A_1976 = arith.constant 432 : index
    %swap3A_1977 = tpu.vector_load %arg8[%swap3A_1975, %swap3A_1976] {strides = array<i32>} : memref<10x512xf32, #tpu.memory_space<vmem>>, vector<1x16xf32>,
    %swap3A_1978 = vector.shape_cast %swap3A_1977 : vector<1x16xf32> to vector<16xf32>
    %swap3A_1979 = vector.shape_cast %scan3A_1834#23 : vector<16xf32> to vector<1x16xf32>
    tpu.vector_store %arg8[%swap3A_1975, %swap3A_1976], %swap3A_1979 {strides = array<i32>} : memref<10x512xf32, #tpu.memory_space<vmem>>, vector<1x16xf32>,
    %swap3A_1980 = arith.constant 6 : i32
    %swap3A_1981 = arith.index_cast %swap3A_1980 : i32 to index
    %swap3A_1982 = arith.constant 384 : index
    %swap3A_1983 = tpu.vector_load %arg8[%swap3A_1981, %swap3A_1982] {strides = array<i32>} : memref<10x512xf32, #tpu.memory_space<vmem>>, vector<1x16xf32>,
    %swap3A_1984 = vector.shape_cast %swap3A_1983 : vector<1x16xf32> to vector<16xf32>
    %swap3A_1985 = vector.shape_cast %scan3A_1834#24 : vector<16xf32> to vector<1x16xf32>
    tpu.vector_store %arg8[%swap3A_1981, %swap3A_1982], %swap3A_1985 {strides = array<i32>} : memref<10x512xf32, #tpu.memory_space<vmem>>, vector<1x16xf32>,
    %swap3A_1986 = arith.constant 6 : i32
    %swap3A_1987 = arith.index_cast %swap3A_1986 : i32 to index
    %swap3A_1988 = arith.constant 400 : index
    %swap3A_1989 = tpu.vector_load %arg8[%swap3A_1987, %swap3A_1988] {strides = array<i32>} : memref<10x512xf32, #tpu.memory_space<vmem>>, vector<1x16xf32>,
    %swap3A_1990 = vector.shape_cast %swap3A_1989 : vector<1x16xf32> to vector<16xf32>
    %swap3A_1991 = vector.shape_cast %scan3A_1834#25 : vector<16xf32> to vector<1x16xf32>
    tpu.vector_store %arg8[%swap3A_1987, %swap3A_1988], %swap3A_1991 {strides = array<i32>} : memref<10x512xf32, #tpu.memory_space<vmem>>, vector<1x16xf32>,
    %swap3A_1992 = arith.constant 6 : i32
    %swap3A_1993 = arith.index_cast %swap3A_1992 : i32 to index
    %swap3A_1994 = arith.constant 416 : index
    %swap3A_1995 = tpu.vector_load %arg8[%swap3A_1993, %swap3A_1994] {strides = array<i32>} : memref<10x512xf32, #tpu.memory_space<vmem>>, vector<1x16xf32>,
    %swap3A_1996 = vector.shape_cast %swap3A_1995 : vector<1x16xf32> to vector<16xf32>
    %swap3A_1997 = vector.shape_cast %scan3A_1834#26 : vector<16xf32> to vector<1x16xf32>
    tpu.vector_store %arg8[%swap3A_1993, %swap3A_1994], %swap3A_1997 {strides = array<i32>} : memref<10x512xf32, #tpu.memory_space<vmem>>, vector<1x16xf32>,
    %swap3A_1998 = arith.constant 6 : i32
    %swap3A_1999 = arith.index_cast %swap3A_1998 : i32 to index
    %swap3A_2000 = arith.constant 432 : index
    %swap3A_2001 = tpu.vector_load %arg8[%swap3A_1999, %swap3A_2000] {strides = array<i32>} : memref<10x512xf32, #tpu.memory_space<vmem>>, vector<1x16xf32>,
    %swap3A_2002 = vector.shape_cast %swap3A_2001 : vector<1x16xf32> to vector<16xf32>
    %swap3A_2003 = vector.shape_cast %scan3A_1834#27 : vector<16xf32> to vector<1x16xf32>
    tpu.vector_store %arg8[%swap3A_1999, %swap3A_2000], %swap3A_2003 {strides = array<i32>} : memref<10x512xf32, #tpu.memory_space<vmem>>, vector<1x16xf32>,
    %swap3A_2004 = arith.constant 7 : i32
    %swap3A_2005 = arith.index_cast %swap3A_2004 : i32 to index
    %swap3A_2006 = arith.constant 384 : index
    %swap3A_2007 = tpu.vector_load %arg8[%swap3A_2005, %swap3A_2006] {strides = array<i32>} : memref<10x512xf32, #tpu.memory_space<vmem>>, vector<1x16xf32>,
    %swap3A_2008 = vector.shape_cast %swap3A_2007 : vector<1x16xf32> to vector<16xf32>
    %swap3A_2009 = vector.shape_cast %scan3A_1834#28 : vector<16xf32> to vector<1x16xf32>
    tpu.vector_store %arg8[%swap3A_2005, %swap3A_2006], %swap3A_2009 {strides = array<i32>} : memref<10x512xf32, #tpu.memory_space<vmem>>, vector<1x16xf32>,
    %swap3A_2010 = arith.constant 7 : i32
    %swap3A_2011 = arith.index_cast %swap3A_2010 : i32 to index
    %swap3A_2012 = arith.constant 400 : index
    %swap3A_2013 = tpu.vector_load %arg8[%swap3A_2011, %swap3A_2012] {strides = array<i32>} : memref<10x512xf32, #tpu.memory_space<vmem>>, vector<1x16xf32>,
    %swap3A_2014 = vector.shape_cast %swap3A_2013 : vector<1x16xf32> to vector<16xf32>
    %swap3A_2015 = vector.shape_cast %scan3A_1834#29 : vector<16xf32> to vector<1x16xf32>
    tpu.vector_store %arg8[%swap3A_2011, %swap3A_2012], %swap3A_2015 {strides = array<i32>} : memref<10x512xf32, #tpu.memory_space<vmem>>, vector<1x16xf32>,
    %swap3A_2016 = arith.constant 7 : i32
    %swap3A_2017 = arith.index_cast %swap3A_2016 : i32 to index
    %swap3A_2018 = arith.constant 416 : index
    %swap3A_2019 = tpu.vector_load %arg8[%swap3A_2017, %swap3A_2018] {strides = array<i32>} : memref<10x512xf32, #tpu.memory_space<vmem>>, vector<1x16xf32>,
    %swap3A_2020 = vector.shape_cast %swap3A_2019 : vector<1x16xf32> to vector<16xf32>
    %swap3A_2021 = vector.shape_cast %scan3A_1834#30 : vector<16xf32> to vector<1x16xf32>
    tpu.vector_store %arg8[%swap3A_2017, %swap3A_2018], %swap3A_2021 {strides = array<i32>} : memref<10x512xf32, #tpu.memory_space<vmem>>, vector<1x16xf32>,
    %swap3A_2022 = arith.constant 7 : i32
    %swap3A_2023 = arith.index_cast %swap3A_2022 : i32 to index
    %swap3A_2024 = arith.constant 432 : index
    %swap3A_2025 = tpu.vector_load %arg8[%swap3A_2023, %swap3A_2024] {strides = array<i32>} : memref<10x512xf32, #tpu.memory_space<vmem>>, vector<1x16xf32>,
    %swap3A_2026 = vector.shape_cast %swap3A_2025 : vector<1x16xf32> to vector<16xf32>
    %swap3A_2027 = vector.shape_cast %scan3A_1834#31 : vector<16xf32> to vector<1x16xf32>
    tpu.vector_store %arg8[%swap3A_2023, %swap3A_2024], %swap3A_2027 {strides = array<i32>} : memref<10x512xf32, #tpu.memory_space<vmem>>, vector<1x16xf32>,
    %swap3A_2028 = arith.constant 8 : i32
    %swap3A_2029 = arith.index_cast %swap3A_2028 : i32 to index
    %swap3A_2030 = arith.constant 384 : index
    %swap3A_2031 = tpu.vector_load %arg8[%swap3A_2029, %swap3A_2030] {strides = array<i32>} : memref<10x512xf32, #tpu.memory_space<vmem>>, vector<1x16xf32>,
    %swap3A_2032 = vector.shape_cast %swap3A_2031 : vector<1x16xf32> to vector<16xf32>
    %swap3A_2033 = vector.shape_cast %scan3A_1834#32 : vector<16xf32> to vector<1x16xf32>
    tpu.vector_store %arg8[%swap3A_2029, %swap3A_2030], %swap3A_2033 {strides = array<i32>} : memref<10x512xf32, #tpu.memory_space<vmem>>, vector<1x16xf32>,
    %swap3A_2034 = arith.constant 8 : i32
    %swap3A_2035 = arith.index_cast %swap3A_2034 : i32 to index
    %swap3A_2036 = arith.constant 400 : index
    %swap3A_2037 = tpu.vector_load %arg8[%swap3A_2035, %swap3A_2036] {strides = array<i32>} : memref<10x512xf32, #tpu.memory_space<vmem>>, vector<1x16xf32>,
    %swap3A_2038 = vector.shape_cast %swap3A_2037 : vector<1x16xf32> to vector<16xf32>
    %swap3A_2039 = vector.shape_cast %scan3A_1834#33 : vector<16xf32> to vector<1x16xf32>
    tpu.vector_store %arg8[%swap3A_2035, %swap3A_2036], %swap3A_2039 {strides = array<i32>} : memref<10x512xf32, #tpu.memory_space<vmem>>, vector<1x16xf32>,
    %swap3A_2040 = arith.constant 8 : i32
    %swap3A_2041 = arith.index_cast %swap3A_2040 : i32 to index
    %swap3A_2042 = arith.constant 416 : index
    %swap3A_2043 = tpu.vector_load %arg8[%swap3A_2041, %swap3A_2042] {strides = array<i32>} : memref<10x512xf32, #tpu.memory_space<vmem>>, vector<1x16xf32>,
    %swap3A_2044 = vector.shape_cast %swap3A_2043 : vector<1x16xf32> to vector<16xf32>
    %swap3A_2045 = vector.shape_cast %scan3A_1834#34 : vector<16xf32> to vector<1x16xf32>
    tpu.vector_store %arg8[%swap3A_2041, %swap3A_2042], %swap3A_2045 {strides = array<i32>} : memref<10x512xf32, #tpu.memory_space<vmem>>, vector<1x16xf32>,
    %swap3A_2046 = arith.constant 8 : i32
    %swap3A_2047 = arith.index_cast %swap3A_2046 : i32 to index
    %swap3A_2048 = arith.constant 432 : index
    %swap3A_2049 = tpu.vector_load %arg8[%swap3A_2047, %swap3A_2048] {strides = array<i32>} : memref<10x512xf32, #tpu.memory_space<vmem>>, vector<1x16xf32>,
    %swap3A_2050 = vector.shape_cast %swap3A_2049 : vector<1x16xf32> to vector<16xf32>
    %swap3A_2051 = vector.shape_cast %scan3A_1834#35 : vector<16xf32> to vector<1x16xf32>
    tpu.vector_store %arg8[%swap3A_2047, %swap3A_2048], %swap3A_2051 {strides = array<i32>} : memref<10x512xf32, #tpu.memory_space<vmem>>, vector<1x16xf32>,
    %swap3A_2052 = arith.constant 9 : i32
    %swap3A_2053 = arith.index_cast %swap3A_2052 : i32 to index
    %swap3A_2054 = arith.constant 384 : index
    %swap3A_2055 = tpu.vector_load %arg8[%swap3A_2053, %swap3A_2054] {strides = array<i32>} : memref<10x512xf32, #tpu.memory_space<vmem>>, vector<1x16xf32>,
    %swap3A_2056 = vector.shape_cast %swap3A_2055 : vector<1x16xf32> to vector<16xf32>
    %swap3A_2057 = vector.shape_cast %scan3A_1834#36 : vector<16xf32> to vector<1x16xf32>
    tpu.vector_store %arg8[%swap3A_2053, %swap3A_2054], %swap3A_2057 {strides = array<i32>} : memref<10x512xf32, #tpu.memory_space<vmem>>, vector<1x16xf32>,
    %swap3A_2058 = arith.constant 9 : i32
    %swap3A_2059 = arith.index_cast %swap3A_2058 : i32 to index
    %swap3A_2060 = arith.constant 400 : index
    %swap3A_2061 = tpu.vector_load %arg8[%swap3A_2059, %swap3A_2060] {strides = array<i32>} : memref<10x512xf32, #tpu.memory_space<vmem>>, vector<1x16xf32>,
    %swap3A_2062 = vector.shape_cast %swap3A_2061 : vector<1x16xf32> to vector<16xf32>
    %swap3A_2063 = vector.shape_cast %scan3A_1834#37 : vector<16xf32> to vector<1x16xf32>
    tpu.vector_store %arg8[%swap3A_2059, %swap3A_2060], %swap3A_2063 {strides = array<i32>} : memref<10x512xf32, #tpu.memory_space<vmem>>, vector<1x16xf32>,
    %swap3A_2064 = arith.constant 9 : i32
    %swap3A_2065 = arith.index_cast %swap3A_2064 : i32 to index
    %swap3A_2066 = arith.constant 416 : index
    %swap3A_2067 = tpu.vector_load %arg8[%swap3A_2065, %swap3A_2066] {strides = array<i32>} : memref<10x512xf32, #tpu.memory_space<vmem>>, vector<1x16xf32>,
    %swap3A_2068 = vector.shape_cast %swap3A_2067 : vector<1x16xf32> to vector<16xf32>
    %swap3A_2069 = vector.shape_cast %scan3A_1834#38 : vector<16xf32> to vector<1x16xf32>
    tpu.vector_store %arg8[%swap3A_2065, %swap3A_2066], %swap3A_2069 {strides = array<i32>} : memref<10x512xf32, #tpu.memory_space<vmem>>, vector<1x16xf32>,
    %swap3A_2070 = arith.constant 9 : i32
    %swap3A_2071 = arith.index_cast %swap3A_2070 : i32 to index
    %swap3A_2072 = arith.constant 432 : index
    %swap3A_2073 = tpu.vector_load %arg8[%swap3A_2071, %swap3A_2072] {strides = array<i32>} : memref<10x512xf32, #tpu.memory_space<vmem>>, vector<1x16xf32>,
    %swap3A_2074 = vector.shape_cast %swap3A_2073 : vector<1x16xf32> to vector<16xf32>
    %swap3A_2075 = vector.shape_cast %scan3A_1834#39 : vector<16xf32> to vector<1x16xf32>
    tpu.vector_store %arg8[%swap3A_2071, %swap3A_2072], %swap3A_2075 {strides = array<i32>} : memref<10x512xf32, #tpu.memory_space<vmem>>, vector<1x16xf32>,
    %get3A_2076 = arith.constant 0 : i32
    %get3A_2077 = arith.index_cast %get3A_2076 : i32 to index
    %get3A_2078 = arith.constant 0 : index
    %get3A_2079 = tpu.vector_load %arg9[%get3A_2077, %get3A_2078] {strides = array<i32>} : memref<10x16xf32, #tpu.memory_space<vmem>>, vector<1x16xf32>,
    %get3A_2080 = vector.shape_cast %get3A_2079 : vector<1x16xf32> to vector<16xf32>
    %get3A_2081 = arith.constant 1 : i32
    %get3A_2082 = arith.index_cast %get3A_2081 : i32 to index
    %get3A_2083 = arith.constant 0 : index
    %get3A_2084 = tpu.vector_load %arg9[%get3A_2082, %get3A_2083] {strides = array<i32>} : memref<10x16xf32, #tpu.memory_space<vmem>>, vector<1x16xf32>,
    %get3A_2085 = vector.shape_cast %get3A_2084 : vector<1x16xf32> to vector<16xf32>
    %get3A_2086 = arith.constant 2 : i32
    %get3A_2087 = arith.index_cast %get3A_2086 : i32 to index
    %get3A_2088 = arith.constant 0 : index
    %get3A_2089 = tpu.vector_load %arg9[%get3A_2087, %get3A_2088] {strides = array<i32>} : memref<10x16xf32, #tpu.memory_space<vmem>>, vector<1x16xf32>,
    %get3A_2090 = vector.shape_cast %get3A_2089 : vector<1x16xf32> to vector<16xf32>
    %get3A_2091 = arith.constant 3 : i32
    %get3A_2092 = arith.index_cast %get3A_2091 : i32 to index
    %get3A_2093 = arith.constant 0 : index
    %get3A_2094 = tpu.vector_load %arg9[%get3A_2092, %get3A_2093] {strides = array<i32>} : memref<10x16xf32, #tpu.memory_space<vmem>>, vector<1x16xf32>,
    %get3A_2095 = vector.shape_cast %get3A_2094 : vector<1x16xf32> to vector<16xf32>
    %get3A_2096 = arith.constant 4 : i32
    %get3A_2097 = arith.index_cast %get3A_2096 : i32 to index
    %get3A_2098 = arith.constant 0 : index
    %get3A_2099 = tpu.vector_load %arg9[%get3A_2097, %get3A_2098] {strides = array<i32>} : memref<10x16xf32, #tpu.memory_space<vmem>>, vector<1x16xf32>,
    %get3A_2100 = vector.shape_cast %get3A_2099 : vector<1x16xf32> to vector<16xf32>
    %get3A_2101 = arith.constant 5 : i32
    %get3A_2102 = arith.index_cast %get3A_2101 : i32 to index
    %get3A_2103 = arith.constant 0 : index
    %get3A_2104 = tpu.vector_load %arg9[%get3A_2102, %get3A_2103] {strides = array<i32>} : memref<10x16xf32, #tpu.memory_space<vmem>>, vector<1x16xf32>,
    %get3A_2105 = vector.shape_cast %get3A_2104 : vector<1x16xf32> to vector<16xf32>
    %get3A_2106 = arith.constant 6 : i32
    %get3A_2107 = arith.index_cast %get3A_2106 : i32 to index
    %get3A_2108 = arith.constant 0 : index
    %get3A_2109 = tpu.vector_load %arg9[%get3A_2107, %get3A_2108] {strides = array<i32>} : memref<10x16xf32, #tpu.memory_space<vmem>>, vector<1x16xf32>,
    %get3A_2110 = vector.shape_cast %get3A_2109 : vector<1x16xf32> to vector<16xf32>
    %get3A_2111 = arith.constant 7 : i32
    %get3A_2112 = arith.index_cast %get3A_2111 : i32 to index
    %get3A_2113 = arith.constant 0 : index
    %get3A_2114 = tpu.vector_load %arg9[%get3A_2112, %get3A_2113] {strides = array<i32>} : memref<10x16xf32, #tpu.memory_space<vmem>>, vector<1x16xf32>,
    %get3A_2115 = vector.shape_cast %get3A_2114 : vector<1x16xf32> to vector<16xf32>
    %get3A_2116 = arith.constant 8 : i32
    %get3A_2117 = arith.index_cast %get3A_2116 : i32 to index
    %get3A_2118 = arith.constant 0 : index
    %get3A_2119 = tpu.vector_load %arg9[%get3A_2117, %get3A_2118] {strides = array<i32>} : memref<10x16xf32, #tpu.memory_space<vmem>>, vector<1x16xf32>,
    %get3A_2120 = vector.shape_cast %get3A_2119 : vector<1x16xf32> to vector<16xf32>
    %get3A_2121 = arith.constant 9 : i32
    %get3A_2122 = arith.index_cast %get3A_2121 : i32 to index
    %get3A_2123 = arith.constant 0 : index
    %get3A_2124 = tpu.vector_load %arg9[%get3A_2122, %get3A_2123] {strides = array<i32>} : memref<10x16xf32, #tpu.memory_space<vmem>>, vector<1x16xf32>,
    %get3A_2125 = vector.shape_cast %get3A_2124 : vector<1x16xf32> to vector<16xf32>
    %scan3A_2126 = arith.constant 0 : i32
    %scan3A_2127 = arith.constant 213 : i32
    %scan3A_2128 = arith.addi %scan3A_2126, %scan3A_2127 : i32
    %scan3A_2129 = arith.constant 1 : i32
    %scan3A_2130:40 = scf.for %scan3A_2372 = %scan3A_2126 to %scan3A_2128 step %scan3A_2129 iter_args(%scan3A_2373 = %get3A_2080, %scan3A_2374 = %get3A_2080, %scan3A_2375 = %get3A_2080, %scan3A_2376 = %get3A_2080, %scan3A_2377 = %get3A_2085, %scan3A_2378 = %get3A_2085, %scan3A_2379 = %get3A_2085, %scan3A_2380 = %get3A_2085, %scan3A_2381 = %get3A_2090, %scan3A_2382 = %get3A_2090, %scan3A_2383 = %get3A_2090, %scan3A_2384 = %get3A_2090, %scan3A_2385 = %get3A_2095, %scan3A_2386 = %get3A_2095, %scan3A_2387 = %get3A_2095, %scan3A_2388 = %get3A_2095, %scan3A_2389 = %get3A_2100, %scan3A_2390 = %get3A_2100, %scan3A_2391 = %get3A_2100, %scan3A_2392 = %get3A_2100, %scan3A_2393 = %get3A_2105, %scan3A_2394 = %get3A_2105, %scan3A_2395 = %get3A_2105, %scan3A_2396 = %get3A_2105, %scan3A_2397 = %get3A_2110, %scan3A_2398 = %get3A_2110, %scan3A_2399 = %get3A_2110, %scan3A_2400 = %get3A_2110, %scan3A_2401 = %get3A_2115, %scan3A_2402 = %get3A_2115, %scan3A_2403 = %get3A_2115, %scan3A_2404 = %get3A_2115, %scan3A_2405 = %get3A_2120, %scan3A_2406 = %get3A_2120, %scan3A_2407 = %get3A_2120, %scan3A_2408 = %get3A_2120, %scan3A_2409 = %get3A_2125, %scan3A_2410 = %get3A_2125, %scan3A_2411 = %get3A_2125, %scan3A_2412 = %get3A_2125) -> (vector<16xf32>, vector<16xf32>, vector<16xf32>, vector<16xf32>, vector<16xf32>, vector<16xf32>, vector<16xf32>, vector<16xf32>, vector<16xf32>, vector<16xf32>, vector<16xf32>, vector<16xf32>, vector<16xf32>, vector<16xf32>, vector<16xf32>, vector<16xf32>, vector<16xf32>, vector<16xf32>, vector<16xf32>, vector<16xf32>, vector<16xf32>, vector<16xf32>, vector<16xf32>, vector<16xf32>, vector<16xf32>, vector<16xf32>, vector<16xf32>, vector<16xf32>, vector<16xf32>, vector<16xf32>, vector<16xf32>, vector<16xf32>, vector<16xf32>, vector<16xf32>, vector<16xf32>, vector<16xf32>, vector<16xf32>, vector<16xf32>, vector<16xf32>, vector<16xf32>)  : i32 {
      %get3A_2413 = arith.index_cast %scan3A_2372 : i32 to index
      %get3A_2414 = arith.constant 192 : index
      %get3A_2415 = tpu.vector_load %arg6[%get3A_2413, %get3A_2414] {strides = array<i32>} : memref<213x256xf32, #tpu.memory_space<vmem>>, vector<1x16xf32>,
      %get3A_2416 = vector.shape_cast %get3A_2415 : vector<1x16xf32> to vector<16xf32>
      %get3A_2417 = arith.index_cast %scan3A_2372 : i32 to index
      %get3A_2418 = arith.constant 208 : index
      %get3A_2419 = tpu.vector_load %arg6[%get3A_2417, %get3A_2418] {strides = array<i32>} : memref<213x256xf32, #tpu.memory_space<vmem>>, vector<1x16xf32>,
      %get3A_2420 = vector.shape_cast %get3A_2419 : vector<1x16xf32> to vector<16xf32>
      %get3A_2421 = arith.index_cast %scan3A_2372 : i32 to index
      %get3A_2422 = arith.constant 224 : index
      %get3A_2423 = tpu.vector_load %arg6[%get3A_2421, %get3A_2422] {strides = array<i32>} : memref<213x256xf32, #tpu.memory_space<vmem>>, vector<1x16xf32>,
      %get3A_2424 = vector.shape_cast %get3A_2423 : vector<1x16xf32> to vector<16xf32>
      %get3A_2425 = arith.index_cast %scan3A_2372 : i32 to index
      %get3A_2426 = arith.constant 240 : index
      %get3A_2427 = tpu.vector_load %arg6[%get3A_2425, %get3A_2426] {strides = array<i32>} : memref<213x256xf32, #tpu.memory_space<vmem>>, vector<1x16xf32>,
      %get3A_2428 = vector.shape_cast %get3A_2427 : vector<1x16xf32> to vector<16xf32>
      %mul3A_2429 = arith.constant 16 : i32
      %mul3A_2430 = arith.muli %scan3A_2372, %mul3A_2429 : i32
      %get3A_2431 = arith.constant 0 : i32
      %get3A_2432 = arith.index_cast %get3A_2431 : i32 to index
      %get3A_2433 = arith.index_cast %mul3A_2430 : i32 to index
      %get3A_2434 = tpu.vector_load %arg7[%get3A_2432, %get3A_2433] {strides = array<i32>} : memref<10x3408xf32, #tpu.memory_space<vmem>>, vector<1x16xf32>,
      %get3A_2435 = vector.shape_cast %get3A_2434 : vector<1x16xf32> to vector<16xf32>
      %mul3A_2436 = arith.mulf %get3A_2416, %get3A_2435 : vector<16xf32>
      %add3A_2437 = arith.addf %scan3A_2373, %mul3A_2436 : vector<16xf32>
      %mul3A_2438 = arith.mulf %get3A_2420, %get3A_2435 : vector<16xf32>
      %add3A_2439 = arith.addf %scan3A_2374, %mul3A_2438 : vector<16xf32>
      %mul3A_2440 = arith.mulf %get3A_2424, %get3A_2435 : vector<16xf32>
      %add3A_2441 = arith.addf %scan3A_2375, %mul3A_2440 : vector<16xf32>
      %mul3A_2442 = arith.mulf %get3A_2428, %get3A_2435 : vector<16xf32>
      %add3A_2443 = arith.addf %scan3A_2376, %mul3A_2442 : vector<16xf32>
      %mul3A_2444 = arith.constant 16 : i32
      %mul3A_2445 = arith.muli %scan3A_2372, %mul3A_2444 : i32
      %get3A_2446 = arith.constant 1 : i32
      %get3A_2447 = arith.index_cast %get3A_2446 : i32 to index
      %get3A_2448 = arith.index_cast %mul3A_2445 : i32 to index
      %get3A_2449 = tpu.vector_load %arg7[%get3A_2447, %get3A_2448] {strides = array<i32>} : memref<10x3408xf32, #tpu.memory_space<vmem>>, vector<1x16xf32>,
      %get3A_2450 = vector.shape_cast %get3A_2449 : vector<1x16xf32> to vector<16xf32>
      %mul3A_2451 = arith.mulf %get3A_2416, %get3A_2450 : vector<16xf32>
      %add3A_2452 = arith.addf %scan3A_2377, %mul3A_2451 : vector<16xf32>
      %mul3A_2453 = arith.mulf %get3A_2420, %get3A_2450 : vector<16xf32>
      %add3A_2454 = arith.addf %scan3A_2378, %mul3A_2453 : vector<16xf32>
      %mul3A_2455 = arith.mulf %get3A_2424, %get3A_2450 : vector<16xf32>
      %add3A_2456 = arith.addf %scan3A_2379, %mul3A_2455 : vector<16xf32>
      %mul3A_2457 = arith.mulf %get3A_2428, %get3A_2450 : vector<16xf32>
      %add3A_2458 = arith.addf %scan3A_2380, %mul3A_2457 : vector<16xf32>
      %mul3A_2459 = arith.constant 16 : i32
      %mul3A_2460 = arith.muli %scan3A_2372, %mul3A_2459 : i32
      %get3A_2461 = arith.constant 2 : i32
      %get3A_2462 = arith.index_cast %get3A_2461 : i32 to index
      %get3A_2463 = arith.index_cast %mul3A_2460 : i32 to index
      %get3A_2464 = tpu.vector_load %arg7[%get3A_2462, %get3A_2463] {strides = array<i32>} : memref<10x3408xf32, #tpu.memory_space<vmem>>, vector<1x16xf32>,
      %get3A_2465 = vector.shape_cast %get3A_2464 : vector<1x16xf32> to vector<16xf32>
      %mul3A_2466 = arith.mulf %get3A_2416, %get3A_2465 : vector<16xf32>
      %add3A_2467 = arith.addf %scan3A_2381, %mul3A_2466 : vector<16xf32>
      %mul3A_2468 = arith.mulf %get3A_2420, %get3A_2465 : vector<16xf32>
      %add3A_2469 = arith.addf %scan3A_2382, %mul3A_2468 : vector<16xf32>
      %mul3A_2470 = arith.mulf %get3A_2424, %get3A_2465 : vector<16xf32>
      %add3A_2471 = arith.addf %scan3A_2383, %mul3A_2470 : vector<16xf32>
      %mul3A_2472 = arith.mulf %get3A_2428, %get3A_2465 : vector<16xf32>
      %add3A_2473 = arith.addf %scan3A_2384, %mul3A_2472 : vector<16xf32>
      %mul3A_2474 = arith.constant 16 : i32
      %mul3A_2475 = arith.muli %scan3A_2372, %mul3A_2474 : i32
      %get3A_2476 = arith.constant 3 : i32
      %get3A_2477 = arith.index_cast %get3A_2476 : i32 to index
      %get3A_2478 = arith.index_cast %mul3A_2475 : i32 to index
      %get3A_2479 = tpu.vector_load %arg7[%get3A_2477, %get3A_2478] {strides = array<i32>} : memref<10x3408xf32, #tpu.memory_space<vmem>>, vector<1x16xf32>,
      %get3A_2480 = vector.shape_cast %get3A_2479 : vector<1x16xf32> to vector<16xf32>
      %mul3A_2481 = arith.mulf %get3A_2416, %get3A_2480 : vector<16xf32>
      %add3A_2482 = arith.addf %scan3A_2385, %mul3A_2481 : vector<16xf32>
      %mul3A_2483 = arith.mulf %get3A_2420, %get3A_2480 : vector<16xf32>
      %add3A_2484 = arith.addf %scan3A_2386, %mul3A_2483 : vector<16xf32>
      %mul3A_2485 = arith.mulf %get3A_2424, %get3A_2480 : vector<16xf32>
      %add3A_2486 = arith.addf %scan3A_2387, %mul3A_2485 : vector<16xf32>
      %mul3A_2487 = arith.mulf %get3A_2428, %get3A_2480 : vector<16xf32>
      %add3A_2488 = arith.addf %scan3A_2388, %mul3A_2487 : vector<16xf32>
      %mul3A_2489 = arith.constant 16 : i32
      %mul3A_2490 = arith.muli %scan3A_2372, %mul3A_2489 : i32
      %get3A_2491 = arith.constant 4 : i32
      %get3A_2492 = arith.index_cast %get3A_2491 : i32 to index
      %get3A_2493 = arith.index_cast %mul3A_2490 : i32 to index
      %get3A_2494 = tpu.vector_load %arg7[%get3A_2492, %get3A_2493] {strides = array<i32>} : memref<10x3408xf32, #tpu.memory_space<vmem>>, vector<1x16xf32>,
      %get3A_2495 = vector.shape_cast %get3A_2494 : vector<1x16xf32> to vector<16xf32>
      %mul3A_2496 = arith.mulf %get3A_2416, %get3A_2495 : vector<16xf32>
      %add3A_2497 = arith.addf %scan3A_2389, %mul3A_2496 : vector<16xf32>
      %mul3A_2498 = arith.mulf %get3A_2420, %get3A_2495 : vector<16xf32>
      %add3A_2499 = arith.addf %scan3A_2390, %mul3A_2498 : vector<16xf32>
      %mul3A_2500 = arith.mulf %get3A_2424, %get3A_2495 : vector<16xf32>
      %add3A_2501 = arith.addf %scan3A_2391, %mul3A_2500 : vector<16xf32>
      %mul3A_2502 = arith.mulf %get3A_2428, %get3A_2495 : vector<16xf32>
      %add3A_2503 = arith.addf %scan3A_2392, %mul3A_2502 : vector<16xf32>
      %mul3A_2504 = arith.constant 16 : i32
      %mul3A_2505 = arith.muli %scan3A_2372, %mul3A_2504 : i32
      %get3A_2506 = arith.constant 5 : i32
      %get3A_2507 = arith.index_cast %get3A_2506 : i32 to index
      %get3A_2508 = arith.index_cast %mul3A_2505 : i32 to index
      %get3A_2509 = tpu.vector_load %arg7[%get3A_2507, %get3A_2508] {strides = array<i32>} : memref<10x3408xf32, #tpu.memory_space<vmem>>, vector<1x16xf32>,
      %get3A_2510 = vector.shape_cast %get3A_2509 : vector<1x16xf32> to vector<16xf32>
      %mul3A_2511 = arith.mulf %get3A_2416, %get3A_2510 : vector<16xf32>
      %add3A_2512 = arith.addf %scan3A_2393, %mul3A_2511 : vector<16xf32>
      %mul3A_2513 = arith.mulf %get3A_2420, %get3A_2510 : vector<16xf32>
      %add3A_2514 = arith.addf %scan3A_2394, %mul3A_2513 : vector<16xf32>
      %mul3A_2515 = arith.mulf %get3A_2424, %get3A_2510 : vector<16xf32>
      %add3A_2516 = arith.addf %scan3A_2395, %mul3A_2515 : vector<16xf32>
      %mul3A_2517 = arith.mulf %get3A_2428, %get3A_2510 : vector<16xf32>
      %add3A_2518 = arith.addf %scan3A_2396, %mul3A_2517 : vector<16xf32>
      %mul3A_2519 = arith.constant 16 : i32
      %mul3A_2520 = arith.muli %scan3A_2372, %mul3A_2519 : i32
      %get3A_2521 = arith.constant 6 : i32
      %get3A_2522 = arith.index_cast %get3A_2521 : i32 to index
      %get3A_2523 = arith.index_cast %mul3A_2520 : i32 to index
      %get3A_2524 = tpu.vector_load %arg7[%get3A_2522, %get3A_2523] {strides = array<i32>} : memref<10x3408xf32, #tpu.memory_space<vmem>>, vector<1x16xf32>,
      %get3A_2525 = vector.shape_cast %get3A_2524 : vector<1x16xf32> to vector<16xf32>
      %mul3A_2526 = arith.mulf %get3A_2416, %get3A_2525 : vector<16xf32>
      %add3A_2527 = arith.addf %scan3A_2397, %mul3A_2526 : vector<16xf32>
      %mul3A_2528 = arith.mulf %get3A_2420, %get3A_2525 : vector<16xf32>
      %add3A_2529 = arith.addf %scan3A_2398, %mul3A_2528 : vector<16xf32>
      %mul3A_2530 = arith.mulf %get3A_2424, %get3A_2525 : vector<16xf32>
      %add3A_2531 = arith.addf %scan3A_2399, %mul3A_2530 : vector<16xf32>
      %mul3A_2532 = arith.mulf %get3A_2428, %get3A_2525 : vector<16xf32>
      %add3A_2533 = arith.addf %scan3A_2400, %mul3A_2532 : vector<16xf32>
      %mul3A_2534 = arith.constant 16 : i32
      %mul3A_2535 = arith.muli %scan3A_2372, %mul3A_2534 : i32
      %get3A_2536 = arith.constant 7 : i32
      %get3A_2537 = arith.index_cast %get3A_2536 : i32 to index
      %get3A_2538 = arith.index_cast %mul3A_2535 : i32 to index
      %get3A_2539 = tpu.vector_load %arg7[%get3A_2537, %get3A_2538] {strides = array<i32>} : memref<10x3408xf32, #tpu.memory_space<vmem>>, vector<1x16xf32>,
      %get3A_2540 = vector.shape_cast %get3A_2539 : vector<1x16xf32> to vector<16xf32>
      %mul3A_2541 = arith.mulf %get3A_2416, %get3A_2540 : vector<16xf32>
      %add3A_2542 = arith.addf %scan3A_2401, %mul3A_2541 : vector<16xf32>
      %mul3A_2543 = arith.mulf %get3A_2420, %get3A_2540 : vector<16xf32>
      %add3A_2544 = arith.addf %scan3A_2402, %mul3A_2543 : vector<16xf32>
      %mul3A_2545 = arith.mulf %get3A_2424, %get3A_2540 : vector<16xf32>
      %add3A_2546 = arith.addf %scan3A_2403, %mul3A_2545 : vector<16xf32>
      %mul3A_2547 = arith.mulf %get3A_2428, %get3A_2540 : vector<16xf32>
      %add3A_2548 = arith.addf %scan3A_2404, %mul3A_2547 : vector<16xf32>
      %mul3A_2549 = arith.constant 16 : i32
      %mul3A_2550 = arith.muli %scan3A_2372, %mul3A_2549 : i32
      %get3A_2551 = arith.constant 8 : i32
      %get3A_2552 = arith.index_cast %get3A_2551 : i32 to index
      %get3A_2553 = arith.index_cast %mul3A_2550 : i32 to index
      %get3A_2554 = tpu.vector_load %arg7[%get3A_2552, %get3A_2553] {strides = array<i32>} : memref<10x3408xf32, #tpu.memory_space<vmem>>, vector<1x16xf32>,
      %get3A_2555 = vector.shape_cast %get3A_2554 : vector<1x16xf32> to vector<16xf32>
      %mul3A_2556 = arith.mulf %get3A_2416, %get3A_2555 : vector<16xf32>
      %add3A_2557 = arith.addf %scan3A_2405, %mul3A_2556 : vector<16xf32>
      %mul3A_2558 = arith.mulf %get3A_2420, %get3A_2555 : vector<16xf32>
      %add3A_2559 = arith.addf %scan3A_2406, %mul3A_2558 : vector<16xf32>
      %mul3A_2560 = arith.mulf %get3A_2424, %get3A_2555 : vector<16xf32>
      %add3A_2561 = arith.addf %scan3A_2407, %mul3A_2560 : vector<16xf32>
      %mul3A_2562 = arith.mulf %get3A_2428, %get3A_2555 : vector<16xf32>
      %add3A_2563 = arith.addf %scan3A_2408, %mul3A_2562 : vector<16xf32>
      %mul3A_2564 = arith.constant 16 : i32
      %mul3A_2565 = arith.muli %scan3A_2372, %mul3A_2564 : i32
      %get3A_2566 = arith.constant 9 : i32
      %get3A_2567 = arith.index_cast %get3A_2566 : i32 to index
      %get3A_2568 = arith.index_cast %mul3A_2565 : i32 to index
      %get3A_2569 = tpu.vector_load %arg7[%get3A_2567, %get3A_2568] {strides = array<i32>} : memref<10x3408xf32, #tpu.memory_space<vmem>>, vector<1x16xf32>,
      %get3A_2570 = vector.shape_cast %get3A_2569 : vector<1x16xf32> to vector<16xf32>
      %mul3A_2571 = arith.mulf %get3A_2416, %get3A_2570 : vector<16xf32>
      %add3A_2572 = arith.addf %scan3A_2409, %mul3A_2571 : vector<16xf32>
      %mul3A_2573 = arith.mulf %get3A_2420, %get3A_2570 : vector<16xf32>
      %add3A_2574 = arith.addf %scan3A_2410, %mul3A_2573 : vector<16xf32>
      %mul3A_2575 = arith.mulf %get3A_2424, %get3A_2570 : vector<16xf32>
      %add3A_2576 = arith.addf %scan3A_2411, %mul3A_2575 : vector<16xf32>
      %mul3A_2577 = arith.mulf %get3A_2428, %get3A_2570 : vector<16xf32>
      %add3A_2578 = arith.addf %scan3A_2412, %mul3A_2577 : vector<16xf32>
      scf.yield %add3A_2437, %add3A_2439, %add3A_2441, %add3A_2443, %add3A_2452, %add3A_2454, %add3A_2456, %add3A_2458, %add3A_2467, %add3A_2469, %add3A_2471, %add3A_2473, %add3A_2482, %add3A_2484, %add3A_2486, %add3A_2488, %add3A_2497, %add3A_2499, %add3A_2501, %add3A_2503, %add3A_2512, %add3A_2514, %add3A_2516, %add3A_2518, %add3A_2527, %add3A_2529, %add3A_2531, %add3A_2533, %add3A_2542, %add3A_2544, %add3A_2546, %add3A_2548, %add3A_2557, %add3A_2559, %add3A_2561, %add3A_2563, %add3A_2572, %add3A_2574, %add3A_2576, %add3A_2578 : vector<16xf32>, vector<16xf32>, vector<16xf32>, vector<16xf32>, vector<16xf32>, vector<16xf32>, vector<16xf32>, vector<16xf32>, vector<16xf32>, vector<16xf32>, vector<16xf32>, vector<16xf32>, vector<16xf32>, vector<16xf32>, vector<16xf32>, vector<16xf32>, vector<16xf32>, vector<16xf32>, vector<16xf32>, vector<16xf32>, vector<16xf32>, vector<16xf32>, vector<16xf32>, vector<16xf32>, vector<16xf32>, vector<16xf32>, vector<16xf32>, vector<16xf32>, vector<16xf32>, vector<16xf32>, vector<16xf32>, vector<16xf32>, vector<16xf32>, vector<16xf32>, vector<16xf32>, vector<16xf32>, vector<16xf32>, vector<16xf32>, vector<16xf32>, vector<16xf32>
    }
    %scan3A_2131 = arith.constant 213 : i32
    %swap3A_2132 = arith.constant 0 : i32
    %swap3A_2133 = arith.index_cast %swap3A_2132 : i32 to index
    %swap3A_2134 = arith.constant 448 : index
    %swap3A_2135 = tpu.vector_load %arg8[%swap3A_2133, %swap3A_2134] {strides = array<i32>} : memref<10x512xf32, #tpu.memory_space<vmem>>, vector<1x16xf32>,
    %swap3A_2136 = vector.shape_cast %swap3A_2135 : vector<1x16xf32> to vector<16xf32>
    %swap3A_2137 = vector.shape_cast %scan3A_2130#0 : vector<16xf32> to vector<1x16xf32>
    tpu.vector_store %arg8[%swap3A_2133, %swap3A_2134], %swap3A_2137 {strides = array<i32>} : memref<10x512xf32, #tpu.memory_space<vmem>>, vector<1x16xf32>,
    %swap3A_2138 = arith.constant 0 : i32
    %swap3A_2139 = arith.index_cast %swap3A_2138 : i32 to index
    %swap3A_2140 = arith.constant 464 : index
    %swap3A_2141 = tpu.vector_load %arg8[%swap3A_2139, %swap3A_2140] {strides = array<i32>} : memref<10x512xf32, #tpu.memory_space<vmem>>, vector<1x16xf32>,
    %swap3A_2142 = vector.shape_cast %swap3A_2141 : vector<1x16xf32> to vector<16xf32>
    %swap3A_2143 = vector.shape_cast %scan3A_2130#1 : vector<16xf32> to vector<1x16xf32>
    tpu.vector_store %arg8[%swap3A_2139, %swap3A_2140], %swap3A_2143 {strides = array<i32>} : memref<10x512xf32, #tpu.memory_space<vmem>>, vector<1x16xf32>,
    %swap3A_2144 = arith.constant 0 : i32
    %swap3A_2145 = arith.index_cast %swap3A_2144 : i32 to index
    %swap3A_2146 = arith.constant 480 : index
    %swap3A_2147 = tpu.vector_load %arg8[%swap3A_2145, %swap3A_2146] {strides = array<i32>} : memref<10x512xf32, #tpu.memory_space<vmem>>, vector<1x16xf32>,
    %swap3A_2148 = vector.shape_cast %swap3A_2147 : vector<1x16xf32> to vector<16xf32>
    %swap3A_2149 = vector.shape_cast %scan3A_2130#2 : vector<16xf32> to vector<1x16xf32>
    tpu.vector_store %arg8[%swap3A_2145, %swap3A_2146], %swap3A_2149 {strides = array<i32>} : memref<10x512xf32, #tpu.memory_space<vmem>>, vector<1x16xf32>,
    %swap3A_2150 = arith.constant 0 : i32
    %swap3A_2151 = arith.index_cast %swap3A_2150 : i32 to index
    %swap3A_2152 = arith.constant 496 : index
    %swap3A_2153 = tpu.vector_load %arg8[%swap3A_2151, %swap3A_2152] {strides = array<i32>} : memref<10x512xf32, #tpu.memory_space<vmem>>, vector<1x16xf32>,
    %swap3A_2154 = vector.shape_cast %swap3A_2153 : vector<1x16xf32> to vector<16xf32>
    %swap3A_2155 = vector.shape_cast %scan3A_2130#3 : vector<16xf32> to vector<1x16xf32>
    tpu.vector_store %arg8[%swap3A_2151, %swap3A_2152], %swap3A_2155 {strides = array<i32>} : memref<10x512xf32, #tpu.memory_space<vmem>>, vector<1x16xf32>,
    %swap3A_2156 = arith.constant 1 : i32
    %swap3A_2157 = arith.index_cast %swap3A_2156 : i32 to index
    %swap3A_2158 = arith.constant 448 : index
    %swap3A_2159 = tpu.vector_load %arg8[%swap3A_2157, %swap3A_2158] {strides = array<i32>} : memref<10x512xf32, #tpu.memory_space<vmem>>, vector<1x16xf32>,
    %swap3A_2160 = vector.shape_cast %swap3A_2159 : vector<1x16xf32> to vector<16xf32>
    %swap3A_2161 = vector.shape_cast %scan3A_2130#4 : vector<16xf32> to vector<1x16xf32>
    tpu.vector_store %arg8[%swap3A_2157, %swap3A_2158], %swap3A_2161 {strides = array<i32>} : memref<10x512xf32, #tpu.memory_space<vmem>>, vector<1x16xf32>,
    %swap3A_2162 = arith.constant 1 : i32
    %swap3A_2163 = arith.index_cast %swap3A_2162 : i32 to index
    %swap3A_2164 = arith.constant 464 : index
    %swap3A_2165 = tpu.vector_load %arg8[%swap3A_2163, %swap3A_2164] {strides = array<i32>} : memref<10x512xf32, #tpu.memory_space<vmem>>, vector<1x16xf32>,
    %swap3A_2166 = vector.shape_cast %swap3A_2165 : vector<1x16xf32> to vector<16xf32>
    %swap3A_2167 = vector.shape_cast %scan3A_2130#5 : vector<16xf32> to vector<1x16xf32>
    tpu.vector_store %arg8[%swap3A_2163, %swap3A_2164], %swap3A_2167 {strides = array<i32>} : memref<10x512xf32, #tpu.memory_space<vmem>>, vector<1x16xf32>,
    %swap3A_2168 = arith.constant 1 : i32
    %swap3A_2169 = arith.index_cast %swap3A_2168 : i32 to index
    %swap3A_2170 = arith.constant 480 : index
    %swap3A_2171 = tpu.vector_load %arg8[%swap3A_2169, %swap3A_2170] {strides = array<i32>} : memref<10x512xf32, #tpu.memory_space<vmem>>, vector<1x16xf32>,
    %swap3A_2172 = vector.shape_cast %swap3A_2171 : vector<1x16xf32> to vector<16xf32>
    %swap3A_2173 = vector.shape_cast %scan3A_2130#6 : vector<16xf32> to vector<1x16xf32>
    tpu.vector_store %arg8[%swap3A_2169, %swap3A_2170], %swap3A_2173 {strides = array<i32>} : memref<10x512xf32, #tpu.memory_space<vmem>>, vector<1x16xf32>,
    %swap3A_2174 = arith.constant 1 : i32
    %swap3A_2175 = arith.index_cast %swap3A_2174 : i32 to index
    %swap3A_2176 = arith.constant 496 : index
    %swap3A_2177 = tpu.vector_load %arg8[%swap3A_2175, %swap3A_2176] {strides = array<i32>} : memref<10x512xf32, #tpu.memory_space<vmem>>, vector<1x16xf32>,
    %swap3A_2178 = vector.shape_cast %swap3A_2177 : vector<1x16xf32> to vector<16xf32>
    %swap3A_2179 = vector.shape_cast %scan3A_2130#7 : vector<16xf32> to vector<1x16xf32>
    tpu.vector_store %arg8[%swap3A_2175, %swap3A_2176], %swap3A_2179 {strides = array<i32>} : memref<10x512xf32, #tpu.memory_space<vmem>>, vector<1x16xf32>,
    %swap3A_2180 = arith.constant 2 : i32
    %swap3A_2181 = arith.index_cast %swap3A_2180 : i32 to index
    %swap3A_2182 = arith.constant 448 : index
    %swap3A_2183 = tpu.vector_load %arg8[%swap3A_2181, %swap3A_2182] {strides = array<i32>} : memref<10x512xf32, #tpu.memory_space<vmem>>, vector<1x16xf32>,
    %swap3A_2184 = vector.shape_cast %swap3A_2183 : vector<1x16xf32> to vector<16xf32>
    %swap3A_2185 = vector.shape_cast %scan3A_2130#8 : vector<16xf32> to vector<1x16xf32>
    tpu.vector_store %arg8[%swap3A_2181, %swap3A_2182], %swap3A_2185 {strides = array<i32>} : memref<10x512xf32, #tpu.memory_space<vmem>>, vector<1x16xf32>,
    %swap3A_2186 = arith.constant 2 : i32
    %swap3A_2187 = arith.index_cast %swap3A_2186 : i32 to index
    %swap3A_2188 = arith.constant 464 : index
    %swap3A_2189 = tpu.vector_load %arg8[%swap3A_2187, %swap3A_2188] {strides = array<i32>} : memref<10x512xf32, #tpu.memory_space<vmem>>, vector<1x16xf32>,
    %swap3A_2190 = vector.shape_cast %swap3A_2189 : vector<1x16xf32> to vector<16xf32>
    %swap3A_2191 = vector.shape_cast %scan3A_2130#9 : vector<16xf32> to vector<1x16xf32>
    tpu.vector_store %arg8[%swap3A_2187, %swap3A_2188], %swap3A_2191 {strides = array<i32>} : memref<10x512xf32, #tpu.memory_space<vmem>>, vector<1x16xf32>,
    %swap3A_2192 = arith.constant 2 : i32
    %swap3A_2193 = arith.index_cast %swap3A_2192 : i32 to index
    %swap3A_2194 = arith.constant 480 : index
    %swap3A_2195 = tpu.vector_load %arg8[%swap3A_2193, %swap3A_2194] {strides = array<i32>} : memref<10x512xf32, #tpu.memory_space<vmem>>, vector<1x16xf32>,
    %swap3A_2196 = vector.shape_cast %swap3A_2195 : vector<1x16xf32> to vector<16xf32>
    %swap3A_2197 = vector.shape_cast %scan3A_2130#10 : vector<16xf32> to vector<1x16xf32>
    tpu.vector_store %arg8[%swap3A_2193, %swap3A_2194], %swap3A_2197 {strides = array<i32>} : memref<10x512xf32, #tpu.memory_space<vmem>>, vector<1x16xf32>,
    %swap3A_2198 = arith.constant 2 : i32
    %swap3A_2199 = arith.index_cast %swap3A_2198 : i32 to index
    %swap3A_2200 = arith.constant 496 : index
    %swap3A_2201 = tpu.vector_load %arg8[%swap3A_2199, %swap3A_2200] {strides = array<i32>} : memref<10x512xf32, #tpu.memory_space<vmem>>, vector<1x16xf32>,
    %swap3A_2202 = vector.shape_cast %swap3A_2201 : vector<1x16xf32> to vector<16xf32>
    %swap3A_2203 = vector.shape_cast %scan3A_2130#11 : vector<16xf32> to vector<1x16xf32>
    tpu.vector_store %arg8[%swap3A_2199, %swap3A_2200], %swap3A_2203 {strides = array<i32>} : memref<10x512xf32, #tpu.memory_space<vmem>>, vector<1x16xf32>,
    %swap3A_2204 = arith.constant 3 : i32
    %swap3A_2205 = arith.index_cast %swap3A_2204 : i32 to index
    %swap3A_2206 = arith.constant 448 : index
    %swap3A_2207 = tpu.vector_load %arg8[%swap3A_2205, %swap3A_2206] {strides = array<i32>} : memref<10x512xf32, #tpu.memory_space<vmem>>, vector<1x16xf32>,
    %swap3A_2208 = vector.shape_cast %swap3A_2207 : vector<1x16xf32> to vector<16xf32>
    %swap3A_2209 = vector.shape_cast %scan3A_2130#12 : vector<16xf32> to vector<1x16xf32>
    tpu.vector_store %arg8[%swap3A_2205, %swap3A_2206], %swap3A_2209 {strides = array<i32>} : memref<10x512xf32, #tpu.memory_space<vmem>>, vector<1x16xf32>,
    %swap3A_2210 = arith.constant 3 : i32
    %swap3A_2211 = arith.index_cast %swap3A_2210 : i32 to index
    %swap3A_2212 = arith.constant 464 : index
    %swap3A_2213 = tpu.vector_load %arg8[%swap3A_2211, %swap3A_2212] {strides = array<i32>} : memref<10x512xf32, #tpu.memory_space<vmem>>, vector<1x16xf32>,
    %swap3A_2214 = vector.shape_cast %swap3A_2213 : vector<1x16xf32> to vector<16xf32>
    %swap3A_2215 = vector.shape_cast %scan3A_2130#13 : vector<16xf32> to vector<1x16xf32>
    tpu.vector_store %arg8[%swap3A_2211, %swap3A_2212], %swap3A_2215 {strides = array<i32>} : memref<10x512xf32, #tpu.memory_space<vmem>>, vector<1x16xf32>,
    %swap3A_2216 = arith.constant 3 : i32
    %swap3A_2217 = arith.index_cast %swap3A_2216 : i32 to index
    %swap3A_2218 = arith.constant 480 : index
    %swap3A_2219 = tpu.vector_load %arg8[%swap3A_2217, %swap3A_2218] {strides = array<i32>} : memref<10x512xf32, #tpu.memory_space<vmem>>, vector<1x16xf32>,
    %swap3A_2220 = vector.shape_cast %swap3A_2219 : vector<1x16xf32> to vector<16xf32>
    %swap3A_2221 = vector.shape_cast %scan3A_2130#14 : vector<16xf32> to vector<1x16xf32>
    tpu.vector_store %arg8[%swap3A_2217, %swap3A_2218], %swap3A_2221 {strides = array<i32>} : memref<10x512xf32, #tpu.memory_space<vmem>>, vector<1x16xf32>,
    %swap3A_2222 = arith.constant 3 : i32
    %swap3A_2223 = arith.index_cast %swap3A_2222 : i32 to index
    %swap3A_2224 = arith.constant 496 : index
    %swap3A_2225 = tpu.vector_load %arg8[%swap3A_2223, %swap3A_2224] {strides = array<i32>} : memref<10x512xf32, #tpu.memory_space<vmem>>, vector<1x16xf32>,
    %swap3A_2226 = vector.shape_cast %swap3A_2225 : vector<1x16xf32> to vector<16xf32>
    %swap3A_2227 = vector.shape_cast %scan3A_2130#15 : vector<16xf32> to vector<1x16xf32>
    tpu.vector_store %arg8[%swap3A_2223, %swap3A_2224], %swap3A_2227 {strides = array<i32>} : memref<10x512xf32, #tpu.memory_space<vmem>>, vector<1x16xf32>,
    %swap3A_2228 = arith.constant 4 : i32
    %swap3A_2229 = arith.index_cast %swap3A_2228 : i32 to index
    %swap3A_2230 = arith.constant 448 : index
    %swap3A_2231 = tpu.vector_load %arg8[%swap3A_2229, %swap3A_2230] {strides = array<i32>} : memref<10x512xf32, #tpu.memory_space<vmem>>, vector<1x16xf32>,
    %swap3A_2232 = vector.shape_cast %swap3A_2231 : vector<1x16xf32> to vector<16xf32>
    %swap3A_2233 = vector.shape_cast %scan3A_2130#16 : vector<16xf32> to vector<1x16xf32>
    tpu.vector_store %arg8[%swap3A_2229, %swap3A_2230], %swap3A_2233 {strides = array<i32>} : memref<10x512xf32, #tpu.memory_space<vmem>>, vector<1x16xf32>,
    %swap3A_2234 = arith.constant 4 : i32
    %swap3A_2235 = arith.index_cast %swap3A_2234 : i32 to index
    %swap3A_2236 = arith.constant 464 : index
    %swap3A_2237 = tpu.vector_load %arg8[%swap3A_2235, %swap3A_2236] {strides = array<i32>} : memref<10x512xf32, #tpu.memory_space<vmem>>, vector<1x16xf32>,
    %swap3A_2238 = vector.shape_cast %swap3A_2237 : vector<1x16xf32> to vector<16xf32>
    %swap3A_2239 = vector.shape_cast %scan3A_2130#17 : vector<16xf32> to vector<1x16xf32>
    tpu.vector_store %arg8[%swap3A_2235, %swap3A_2236], %swap3A_2239 {strides = array<i32>} : memref<10x512xf32, #tpu.memory_space<vmem>>, vector<1x16xf32>,
    %swap3A_2240 = arith.constant 4 : i32
    %swap3A_2241 = arith.index_cast %swap3A_2240 : i32 to index
    %swap3A_2242 = arith.constant 480 : index
    %swap3A_2243 = tpu.vector_load %arg8[%swap3A_2241, %swap3A_2242] {strides = array<i32>} : memref<10x512xf32, #tpu.memory_space<vmem>>, vector<1x16xf32>,
    %swap3A_2244 = vector.shape_cast %swap3A_2243 : vector<1x16xf32> to vector<16xf32>
    %swap3A_2245 = vector.shape_cast %scan3A_2130#18 : vector<16xf32> to vector<1x16xf32>
    tpu.vector_store %arg8[%swap3A_2241, %swap3A_2242], %swap3A_2245 {strides = array<i32>} : memref<10x512xf32, #tpu.memory_space<vmem>>, vector<1x16xf32>,
    %swap3A_2246 = arith.constant 4 : i32
    %swap3A_2247 = arith.index_cast %swap3A_2246 : i32 to index
    %swap3A_2248 = arith.constant 496 : index
    %swap3A_2249 = tpu.vector_load %arg8[%swap3A_2247, %swap3A_2248] {strides = array<i32>} : memref<10x512xf32, #tpu.memory_space<vmem>>, vector<1x16xf32>,
    %swap3A_2250 = vector.shape_cast %swap3A_2249 : vector<1x16xf32> to vector<16xf32>
    %swap3A_2251 = vector.shape_cast %scan3A_2130#19 : vector<16xf32> to vector<1x16xf32>
    tpu.vector_store %arg8[%swap3A_2247, %swap3A_2248], %swap3A_2251 {strides = array<i32>} : memref<10x512xf32, #tpu.memory_space<vmem>>, vector<1x16xf32>,
    %swap3A_2252 = arith.constant 5 : i32
    %swap3A_2253 = arith.index_cast %swap3A_2252 : i32 to index
    %swap3A_2254 = arith.constant 448 : index
    %swap3A_2255 = tpu.vector_load %arg8[%swap3A_2253, %swap3A_2254] {strides = array<i32>} : memref<10x512xf32, #tpu.memory_space<vmem>>, vector<1x16xf32>,
    %swap3A_2256 = vector.shape_cast %swap3A_2255 : vector<1x16xf32> to vector<16xf32>
    %swap3A_2257 = vector.shape_cast %scan3A_2130#20 : vector<16xf32> to vector<1x16xf32>
    tpu.vector_store %arg8[%swap3A_2253, %swap3A_2254], %swap3A_2257 {strides = array<i32>} : memref<10x512xf32, #tpu.memory_space<vmem>>, vector<1x16xf32>,
    %swap3A_2258 = arith.constant 5 : i32
    %swap3A_2259 = arith.index_cast %swap3A_2258 : i32 to index
    %swap3A_2260 = arith.constant 464 : index
    %swap3A_2261 = tpu.vector_load %arg8[%swap3A_2259, %swap3A_2260] {strides = array<i32>} : memref<10x512xf32, #tpu.memory_space<vmem>>, vector<1x16xf32>,
    %swap3A_2262 = vector.shape_cast %swap3A_2261 : vector<1x16xf32> to vector<16xf32>
    %swap3A_2263 = vector.shape_cast %scan3A_2130#21 : vector<16xf32> to vector<1x16xf32>
    tpu.vector_store %arg8[%swap3A_2259, %swap3A_2260], %swap3A_2263 {strides = array<i32>} : memref<10x512xf32, #tpu.memory_space<vmem>>, vector<1x16xf32>,
    %swap3A_2264 = arith.constant 5 : i32
    %swap3A_2265 = arith.index_cast %swap3A_2264 : i32 to index
    %swap3A_2266 = arith.constant 480 : index
    %swap3A_2267 = tpu.vector_load %arg8[%swap3A_2265, %swap3A_2266] {strides = array<i32>} : memref<10x512xf32, #tpu.memory_space<vmem>>, vector<1x16xf32>,
    %swap3A_2268 = vector.shape_cast %swap3A_2267 : vector<1x16xf32> to vector<16xf32>
    %swap3A_2269 = vector.shape_cast %scan3A_2130#22 : vector<16xf32> to vector<1x16xf32>
    tpu.vector_store %arg8[%swap3A_2265, %swap3A_2266], %swap3A_2269 {strides = array<i32>} : memref<10x512xf32, #tpu.memory_space<vmem>>, vector<1x16xf32>,
    %swap3A_2270 = arith.constant 5 : i32
    %swap3A_2271 = arith.index_cast %swap3A_2270 : i32 to index
    %swap3A_2272 = arith.constant 496 : index
    %swap3A_2273 = tpu.vector_load %arg8[%swap3A_2271, %swap3A_2272] {strides = array<i32>} : memref<10x512xf32, #tpu.memory_space<vmem>>, vector<1x16xf32>,
    %swap3A_2274 = vector.shape_cast %swap3A_2273 : vector<1x16xf32> to vector<16xf32>
    %swap3A_2275 = vector.shape_cast %scan3A_2130#23 : vector<16xf32> to vector<1x16xf32>
    tpu.vector_store %arg8[%swap3A_2271, %swap3A_2272], %swap3A_2275 {strides = array<i32>} : memref<10x512xf32, #tpu.memory_space<vmem>>, vector<1x16xf32>,
    %swap3A_2276 = arith.constant 6 : i32
    %swap3A_2277 = arith.index_cast %swap3A_2276 : i32 to index
    %swap3A_2278 = arith.constant 448 : index
    %swap3A_2279 = tpu.vector_load %arg8[%swap3A_2277, %swap3A_2278] {strides = array<i32>} : memref<10x512xf32, #tpu.memory_space<vmem>>, vector<1x16xf32>,
    %swap3A_2280 = vector.shape_cast %swap3A_2279 : vector<1x16xf32> to vector<16xf32>
    %swap3A_2281 = vector.shape_cast %scan3A_2130#24 : vector<16xf32> to vector<1x16xf32>
    tpu.vector_store %arg8[%swap3A_2277, %swap3A_2278], %swap3A_2281 {strides = array<i32>} : memref<10x512xf32, #tpu.memory_space<vmem>>, vector<1x16xf32>,
    %swap3A_2282 = arith.constant 6 : i32
    %swap3A_2283 = arith.index_cast %swap3A_2282 : i32 to index
    %swap3A_2284 = arith.constant 464 : index
    %swap3A_2285 = tpu.vector_load %arg8[%swap3A_2283, %swap3A_2284] {strides = array<i32>} : memref<10x512xf32, #tpu.memory_space<vmem>>, vector<1x16xf32>,
    %swap3A_2286 = vector.shape_cast %swap3A_2285 : vector<1x16xf32> to vector<16xf32>
    %swap3A_2287 = vector.shape_cast %scan3A_2130#25 : vector<16xf32> to vector<1x16xf32>
    tpu.vector_store %arg8[%swap3A_2283, %swap3A_2284], %swap3A_2287 {strides = array<i32>} : memref<10x512xf32, #tpu.memory_space<vmem>>, vector<1x16xf32>,
    %swap3A_2288 = arith.constant 6 : i32
    %swap3A_2289 = arith.index_cast %swap3A_2288 : i32 to index
    %swap3A_2290 = arith.constant 480 : index
    %swap3A_2291 = tpu.vector_load %arg8[%swap3A_2289, %swap3A_2290] {strides = array<i32>} : memref<10x512xf32, #tpu.memory_space<vmem>>, vector<1x16xf32>,
    %swap3A_2292 = vector.shape_cast %swap3A_2291 : vector<1x16xf32> to vector<16xf32>
    %swap3A_2293 = vector.shape_cast %scan3A_2130#26 : vector<16xf32> to vector<1x16xf32>
    tpu.vector_store %arg8[%swap3A_2289, %swap3A_2290], %swap3A_2293 {strides = array<i32>} : memref<10x512xf32, #tpu.memory_space<vmem>>, vector<1x16xf32>,
    %swap3A_2294 = arith.constant 6 : i32
    %swap3A_2295 = arith.index_cast %swap3A_2294 : i32 to index
    %swap3A_2296 = arith.constant 496 : index
    %swap3A_2297 = tpu.vector_load %arg8[%swap3A_2295, %swap3A_2296] {strides = array<i32>} : memref<10x512xf32, #tpu.memory_space<vmem>>, vector<1x16xf32>,
    %swap3A_2298 = vector.shape_cast %swap3A_2297 : vector<1x16xf32> to vector<16xf32>
    %swap3A_2299 = vector.shape_cast %scan3A_2130#27 : vector<16xf32> to vector<1x16xf32>
    tpu.vector_store %arg8[%swap3A_2295, %swap3A_2296], %swap3A_2299 {strides = array<i32>} : memref<10x512xf32, #tpu.memory_space<vmem>>, vector<1x16xf32>,
    %swap3A_2300 = arith.constant 7 : i32
    %swap3A_2301 = arith.index_cast %swap3A_2300 : i32 to index
    %swap3A_2302 = arith.constant 448 : index
    %swap3A_2303 = tpu.vector_load %arg8[%swap3A_2301, %swap3A_2302] {strides = array<i32>} : memref<10x512xf32, #tpu.memory_space<vmem>>, vector<1x16xf32>,
    %swap3A_2304 = vector.shape_cast %swap3A_2303 : vector<1x16xf32> to vector<16xf32>
    %swap3A_2305 = vector.shape_cast %scan3A_2130#28 : vector<16xf32> to vector<1x16xf32>
    tpu.vector_store %arg8[%swap3A_2301, %swap3A_2302], %swap3A_2305 {strides = array<i32>} : memref<10x512xf32, #tpu.memory_space<vmem>>, vector<1x16xf32>,
    %swap3A_2306 = arith.constant 7 : i32
    %swap3A_2307 = arith.index_cast %swap3A_2306 : i32 to index
    %swap3A_2308 = arith.constant 464 : index
    %swap3A_2309 = tpu.vector_load %arg8[%swap3A_2307, %swap3A_2308] {strides = array<i32>} : memref<10x512xf32, #tpu.memory_space<vmem>>, vector<1x16xf32>,
    %swap3A_2310 = vector.shape_cast %swap3A_2309 : vector<1x16xf32> to vector<16xf32>
    %swap3A_2311 = vector.shape_cast %scan3A_2130#29 : vector<16xf32> to vector<1x16xf32>
    tpu.vector_store %arg8[%swap3A_2307, %swap3A_2308], %swap3A_2311 {strides = array<i32>} : memref<10x512xf32, #tpu.memory_space<vmem>>, vector<1x16xf32>,
    %swap3A_2312 = arith.constant 7 : i32
    %swap3A_2313 = arith.index_cast %swap3A_2312 : i32 to index
    %swap3A_2314 = arith.constant 480 : index
    %swap3A_2315 = tpu.vector_load %arg8[%swap3A_2313, %swap3A_2314] {strides = array<i32>} : memref<10x512xf32, #tpu.memory_space<vmem>>, vector<1x16xf32>,
    %swap3A_2316 = vector.shape_cast %swap3A_2315 : vector<1x16xf32> to vector<16xf32>
    %swap3A_2317 = vector.shape_cast %scan3A_2130#30 : vector<16xf32> to vector<1x16xf32>
    tpu.vector_store %arg8[%swap3A_2313, %swap3A_2314], %swap3A_2317 {strides = array<i32>} : memref<10x512xf32, #tpu.memory_space<vmem>>, vector<1x16xf32>,
    %swap3A_2318 = arith.constant 7 : i32
    %swap3A_2319 = arith.index_cast %swap3A_2318 : i32 to index
    %swap3A_2320 = arith.constant 496 : index
    %swap3A_2321 = tpu.vector_load %arg8[%swap3A_2319, %swap3A_2320] {strides = array<i32>} : memref<10x512xf32, #tpu.memory_space<vmem>>, vector<1x16xf32>,
    %swap3A_2322 = vector.shape_cast %swap3A_2321 : vector<1x16xf32> to vector<16xf32>
    %swap3A_2323 = vector.shape_cast %scan3A_2130#31 : vector<16xf32> to vector<1x16xf32>
    tpu.vector_store %arg8[%swap3A_2319, %swap3A_2320], %swap3A_2323 {strides = array<i32>} : memref<10x512xf32, #tpu.memory_space<vmem>>, vector<1x16xf32>,
    %swap3A_2324 = arith.constant 8 : i32
    %swap3A_2325 = arith.index_cast %swap3A_2324 : i32 to index
    %swap3A_2326 = arith.constant 448 : index
    %swap3A_2327 = tpu.vector_load %arg8[%swap3A_2325, %swap3A_2326] {strides = array<i32>} : memref<10x512xf32, #tpu.memory_space<vmem>>, vector<1x16xf32>,
    %swap3A_2328 = vector.shape_cast %swap3A_2327 : vector<1x16xf32> to vector<16xf32>
    %swap3A_2329 = vector.shape_cast %scan3A_2130#32 : vector<16xf32> to vector<1x16xf32>
    tpu.vector_store %arg8[%swap3A_2325, %swap3A_2326], %swap3A_2329 {strides = array<i32>} : memref<10x512xf32, #tpu.memory_space<vmem>>, vector<1x16xf32>,
    %swap3A_2330 = arith.constant 8 : i32
    %swap3A_2331 = arith.index_cast %swap3A_2330 : i32 to index
    %swap3A_2332 = arith.constant 464 : index
    %swap3A_2333 = tpu.vector_load %arg8[%swap3A_2331, %swap3A_2332] {strides = array<i32>} : memref<10x512xf32, #tpu.memory_space<vmem>>, vector<1x16xf32>,
    %swap3A_2334 = vector.shape_cast %swap3A_2333 : vector<1x16xf32> to vector<16xf32>
    %swap3A_2335 = vector.shape_cast %scan3A_2130#33 : vector<16xf32> to vector<1x16xf32>
    tpu.vector_store %arg8[%swap3A_2331, %swap3A_2332], %swap3A_2335 {strides = array<i32>} : memref<10x512xf32, #tpu.memory_space<vmem>>, vector<1x16xf32>,
    %swap3A_2336 = arith.constant 8 : i32
    %swap3A_2337 = arith.index_cast %swap3A_2336 : i32 to index
    %swap3A_2338 = arith.constant 480 : index
    %swap3A_2339 = tpu.vector_load %arg8[%swap3A_2337, %swap3A_2338] {strides = array<i32>} : memref<10x512xf32, #tpu.memory_space<vmem>>, vector<1x16xf32>,
    %swap3A_2340 = vector.shape_cast %swap3A_2339 : vector<1x16xf32> to vector<16xf32>
    %swap3A_2341 = vector.shape_cast %scan3A_2130#34 : vector<16xf32> to vector<1x16xf32>
    tpu.vector_store %arg8[%swap3A_2337, %swap3A_2338], %swap3A_2341 {strides = array<i32>} : memref<10x512xf32, #tpu.memory_space<vmem>>, vector<1x16xf32>,
    %swap3A_2342 = arith.constant 8 : i32
    %swap3A_2343 = arith.index_cast %swap3A_2342 : i32 to index
    %swap3A_2344 = arith.constant 496 : index
    %swap3A_2345 = tpu.vector_load %arg8[%swap3A_2343, %swap3A_2344] {strides = array<i32>} : memref<10x512xf32, #tpu.memory_space<vmem>>, vector<1x16xf32>,
    %swap3A_2346 = vector.shape_cast %swap3A_2345 : vector<1x16xf32> to vector<16xf32>
    %swap3A_2347 = vector.shape_cast %scan3A_2130#35 : vector<16xf32> to vector<1x16xf32>
    tpu.vector_store %arg8[%swap3A_2343, %swap3A_2344], %swap3A_2347 {strides = array<i32>} : memref<10x512xf32, #tpu.memory_space<vmem>>, vector<1x16xf32>,
    %swap3A_2348 = arith.constant 9 : i32
    %swap3A_2349 = arith.index_cast %swap3A_2348 : i32 to index
    %swap3A_2350 = arith.constant 448 : index
    %swap3A_2351 = tpu.vector_load %arg8[%swap3A_2349, %swap3A_2350] {strides = array<i32>} : memref<10x512xf32, #tpu.memory_space<vmem>>, vector<1x16xf32>,
    %swap3A_2352 = vector.shape_cast %swap3A_2351 : vector<1x16xf32> to vector<16xf32>
    %swap3A_2353 = vector.shape_cast %scan3A_2130#36 : vector<16xf32> to vector<1x16xf32>
    tpu.vector_store %arg8[%swap3A_2349, %swap3A_2350], %swap3A_2353 {strides = array<i32>} : memref<10x512xf32, #tpu.memory_space<vmem>>, vector<1x16xf32>,
    %swap3A_2354 = arith.constant 9 : i32
    %swap3A_2355 = arith.index_cast %swap3A_2354 : i32 to index
    %swap3A_2356 = arith.constant 464 : index
    %swap3A_2357 = tpu.vector_load %arg8[%swap3A_2355, %swap3A_2356] {strides = array<i32>} : memref<10x512xf32, #tpu.memory_space<vmem>>, vector<1x16xf32>,
    %swap3A_2358 = vector.shape_cast %swap3A_2357 : vector<1x16xf32> to vector<16xf32>
    %swap3A_2359 = vector.shape_cast %scan3A_2130#37 : vector<16xf32> to vector<1x16xf32>
    tpu.vector_store %arg8[%swap3A_2355, %swap3A_2356], %swap3A_2359 {strides = array<i32>} : memref<10x512xf32, #tpu.memory_space<vmem>>, vector<1x16xf32>,
    %swap3A_2360 = arith.constant 9 : i32
    %swap3A_2361 = arith.index_cast %swap3A_2360 : i32 to index
    %swap3A_2362 = arith.constant 480 : index
    %swap3A_2363 = tpu.vector_load %arg8[%swap3A_2361, %swap3A_2362] {strides = array<i32>} : memref<10x512xf32, #tpu.memory_space<vmem>>, vector<1x16xf32>,
    %swap3A_2364 = vector.shape_cast %swap3A_2363 : vector<1x16xf32> to vector<16xf32>
    %swap3A_2365 = vector.shape_cast %scan3A_2130#38 : vector<16xf32> to vector<1x16xf32>
    tpu.vector_store %arg8[%swap3A_2361, %swap3A_2362], %swap3A_2365 {strides = array<i32>} : memref<10x512xf32, #tpu.memory_space<vmem>>, vector<1x16xf32>,
    %swap3A_2366 = arith.constant 9 : i32
    %swap3A_2367 = arith.index_cast %swap3A_2366 : i32 to index
    %swap3A_2368 = arith.constant 496 : index
    %swap3A_2369 = tpu.vector_load %arg8[%swap3A_2367, %swap3A_2368] {strides = array<i32>} : memref<10x512xf32, #tpu.memory_space<vmem>>, vector<1x16xf32>,
    %swap3A_2370 = vector.shape_cast %swap3A_2369 : vector<1x16xf32> to vector<16xf32>
    %swap3A_2371 = vector.shape_cast %scan3A_2130#39 : vector<16xf32> to vector<1x16xf32>
    tpu.vector_store %arg8[%swap3A_2367, %swap3A_2368], %swap3A_2371 {strides = array<i32>} : memref<10x512xf32, #tpu.memory_space<vmem>>, vector<1x16xf32>,
    "tpu.region"() ({
      %run_scoped3A = tpu.sem_alloc : memref<!tpu.dma_semaphore, #tpu.memory_space<semaphore_mem>>
      %dma_start3A = arith.constant 0 : i32
      %dma_start3A_2372 = tpu.memref_slice %arg5[%dma_start3A, %mul3A_2] : memref<10x16384xf32, #tpu.memory_space<hbm>> -> memref<10x512xf32, #tpu.memory_space<hbm>>
      %dma_start3A_2373 = arith.constant 0 : i32
      %dma_start3A_2374 = tpu.memref_slice %arg5[%dma_start3A_2373, %mul3A_2] : memref<10x16384xf32, #tpu.memory_space<hbm>> -> memref<10x512xf32, #tpu.memory_space<hbm>>
      tpu.enqueue_dma source(%arg8 : memref<10x512xf32, #tpu.memory_space<vmem>>) target(%dma_start3A_2374 : memref<10x512xf32, #tpu.memory_space<hbm>>) target_semaphore(%run_scoped3A : memref<!tpu.dma_semaphore, #tpu.memory_space<semaphore_mem>>)
      %dma_wait3A = arith.constant 0 : i32
      %dma_wait3A_2375 = tpu.memref_slice %arg5[%dma_wait3A, %mul3A_2] : memref<10x16384xf32, #tpu.memory_space<hbm>> -> memref<10x512xf32, #tpu.memory_space<hbm>>
      %dma_wait3A_2376 = arith.constant 0 : i32
      %dma_wait3A_2377 = tpu.memref_slice %arg5[%dma_wait3A_2376, %mul3A_2] : memref<10x16384xf32, #tpu.memory_space<hbm>> -> memref<10x512xf32, #tpu.memory_space<hbm>>
      tpu.wait_dma2 semaphore(%run_scoped3A : memref<!tpu.dma_semaphore, #tpu.memory_space<semaphore_mem>>) src(%arg8 : memref<10x512xf32, #tpu.memory_space<vmem>>) dst(%dma_wait3A_2377 : memref<10x512xf32, #tpu.memory_space<hbm>>)
      tpu.yield
    }) : () -> ()
    return
  }
}

</mosaic_0001>

<sc_bundles>
// kernel: kernel.3.cloned.1.call-start
scs
__scs_entry_jumppad:
0x0: {  	(pc) =	sbr.rel $0x88, $3  }
0x1: {  	(tag) =	ssettag $0x0;
	lr =	simm.s32 $0x1  }
0x2: {  	[smem:$0x3F9E] =	sst lr;
	_ =	strace $0xD0000000  }
0x3: {  	_ = 	snop  }
0x4: {  	_ = 	snop  }
0x5: {  	_ = 	snop  }
0x6: {  	_ = 	snop  }
0x7: {  	_ = 	snop  }
__scs_overlays_trampoline_lowered:
0x8: {  	[smem:$0x3FAD] =	sst s0  }
0x9: {  	[smem:$0x3FAE] =	sst s1  }
0xa: {  	[smem:$0x3FAF] =	sst s2  }
0xb: {  	[smem:$0x3FB0] =	sst s3  }
0xc: {  	[smem:$0x3FB1] =	sst s4  }
0xd: {  	[smem:$0x3FB2] =	sst s5  }
0xe: {  	[smem:$0x3FB3] =	sst s6  }
0xf: {  	[smem:$0x3FB4] =	sst s7  }
0x10: {  	[smem:$0x3FB5] =	sst s8  }
0x11: {  	[smem:$0x3FB6] =	sst s9;
	s0 =	simm.s32 @!p0 $0x0  }
0x12: {  	s1 =	sld [smem:$0x3F9C];
	s0 =	simm.s32 @p0 $0x1  }
0x13: {  	[smem:$0x3FB7] =	sst s0;
	s0 =	simm.s32 @!p1 $0x0  }
0x14: {  	s2 =	sld [smem:$0x3F9B];
	s0 =	simm.s32 @p1 $0x1  }
0x15: {  	[smem:$0x3FB8] =	sst s0;
	s0 =	simm.s32 @!p2 $0x0  }
0x16: {  	s3 =	sld [smem:$0x3FDB];
	s0 =	simm.s32 @p2 $0x1  }
0x17: {  	s4 =	simm.s32 $0x1BF5;
	[smem:$0x3FBA] =	sst s0  }
0x18: {  	s0 =	sld [smem:$0x3F9D];
	_ =	swait.ge [sflag:s4], $0x0  }
0x19: {  	s7 =	sld [smem:$0x3F9E]  }
0x1a: {  	s8 =	sadd.s32 $0xFFFFE003, lr  }
0x1b: {  	s9 =	sadd.s32 $0xFFFFFEF7, lr;
	s5 =	simm.s32 $0xFFFFFFFF;
	p2 =	slt.u32 s8, $0xFFFFF086  }
0x1c: {  	p1 =	slt.u32 s9, $0xF7A;
	s5 =	simm.s32 @!p2 $0x0  }
0x1d: {  	s5 =	simm.s32 @p1 $0x1;
	p0 =	seq.s32 s7, s2  }
0x1e: {  	s7 =	smul.u32 @!p0 $0xF7A, s2;
	p2 =	seq.s32 @!p0 s5, $0x0  }
0x1f: {  	s9 =	smul.u32 $0xF7A, s1;
	s8 =	simm.s32 @!p0 $0x1BF5;
	p2 =	por !p2, p0  }
0x20: {  	[sflag:s8] =	ssyncset.s32 @!p0 $0xFFFFF086;
	s6 =	sadd.s32 @!p0 s3, s7;
	s7 =	simm.s32 @!p0 $0x108  }
0x21: {  	s3 =	sadd.s32 s3, s9;
	s6 =	sadd.s32 @!p0 $0x88, s6;
	s7 =	simm.s32 @p2 $0x1082  }
0x22: {  	[simem:s7], [sflag:s8] =	dma.local @!p0 [hbm:s6], $0xF7A  }
0x23: {  	s9 =	sor.u32 $0xD0000000, s2;
	s6 =	simm.s32 $0x108;
	_ =	swait.ge @!p0 [sflag:s8], $0x0  }
0x24: {  	s3 =	sadd.s32 $0x88, s3;
	s6 =	simm.s32 @!p1 $0x1082;
	[sflag:s4] =	ssyncset.s32 $0xFFFFF086  }
0x25: {  	[simem:s6], [sflag:s4] =	dma.local [hbm:s3], $0xF7A  }
0x26: {  	[smem:$0x3F9E] =	sst s1;
	(tag) =	ssettag s2;
	_ =	strace s9  }
0x27: {  	s1 =	sld [smem:$0x3FAE]  }
0x28: {  	s2 =	sld [smem:$0x3FAF]  }
0x29: {  	s4 =	sld [smem:$0x3FB1]  }
0x2a: {  	p0 =	seq.s32 s5, $0x0;
	s5 =	sld [smem:$0x3FB2]  }
0x2b: {  	s6 =	sld [smem:$0x3FB3]  }
0x2c: {  	s7 =	sld [smem:$0x3FB4]  }
0x2d: {  	s3 =	simm.s32 $0x108;
	s8 =	sld [smem:$0x3FB5]  }
0x2e: {  	s3 =	simm.s32 @!p0 $0x1082;
	s9 =	sld [smem:$0x3FB6]  }
0x2f: {  	lr =	sadd.s32 s0, s3;
	s0 =	sld [smem:$0x3FAD]  }
0x30: {  	s3 =	sld [smem:$0x3FB0]  }
0x31: {  	[smem:$0x3FB9] =	sst s10  }
0x32: {  	s10 =	sld [smem:$0x3FB7];
	_ =	sdelay $0x3  }
0x33: {  	p0 =	seq.s32 s10, $0x1;
	s10 =	sld [smem:$0x3FB9];
	_ =	sdelay $0x3  }
0x34: {  	[smem:$0x3FB9] =	sst s10  }
0x35: {  	s10 =	sld [smem:$0x3FB8];
	_ =	sdelay $0x3  }
0x36: {  	p1 =	seq.s32 s10, $0x1;
	s10 =	sld [smem:$0x3FB9];
	_ =	sdelay $0x3  }
0x37: {  	[smem:$0x3FB9] =	sst s10  }
0x38: {  	s10 =	sld [smem:$0x3FBA]  }
0x39: {  	_ = 	snop;
	(pc) =	sbr.ind lr, $3  }
0x3a: {  	_ = 	snop  }
0x3b: {  	_ = 	snop  }
0x3c: {  	p2 =	seq.s32 s10, $0x1;
	s10 =	sld [smem:$0x3FB9]  }
0x3d: {  	_ =	shalt  }
0x3e: {  	_ =	shalt  }
0x3f: {  	_ =	shalt  }
0x40: {  	_ =	shalt  }
0x41: {  	_ =	shalt  }
0x42: {  	_ =	shalt  }
0x43: {  	_ =	shalt  }
0x44: {  	_ =	shalt  }
0x45: {  	_ =	shalt  }
0x46: {  	_ =	shalt  }
0x47: {  	_ =	shalt  }
0x48: {  	_ =	shalt  }
0x49: {  	_ =	shalt  }
0x4a: {  	_ =	shalt  }
0x4b: {  	_ =	shalt  }
0x4c: {  	_ =	shalt  }
0x4d: {  	_ =	shalt  }
0x4e: {  	_ =	shalt  }
0x4f: {  	_ =	shalt  }
0x50: {  	_ =	shalt  }
0x51: {  	_ =	shalt  }
0x52: {  	_ =	shalt  }
0x53: {  	_ =	shalt  }
0x54: {  	_ =	shalt  }
0x55: {  	_ =	shalt  }
0x56: {  	_ =	shalt  }
0x57: {  	_ =	shalt  }
0x58: {  	_ =	shalt  }
0x59: {  	_ =	shalt  }
0x5a: {  	_ =	shalt  }
0x5b: {  	_ =	shalt  }
0x5c: {  	_ =	shalt  }
0x5d: {  	_ =	shalt  }
0x5e: {  	_ =	shalt  }
0x5f: {  	_ =	shalt  }
0x60: {  	_ =	shalt  }
0x61: {  	_ =	shalt  }
0x62: {  	_ =	shalt  }
0x63: {  	_ =	shalt  }
0x64: {  	_ =	shalt  }
0x65: {  	_ =	shalt  }
0x66: {  	_ =	shalt  }
0x67: {  	_ =	shalt  }
0x68: {  	_ =	shalt  }
0x69: {  	_ =	shalt  }
0x6a: {  	_ =	shalt  }
0x6b: {  	_ =	shalt  }
0x6c: {  	_ =	shalt  }
0x6d: {  	_ =	shalt  }
0x6e: {  	_ =	shalt  }
0x6f: {  	_ =	shalt  }
0x70: {  	_ =	shalt  }
0x71: {  	_ =	shalt  }
0x72: {  	_ =	shalt  }
0x73: {  	_ =	shalt  }
0x74: {  	_ =	shalt  }
0x75: {  	_ =	shalt  }
0x76: {  	_ =	shalt  }
0x77: {  	_ =	shalt  }
0x78: {  	_ =	shalt  }
0x79: {  	_ =	shalt  }
0x7a: {  	_ =	shalt  }
0x7b: {  	_ =	shalt  }
0x7c: {  	_ =	shalt  }
0x7d: {  	_ =	shalt  }
0x7e: {  	_ =	shalt  }
0x7f: {  	_ =	shalt  }
0x80: {  	_ =	shalt  }
0x81: {  	_ =	shalt  }
0x82: {  	_ =	shalt  }
0x83: {  	_ =	shalt  }
0x84: {  	_ =	shalt  }
0x85: {  	_ =	shalt  }
0x86: {  	_ =	shalt  }
0x87: {  	_ =	shalt  }
.Lfunc_end0:
.L_simem_size_0:
called_computation_lowered:
.L_overlay_start_0:
0x88: {  	s2 =	sld [smem:$0x3FD9]  }
0x89: {  	s3 =	sld [smem:$0x3FFE];
	_ =	sdelay $0x1  }
0x8a: {  	s1 =	srdreg.scid  }
0x8b: {  	s0 =	sand.u32 $0x1, s1  }
0x8c: {  	s17 =	sshll.u32 s0, $0xA;
	s2 =	sadd.s32 s3, s2  }
0x8d: {  	s2 =	sadd.s32 s2, s17  }
0x8e: {  	[smem:$0x3FC5] =	sst s2  }
0x8f: {  	_ = 	snop  }
0x90: {  	s2 =	sld [smem:$0x3FC9]  }
0x91: {  	s18 =	sld [smem:$0x3FD0];
	(tm) =	ssettm $0x1  }
0x92: {  	s4 =	sld [smem:$0x3FFB];
	_ =	sdelay $0x3  }
0x93: {  	_ =	strace s4  }
0x94: {  	s4 =	sld [smem:$0x3FFC];
	_ =	sdelay $0x3  }
0x95: {  	_ =	strace s4  }
0x96: {  	s4 =	sld [smem:$0x3FFD];
	_ =	sdelay $0x3  }
0x97: {  	_ =	strace s4  }
0x98: {  	_ =	strace $0x8FFFFFFF  }
0x99: {  	s19 =	sld [smem:$0x3FDB];
	_ =	sdelay $0x1  }
0x9a: {  	s5 =	simm.s32 $_scs_section_size  }
0x9b: {  	s6 =	simm.s32 $_size__tile_overlayer_lowered;
	s7 =	simm.s32 $_tile_overlayer_lowered  }
0x9c: {  	s22 =	simm.s32 $0x1BFF;
	s21 =	sshll.u32 s7, $0x1;
	s4 =	sadd.s32 s5, s19  }
0x9d: {  	s8 =	simm.s32 $0x0;
	s20 =	sshll.u32 s6, $0x1;
	s6 =	sadd.s32 s21, s4  }
0x9e: {  	[timem:s8], [sflag:s22] =	dma.local [hbm:s6], s20  }
0x9f: {  	_ =	swait.ge [sflag:s22], s20  }
0xa0: {  	s5 =	ssub.s32 $0x0, s20;
	[sflag:s22] =	ssyncset.done $0x0  }
0xa1: {  	[sflag:s22] =	ssyncadd.s32 s5;
	_ =	sdelay $0x1  }
0xa2: {  	s23 =	simm.s32 $0x1B8B  }
0xa3: {  	_ =	swait.ge [sflag:s23], $0x1  }
0xa4: {  	[sflag:s23] =	ssyncset.done $0x0  }
0xa5: {  	s25 =	simm.s32 $0x1B8E;
	s24 =	sld [smem:$0x3FFE];
	[sflag:s23] =	ssyncadd.s32 $0xFFFFFFFF  }
0xa6: {  	s26 =	simm.s32 $execute0_lowered;
	[smem:$0x3FD2] =	sst s25  }
0xa7: {  	s6 =	sshll.u32 s26, $0x1;
	_ =	strace $0x80000046;
	[dreg:$0x1] =	wrdreg $0xFFFFFFFF  }
0xa8: {  	s28 =	simm.s32 $_size_execute0_lowered;
	s4 =	sadd.s32 s4, s6;
	[dreg:$0x0] =	wrdreg $0x0  }
0xa9: {  	s6 =	sshll.u32 s28, $0x1;
	[dreg:$0x2] =	wrdreg s4  }
0xaa: {  	[dreg:$0x3] =	wrdreg s6  }
0xab: {  	[dreg:$0x4] =	wrdreg $0xC0  }
0xac: {  	_ =	task [dreg:s8], $0x5FFFF  }
0xad: {  	[dreg:$0x1] =	wrdreg $0xFFFFFFFF  }
0xae: {  	[dreg:$0x0] =	wrdreg $0x60  }
0xaf: {  	[dreg:$0x2] =	wrdreg s2  }
0xb0: {  	[dreg:$0x3] =	wrdreg s24  }
0xb1: {  	[dreg:$0x4] =	wrdreg s18  }
0xb2: {  	[dreg:$0x5] =	wrdreg $0x9  }
0xb3: {  	_ =	task.clear_ibuf [dreg:s8], $0x6FFFF;
	_ =	strace $0x90000046  }
0xb4: {  	s29 =	simm.s32 $0x9;
	_ =	strace $0x80000048  }
0xb5: {  	_ =	swait.ge [sflag:s29], $0x1  }
0xb6: {  	[sflag:s29] =	ssyncadd.s32 $0xFFFFFFFF  }
0xb7: {  	_ =	strace $0x90000048  }
0xb8: {  	_ =	sfence  }
0xb9: {  	s30 =	sld [smem:$0x0];
	_ =	sdelay $0x2  }
0xba: {  	s31 =	sshll.u32 s1, $0xD;
	s1 =	sshrl.u32 s1, $0x2  }
0xbb: {  	s3 =	sand.u32 $0x4000, s31;
	s1 =	sadd.s32 s1, s30  }
0xbc: {  	s0 =	sor.u32 s3, s0;
	s1 =	sshll.u32 s1, $0x11  }
0xbd: {  	s0 =	sor.u32 s1, s0  }
0xbe: {  	s0 =	sadd.s32 $0x8F2B, s0  }
0xbf: {  	[sflag:s0] =	ssyncadd.remote.s32 $0x1  }
0xc0: {  	_ =	sfence.sel $0xFFFF  }
0xc1: {  	[dreg:$0x0] =	wrdreg $0xFFFFFFFF;
	(pc) =	sbr.abs _section_cstart, $3  }
0xc2: {  	[dreg:$0x1] =	wrdreg $0xFFFFFFFF  }
0xc3: {  	_ =	task.clear_ibuf [dreg:s8], $0x2FFFF;
	_ =	strace $0x9FFFFFFF  }
0xc4: {  	(tm) =	ssettm $0x7FFFFFFF  }
0xc5: {  	_ =	shalt  }
tec
execute0_lowered:
.L_overlay_start_1:
0x0: {  	(tag) =	ssettag $0x1  }
0x1: {  	s5 =	rddreg [dreg:$0x0]  }
0x2: {  	s4 =	rddreg [dreg:$0x1]  }
0x3: {  	s7 =	rddreg [dreg:$0x2]  }
0x4: {  	s0 =	rddreg [dreg:$0x3];
	s2 =	simm.s32 $0x0;
	s3 =	srdreg.scid  }
0x5: {  	s1 =	stileid.u32;
	s10 =	simm.s32 $0x1;
	s11 =	simm.s32 $0x1D000  }
0x6: {  	s12 =	simm.s32 $0x800;
	s13 =	simm.s32 $0x20000;
	s14 =	simm.s32 $0x1000  }
0x7: {  	s15 =	simm.s32 $0x1B000;
	s16 =	simm.s32 $0x0;
	[smem:$0x7FF] =	sst s2  }
0x8: {  	s6 =	sand.u32 $0x1, s3;
	s8 =	sshll.u32 s1, $0xA;
	s3 =	sadd.s32 $0x400, s4  }
0x9: {  	s4 =	sadd.s32 $0x2000, s4;
	s9 =	sshll.u32 s6, $0x9;
	s6 =	ssub.s32 $0x2, s6  }
0xa: {  	_ =	strace $0x80000047;
	s8 =	sor.u32 s9, s8;
	s31 =	sshrl.u32 s6, $0x1  }
0xb: {  	s5 =	sadd.s32 s5, s8;
	s9 =	ssub.s32 s6, s31;
	s7 =	sadd.s32 s7, s8  }
0xc: {  	s6 =	sadd.s32 $0x100, s5;
	s8 =	smax.u32 s9, $0x1;
	s9 =	simm.s32 $0xD800  }
.LBB2_1:
0xd: {  	[tilespmem:s9], [sflag:$0x1] =	stream.linear.gather [hbm4b:s3+s2], $0xD800, $0x38;
	[tilespmem:$0x1D800] =	vst v63  }
0xe: {  	_ =	swait.ge [sflag:s10], $0xD800  }
0xf: {  	[sflag:s10] =	ssyncset.done $0x0  }
0x10: {  	[sflag:s10] =	ssyncadd.s32 $0xFFFF2800  }
0x11: {  	[tilespmem:s11], [sflag:$0x1] =	stream.linear.gather [hbm4b:s4+s2], $0x500, $0x38;
	[tilespmem:$0x1D800] =	vst v63  }
0x12: {  	_ =	swait.ge [sflag:s10], $0x500  }
0x13: {  	[sflag:s10] =	ssyncset.done $0x0  }
0x14: {  	[sflag:s10] =	ssyncadd.s32 $0xFFFFFB00  }
0x15: {  	[tilespmem:s2], [sflag:$0x1] =	stream.strided.gather [hbm4b:s5+s12], $0xD800, s13, s12, $0x38;
	[tilespmem:$0x1D800] =	vst v63  }
0x16: {  	_ =	swait.ge [sflag:s10], $0xD800  }
0x17: {  	s17 =	sand.u32 $0x7, s2;
	s18 =	sand.u32 $0xF800, s2;
	[sflag:s10] =	ssyncset.done $0x0  }
0x18: {  	s19 =	sand.u32 $0x380, s2;
	s17 =	sshll.u32 s17, $0x4;
	[sflag:s10] =	ssyncadd.s32 $0xFFFF2800  }
0x19: {  	s18 =	sor.u32 s19, s18;
	s17 =	sadd.s32 $0x0, s17;
	v17 =	vld [tilespmem:$0x1D000]  }
0x1a: {  	s31 =	sand.u32 $0x70, s2;
	s20 =	sand.u32 $0x7C00, s2;
	s17 =	sor.u32 $0x380, s17;
	v0 =	vld [tilespmem:s18+$0x30]  }
0x1b: {  	s19 =	sor.u32 s31, s20;
	v12 =	vld [tilespmem:s17+$0xD800]  }
0x1c: {  	v20 =	vld [tilespmem:s19+$0xD980]  }
0x1d: {  	v27 =	vld [tilespmem:s19+$0xD900]  }
0x1e: {  	v10 =	vld [tilespmem:s19+$0xDB00]  }
0x1f: {  	v7 =	vld [tilespmem:s19+$0x14400]  }
0x20: {  	v6 =	vld [tilespmem:s18+$0x20]  }
0x21: {  	v32 =	vld [tilespmem:s19+$0xDA80]  }
0x22: {  	v15 =	vld [tilespmem:s19+$0xD800]  }
0x23: {  	v16 =	vld [tilespmem:s18+$0x10]  }
0x24: {  	v19 =	vld [tilespmem:s19+$0xD880]  }
0x25: {  	v22 =	vld [tilespmem:s18+$0x0];
	v4 =	vmul.f32 v12, v0;
	v8 =	vmul.f32 v10, v0  }
0x26: {  	v14 =	vld [tilespmem:$0x1D100];
	v9 =	vmul.f32 v20, v6;
	v11 =	vmul.f32 v12, v6  }
0x27: {  	v48 =	vld [tilespmem:s19+$0xDA00];
	v21 =	vmul.f32 v27, v0;
	v50 =	vmul.f32 v32, v6  }
0x28: {  	v3 =	vld [tilespmem:$0x1D300];
	v23 =	vmul.f32 v15, v6;
	v26 =	vmul.f32 v7, v6  }
0x29: {  	v2 =	vld [tilespmem:$0x1D380];
	v28 =	vmul.f32 v15, v0;
	v33 =	vmul.f32 v19, v16  }
0x2a: {  	v13 =	vld [tilespmem:$0x1D180];
	v56 =	vmul.f32 v19, v6;
	v55 =	vmul.f32 v27, v22  }
0x2b: {  	v18 =	vld [tilespmem:$0x1D280];
	v54 =	vmul.f32 v15, v22;
	v59 =	vmul.f32 v27, v16  }
0x2c: {  	v1 =	vld [tilespmem:$0x1D400];
	v53 =	vmul.f32 v20, v16;
	v52 =	vmul.f32 v48, v16  }
0x2d: {  	v24 =	vld [tilespmem:$0x1D200];
	v57 =	vmul.f32 v32, v0;
	v58 =	vmul.f32 v20, v22  }
0x2e: {  	v31 =	vld [tilespmem:$0x1D080];
	v5 =	vadd.f32 v4, v2;
	v4 =	vmul.f32 v7, v0;
	v8 =	vadd.f32 v8, v3  }
0x2f: {  	v49 =	vmovc v14;
	v25 =	vadd.f32 v9, v13;
	v29 =	vadd.f32 v21, v14;
	v21 =	vmul.f32 v15, v16  }
0x30: {  	v35 =	vmovc v18;
	v38 =	vadd.f32 v23, v17;
	v23 =	vmul.f32 v20, v0;
	v9 =	vld [tilespmem:$0x1D480];
	v40 =	vadd.f32 v28, v17  }
0x31: {  	v36 =	vmovc v18;
	v28 =	vmul.f32 v19, v22;
	v41 =	vadd.f32 v21, v17;
	v21 =	vmul.f32 v19, v0  }
0x32: {  	v39 =	vmovc v24;
	v46 =	vmovc v13;
	v42 =	vmov v24;
	v11 =	vadd.f32 v11, v2;
	v15 =	vadd.f32 v26, v1  }
0x33: {  	v51 =	vmovc v14;
	v43 =	vmovc v24;
	v37 =	vmov v3;
	v47 =	vadd.f32 v33, v31;
	v4 =	vadd.f32 v4, v1  }
0x34: {  	s20 =	simm.s32 $0x0;
	v34 =	vmovc v3;
	v30 =	vadd.f32 v23, v13;
	v45 =	vadd.f32 v28, v31;
	v33 =	vmovc v18;
	v26 =	vmov v1  }
0x35: {  	s17 =	simm.s32 $0x100;
	s18 =	simm.s32 $0x1;
	v19 =	vld [tilespmem:s19+$0x14480];
	s19 =	simm.s32 $0x0;
	v44 =	vadd.f32 v21, v31;
	v28 =	vmovc v2;
	v23 =	vmovc v9;
	v20 =	vmov v9;
	v21 =	vmov v9  }
.LBB2_2:
0x36: {  	s21 =	sand.u32 $0x7, s18  }
0x37: {  	v60 =	vmul.f32 v48, v22;
	v61 =	vmul.f32 v32, v22;
	v18 =	vadd.f32 v57, v18;
	s19 =	sadd.s32 $0x10, s19;
	s20 =	sadd.s32 $0x80, s20;
	s22 =	smov.u32 s17  }
0x38: {  	p0 =	sne.s32 s17, $0xD400;
	s17 =	sadd.s32 $0x100, s17;
	v14 =	vadd.f32 v59, v14;
	v32 =	vmul.f32 v32, v16;
	v57 =	vmul.f32 v10, v22;
	s21 =	sshll.u32 s21, $0x4  }
0x39: {  	v31 =	vadd.f32 v56, v31;
	v49 =	vadd.f32 v55, v49;
	v55 =	vmul.f32 v12, v22;
	s22 =	sand.u32 $0xF800, s22;
	s23 =	sand.u32 $0x380, s20;
	s21 =	sadd.s32 s21, s20  }
0x3a: {  	v33 =	vadd.f32 v50, v33;
	v50 =	vmul.f32 v7, v22;
	s22 =	sor.u32 s23, s22;
	v35 =	vadd.f32 v61, v35;
	s23 =	sor.u32 $0x380, s21  }
0x3b: {  	s24 =	sand.u32 $0x7C00, s20;
	v13 =	vadd.f32 v58, v13;
	v58 =	vmul.f32 v10, v16;
	v2 =	vadd.f32 v55, v2;
	s21 =	sand.u32 $0x70, s19;
	v56 =	vld [tilespmem:s22+$0x30]  }
0x3c: {  	v59 =	vmul.f32 v48, v0;
	v22 =	vmul.f32 v19, v22;
	v1 =	vadd.f32 v50, v1;
	s21 =	sor.u32 s21, s24;
	v55 =	vld [tilespmem:s23+$0xD800]  }
0x3d: {  	v12 =	vmul.f32 v12, v16;
	v24 =	vadd.f32 v60, v24;
	v36 =	vadd.f32 v32, v36;
	v61 =	vld [tilespmem:s21+$0xD980]  }
0x3e: {  	v39 =	vadd.f32 v59, v39;
	v59 =	vmul.f32 v7, v16;
	v9 =	vadd.f32 v22, v9;
	v50 =	vld [tilespmem:s21+$0xD900]  }
0x3f: {  	v17 =	vadd.f32 v54, v17;
	v16 =	vmul.f32 v19, v16;
	v3 =	vadd.f32 v58, v3;
	v22 =	vld [tilespmem:s21+$0xDB00]  }
0x40: {  	v46 =	vadd.f32 v53, v46;
	v53 =	vmul.f32 v19, v6;
	v28 =	vadd.f32 v12, v28;
	v32 =	vld [tilespmem:s21+$0xDA80]  }
0x41: {  	v26 =	vadd.f32 v59, v26;
	v23 =	vadd.f32 v16, v23;
	v54 =	vmul.f32 v55, v56;
	v7 =	vld [tilespmem:s21+$0x14400];
	v12 =	vmovc v55  }
0x42: {  	v21 =	vadd.f32 v53, v21;
	v53 =	vmul.f32 v19, v0;
	v16 =	vmul.f32 v27, v6;
	v0 =	vmovc v56;
	v55 =	vld [tilespmem:s22+$0x20]  }
0x43: {  	v48 =	vmul.f32 v48, v6;
	v6 =	vmul.f32 v10, v6;
	v58 =	vld [tilespmem:s21+$0xD800];
	v5 =	vadd.f32 v54, v5;
	v27 =	vmovc v50  }
0x44: {  	v42 =	vadd.f32 v52, v42;
	v20 =	vadd.f32 v53, v20;
	v50 =	vmul.f32 v22, v0;
	v19 =	vld [tilespmem:s21+$0x14480];
	v10 =	vmovc v22  }
0x45: {  	v43 =	vadd.f32 v48, v43;
	v51 =	vadd.f32 v16, v51;
	v22 =	vld [tilespmem:s22+$0x0]  }
0x46: {  	v37 =	vadd.f32 v57, v37;
	v34 =	vadd.f32 v6, v34;
	v16 =	vld [tilespmem:s22+$0x10];
	v48 =	vmul.f32 v7, v0  }
0x47: {  	v8 =	vadd.f32 v50, v8;
	v52 =	vld [tilespmem:s21+$0xD880];
	v53 =	vmul.f32 v61, v55;
	v54 =	vmul.f32 v12, v55;
	v6 =	vmovc v55  }
0x48: {  	v55 =	vmul.f32 v27, v0;
	v50 =	vmul.f32 v32, v6;
	v4 =	vadd.f32 v48, v4  }
0x49: {  	v48 =	vmul.f32 v58, v6;
	v57 =	vmul.f32 v7, v6;
	v25 =	vadd.f32 v53, v25  }
0x4a: {  	v53 =	vmul.f32 v58, v0;
	v29 =	vadd.f32 v55, v29;
	v11 =	vadd.f32 v54, v11  }
0x4b: {  	v54 =	vmul.f32 v61, v0;
	v38 =	vadd.f32 v48, v38;
	v59 =	vmul.f32 v58, v16;
	v48 =	vld [tilespmem:s21+$0xDA00]  }
0x4c: {  	v40 =	vadd.f32 v53, v40;
	v60 =	vmul.f32 v52, v22;
	v62 =	vmul.f32 v52, v16  }
.Ltmp0:
0x4d: {  	v55 =	vmul.f32 v27, v22;
	v30 =	vadd.f32 v54, v30;
	v56 =	vmul.f32 v52, v6;
	(pc) =	sbr.rel @p0 .LBB2_2-.Ltmp0, $4  }
0x4e: {  	v54 =	vmul.f32 v58, v22;
	v58 =	vmul.f32 v52, v0;
	v41 =	vadd.f32 v59, v41  }
0x4f: {  	v15 =	vadd.f32 v57, v15;
	v53 =	vmul.f32 v61, v16;
	v59 =	vmul.f32 v27, v16  }
0x50: {  	v57 =	vmul.f32 v32, v0;
	v45 =	vadd.f32 v60, v45;
	v52 =	vmul.f32 v48, v16  }
0x51: {  	s18 =	sadd.s32 $0x1, s18;
	v47 =	vadd.f32 v62, v47;
	v44 =	vadd.f32 v58, v44;
	v58 =	vmul.f32 v61, v22  }
0x52: {  	[tilespmem:$0x1B010] =	vst v41  }
0x53: {  	[tilespmem:$0x1B020] =	vst v38  }
0x54: {  	[tilespmem:$0x1B030] =	vst v40  }
0x55: {  	[tilespmem:$0x1B080] =	vst v45  }
0x56: {  	[tilespmem:$0x1B130] =	vst v29  }
0x57: {  	[tilespmem:$0x1B1A0] =	vst v25  }
0x58: {  	[tilespmem:$0x1B1B0] =	vst v30  }
0x59: {  	[tilespmem:$0x1B330] =	vst v8  }
0x5a: {  	[tilespmem:$0x1B3A0] =	vst v11  }
0x5b: {  	[tilespmem:$0x1B3B0] =	vst v5  }
0x5c: {  	[tilespmem:$0x1C020] =	vst v15  }
0x5d: {  	[tilespmem:$0x1C030] =	vst v4  }
0x5e: {  	v17 =	vadd.f32 v54, v17;
	[tilespmem:$0x1B090] =	vst v47  }
0x5f: {  	v14 =	vadd.f32 v59, v14;
	[tilespmem:$0x1B0B0] =	vst v44  }
0x60: {  	v18 =	vadd.f32 v57, v18;
	[tilespmem:$0x1B000] =	vst v17  }
0x61: {  	v27 =	vmul.f32 v27, v6;
	v17 =	vadd.f32 v56, v31;
	[tilespmem:$0x1B110] =	vst v14  }
0x62: {  	v13 =	vadd.f32 v58, v13;
	[tilespmem:$0x1B2B0] =	vst v18  }
0x63: {  	[tilespmem:$0x1B0A0] =	vst v17;
	v17 =	vadd.f32 v27, v51  }
0x64: {  	v8 =	vmul.f32 v7, v22;
	v31 =	vadd.f32 v55, v49;
	[tilespmem:$0x1B180] =	vst v13  }
0x65: {  	v14 =	vadd.f32 v53, v46;
	[tilespmem:$0x1B120] =	vst v17;
	v17 =	vmul.f32 v48, v22  }
0x66: {  	v1 =	vadd.f32 v8, v1;
	[tilespmem:$0x1B100] =	vst v31  }
0x67: {  	[tilespmem:$0x1B190] =	vst v14;
	v14 =	vmul.f32 v48, v6;
	v13 =	vadd.f32 v17, v24  }
0x68: {  	v25 =	vmul.f32 v32, v22;
	[tilespmem:$0x1C000] =	vst v1;
	v24 =	vadd.f32 v52, v42  }
0x69: {  	v14 =	vadd.f32 v14, v43;
	[tilespmem:$0x1B200] =	vst v13;
	v13 =	vmul.f32 v32, v16  }
0x6a: {  	v1 =	vmul.f32 v19, v16;
	[tilespmem:$0x1B210] =	vst v24;
	v24 =	vadd.f32 v25, v35  }
0x6b: {  	v17 =	vmul.f32 v48, v0;
	[tilespmem:$0x1B220] =	vst v14;
	v14 =	vmul.f32 v10, v22;
	v13 =	vadd.f32 v13, v36  }
0x6c: {  	v1 =	vadd.f32 v1, v23;
	[tilespmem:$0x1B280] =	vst v24;
	v24 =	vmul.f32 v10, v16  }
0x6d: {  	v17 =	vadd.f32 v17, v39;
	[tilespmem:$0x1B290] =	vst v13;
	v13 =	vadd.f32 v14, v37;
	v14 =	vmul.f32 v12, v22  }
0x6e: {  	v0 =	vmul.f32 v19, v0;
	[tilespmem:$0x1C090] =	vst v1;
	v3 =	vadd.f32 v24, v3  }
0x6f: {  	[tilespmem:$0x1B230] =	vst v17;
	v12 =	vmul.f32 v12, v16;
	v2 =	vadd.f32 v14, v2  }
0x70: {  	v0 =	vadd.f32 v0, v20;
	[tilespmem:$0x1B310] =	vst v3  }
0x71: {  	v3 =	vadd.f32 v12, v28;
	[tilespmem:$0x1B380] =	vst v2;
	v2 =	vmul.f32 v7, v16  }
0x72: {  	v17 =	vadd.f32 v50, v33;
	[tilespmem:$0x1C0B0] =	vst v0  }
0x73: {  	v10 =	vmul.f32 v10, v6;
	[tilespmem:$0x1B390] =	vst v3;
	v3 =	vmul.f32 v19, v22;
	v2 =	vadd.f32 v2, v26  }
0x74: {  	[tilespmem:$0x1B2A0] =	vst v17  }
0x75: {  	v10 =	vadd.f32 v10, v34;
	[tilespmem:$0x1C010] =	vst v2;
	v2 =	vadd.f32 v3, v9;
	v3 =	vmul.f32 v19, v6  }
0x76: {  	s17 =	simm.s32 $0x0;
	[tilespmem:$0x1B300] =	vst v13  }
0x77: {  	s18 =	sand.u32 $0x7, s17;
	v18 =	vld [tilespmem:$0x1D280];
	[tilespmem:$0x1B320] =	vst v10;
	v4 =	vadd.f32 v3, v21  }
0x78: {  	s19 =	sand.u32 $0xF800, s17;
	s20 =	sand.u32 $0x380, s17;
	s18 =	sshll.u32 s18, $0x4;
	v24 =	vld [tilespmem:$0x1D200];
	[tilespmem:$0x1C080] =	vst v2  }
0x79: {  	s19 =	sor.u32 s20, s19;
	s18 =	sadd.s32 $0x0, s18;
	v13 =	vld [tilespmem:$0x1D100];
	[tilespmem:$0x1C0A0] =	vst v4  }
0x7a: {  	s31 =	sand.u32 $0x70, s17;
	s21 =	sand.u32 $0x7C00, s17;
	s18 =	sor.u32 $0x380, s18;
	v0 =	vld [tilespmem:s19+$0x70]  }
0x7b: {  	s20 =	sor.u32 s31, s21;
	v14 =	vld [tilespmem:s18+$0xD800]  }
0x7c: {  	v20 =	vld [tilespmem:s20+$0xD980]  }
0x7d: {  	v27 =	vld [tilespmem:s20+$0xD900]  }
0x7e: {  	v11 =	vld [tilespmem:s20+$0xDB00]  }
0x7f: {  	v7 =	vld [tilespmem:s20+$0x14400]  }
0x80: {  	v6 =	vld [tilespmem:s19+$0x60]  }
0x81: {  	v32 =	vld [tilespmem:s20+$0xDA80]  }
0x82: {  	v16 =	vld [tilespmem:s20+$0xD800]  }
0x83: {  	v17 =	vld [tilespmem:s19+$0x50]  }
0x84: {  	v19 =	vld [tilespmem:s20+$0xD880];
	v4 =	vmul.f32 v14, v0  }
0x85: {  	v22 =	vld [tilespmem:s19+$0x40];
	v8 =	vmul.f32 v11, v0;
	v9 =	vmul.f32 v20, v6  }
0x86: {  	v3 =	vld [tilespmem:$0x1D300];
	v12 =	vmul.f32 v14, v6;
	v21 =	vmul.f32 v27, v0  }
0x87: {  	v2 =	vld [tilespmem:$0x1D380];
	v50 =	vmul.f32 v32, v6;
	v23 =	vmul.f32 v16, v6  }
0x88: {  	v10 =	vld [tilespmem:$0x1D180];
	v25 =	vmul.f32 v7, v6;
	v28 =	vmul.f32 v16, v0  }
0x89: {  	v15 =	vld [tilespmem:$0x1D000];
	v63 =	vmul.f32 v19, v17;
	v56 =	vmul.f32 v19, v6  }
0x8a: {  	v1 =	vld [tilespmem:$0x1D400];
	v35 =	vmovc v18;
	v33 =	vmov v18;
	v55 =	vmul.f32 v27, v22;
	v54 =	vmul.f32 v16, v22  }
0x8b: {  	v36 =	vmovc v18;
	v38 =	vmovc v24;
	v41 =	vmov v24;
	v48 =	vld [tilespmem:s20+$0xDA00];
	v59 =	vmul.f32 v27, v17;
	v53 =	vmul.f32 v20, v17  }
0x8c: {  	v31 =	vld [tilespmem:$0x1D080];
	v42 =	vmovc v24;
	v5 =	vadd.f32 v4, v2;
	v4 =	vmul.f32 v7, v0;
	v8 =	vadd.f32 v8, v3  }
0x8d: {  	v49 =	vmovc v13;
	v26 =	vadd.f32 v9, v10;
	v29 =	vadd.f32 v21, v13;
	v21 =	vmul.f32 v16, v17  }
0x8e: {  	v46 =	vmovc v10;
	v39 =	vadd.f32 v23, v15;
	v23 =	vmul.f32 v20, v0;
	v9 =	vld [tilespmem:$0x1D480];
	v40 =	vadd.f32 v28, v15  }
0x8f: {  	v51 =	vmovc v13;
	v28 =	vmul.f32 v19, v22;
	v43 =	vadd.f32 v21, v15;
	v21 =	vmul.f32 v19, v0  }
0x90: {  	v37 =	vmovc v3;
	v52 =	vmul.f32 v48, v17;
	v12 =	vadd.f32 v12, v2;
	v16 =	vadd.f32 v25, v1  }
0x91: {  	v34 =	vmovc v3;
	v57 =	vmul.f32 v32, v0;
	v47 =	vadd.f32 v63, v31;
	v4 =	vadd.f32 v4, v1  }
0x92: {  	v58 =	vmul.f32 v20, v22;
	v30 =	vadd.f32 v23, v10;
	v44 =	vadd.f32 v28, v31;
	v25 =	vmovc v1  }
0x93: {  	s18 =	simm.s32 $0x100;
	s19 =	simm.s32 $0x1;
	v19 =	vld [tilespmem:s20+$0x14480];
	s20 =	simm.s32 $0x0;
	v45 =	vadd.f32 v21, v31;
	v28 =	vmovc v2;
	v23 =	vmovc v9;
	v20 =	vmov v9;
	v21 =	vmov v9  }
.LBB2_4:
0x94: {  	s21 =	sand.u32 $0x7, s19  }
0x95: {  	v60 =	vmul.f32 v48, v22;
	v61 =	vmul.f32 v32, v22;
	v18 =	vadd.f32 v57, v18;
	s17 =	sadd.s32 $0x10, s17;
	s20 =	sadd.s32 $0x80, s20;
	s22 =	smov.u32 s18  }
0x96: {  	p0 =	sne.s32 s18, $0xD400;
	s18 =	sadd.s32 $0x100, s18;
	v13 =	vadd.f32 v59, v13;
	v32 =	vmul.f32 v32, v17;
	v57 =	vmul.f32 v11, v22;
	s21 =	sshll.u32 s21, $0x4  }
0x97: {  	v31 =	vadd.f32 v56, v31;
	v49 =	vadd.f32 v55, v49;
	v55 =	vmul.f32 v14, v22;
	s22 =	sand.u32 $0xF800, s22;
	s23 =	sand.u32 $0x380, s20;
	s21 =	sadd.s32 s21, s20  }
0x98: {  	v33 =	vadd.f32 v50, v33;
	v50 =	vmul.f32 v7, v22;
	s22 =	sor.u32 s23, s22;
	v35 =	vadd.f32 v61, v35;
	s23 =	sor.u32 $0x380, s21  }
0x99: {  	s24 =	sand.u32 $0x7C00, s20;
	v10 =	vadd.f32 v58, v10;
	v58 =	vmul.f32 v11, v17;
	v2 =	vadd.f32 v55, v2;
	s21 =	sand.u32 $0x70, s17;
	v56 =	vld [tilespmem:s22+$0x70]  }
0x9a: {  	v59 =	vmul.f32 v48, v0;
	v22 =	vmul.f32 v19, v22;
	v1 =	vadd.f32 v50, v1;
	s21 =	sor.u32 s21, s24;
	v55 =	vld [tilespmem:s23+$0xD800]  }
0x9b: {  	v14 =	vmul.f32 v14, v17;
	v24 =	vadd.f32 v60, v24;
	v36 =	vadd.f32 v32, v36;
	v61 =	vld [tilespmem:s21+$0xD980]  }
0x9c: {  	v38 =	vadd.f32 v59, v38;
	v59 =	vmul.f32 v7, v17;
	v9 =	vadd.f32 v22, v9;
	v50 =	vld [tilespmem:s21+$0xD900]  }
0x9d: {  	v15 =	vadd.f32 v54, v15;
	v17 =	vmul.f32 v19, v17;
	v3 =	vadd.f32 v58, v3;
	v22 =	vld [tilespmem:s21+$0xDB00]  }
0x9e: {  	v46 =	vadd.f32 v53, v46;
	v53 =	vmul.f32 v19, v6;
	v28 =	vadd.f32 v14, v28;
	v32 =	vld [tilespmem:s21+$0xDA80]  }
0x9f: {  	v25 =	vadd.f32 v59, v25;
	v23 =	vadd.f32 v17, v23;
	v54 =	vmul.f32 v55, v56;
	v7 =	vld [tilespmem:s21+$0x14400];
	v14 =	vmovc v55  }
0xa0: {  	v21 =	vadd.f32 v53, v21;
	v53 =	vmul.f32 v19, v0;
	v17 =	vmul.f32 v27, v6;
	v0 =	vmovc v56;
	v55 =	vld [tilespmem:s22+$0x60]  }
0xa1: {  	v48 =	vmul.f32 v48, v6;
	v6 =	vmul.f32 v11, v6;
	v58 =	vld [tilespmem:s21+$0xD800];
	v5 =	vadd.f32 v54, v5;
	v27 =	vmovc v50  }
0xa2: {  	v41 =	vadd.f32 v52, v41;
	v20 =	vadd.f32 v53, v20;
	v50 =	vmul.f32 v22, v0;
	v19 =	vld [tilespmem:s21+$0x14480];
	v11 =	vmovc v22  }
0xa3: {  	v42 =	vadd.f32 v48, v42;
	v51 =	vadd.f32 v17, v51;
	v22 =	vld [tilespmem:s22+$0x40]  }
0xa4: {  	v37 =	vadd.f32 v57, v37;
	v34 =	vadd.f32 v6, v34;
	v17 =	vld [tilespmem:s22+$0x50];
	v48 =	vmul.f32 v7, v0  }
0xa5: {  	v8 =	vadd.f32 v50, v8;
	v52 =	vld [tilespmem:s21+$0xD880];
	v53 =	vmul.f32 v61, v55;
	v54 =	vmul.f32 v14, v55;
	v6 =	vmovc v55  }
0xa6: {  	v55 =	vmul.f32 v27, v0;
	v50 =	vmul.f32 v32, v6;
	v4 =	vadd.f32 v48, v4  }
0xa7: {  	v48 =	vmul.f32 v58, v6;
	v57 =	vmul.f32 v7, v6;
	v26 =	vadd.f32 v53, v26  }
0xa8: {  	v53 =	vmul.f32 v58, v0;
	v29 =	vadd.f32 v55, v29;
	v12 =	vadd.f32 v54, v12  }
0xa9: {  	v54 =	vmul.f32 v61, v0;
	v39 =	vadd.f32 v48, v39;
	v59 =	vmul.f32 v58, v17;
	v48 =	vld [tilespmem:s21+$0xDA00]  }
0xaa: {  	v40 =	vadd.f32 v53, v40;
	v60 =	vmul.f32 v52, v22;
	v62 =	vmul.f32 v52, v17  }
.Ltmp1:
0xab: {  	v55 =	vmul.f32 v27, v22;
	v30 =	vadd.f32 v54, v30;
	v56 =	vmul.f32 v52, v6;
	(pc) =	sbr.rel @p0 .LBB2_4-.Ltmp1, $4  }
0xac: {  	v54 =	vmul.f32 v58, v22;
	v58 =	vmul.f32 v52, v0;
	v43 =	vadd.f32 v59, v43  }
0xad: {  	v16 =	vadd.f32 v57, v16;
	v53 =	vmul.f32 v61, v17;
	v59 =	vmul.f32 v27, v17  }
0xae: {  	v57 =	vmul.f32 v32, v0;
	v44 =	vadd.f32 v60, v44;
	v52 =	vmul.f32 v48, v17  }
0xaf: {  	s19 =	sadd.s32 $0x1, s19;
	v47 =	vadd.f32 v62, v47;
	v45 =	vadd.f32 v58, v45;
	v58 =	vmul.f32 v61, v22  }
0xb0: {  	[tilespmem:$0x1B050] =	vst v43  }
0xb1: {  	[tilespmem:$0x1B060] =	vst v39  }
0xb2: {  	[tilespmem:$0x1B070] =	vst v40  }
0xb3: {  	[tilespmem:$0x1B0C0] =	vst v44  }
0xb4: {  	[tilespmem:$0x1B170] =	vst v29  }
0xb5: {  	[tilespmem:$0x1B1E0] =	vst v26  }
0xb6: {  	[tilespmem:$0x1B1F0] =	vst v30  }
0xb7: {  	[tilespmem:$0x1B370] =	vst v8  }
0xb8: {  	[tilespmem:$0x1B3E0] =	vst v12  }
0xb9: {  	[tilespmem:$0x1B3F0] =	vst v5  }
0xba: {  	[tilespmem:$0x1C060] =	vst v16  }
0xbb: {  	[tilespmem:$0x1C070] =	vst v4  }
0xbc: {  	v15 =	vadd.f32 v54, v15;
	[tilespmem:$0x1B0D0] =	vst v47  }
0xbd: {  	v13 =	vadd.f32 v59, v13;
	[tilespmem:$0x1B0F0] =	vst v45  }
0xbe: {  	v18 =	vadd.f32 v57, v18;
	[tilespmem:$0x1B040] =	vst v15  }
0xbf: {  	v27 =	vmul.f32 v27, v6;
	v15 =	vadd.f32 v56, v31;
	[tilespmem:$0x1B150] =	vst v13  }
0xc0: {  	v10 =	vadd.f32 v58, v10;
	[tilespmem:$0x1B2F0] =	vst v18  }
0xc1: {  	[tilespmem:$0x1B0E0] =	vst v15;
	v15 =	vadd.f32 v27, v51  }
0xc2: {  	v8 =	vmul.f32 v7, v22;
	v31 =	vadd.f32 v55, v49;
	[tilespmem:$0x1B1C0] =	vst v10  }
0xc3: {  	v13 =	vadd.f32 v53, v46;
	[tilespmem:$0x1B160] =	vst v15;
	v15 =	vmul.f32 v48, v22  }
0xc4: {  	v1 =	vadd.f32 v8, v1;
	[tilespmem:$0x1B140] =	vst v31  }
0xc5: {  	[tilespmem:$0x1B1D0] =	vst v13;
	v13 =	vmul.f32 v48, v6;
	v10 =	vadd.f32 v15, v24  }
0xc6: {  	v26 =	vmul.f32 v32, v22;
	[tilespmem:$0x1C040] =	vst v1;
	v24 =	vadd.f32 v52, v41  }
0xc7: {  	v13 =	vadd.f32 v13, v42;
	[tilespmem:$0x1B240] =	vst v10;
	v10 =	vmul.f32 v32, v17  }
0xc8: {  	v1 =	vmul.f32 v19, v17;
	[tilespmem:$0x1B250] =	vst v24;
	v24 =	vadd.f32 v26, v35  }
0xc9: {  	[tilespmem:$0x1B260] =	vst v13;
	v13 =	vmul.f32 v11, v22;
	v10 =	vadd.f32 v10, v36  }
0xca: {  	v1 =	vadd.f32 v1, v23;
	[tilespmem:$0x1B2C0] =	vst v24;
	v24 =	vmul.f32 v11, v17  }
0xcb: {  	[tilespmem:$0x1B2D0] =	vst v10;
	v10 =	vmul.f32 v11, v6;
	v11 =	vadd.f32 v13, v37;
	v13 =	vmul.f32 v14, v22  }
0xcc: {  	v15 =	vmul.f32 v48, v0;
	[tilespmem:$0x1C0D0] =	vst v1;
	v3 =	vadd.f32 v24, v3  }
0xcd: {  	[tilespmem:$0x1B340] =	vst v11;
	v11 =	vmul.f32 v14, v17;
	v2 =	vadd.f32 v13, v2  }
0xce: {  	v0 =	vmul.f32 v19, v0;
	v15 =	vadd.f32 v15, v38;
	[tilespmem:$0x1B350] =	vst v3  }
0xcf: {  	v3 =	vadd.f32 v11, v28;
	[tilespmem:$0x1B3C0] =	vst v2;
	v2 =	vmul.f32 v7, v17  }
0xd0: {  	v0 =	vadd.f32 v0, v20;
	[tilespmem:$0x1B270] =	vst v15  }
0xd1: {  	[tilespmem:$0x1B3D0] =	vst v3;
	v2 =	vadd.f32 v2, v25;
	v3 =	vmul.f32 v19, v22  }
0xd2: {  	v15 =	vadd.f32 v50, v33;
	[tilespmem:$0x1C0F0] =	vst v0  }
0xd3: {  	v10 =	vadd.f32 v10, v34;
	[tilespmem:$0x1C050] =	vst v2;
	v2 =	vadd.f32 v3, v9;
	v3 =	vmul.f32 v19, v6  }
0xd4: {  	s17 =	simm.s32 $0x0;
	[tilespmem:$0x1B2E0] =	vst v15  }
0xd5: {  	s18 =	sand.u32 $0x7, s17;
	v18 =	vld [tilespmem:$0x1D280];
	[tilespmem:$0x1B360] =	vst v10;
	v4 =	vadd.f32 v3, v21  }
0xd6: {  	s19 =	sand.u32 $0xF800, s17;
	s20 =	sand.u32 $0x380, s17;
	s18 =	sshll.u32 s18, $0x4;
	v24 =	vld [tilespmem:$0x1D200];
	[tilespmem:$0x1C0C0] =	vst v2  }
0xd7: {  	s19 =	sor.u32 s20, s19;
	s18 =	sadd.s32 $0x0, s18;
	v13 =	vld [tilespmem:$0x1D100];
	[tilespmem:$0x1C0E0] =	vst v4  }
0xd8: {  	s31 =	sand.u32 $0x70, s17;
	s21 =	sand.u32 $0x7C00, s17;
	s18 =	sor.u32 $0x380, s18;
	v0 =	vld [tilespmem:s19+$0x430]  }
0xd9: {  	s20 =	sor.u32 s31, s21;
	v14 =	vld [tilespmem:s18+$0xD800]  }
0xda: {  	v20 =	vld [tilespmem:s20+$0xD980]  }
0xdb: {  	v27 =	vld [tilespmem:s20+$0xD900]  }
0xdc: {  	v11 =	vld [tilespmem:s20+$0xDB00]  }
0xdd: {  	v7 =	vld [tilespmem:s20+$0x14400]  }
0xde: {  	v6 =	vld [tilespmem:s19+$0x420]  }
0xdf: {  	v32 =	vld [tilespmem:s20+$0xDA80]  }
0xe0: {  	v16 =	vld [tilespmem:s20+$0xD800]  }
0xe1: {  	v17 =	vld [tilespmem:s19+$0x410]  }
0xe2: {  	v19 =	vld [tilespmem:s20+$0xD880];
	v4 =	vmul.f32 v14, v0  }
0xe3: {  	v22 =	vld [tilespmem:s19+$0x400];
	v8 =	vmul.f32 v11, v0;
	v9 =	vmul.f32 v20, v6  }
0xe4: {  	v3 =	vld [tilespmem:$0x1D300];
	v12 =	vmul.f32 v14, v6;
	v21 =	vmul.f32 v27, v0  }
0xe5: {  	v2 =	vld [tilespmem:$0x1D380];
	v50 =	vmul.f32 v32, v6;
	v23 =	vmul.f32 v16, v6  }
0xe6: {  	v10 =	vld [tilespmem:$0x1D180];
	v25 =	vmul.f32 v7, v6;
	v28 =	vmul.f32 v16, v0  }
0xe7: {  	v15 =	vld [tilespmem:$0x1D000];
	v63 =	vmul.f32 v19, v17;
	v56 =	vmul.f32 v19, v6  }
0xe8: {  	v1 =	vld [tilespmem:$0x1D400];
	v35 =	vmovc v18;
	v33 =	vmov v18;
	v55 =	vmul.f32 v27, v22;
	v54 =	vmul.f32 v16, v22  }
0xe9: {  	v36 =	vmovc v18;
	v38 =	vmovc v24;
	v41 =	vmov v24;
	v48 =	vld [tilespmem:s20+$0xDA00];
	v59 =	vmul.f32 v27, v17;
	v53 =	vmul.f32 v20, v17  }
0xea: {  	v31 =	vld [tilespmem:$0x1D080];
	v42 =	vmovc v24;
	v5 =	vadd.f32 v4, v2;
	v4 =	vmul.f32 v7, v0;
	v8 =	vadd.f32 v8, v3  }
0xeb: {  	v49 =	vmovc v13;
	v26 =	vadd.f32 v9, v10;
	v29 =	vadd.f32 v21, v13;
	v21 =	vmul.f32 v16, v17  }
0xec: {  	v51 =	vmovc v13;
	v39 =	vadd.f32 v23, v15;
	v23 =	vmul.f32 v20, v0;
	v9 =	vld [tilespmem:$0x1D480];
	v40 =	vadd.f32 v28, v15  }
0xed: {  	v46 =	vmovc v10;
	v28 =	vmul.f32 v19, v22;
	v43 =	vadd.f32 v21, v15;
	v21 =	vmul.f32 v19, v0  }
0xee: {  	v37 =	vmovc v3;
	v52 =	vmul.f32 v48, v17;
	v12 =	vadd.f32 v12, v2;
	v16 =	vadd.f32 v25, v1  }
0xef: {  	v34 =	vmovc v3;
	v57 =	vmul.f32 v32, v0;
	v47 =	vadd.f32 v63, v31;
	v4 =	vadd.f32 v4, v1  }
0xf0: {  	v58 =	vmul.f32 v20, v22;
	v30 =	vadd.f32 v23, v10;
	v44 =	vadd.f32 v28, v31;
	v25 =	vmovc v1  }
0xf1: {  	s18 =	simm.s32 $0x100;
	s19 =	simm.s32 $0x1;
	v19 =	vld [tilespmem:s20+$0x14480];
	s20 =	simm.s32 $0x0;
	v45 =	vadd.f32 v21, v31;
	v28 =	vmovc v2;
	v23 =	vmovc v9;
	v20 =	vmov v9;
	v21 =	vmov v9  }
.LBB2_6:
0xf2: {  	s21 =	sand.u32 $0x7, s19  }
0xf3: {  	v60 =	vmul.f32 v48, v22;
	v61 =	vmul.f32 v32, v22;
	v18 =	vadd.f32 v57, v18;
	s17 =	sadd.s32 $0x10, s17;
	s20 =	sadd.s32 $0x80, s20;
	s22 =	smov.u32 s18  }
0xf4: {  	p0 =	sne.s32 s18, $0xD400;
	s18 =	sadd.s32 $0x100, s18;
	v13 =	vadd.f32 v59, v13;
	v32 =	vmul.f32 v32, v17;
	v57 =	vmul.f32 v11, v22;
	s21 =	sshll.u32 s21, $0x4  }
0xf5: {  	v31 =	vadd.f32 v56, v31;
	v49 =	vadd.f32 v55, v49;
	v55 =	vmul.f32 v14, v22;
	s22 =	sand.u32 $0xF800, s22;
	s23 =	sand.u32 $0x380, s20;
	s21 =	sadd.s32 s21, s20  }
0xf6: {  	v33 =	vadd.f32 v50, v33;
	v50 =	vmul.f32 v7, v22;
	s22 =	sor.u32 s23, s22;
	v35 =	vadd.f32 v61, v35;
	s23 =	sor.u32 $0x380, s21  }
0xf7: {  	s24 =	sand.u32 $0x7C00, s20;
	v10 =	vadd.f32 v58, v10;
	v58 =	vmul.f32 v11, v17;
	v2 =	vadd.f32 v55, v2;
	s21 =	sand.u32 $0x70, s17;
	v56 =	vld [tilespmem:s22+$0x430]  }
0xf8: {  	v59 =	vmul.f32 v48, v0;
	v22 =	vmul.f32 v19, v22;
	v1 =	vadd.f32 v50, v1;
	s21 =	sor.u32 s21, s24;
	v55 =	vld [tilespmem:s23+$0xD800]  }
0xf9: {  	v14 =	vmul.f32 v14, v17;
	v24 =	vadd.f32 v60, v24;
	v36 =	vadd.f32 v32, v36;
	v61 =	vld [tilespmem:s21+$0xD980]  }
0xfa: {  	v38 =	vadd.f32 v59, v38;
	v59 =	vmul.f32 v7, v17;
	v9 =	vadd.f32 v22, v9;
	v50 =	vld [tilespmem:s21+$0xD900]  }
0xfb: {  	v15 =	vadd.f32 v54, v15;
	v17 =	vmul.f32 v19, v17;
	v3 =	vadd.f32 v58, v3;
	v22 =	vld [tilespmem:s21+$0xDB00]  }
0xfc: {  	v46 =	vadd.f32 v53, v46;
	v53 =	vmul.f32 v19, v6;
	v28 =	vadd.f32 v14, v28;
	v32 =	vld [tilespmem:s21+$0xDA80]  }
0xfd: {  	v25 =	vadd.f32 v59, v25;
	v23 =	vadd.f32 v17, v23;
	v54 =	vmul.f32 v55, v56;
	v7 =	vld [tilespmem:s21+$0x14400];
	v14 =	vmovc v55  }
0xfe: {  	v21 =	vadd.f32 v53, v21;
	v53 =	vmul.f32 v19, v0;
	v17 =	vmul.f32 v27, v6;
	v0 =	vmovc v56;
	v55 =	vld [tilespmem:s22+$0x420]  }
0xff: {  	v48 =	vmul.f32 v48, v6;
	v6 =	vmul.f32 v11, v6;
	v58 =	vld [tilespmem:s21+$0xD800];
	v5 =	vadd.f32 v54, v5;
	v27 =	vmovc v50  }
0x100: {  	v41 =	vadd.f32 v52, v41;
	v20 =	vadd.f32 v53, v20;
	v50 =	vmul.f32 v22, v0;
	v19 =	vld [tilespmem:s21+$0x14480];
	v11 =	vmovc v22  }
0x101: {  	v42 =	vadd.f32 v48, v42;
	v51 =	vadd.f32 v17, v51;
	v22 =	vld [tilespmem:s22+$0x400]  }
0x102: {  	v37 =	vadd.f32 v57, v37;
	v34 =	vadd.f32 v6, v34;
	v17 =	vld [tilespmem:s22+$0x410];
	v48 =	vmul.f32 v7, v0  }
0x103: {  	v8 =	vadd.f32 v50, v8;
	v52 =	vld [tilespmem:s21+$0xD880];
	v53 =	vmul.f32 v61, v55;
	v54 =	vmul.f32 v14, v55;
	v6 =	vmovc v55  }
0x104: {  	v55 =	vmul.f32 v27, v0;
	v50 =	vmul.f32 v32, v6;
	v4 =	vadd.f32 v48, v4  }
0x105: {  	v48 =	vmul.f32 v58, v6;
	v57 =	vmul.f32 v7, v6;
	v26 =	vadd.f32 v53, v26  }
0x106: {  	v53 =	vmul.f32 v58, v0;
	v29 =	vadd.f32 v55, v29;
	v12 =	vadd.f32 v54, v12  }
0x107: {  	v54 =	vmul.f32 v61, v0;
	v39 =	vadd.f32 v48, v39;
	v59 =	vmul.f32 v58, v17;
	v48 =	vld [tilespmem:s21+$0xDA00]  }
0x108: {  	v40 =	vadd.f32 v53, v40;
	v60 =	vmul.f32 v52, v22;
	v62 =	vmul.f32 v52, v17  }
.Ltmp2:
0x109: {  	v55 =	vmul.f32 v27, v22;
	v30 =	vadd.f32 v54, v30;
	v56 =	vmul.f32 v52, v6;
	(pc) =	sbr.rel @p0 .LBB2_6-.Ltmp2, $4  }
0x10a: {  	v54 =	vmul.f32 v58, v22;
	v58 =	vmul.f32 v52, v0;
	v43 =	vadd.f32 v59, v43  }
0x10b: {  	v16 =	vadd.f32 v57, v16;
	v53 =	vmul.f32 v61, v17;
	v59 =	vmul.f32 v27, v17  }
0x10c: {  	v57 =	vmul.f32 v32, v0;
	v44 =	vadd.f32 v60, v44;
	v52 =	vmul.f32 v48, v17  }
0x10d: {  	s19 =	sadd.s32 $0x1, s19;
	v47 =	vadd.f32 v62, v47;
	v45 =	vadd.f32 v58, v45;
	v58 =	vmul.f32 v61, v22  }
0x10e: {  	[tilespmem:$0x1B410] =	vst v43  }
0x10f: {  	[tilespmem:$0x1B420] =	vst v39  }
0x110: {  	[tilespmem:$0x1B430] =	vst v40  }
0x111: {  	[tilespmem:$0x1B480] =	vst v44  }
0x112: {  	[tilespmem:$0x1B530] =	vst v29  }
0x113: {  	[tilespmem:$0x1B5A0] =	vst v26  }
0x114: {  	[tilespmem:$0x1B5B0] =	vst v30  }
0x115: {  	[tilespmem:$0x1B730] =	vst v8  }
0x116: {  	[tilespmem:$0x1B7A0] =	vst v12  }
0x117: {  	[tilespmem:$0x1B7B0] =	vst v5  }
0x118: {  	[tilespmem:$0x1C420] =	vst v16  }
0x119: {  	[tilespmem:$0x1C430] =	vst v4  }
0x11a: {  	v15 =	vadd.f32 v54, v15;
	[tilespmem:$0x1B490] =	vst v47  }
0x11b: {  	v13 =	vadd.f32 v59, v13;
	[tilespmem:$0x1B4B0] =	vst v45  }
0x11c: {  	v18 =	vadd.f32 v57, v18;
	[tilespmem:$0x1B400] =	vst v15  }
0x11d: {  	v27 =	vmul.f32 v27, v6;
	v15 =	vadd.f32 v56, v31;
	[tilespmem:$0x1B510] =	vst v13  }
0x11e: {  	v10 =	vadd.f32 v58, v10;
	[tilespmem:$0x1B6B0] =	vst v18  }
0x11f: {  	[tilespmem:$0x1B4A0] =	vst v15;
	v15 =	vadd.f32 v27, v51  }
0x120: {  	v8 =	vmul.f32 v7, v22;
	v31 =	vadd.f32 v55, v49;
	[tilespmem:$0x1B580] =	vst v10  }
0x121: {  	v13 =	vadd.f32 v53, v46;
	[tilespmem:$0x1B520] =	vst v15;
	v15 =	vmul.f32 v48, v22  }
0x122: {  	v1 =	vadd.f32 v8, v1;
	[tilespmem:$0x1B500] =	vst v31  }
0x123: {  	[tilespmem:$0x1B590] =	vst v13;
	v13 =	vmul.f32 v48, v6;
	v10 =	vadd.f32 v15, v24  }
0x124: {  	v26 =	vmul.f32 v32, v22;
	[tilespmem:$0x1C400] =	vst v1;
	v24 =	vadd.f32 v52, v41  }
0x125: {  	v13 =	vadd.f32 v13, v42;
	[tilespmem:$0x1B600] =	vst v10;
	v10 =	vmul.f32 v32, v17  }
0x126: {  	v1 =	vmul.f32 v19, v17;
	[tilespmem:$0x1B610] =	vst v24;
	v24 =	vadd.f32 v26, v35  }
0x127: {  	[tilespmem:$0x1B620] =	vst v13;
	v13 =	vmul.f32 v11, v22;
	v10 =	vadd.f32 v10, v36  }
0x128: {  	v1 =	vadd.f32 v1, v23;
	[tilespmem:$0x1B680] =	vst v24;
	v24 =	vmul.f32 v11, v17  }
0x129: {  	[tilespmem:$0x1B690] =	vst v10;
	v10 =	vmul.f32 v11, v6;
	v11 =	vadd.f32 v13, v37;
	v13 =	vmul.f32 v14, v22  }
0x12a: {  	v15 =	vmul.f32 v48, v0;
	[tilespmem:$0x1C490] =	vst v1;
	v3 =	vadd.f32 v24, v3  }
0x12b: {  	[tilespmem:$0x1B700] =	vst v11;
	v11 =	vmul.f32 v14, v17;
	v2 =	vadd.f32 v13, v2  }
0x12c: {  	v0 =	vmul.f32 v19, v0;
	v15 =	vadd.f32 v15, v38;
	[tilespmem:$0x1B710] =	vst v3  }
0x12d: {  	v3 =	vadd.f32 v11, v28;
	[tilespmem:$0x1B780] =	vst v2;
	v2 =	vmul.f32 v7, v17  }
0x12e: {  	v0 =	vadd.f32 v0, v20;
	[tilespmem:$0x1B630] =	vst v15  }
0x12f: {  	[tilespmem:$0x1B790] =	vst v3;
	v2 =	vadd.f32 v2, v25;
	v3 =	vmul.f32 v19, v22  }
0x130: {  	v15 =	vadd.f32 v50, v33;
	[tilespmem:$0x1C4B0] =	vst v0  }
0x131: {  	v10 =	vadd.f32 v10, v34;
	[tilespmem:$0x1C410] =	vst v2;
	v2 =	vadd.f32 v3, v9;
	v3 =	vmul.f32 v19, v6  }
0x132: {  	s17 =	simm.s32 $0x0;
	v18 =	vld [tilespmem:$0x1D280];
	[tilespmem:$0x1B6A0] =	vst v15  }
0x133: {  	s18 =	sand.u32 $0x7, s17;
	v1 =	vld [tilespmem:$0x1D400];
	[tilespmem:$0x1B720] =	vst v10;
	v4 =	vadd.f32 v3, v21  }
0x134: {  	s19 =	sand.u32 $0xF800, s17;
	s20 =	sand.u32 $0x380, s17;
	s18 =	sshll.u32 s18, $0x4;
	v24 =	vld [tilespmem:$0x1D200];
	[tilespmem:$0x1C480] =	vst v2  }
0x135: {  	s19 =	sor.u32 s20, s19;
	s18 =	sadd.s32 $0x0, s18;
	v13 =	vld [tilespmem:$0x1D100];
	[tilespmem:$0x1C4A0] =	vst v4  }
0x136: {  	s31 =	sand.u32 $0x70, s17;
	s21 =	sand.u32 $0x7C00, s17;
	s18 =	sor.u32 $0x380, s18;
	v0 =	vld [tilespmem:s19+$0x470]  }
0x137: {  	s20 =	sor.u32 s31, s21;
	v14 =	vld [tilespmem:s18+$0xD800]  }
0x138: {  	v21 =	vld [tilespmem:s20+$0xD980]  }
0x139: {  	v27 =	vld [tilespmem:s20+$0xD900]  }
0x13a: {  	v11 =	vld [tilespmem:s20+$0xDB00]  }
0x13b: {  	v7 =	vld [tilespmem:s20+$0x14400]  }
0x13c: {  	v6 =	vld [tilespmem:s19+$0x460]  }
0x13d: {  	v32 =	vld [tilespmem:s20+$0xDA80]  }
0x13e: {  	v16 =	vld [tilespmem:s20+$0xD800]  }
0x13f: {  	v17 =	vld [tilespmem:s19+$0x450]  }
0x140: {  	v19 =	vld [tilespmem:s20+$0xD880]  }
0x141: {  	v20 =	vld [tilespmem:s19+$0x440];
	v4 =	vmul.f32 v14, v0;
	v5 =	vmul.f32 v11, v0  }
0x142: {  	v3 =	vld [tilespmem:$0x1D300];
	v9 =	vmul.f32 v7, v0;
	v12 =	vmul.f32 v21, v6  }
0x143: {  	v10 =	vld [tilespmem:$0x1D180];
	v22 =	vmul.f32 v14, v6;
	v23 =	vmul.f32 v27, v0  }
0x144: {  	v2 =	vld [tilespmem:$0x1D380];
	v50 =	vmul.f32 v32, v6;
	v25 =	vmul.f32 v7, v6  }
0x145: {  	v35 =	vmov v18;
	v15 =	vld [tilespmem:$0x1D000];
	v28 =	vmul.f32 v16, v0;
	v63 =	vmul.f32 v19, v17  }
0x146: {  	v33 =	vmovc v18;
	v36 =	vmovc v18;
	v38 =	vmov v24;
	v56 =	vmul.f32 v19, v6;
	v55 =	vmul.f32 v27, v20  }
0x147: {  	v41 =	vmovc v24;
	v48 =	vld [tilespmem:s20+$0xDA00];
	v54 =	vmul.f32 v16, v20;
	v59 =	vmul.f32 v27, v17;
	v8 =	vadd.f32 v5, v3  }
0x148: {  	v31 =	vld [tilespmem:$0x1D080];
	v42 =	vmovc v24;
	v5 =	vadd.f32 v9, v1;
	v9 =	vmul.f32 v16, v6;
	v26 =	vadd.f32 v12, v10  }
0x149: {  	v49 =	vmovc v13;
	v29 =	vadd.f32 v23, v13;
	v12 =	vadd.f32 v22, v2;
	v22 =	vmul.f32 v16, v17  }
0x14a: {  	v51 =	vmovc v13;
	v23 =	vmul.f32 v21, v0;
	v40 =	vadd.f32 v28, v15;
	v39 =	vadd.f32 v9, v15;
	v9 =	vld [tilespmem:$0x1D480]  }
0x14b: {  	v46 =	vmovc v10;
	v28 =	vmul.f32 v19, v20;
	v43 =	vadd.f32 v22, v15;
	v22 =	vmul.f32 v19, v0  }
0x14c: {  	v37 =	vmovc v3;
	v53 =	vmul.f32 v21, v17;
	v52 =	vmul.f32 v48, v17;
	v4 =	vadd.f32 v4, v2  }
0x14d: {  	v34 =	vmovc v3;
	v57 =	vmul.f32 v32, v0;
	v16 =	vadd.f32 v25, v1;
	v47 =	vadd.f32 v63, v31  }
0x14e: {  	v58 =	vmul.f32 v21, v20;
	v30 =	vadd.f32 v23, v10;
	v44 =	vadd.f32 v28, v31;
	v25 =	vmovc v1  }
0x14f: {  	s18 =	simm.s32 $0x100;
	s19 =	simm.s32 $0x1;
	v19 =	vld [tilespmem:s20+$0x14480];
	s20 =	simm.s32 $0x0;
	v45 =	vadd.f32 v22, v31;
	v28 =	vmovc v2;
	v23 =	vmovc v9;
	v21 =	vmov v9;
	v22 =	vmov v9  }
.LBB2_8:
0x150: {  	s21 =	sand.u32 $0x7, s19  }
0x151: {  	v60 =	vmul.f32 v48, v20;
	v61 =	vmul.f32 v32, v20;
	v18 =	vadd.f32 v57, v18;
	s17 =	sadd.s32 $0x10, s17;
	s20 =	sadd.s32 $0x80, s20;
	s22 =	smov.u32 s18  }
0x152: {  	p0 =	sne.s32 s18, $0xD400;
	s18 =	sadd.s32 $0x100, s18;
	v13 =	vadd.f32 v59, v13;
	v32 =	vmul.f32 v32, v17;
	v57 =	vmul.f32 v11, v20;
	s21 =	sshll.u32 s21, $0x4  }
0x153: {  	v31 =	vadd.f32 v56, v31;
	v49 =	vadd.f32 v55, v49;
	v55 =	vmul.f32 v14, v20;
	s22 =	sand.u32 $0xF800, s22;
	s23 =	sand.u32 $0x380, s20;
	s21 =	sadd.s32 s21, s20  }
0x154: {  	v33 =	vadd.f32 v50, v33;
	v50 =	vmul.f32 v7, v20;
	s22 =	sor.u32 s23, s22;
	v35 =	vadd.f32 v61, v35;
	s23 =	sor.u32 $0x380, s21  }
0x155: {  	s24 =	sand.u32 $0x7C00, s20;
	v10 =	vadd.f32 v58, v10;
	v58 =	vmul.f32 v11, v17;
	v2 =	vadd.f32 v55, v2;
	s21 =	sand.u32 $0x70, s17;
	v56 =	vld [tilespmem:s22+$0x470]  }
0x156: {  	v59 =	vmul.f32 v48, v0;
	v20 =	vmul.f32 v19, v20;
	v1 =	vadd.f32 v50, v1;
	s21 =	sor.u32 s21, s24;
	v55 =	vld [tilespmem:s23+$0xD800]  }
0x157: {  	v14 =	vmul.f32 v14, v17;
	v24 =	vadd.f32 v60, v24;
	v36 =	vadd.f32 v32, v36;
	v61 =	vld [tilespmem:s21+$0xD980]  }
0x158: {  	v38 =	vadd.f32 v59, v38;
	v59 =	vmul.f32 v7, v17;
	v9 =	vadd.f32 v20, v9;
	v50 =	vld [tilespmem:s21+$0xD900]  }
0x159: {  	v15 =	vadd.f32 v54, v15;
	v17 =	vmul.f32 v19, v17;
	v3 =	vadd.f32 v58, v3;
	v20 =	vld [tilespmem:s21+$0xDB00]  }
0x15a: {  	v46 =	vadd.f32 v53, v46;
	v53 =	vmul.f32 v19, v6;
	v28 =	vadd.f32 v14, v28;
	v32 =	vld [tilespmem:s21+$0xDA80]  }
0x15b: {  	v25 =	vadd.f32 v59, v25;
	v23 =	vadd.f32 v17, v23;
	v54 =	vmul.f32 v55, v56;
	v7 =	vld [tilespmem:s21+$0x14400];
	v14 =	vmovc v55  }
0x15c: {  	v21 =	vadd.f32 v53, v21;
	v53 =	vmul.f32 v19, v0;
	v17 =	vmul.f32 v27, v6;
	v0 =	vmovc v56;
	v55 =	vld [tilespmem:s22+$0x460]  }
0x15d: {  	v48 =	vmul.f32 v48, v6;
	v6 =	vmul.f32 v11, v6;
	v58 =	vld [tilespmem:s21+$0xD800];
	v4 =	vadd.f32 v54, v4;
	v27 =	vmovc v50  }
0x15e: {  	v41 =	vadd.f32 v52, v41;
	v22 =	vadd.f32 v53, v22;
	v50 =	vmul.f32 v20, v0;
	v19 =	vld [tilespmem:s21+$0x14480];
	v11 =	vmovc v20  }
0x15f: {  	v42 =	vadd.f32 v48, v42;
	v51 =	vadd.f32 v17, v51;
	v20 =	vld [tilespmem:s22+$0x440]  }
0x160: {  	v37 =	vadd.f32 v57, v37;
	v34 =	vadd.f32 v6, v34;
	v17 =	vld [tilespmem:s22+$0x450];
	v48 =	vmul.f32 v7, v0  }
0x161: {  	v8 =	vadd.f32 v50, v8;
	v52 =	vld [tilespmem:s21+$0xD880];
	v53 =	vmul.f32 v61, v55;
	v54 =	vmul.f32 v14, v55;
	v6 =	vmovc v55  }
0x162: {  	v55 =	vmul.f32 v27, v0;
	v50 =	vmul.f32 v32, v6;
	v5 =	vadd.f32 v48, v5  }
0x163: {  	v48 =	vmul.f32 v58, v6;
	v57 =	vmul.f32 v7, v6;
	v26 =	vadd.f32 v53, v26  }
0x164: {  	v53 =	vmul.f32 v58, v0;
	v29 =	vadd.f32 v55, v29;
	v12 =	vadd.f32 v54, v12  }
0x165: {  	v54 =	vmul.f32 v61, v0;
	v39 =	vadd.f32 v48, v39;
	v59 =	vmul.f32 v58, v17;
	v48 =	vld [tilespmem:s21+$0xDA00]  }
0x166: {  	v40 =	vadd.f32 v53, v40;
	v60 =	vmul.f32 v52, v20;
	v62 =	vmul.f32 v52, v17  }
.Ltmp3:
0x167: {  	v55 =	vmul.f32 v27, v20;
	v30 =	vadd.f32 v54, v30;
	v56 =	vmul.f32 v52, v6;
	(pc) =	sbr.rel @p0 .LBB2_8-.Ltmp3, $4  }
0x168: {  	v54 =	vmul.f32 v58, v20;
	v58 =	vmul.f32 v52, v0;
	v43 =	vadd.f32 v59, v43  }
0x169: {  	v16 =	vadd.f32 v57, v16;
	v53 =	vmul.f32 v61, v17;
	v59 =	vmul.f32 v27, v17  }
0x16a: {  	v57 =	vmul.f32 v32, v0;
	v44 =	vadd.f32 v60, v44;
	v52 =	vmul.f32 v48, v17  }
0x16b: {  	s19 =	sadd.s32 $0x1, s19;
	v47 =	vadd.f32 v62, v47;
	v45 =	vadd.f32 v58, v45;
	v58 =	vmul.f32 v61, v20  }
0x16c: {  	[tilespmem:$0x1B450] =	vst v43  }
0x16d: {  	[tilespmem:$0x1B460] =	vst v39  }
0x16e: {  	[tilespmem:$0x1B470] =	vst v40  }
0x16f: {  	[tilespmem:$0x1B4C0] =	vst v44  }
0x170: {  	[tilespmem:$0x1B570] =	vst v29  }
0x171: {  	[tilespmem:$0x1B5E0] =	vst v26  }
0x172: {  	[tilespmem:$0x1B5F0] =	vst v30  }
0x173: {  	[tilespmem:$0x1B770] =	vst v8  }
0x174: {  	[tilespmem:$0x1B7E0] =	vst v12  }
0x175: {  	[tilespmem:$0x1B7F0] =	vst v4  }
0x176: {  	[tilespmem:$0x1C460] =	vst v16  }
0x177: {  	[tilespmem:$0x1C470] =	vst v5  }
0x178: {  	v15 =	vadd.f32 v54, v15;
	[tilespmem:$0x1B4D0] =	vst v47  }
0x179: {  	v13 =	vadd.f32 v59, v13;
	[tilespmem:$0x1B4F0] =	vst v45  }
0x17a: {  	v18 =	vadd.f32 v57, v18;
	[tilespmem:$0x1B440] =	vst v15  }
0x17b: {  	v27 =	vmul.f32 v27, v6;
	v15 =	vadd.f32 v56, v31;
	[tilespmem:$0x1B550] =	vst v13  }
0x17c: {  	v10 =	vadd.f32 v58, v10;
	[tilespmem:$0x1B6F0] =	vst v18  }
0x17d: {  	[tilespmem:$0x1B4E0] =	vst v15;
	v15 =	vadd.f32 v27, v51  }
0x17e: {  	v8 =	vmul.f32 v7, v20;
	v31 =	vadd.f32 v55, v49;
	[tilespmem:$0x1B5C0] =	vst v10  }
0x17f: {  	v13 =	vadd.f32 v53, v46;
	[tilespmem:$0x1B560] =	vst v15;
	v15 =	vmul.f32 v48, v20  }
0x180: {  	v1 =	vadd.f32 v8, v1;
	[tilespmem:$0x1B540] =	vst v31  }
0x181: {  	[tilespmem:$0x1B5D0] =	vst v13;
	v13 =	vmul.f32 v48, v6;
	v10 =	vadd.f32 v15, v24  }
0x182: {  	v26 =	vmul.f32 v32, v20;
	[tilespmem:$0x1C440] =	vst v1;
	v24 =	vadd.f32 v52, v41  }
0x183: {  	v13 =	vadd.f32 v13, v42;
	[tilespmem:$0x1B640] =	vst v10;
	v10 =	vmul.f32 v32, v17  }
0x184: {  	v1 =	vmul.f32 v19, v17;
	[tilespmem:$0x1B650] =	vst v24;
	v24 =	vadd.f32 v26, v35  }
0x185: {  	[tilespmem:$0x1B660] =	vst v13;
	v13 =	vmul.f32 v11, v20;
	v10 =	vadd.f32 v10, v36  }
0x186: {  	v1 =	vadd.f32 v1, v23;
	[tilespmem:$0x1B6C0] =	vst v24;
	v24 =	vmul.f32 v11, v17  }
0x187: {  	[tilespmem:$0x1B6D0] =	vst v10;
	v10 =	vmul.f32 v11, v6;
	v11 =	vadd.f32 v13, v37;
	v13 =	vmul.f32 v14, v20  }
0x188: {  	v15 =	vmul.f32 v48, v0;
	[tilespmem:$0x1C4D0] =	vst v1;
	v3 =	vadd.f32 v24, v3  }
0x189: {  	[tilespmem:$0x1B740] =	vst v11;
	v11 =	vmul.f32 v14, v17;
	v2 =	vadd.f32 v13, v2  }
0x18a: {  	v0 =	vmul.f32 v19, v0;
	v15 =	vadd.f32 v15, v38;
	[tilespmem:$0x1B750] =	vst v3  }
0x18b: {  	v3 =	vadd.f32 v11, v28;
	[tilespmem:$0x1B7C0] =	vst v2;
	v2 =	vmul.f32 v7, v17  }
0x18c: {  	v0 =	vadd.f32 v0, v22;
	[tilespmem:$0x1B670] =	vst v15  }
0x18d: {  	[tilespmem:$0x1B7D0] =	vst v3;
	v2 =	vadd.f32 v2, v25;
	v3 =	vmul.f32 v19, v20  }
0x18e: {  	v15 =	vadd.f32 v50, v33;
	[tilespmem:$0x1C4F0] =	vst v0  }
0x18f: {  	v10 =	vadd.f32 v10, v34;
	[tilespmem:$0x1C450] =	vst v2;
	v2 =	vadd.f32 v3, v9;
	v3 =	vmul.f32 v19, v6  }
0x190: {  	[tilespmem:$0x1B6E0] =	vst v15  }
0x191: {  	[tilespmem:$0x1B760] =	vst v10;
	v3 =	vadd.f32 v3, v21  }
0x192: {  	[tilespmem:$0x1C4C0] =	vst v2  }
0x193: {  	s17 =	simm.s32 $0x0;
	[tilespmem:$0x1C4E0] =	vst v3  }
0x194: {  	[tilespmem:s17], [sflag:$0x1] =	stream.strided.gather [hbm4b:s6+s12], $0xD800, s13, s12, $0x38;
	[tilespmem:$0x1D800] =	vst v63  }
0x195: {  	_ =	swait.ge [sflag:s10], $0xD800  }
0x196: {  	s18 =	sand.u32 $0x7, s17;
	s19 =	sand.u32 $0xF800, s17;
	[sflag:s10] =	ssyncset.done $0x0  }
0x197: {  	s20 =	sand.u32 $0x380, s17;
	s18 =	sshll.u32 s18, $0x4;
	[sflag:s10] =	ssyncadd.s32 $0xFFFF2800  }
0x198: {  	s19 =	sor.u32 s20, s19;
	s18 =	sadd.s32 $0x0, s18;
	v17 =	vld [tilespmem:$0x1D000]  }
0x199: {  	s31 =	sand.u32 $0x70, s17;
	s21 =	sand.u32 $0x7C00, s17;
	s18 =	sor.u32 $0x380, s18;
	v0 =	vld [tilespmem:s19+$0x30]  }
0x19a: {  	s20 =	sor.u32 s31, s21;
	v12 =	vld [tilespmem:s18+$0xD800]  }
0x19b: {  	v20 =	vld [tilespmem:s20+$0xD980]  }
0x19c: {  	v27 =	vld [tilespmem:s20+$0xD900]  }
0x19d: {  	v10 =	vld [tilespmem:s20+$0xDB00]  }
0x19e: {  	v7 =	vld [tilespmem:s20+$0x14400]  }
0x19f: {  	v6 =	vld [tilespmem:s19+$0x20]  }
0x1a0: {  	v32 =	vld [tilespmem:s20+$0xDA80]  }
0x1a1: {  	v15 =	vld [tilespmem:s20+$0xD800]  }
0x1a2: {  	v16 =	vld [tilespmem:s19+$0x10]  }
0x1a3: {  	v19 =	vld [tilespmem:s20+$0xD880]  }
0x1a4: {  	v22 =	vld [tilespmem:s19+$0x0];
	v4 =	vmul.f32 v12, v0;
	v8 =	vmul.f32 v10, v0  }
0x1a5: {  	v14 =	vld [tilespmem:$0x1D100];
	v9 =	vmul.f32 v20, v6;
	v11 =	vmul.f32 v12, v6  }
0x1a6: {  	v48 =	vld [tilespmem:s20+$0xDA00];
	v21 =	vmul.f32 v27, v0;
	v50 =	vmul.f32 v32, v6  }
0x1a7: {  	v3 =	vld [tilespmem:$0x1D300];
	v23 =	vmul.f32 v15, v6;
	v25 =	vmul.f32 v7, v6  }
0x1a8: {  	v2 =	vld [tilespmem:$0x1D380];
	v28 =	vmul.f32 v15, v0;
	v63 =	vmul.f32 v19, v16  }
0x1a9: {  	v13 =	vld [tilespmem:$0x1D180];
	v56 =	vmul.f32 v19, v6;
	v55 =	vmul.f32 v27, v22  }
0x1aa: {  	v18 =	vld [tilespmem:$0x1D280];
	v54 =	vmul.f32 v15, v22;
	v59 =	vmul.f32 v27, v16  }
0x1ab: {  	v1 =	vld [tilespmem:$0x1D400];
	v53 =	vmul.f32 v20, v16;
	v52 =	vmul.f32 v48, v16  }
0x1ac: {  	v24 =	vld [tilespmem:$0x1D200];
	v57 =	vmul.f32 v32, v0;
	v58 =	vmul.f32 v20, v22  }
0x1ad: {  	v31 =	vld [tilespmem:$0x1D080];
	v5 =	vadd.f32 v4, v2;
	v4 =	vmul.f32 v7, v0;
	v8 =	vadd.f32 v8, v3  }
0x1ae: {  	v49 =	vmovc v14;
	v26 =	vadd.f32 v9, v13;
	v29 =	vadd.f32 v21, v14;
	v21 =	vmul.f32 v15, v16  }
0x1af: {  	v35 =	vmovc v18;
	v39 =	vadd.f32 v23, v17;
	v23 =	vmul.f32 v20, v0;
	v9 =	vld [tilespmem:$0x1D480];
	v40 =	vadd.f32 v28, v17  }
0x1b0: {  	v33 =	vmovc v18;
	v28 =	vmul.f32 v19, v22;
	v43 =	vadd.f32 v21, v17;
	v21 =	vmul.f32 v19, v0  }
0x1b1: {  	v36 =	vmovc v18;
	v38 =	vmovc v24;
	v46 =	vmov v13;
	v11 =	vadd.f32 v11, v2;
	v15 =	vadd.f32 v25, v1  }
0x1b2: {  	v41 =	vmovc v24;
	v51 =	vmovc v14;
	v42 =	vmov v24;
	v47 =	vadd.f32 v63, v31;
	v4 =	vadd.f32 v4, v1  }
0x1b3: {  	v37 =	vmovc v3;
	v34 =	vmovc v3;
	v30 =	vadd.f32 v23, v13;
	v44 =	vadd.f32 v28, v31;
	v25 =	vmov v1  }
0x1b4: {  	s18 =	simm.s32 $0x100;
	s19 =	simm.s32 $0x1;
	v19 =	vld [tilespmem:s20+$0x14480];
	s20 =	simm.s32 $0x0;
	v45 =	vadd.f32 v21, v31;
	v28 =	vmovc v2;
	v23 =	vmovc v9;
	v20 =	vmov v9;
	v21 =	vmov v9  }
.LBB2_10:
0x1b5: {  	s21 =	sand.u32 $0x7, s19  }
0x1b6: {  	v60 =	vmul.f32 v48, v22;
	v61 =	vmul.f32 v32, v22;
	v18 =	vadd.f32 v57, v18;
	s17 =	sadd.s32 $0x10, s17;
	s20 =	sadd.s32 $0x80, s20;
	s22 =	smov.u32 s18  }
0x1b7: {  	p0 =	sne.s32 s18, $0xD400;
	s18 =	sadd.s32 $0x100, s18;
	v14 =	vadd.f32 v59, v14;
	v32 =	vmul.f32 v32, v16;
	v57 =	vmul.f32 v10, v22;
	s21 =	sshll.u32 s21, $0x4  }
0x1b8: {  	v31 =	vadd.f32 v56, v31;
	v49 =	vadd.f32 v55, v49;
	v55 =	vmul.f32 v12, v22;
	s22 =	sand.u32 $0xF800, s22;
	s23 =	sand.u32 $0x380, s20;
	s21 =	sadd.s32 s21, s20  }
0x1b9: {  	v33 =	vadd.f32 v50, v33;
	v50 =	vmul.f32 v7, v22;
	s22 =	sor.u32 s23, s22;
	v35 =	vadd.f32 v61, v35;
	s23 =	sor.u32 $0x380, s21  }
0x1ba: {  	s24 =	sand.u32 $0x7C00, s20;
	v13 =	vadd.f32 v58, v13;
	v58 =	vmul.f32 v10, v16;
	v2 =	vadd.f32 v55, v2;
	s21 =	sand.u32 $0x70, s17;
	v56 =	vld [tilespmem:s22+$0x30]  }
0x1bb: {  	v59 =	vmul.f32 v48, v0;
	v22 =	vmul.f32 v19, v22;
	v1 =	vadd.f32 v50, v1;
	s21 =	sor.u32 s21, s24;
	v55 =	vld [tilespmem:s23+$0xD800]  }
0x1bc: {  	v12 =	vmul.f32 v12, v16;
	v24 =	vadd.f32 v60, v24;
	v36 =	vadd.f32 v32, v36;
	v61 =	vld [tilespmem:s21+$0xD980]  }
0x1bd: {  	v38 =	vadd.f32 v59, v38;
	v59 =	vmul.f32 v7, v16;
	v9 =	vadd.f32 v22, v9;
	v50 =	vld [tilespmem:s21+$0xD900]  }
0x1be: {  	v17 =	vadd.f32 v54, v17;
	v16 =	vmul.f32 v19, v16;
	v3 =	vadd.f32 v58, v3;
	v22 =	vld [tilespmem:s21+$0xDB00]  }
0x1bf: {  	v46 =	vadd.f32 v53, v46;
	v53 =	vmul.f32 v19, v6;
	v28 =	vadd.f32 v12, v28;
	v32 =	vld [tilespmem:s21+$0xDA80]  }
0x1c0: {  	v25 =	vadd.f32 v59, v25;
	v23 =	vadd.f32 v16, v23;
	v54 =	vmul.f32 v55, v56;
	v7 =	vld [tilespmem:s21+$0x14400];
	v12 =	vmovc v55  }
0x1c1: {  	v21 =	vadd.f32 v53, v21;
	v53 =	vmul.f32 v19, v0;
	v16 =	vmul.f32 v27, v6;
	v0 =	vmovc v56;
	v55 =	vld [tilespmem:s22+$0x20]  }
0x1c2: {  	v48 =	vmul.f32 v48, v6;
	v6 =	vmul.f32 v10, v6;
	v58 =	vld [tilespmem:s21+$0xD800];
	v5 =	vadd.f32 v54, v5;
	v27 =	vmovc v50  }
0x1c3: {  	v41 =	vadd.f32 v52, v41;
	v20 =	vadd.f32 v53, v20;
	v50 =	vmul.f32 v22, v0;
	v19 =	vld [tilespmem:s21+$0x14480];
	v10 =	vmovc v22  }
0x1c4: {  	v42 =	vadd.f32 v48, v42;
	v51 =	vadd.f32 v16, v51;
	v22 =	vld [tilespmem:s22+$0x0]  }
0x1c5: {  	v37 =	vadd.f32 v57, v37;
	v34 =	vadd.f32 v6, v34;
	v16 =	vld [tilespmem:s22+$0x10];
	v48 =	vmul.f32 v7, v0  }
0x1c6: {  	v8 =	vadd.f32 v50, v8;
	v52 =	vld [tilespmem:s21+$0xD880];
	v53 =	vmul.f32 v61, v55;
	v54 =	vmul.f32 v12, v55;
	v6 =	vmovc v55  }
0x1c7: {  	v55 =	vmul.f32 v27, v0;
	v50 =	vmul.f32 v32, v6;
	v4 =	vadd.f32 v48, v4  }
0x1c8: {  	v48 =	vmul.f32 v58, v6;
	v57 =	vmul.f32 v7, v6;
	v26 =	vadd.f32 v53, v26  }
0x1c9: {  	v53 =	vmul.f32 v58, v0;
	v29 =	vadd.f32 v55, v29;
	v11 =	vadd.f32 v54, v11  }
0x1ca: {  	v54 =	vmul.f32 v61, v0;
	v39 =	vadd.f32 v48, v39;
	v59 =	vmul.f32 v58, v16;
	v48 =	vld [tilespmem:s21+$0xDA00]  }
0x1cb: {  	v40 =	vadd.f32 v53, v40;
	v60 =	vmul.f32 v52, v22;
	v62 =	vmul.f32 v52, v16  }
.Ltmp4:
0x1cc: {  	v55 =	vmul.f32 v27, v22;
	v30 =	vadd.f32 v54, v30;
	v56 =	vmul.f32 v52, v6;
	(pc) =	sbr.rel @p0 .LBB2_10-.Ltmp4, $4  }
0x1cd: {  	v54 =	vmul.f32 v58, v22;
	v58 =	vmul.f32 v52, v0;
	v43 =	vadd.f32 v59, v43  }
0x1ce: {  	v15 =	vadd.f32 v57, v15;
	v53 =	vmul.f32 v61, v16;
	v59 =	vmul.f32 v27, v16  }
0x1cf: {  	v57 =	vmul.f32 v32, v0;
	v44 =	vadd.f32 v60, v44;
	v52 =	vmul.f32 v48, v16  }
0x1d0: {  	s19 =	sadd.s32 $0x1, s19;
	v47 =	vadd.f32 v62, v47;
	v45 =	vadd.f32 v58, v45;
	v58 =	vmul.f32 v61, v22  }
0x1d1: {  	[tilespmem:$0x1B810] =	vst v43  }
0x1d2: {  	[tilespmem:$0x1B820] =	vst v39  }
0x1d3: {  	[tilespmem:$0x1B830] =	vst v40  }
0x1d4: {  	[tilespmem:$0x1B880] =	vst v44  }
0x1d5: {  	[tilespmem:$0x1B930] =	vst v29  }
0x1d6: {  	[tilespmem:$0x1B9A0] =	vst v26  }
0x1d7: {  	[tilespmem:$0x1B9B0] =	vst v30  }
0x1d8: {  	[tilespmem:$0x1BB30] =	vst v8  }
0x1d9: {  	[tilespmem:$0x1BBA0] =	vst v11  }
0x1da: {  	[tilespmem:$0x1BBB0] =	vst v5  }
0x1db: {  	[tilespmem:$0x1C820] =	vst v15  }
0x1dc: {  	[tilespmem:$0x1C830] =	vst v4  }
0x1dd: {  	v17 =	vadd.f32 v54, v17;
	[tilespmem:$0x1B890] =	vst v47  }
0x1de: {  	v14 =	vadd.f32 v59, v14;
	[tilespmem:$0x1B8B0] =	vst v45  }
0x1df: {  	v18 =	vadd.f32 v57, v18;
	[tilespmem:$0x1B800] =	vst v17  }
0x1e0: {  	v27 =	vmul.f32 v27, v6;
	v17 =	vadd.f32 v56, v31;
	[tilespmem:$0x1B910] =	vst v14  }
0x1e1: {  	v13 =	vadd.f32 v58, v13;
	[tilespmem:$0x1BAB0] =	vst v18  }
0x1e2: {  	[tilespmem:$0x1B8A0] =	vst v17;
	v17 =	vadd.f32 v27, v51  }
0x1e3: {  	v8 =	vmul.f32 v7, v22;
	v31 =	vadd.f32 v55, v49;
	[tilespmem:$0x1B980] =	vst v13  }
0x1e4: {  	v14 =	vadd.f32 v53, v46;
	[tilespmem:$0x1B920] =	vst v17;
	v17 =	vmul.f32 v48, v22  }
0x1e5: {  	v1 =	vadd.f32 v8, v1;
	[tilespmem:$0x1B900] =	vst v31  }
0x1e6: {  	[tilespmem:$0x1B990] =	vst v14;
	v14 =	vmul.f32 v48, v6;
	v13 =	vadd.f32 v17, v24  }
0x1e7: {  	v26 =	vmul.f32 v32, v22;
	[tilespmem:$0x1C800] =	vst v1;
	v24 =	vadd.f32 v52, v41  }
0x1e8: {  	v14 =	vadd.f32 v14, v42;
	[tilespmem:$0x1BA00] =	vst v13;
	v13 =	vmul.f32 v32, v16  }
0x1e9: {  	v1 =	vmul.f32 v19, v16;
	[tilespmem:$0x1BA10] =	vst v24;
	v24 =	vadd.f32 v26, v35  }
0x1ea: {  	v17 =	vmul.f32 v48, v0;
	[tilespmem:$0x1BA20] =	vst v14;
	v14 =	vmul.f32 v10, v22;
	v13 =	vadd.f32 v13, v36  }
0x1eb: {  	v1 =	vadd.f32 v1, v23;
	[tilespmem:$0x1BA80] =	vst v24;
	v24 =	vmul.f32 v10, v16  }
0x1ec: {  	v17 =	vadd.f32 v17, v38;
	[tilespmem:$0x1BA90] =	vst v13;
	v13 =	vadd.f32 v14, v37;
	v14 =	vmul.f32 v12, v22  }
0x1ed: {  	v0 =	vmul.f32 v19, v0;
	[tilespmem:$0x1C890] =	vst v1;
	v3 =	vadd.f32 v24, v3  }
0x1ee: {  	[tilespmem:$0x1BA30] =	vst v17;
	v12 =	vmul.f32 v12, v16;
	v2 =	vadd.f32 v14, v2  }
0x1ef: {  	v0 =	vadd.f32 v0, v20;
	[tilespmem:$0x1BB10] =	vst v3  }
0x1f0: {  	v3 =	vadd.f32 v12, v28;
	[tilespmem:$0x1BB80] =	vst v2;
	v2 =	vmul.f32 v7, v16  }
0x1f1: {  	v17 =	vadd.f32 v50, v33;
	[tilespmem:$0x1C8B0] =	vst v0  }
0x1f2: {  	v10 =	vmul.f32 v10, v6;
	[tilespmem:$0x1BB90] =	vst v3;
	v3 =	vmul.f32 v19, v22;
	v2 =	vadd.f32 v2, v25  }
0x1f3: {  	[tilespmem:$0x1BAA0] =	vst v17  }
0x1f4: {  	v10 =	vadd.f32 v10, v34;
	[tilespmem:$0x1C810] =	vst v2;
	v2 =	vadd.f32 v3, v9;
	v3 =	vmul.f32 v19, v6  }
0x1f5: {  	s17 =	simm.s32 $0x0;
	[tilespmem:$0x1BB00] =	vst v13  }
0x1f6: {  	s18 =	sand.u32 $0x7, s17;
	v18 =	vld [tilespmem:$0x1D280];
	[tilespmem:$0x1BB20] =	vst v10;
	v4 =	vadd.f32 v3, v21  }
0x1f7: {  	s19 =	sand.u32 $0xF800, s17;
	s20 =	sand.u32 $0x380, s17;
	s18 =	sshll.u32 s18, $0x4;
	v24 =	vld [tilespmem:$0x1D200];
	[tilespmem:$0x1C880] =	vst v2  }
0x1f8: {  	s19 =	sor.u32 s20, s19;
	s18 =	sadd.s32 $0x0, s18;
	v13 =	vld [tilespmem:$0x1D100];
	[tilespmem:$0x1C8A0] =	vst v4  }
0x1f9: {  	s31 =	sand.u32 $0x70, s17;
	s21 =	sand.u32 $0x7C00, s17;
	s18 =	sor.u32 $0x380, s18;
	v0 =	vld [tilespmem:s19+$0x70]  }
0x1fa: {  	s20 =	sor.u32 s31, s21;
	v14 =	vld [tilespmem:s18+$0xD800]  }
0x1fb: {  	v20 =	vld [tilespmem:s20+$0xD980]  }
0x1fc: {  	v27 =	vld [tilespmem:s20+$0xD900]  }
0x1fd: {  	v11 =	vld [tilespmem:s20+$0xDB00]  }
0x1fe: {  	v7 =	vld [tilespmem:s20+$0x14400]  }
0x1ff: {  	v6 =	vld [tilespmem:s19+$0x60]  }
0x200: {  	v32 =	vld [tilespmem:s20+$0xDA80]  }
0x201: {  	v16 =	vld [tilespmem:s20+$0xD800]  }
0x202: {  	v17 =	vld [tilespmem:s19+$0x50]  }
0x203: {  	v19 =	vld [tilespmem:s20+$0xD880];
	v4 =	vmul.f32 v14, v0  }
0x204: {  	v22 =	vld [tilespmem:s19+$0x40];
	v8 =	vmul.f32 v11, v0;
	v9 =	vmul.f32 v20, v6  }
0x205: {  	v3 =	vld [tilespmem:$0x1D300];
	v12 =	vmul.f32 v14, v6;
	v21 =	vmul.f32 v27, v0  }
0x206: {  	v2 =	vld [tilespmem:$0x1D380];
	v50 =	vmul.f32 v32, v6;
	v23 =	vmul.f32 v16, v6  }
0x207: {  	v10 =	vld [tilespmem:$0x1D180];
	v25 =	vmul.f32 v7, v6;
	v28 =	vmul.f32 v16, v0  }
0x208: {  	v15 =	vld [tilespmem:$0x1D000];
	v63 =	vmul.f32 v19, v17;
	v56 =	vmul.f32 v19, v6  }
0x209: {  	v1 =	vld [tilespmem:$0x1D400];
	v35 =	vmovc v18;
	v33 =	vmov v18;
	v55 =	vmul.f32 v27, v22;
	v54 =	vmul.f32 v16, v22  }
0x20a: {  	v36 =	vmovc v18;
	v38 =	vmovc v24;
	v41 =	vmov v24;
	v48 =	vld [tilespmem:s20+$0xDA00];
	v59 =	vmul.f32 v27, v17;
	v53 =	vmul.f32 v20, v17  }
0x20b: {  	v31 =	vld [tilespmem:$0x1D080];
	v42 =	vmovc v24;
	v5 =	vadd.f32 v4, v2;
	v4 =	vmul.f32 v7, v0;
	v8 =	vadd.f32 v8, v3  }
0x20c: {  	v49 =	vmovc v13;
	v26 =	vadd.f32 v9, v10;
	v29 =	vadd.f32 v21, v13;
	v21 =	vmul.f32 v16, v17  }
0x20d: {  	v46 =	vmovc v10;
	v39 =	vadd.f32 v23, v15;
	v23 =	vmul.f32 v20, v0;
	v9 =	vld [tilespmem:$0x1D480];
	v40 =	vadd.f32 v28, v15  }
0x20e: {  	v51 =	vmovc v13;
	v28 =	vmul.f32 v19, v22;
	v43 =	vadd.f32 v21, v15;
	v21 =	vmul.f32 v19, v0  }
0x20f: {  	v37 =	vmovc v3;
	v52 =	vmul.f32 v48, v17;
	v12 =	vadd.f32 v12, v2;
	v16 =	vadd.f32 v25, v1  }
0x210: {  	v34 =	vmovc v3;
	v57 =	vmul.f32 v32, v0;
	v47 =	vadd.f32 v63, v31;
	v4 =	vadd.f32 v4, v1  }
0x211: {  	v58 =	vmul.f32 v20, v22;
	v30 =	vadd.f32 v23, v10;
	v44 =	vadd.f32 v28, v31;
	v25 =	vmovc v1  }
0x212: {  	s18 =	simm.s32 $0x100;
	s19 =	simm.s32 $0x1;
	v19 =	vld [tilespmem:s20+$0x14480];
	s20 =	simm.s32 $0x0;
	v45 =	vadd.f32 v21, v31;
	v28 =	vmovc v2;
	v23 =	vmovc v9;
	v20 =	vmov v9;
	v21 =	vmov v9  }
.LBB2_12:
0x213: {  	s21 =	sand.u32 $0x7, s19  }
0x214: {  	v60 =	vmul.f32 v48, v22;
	v61 =	vmul.f32 v32, v22;
	v18 =	vadd.f32 v57, v18;
	s17 =	sadd.s32 $0x10, s17;
	s20 =	sadd.s32 $0x80, s20;
	s22 =	smov.u32 s18  }
0x215: {  	p0 =	sne.s32 s18, $0xD400;
	s18 =	sadd.s32 $0x100, s18;
	v13 =	vadd.f32 v59, v13;
	v32 =	vmul.f32 v32, v17;
	v57 =	vmul.f32 v11, v22;
	s21 =	sshll.u32 s21, $0x4  }
0x216: {  	v31 =	vadd.f32 v56, v31;
	v49 =	vadd.f32 v55, v49;
	v55 =	vmul.f32 v14, v22;
	s22 =	sand.u32 $0xF800, s22;
	s23 =	sand.u32 $0x380, s20;
	s21 =	sadd.s32 s21, s20  }
0x217: {  	v33 =	vadd.f32 v50, v33;
	v50 =	vmul.f32 v7, v22;
	s22 =	sor.u32 s23, s22;
	v35 =	vadd.f32 v61, v35;
	s23 =	sor.u32 $0x380, s21  }
0x218: {  	s24 =	sand.u32 $0x7C00, s20;
	v10 =	vadd.f32 v58, v10;
	v58 =	vmul.f32 v11, v17;
	v2 =	vadd.f32 v55, v2;
	s21 =	sand.u32 $0x70, s17;
	v56 =	vld [tilespmem:s22+$0x70]  }
0x219: {  	v59 =	vmul.f32 v48, v0;
	v22 =	vmul.f32 v19, v22;
	v1 =	vadd.f32 v50, v1;
	s21 =	sor.u32 s21, s24;
	v55 =	vld [tilespmem:s23+$0xD800]  }
0x21a: {  	v14 =	vmul.f32 v14, v17;
	v24 =	vadd.f32 v60, v24;
	v36 =	vadd.f32 v32, v36;
	v61 =	vld [tilespmem:s21+$0xD980]  }
0x21b: {  	v38 =	vadd.f32 v59, v38;
	v59 =	vmul.f32 v7, v17;
	v9 =	vadd.f32 v22, v9;
	v50 =	vld [tilespmem:s21+$0xD900]  }
0x21c: {  	v15 =	vadd.f32 v54, v15;
	v17 =	vmul.f32 v19, v17;
	v3 =	vadd.f32 v58, v3;
	v22 =	vld [tilespmem:s21+$0xDB00]  }
0x21d: {  	v46 =	vadd.f32 v53, v46;
	v53 =	vmul.f32 v19, v6;
	v28 =	vadd.f32 v14, v28;
	v32 =	vld [tilespmem:s21+$0xDA80]  }
0x21e: {  	v25 =	vadd.f32 v59, v25;
	v23 =	vadd.f32 v17, v23;
	v54 =	vmul.f32 v55, v56;
	v7 =	vld [tilespmem:s21+$0x14400];
	v14 =	vmovc v55  }
0x21f: {  	v21 =	vadd.f32 v53, v21;
	v53 =	vmul.f32 v19, v0;
	v17 =	vmul.f32 v27, v6;
	v0 =	vmovc v56;
	v55 =	vld [tilespmem:s22+$0x60]  }
0x220: {  	v48 =	vmul.f32 v48, v6;
	v6 =	vmul.f32 v11, v6;
	v58 =	vld [tilespmem:s21+$0xD800];
	v5 =	vadd.f32 v54, v5;
	v27 =	vmovc v50  }
0x221: {  	v41 =	vadd.f32 v52, v41;
	v20 =	vadd.f32 v53, v20;
	v50 =	vmul.f32 v22, v0;
	v19 =	vld [tilespmem:s21+$0x14480];
	v11 =	vmovc v22  }
0x222: {  	v42 =	vadd.f32 v48, v42;
	v51 =	vadd.f32 v17, v51;
	v22 =	vld [tilespmem:s22+$0x40]  }
0x223: {  	v37 =	vadd.f32 v57, v37;
	v34 =	vadd.f32 v6, v34;
	v17 =	vld [tilespmem:s22+$0x50];
	v48 =	vmul.f32 v7, v0  }
0x224: {  	v8 =	vadd.f32 v50, v8;
	v52 =	vld [tilespmem:s21+$0xD880];
	v53 =	vmul.f32 v61, v55;
	v54 =	vmul.f32 v14, v55;
	v6 =	vmovc v55  }
0x225: {  	v55 =	vmul.f32 v27, v0;
	v50 =	vmul.f32 v32, v6;
	v4 =	vadd.f32 v48, v4  }
0x226: {  	v48 =	vmul.f32 v58, v6;
	v57 =	vmul.f32 v7, v6;
	v26 =	vadd.f32 v53, v26  }
0x227: {  	v53 =	vmul.f32 v58, v0;
	v29 =	vadd.f32 v55, v29;
	v12 =	vadd.f32 v54, v12  }
0x228: {  	v54 =	vmul.f32 v61, v0;
	v39 =	vadd.f32 v48, v39;
	v59 =	vmul.f32 v58, v17;
	v48 =	vld [tilespmem:s21+$0xDA00]  }
0x229: {  	v40 =	vadd.f32 v53, v40;
	v60 =	vmul.f32 v52, v22;
	v62 =	vmul.f32 v52, v17  }
.Ltmp5:
0x22a: {  	v55 =	vmul.f32 v27, v22;
	v30 =	vadd.f32 v54, v30;
	v56 =	vmul.f32 v52, v6;
	(pc) =	sbr.rel @p0 .LBB2_12-.Ltmp5, $4  }
0x22b: {  	v54 =	vmul.f32 v58, v22;
	v58 =	vmul.f32 v52, v0;
	v43 =	vadd.f32 v59, v43  }
0x22c: {  	v16 =	vadd.f32 v57, v16;
	v53 =	vmul.f32 v61, v17;
	v59 =	vmul.f32 v27, v17  }
0x22d: {  	v57 =	vmul.f32 v32, v0;
	v44 =	vadd.f32 v60, v44;
	v52 =	vmul.f32 v48, v17  }
0x22e: {  	s19 =	sadd.s32 $0x1, s19;
	v47 =	vadd.f32 v62, v47;
	v45 =	vadd.f32 v58, v45;
	v58 =	vmul.f32 v61, v22  }
0x22f: {  	[tilespmem:$0x1B850] =	vst v43  }
0x230: {  	[tilespmem:$0x1B860] =	vst v39  }
0x231: {  	[tilespmem:$0x1B870] =	vst v40  }
0x232: {  	[tilespmem:$0x1B8C0] =	vst v44  }
0x233: {  	[tilespmem:$0x1B970] =	vst v29  }
0x234: {  	[tilespmem:$0x1B9E0] =	vst v26  }
0x235: {  	[tilespmem:$0x1B9F0] =	vst v30  }
0x236: {  	[tilespmem:$0x1BB70] =	vst v8  }
0x237: {  	[tilespmem:$0x1BBE0] =	vst v12  }
0x238: {  	[tilespmem:$0x1BBF0] =	vst v5  }
0x239: {  	[tilespmem:$0x1C860] =	vst v16  }
0x23a: {  	[tilespmem:$0x1C870] =	vst v4  }
0x23b: {  	v15 =	vadd.f32 v54, v15;
	[tilespmem:$0x1B8D0] =	vst v47  }
0x23c: {  	v13 =	vadd.f32 v59, v13;
	[tilespmem:$0x1B8F0] =	vst v45  }
0x23d: {  	v18 =	vadd.f32 v57, v18;
	[tilespmem:$0x1B840] =	vst v15  }
0x23e: {  	v27 =	vmul.f32 v27, v6;
	v15 =	vadd.f32 v56, v31;
	[tilespmem:$0x1B950] =	vst v13  }
0x23f: {  	v10 =	vadd.f32 v58, v10;
	[tilespmem:$0x1BAF0] =	vst v18  }
0x240: {  	[tilespmem:$0x1B8E0] =	vst v15;
	v15 =	vadd.f32 v27, v51  }
0x241: {  	v8 =	vmul.f32 v7, v22;
	v31 =	vadd.f32 v55, v49;
	[tilespmem:$0x1B9C0] =	vst v10  }
0x242: {  	v13 =	vadd.f32 v53, v46;
	[tilespmem:$0x1B960] =	vst v15;
	v15 =	vmul.f32 v48, v22  }
0x243: {  	v1 =	vadd.f32 v8, v1;
	[tilespmem:$0x1B940] =	vst v31  }
0x244: {  	[tilespmem:$0x1B9D0] =	vst v13;
	v13 =	vmul.f32 v48, v6;
	v10 =	vadd.f32 v15, v24  }
0x245: {  	v26 =	vmul.f32 v32, v22;
	[tilespmem:$0x1C840] =	vst v1;
	v24 =	vadd.f32 v52, v41  }
0x246: {  	v13 =	vadd.f32 v13, v42;
	[tilespmem:$0x1BA40] =	vst v10;
	v10 =	vmul.f32 v32, v17  }
0x247: {  	v1 =	vmul.f32 v19, v17;
	[tilespmem:$0x1BA50] =	vst v24;
	v24 =	vadd.f32 v26, v35  }
0x248: {  	[tilespmem:$0x1BA60] =	vst v13;
	v13 =	vmul.f32 v11, v22;
	v10 =	vadd.f32 v10, v36  }
0x249: {  	v1 =	vadd.f32 v1, v23;
	[tilespmem:$0x1BAC0] =	vst v24;
	v24 =	vmul.f32 v11, v17  }
0x24a: {  	[tilespmem:$0x1BAD0] =	vst v10;
	v10 =	vmul.f32 v11, v6;
	v11 =	vadd.f32 v13, v37;
	v13 =	vmul.f32 v14, v22  }
0x24b: {  	v15 =	vmul.f32 v48, v0;
	[tilespmem:$0x1C8D0] =	vst v1;
	v3 =	vadd.f32 v24, v3  }
0x24c: {  	[tilespmem:$0x1BB40] =	vst v11;
	v11 =	vmul.f32 v14, v17;
	v2 =	vadd.f32 v13, v2  }
0x24d: {  	v0 =	vmul.f32 v19, v0;
	v15 =	vadd.f32 v15, v38;
	[tilespmem:$0x1BB50] =	vst v3  }
0x24e: {  	v3 =	vadd.f32 v11, v28;
	[tilespmem:$0x1BBC0] =	vst v2;
	v2 =	vmul.f32 v7, v17  }
0x24f: {  	v0 =	vadd.f32 v0, v20;
	[tilespmem:$0x1BA70] =	vst v15  }
0x250: {  	[tilespmem:$0x1BBD0] =	vst v3;
	v2 =	vadd.f32 v2, v25;
	v3 =	vmul.f32 v19, v22  }
0x251: {  	v15 =	vadd.f32 v50, v33;
	[tilespmem:$0x1C8F0] =	vst v0  }
0x252: {  	v10 =	vadd.f32 v10, v34;
	[tilespmem:$0x1C850] =	vst v2;
	v2 =	vadd.f32 v3, v9;
	v3 =	vmul.f32 v19, v6  }
0x253: {  	s17 =	simm.s32 $0x0;
	[tilespmem:$0x1BAE0] =	vst v15  }
0x254: {  	s18 =	sand.u32 $0x7, s17;
	v18 =	vld [tilespmem:$0x1D280];
	[tilespmem:$0x1BB60] =	vst v10;
	v4 =	vadd.f32 v3, v21  }
0x255: {  	s19 =	sand.u32 $0xF800, s17;
	s20 =	sand.u32 $0x380, s17;
	s18 =	sshll.u32 s18, $0x4;
	v24 =	vld [tilespmem:$0x1D200];
	[tilespmem:$0x1C8C0] =	vst v2  }
0x256: {  	s19 =	sor.u32 s20, s19;
	s18 =	sadd.s32 $0x0, s18;
	v13 =	vld [tilespmem:$0x1D100];
	[tilespmem:$0x1C8E0] =	vst v4  }
0x257: {  	s31 =	sand.u32 $0x70, s17;
	s21 =	sand.u32 $0x7C00, s17;
	s18 =	sor.u32 $0x380, s18;
	v0 =	vld [tilespmem:s19+$0x430]  }
0x258: {  	s20 =	sor.u32 s31, s21;
	v14 =	vld [tilespmem:s18+$0xD800]  }
0x259: {  	v20 =	vld [tilespmem:s20+$0xD980]  }
0x25a: {  	v27 =	vld [tilespmem:s20+$0xD900]  }
0x25b: {  	v11 =	vld [tilespmem:s20+$0xDB00]  }
0x25c: {  	v7 =	vld [tilespmem:s20+$0x14400]  }
0x25d: {  	v6 =	vld [tilespmem:s19+$0x420]  }
0x25e: {  	v32 =	vld [tilespmem:s20+$0xDA80]  }
0x25f: {  	v16 =	vld [tilespmem:s20+$0xD800]  }
0x260: {  	v17 =	vld [tilespmem:s19+$0x410]  }
0x261: {  	v19 =	vld [tilespmem:s20+$0xD880];
	v4 =	vmul.f32 v14, v0  }
0x262: {  	v22 =	vld [tilespmem:s19+$0x400];
	v8 =	vmul.f32 v11, v0;
	v9 =	vmul.f32 v20, v6  }
0x263: {  	v3 =	vld [tilespmem:$0x1D300];
	v12 =	vmul.f32 v14, v6;
	v21 =	vmul.f32 v27, v0  }
0x264: {  	v2 =	vld [tilespmem:$0x1D380];
	v50 =	vmul.f32 v32, v6;
	v23 =	vmul.f32 v16, v6  }
0x265: {  	v10 =	vld [tilespmem:$0x1D180];
	v25 =	vmul.f32 v7, v6;
	v28 =	vmul.f32 v16, v0  }
0x266: {  	v15 =	vld [tilespmem:$0x1D000];
	v63 =	vmul.f32 v19, v17;
	v56 =	vmul.f32 v19, v6  }
0x267: {  	v1 =	vld [tilespmem:$0x1D400];
	v35 =	vmovc v18;
	v33 =	vmov v18;
	v55 =	vmul.f32 v27, v22;
	v54 =	vmul.f32 v16, v22  }
0x268: {  	v36 =	vmovc v18;
	v38 =	vmovc v24;
	v41 =	vmov v24;
	v48 =	vld [tilespmem:s20+$0xDA00];
	v59 =	vmul.f32 v27, v17;
	v53 =	vmul.f32 v20, v17  }
0x269: {  	v31 =	vld [tilespmem:$0x1D080];
	v42 =	vmovc v24;
	v5 =	vadd.f32 v4, v2;
	v4 =	vmul.f32 v7, v0;
	v8 =	vadd.f32 v8, v3  }
0x26a: {  	v49 =	vmovc v13;
	v26 =	vadd.f32 v9, v10;
	v29 =	vadd.f32 v21, v13;
	v21 =	vmul.f32 v16, v17  }
0x26b: {  	v51 =	vmovc v13;
	v39 =	vadd.f32 v23, v15;
	v23 =	vmul.f32 v20, v0;
	v9 =	vld [tilespmem:$0x1D480];
	v40 =	vadd.f32 v28, v15  }
0x26c: {  	v46 =	vmovc v10;
	v28 =	vmul.f32 v19, v22;
	v43 =	vadd.f32 v21, v15;
	v21 =	vmul.f32 v19, v0  }
0x26d: {  	v37 =	vmovc v3;
	v52 =	vmul.f32 v48, v17;
	v12 =	vadd.f32 v12, v2;
	v16 =	vadd.f32 v25, v1  }
0x26e: {  	v34 =	vmovc v3;
	v57 =	vmul.f32 v32, v0;
	v47 =	vadd.f32 v63, v31;
	v4 =	vadd.f32 v4, v1  }
0x26f: {  	v58 =	vmul.f32 v20, v22;
	v30 =	vadd.f32 v23, v10;
	v44 =	vadd.f32 v28, v31;
	v25 =	vmovc v1  }
0x270: {  	s18 =	simm.s32 $0x100;
	s19 =	simm.s32 $0x1;
	v19 =	vld [tilespmem:s20+$0x14480];
	s20 =	simm.s32 $0x0;
	v45 =	vadd.f32 v21, v31;
	v28 =	vmovc v2;
	v23 =	vmovc v9;
	v20 =	vmov v9;
	v21 =	vmov v9  }
.LBB2_14:
0x271: {  	s21 =	sand.u32 $0x7, s19  }
0x272: {  	v60 =	vmul.f32 v48, v22;
	v61 =	vmul.f32 v32, v22;
	v18 =	vadd.f32 v57, v18;
	s17 =	sadd.s32 $0x10, s17;
	s20 =	sadd.s32 $0x80, s20;
	s22 =	smov.u32 s18  }
0x273: {  	p0 =	sne.s32 s18, $0xD400;
	s18 =	sadd.s32 $0x100, s18;
	v13 =	vadd.f32 v59, v13;
	v32 =	vmul.f32 v32, v17;
	v57 =	vmul.f32 v11, v22;
	s21 =	sshll.u32 s21, $0x4  }
0x274: {  	v31 =	vadd.f32 v56, v31;
	v49 =	vadd.f32 v55, v49;
	v55 =	vmul.f32 v14, v22;
	s22 =	sand.u32 $0xF800, s22;
	s23 =	sand.u32 $0x380, s20;
	s21 =	sadd.s32 s21, s20  }
0x275: {  	v33 =	vadd.f32 v50, v33;
	v50 =	vmul.f32 v7, v22;
	s22 =	sor.u32 s23, s22;
	v35 =	vadd.f32 v61, v35;
	s23 =	sor.u32 $0x380, s21  }
0x276: {  	s24 =	sand.u32 $0x7C00, s20;
	v10 =	vadd.f32 v58, v10;
	v58 =	vmul.f32 v11, v17;
	v2 =	vadd.f32 v55, v2;
	s21 =	sand.u32 $0x70, s17;
	v56 =	vld [tilespmem:s22+$0x430]  }
0x277: {  	v59 =	vmul.f32 v48, v0;
	v22 =	vmul.f32 v19, v22;
	v1 =	vadd.f32 v50, v1;
	s21 =	sor.u32 s21, s24;
	v55 =	vld [tilespmem:s23+$0xD800]  }
0x278: {  	v14 =	vmul.f32 v14, v17;
	v24 =	vadd.f32 v60, v24;
	v36 =	vadd.f32 v32, v36;
	v61 =	vld [tilespmem:s21+$0xD980]  }
0x279: {  	v38 =	vadd.f32 v59, v38;
	v59 =	vmul.f32 v7, v17;
	v9 =	vadd.f32 v22, v9;
	v50 =	vld [tilespmem:s21+$0xD900]  }
0x27a: {  	v15 =	vadd.f32 v54, v15;
	v17 =	vmul.f32 v19, v17;
	v3 =	vadd.f32 v58, v3;
	v22 =	vld [tilespmem:s21+$0xDB00]  }
0x27b: {  	v46 =	vadd.f32 v53, v46;
	v53 =	vmul.f32 v19, v6;
	v28 =	vadd.f32 v14, v28;
	v32 =	vld [tilespmem:s21+$0xDA80]  }
0x27c: {  	v25 =	vadd.f32 v59, v25;
	v23 =	vadd.f32 v17, v23;
	v54 =	vmul.f32 v55, v56;
	v7 =	vld [tilespmem:s21+$0x14400];
	v14 =	vmovc v55  }
0x27d: {  	v21 =	vadd.f32 v53, v21;
	v53 =	vmul.f32 v19, v0;
	v17 =	vmul.f32 v27, v6;
	v0 =	vmovc v56;
	v55 =	vld [tilespmem:s22+$0x420]  }
0x27e: {  	v48 =	vmul.f32 v48, v6;
	v6 =	vmul.f32 v11, v6;
	v58 =	vld [tilespmem:s21+$0xD800];
	v5 =	vadd.f32 v54, v5;
	v27 =	vmovc v50  }
0x27f: {  	v41 =	vadd.f32 v52, v41;
	v20 =	vadd.f32 v53, v20;
	v50 =	vmul.f32 v22, v0;
	v19 =	vld [tilespmem:s21+$0x14480];
	v11 =	vmovc v22  }
0x280: {  	v42 =	vadd.f32 v48, v42;
	v51 =	vadd.f32 v17, v51;
	v22 =	vld [tilespmem:s22+$0x400]  }
0x281: {  	v37 =	vadd.f32 v57, v37;
	v34 =	vadd.f32 v6, v34;
	v17 =	vld [tilespmem:s22+$0x410];
	v48 =	vmul.f32 v7, v0  }
0x282: {  	v8 =	vadd.f32 v50, v8;
	v52 =	vld [tilespmem:s21+$0xD880];
	v53 =	vmul.f32 v61, v55;
	v54 =	vmul.f32 v14, v55;
	v6 =	vmovc v55  }
0x283: {  	v55 =	vmul.f32 v27, v0;
	v50 =	vmul.f32 v32, v6;
	v4 =	vadd.f32 v48, v4  }
0x284: {  	v48 =	vmul.f32 v58, v6;
	v57 =	vmul.f32 v7, v6;
	v26 =	vadd.f32 v53, v26  }
0x285: {  	v53 =	vmul.f32 v58, v0;
	v29 =	vadd.f32 v55, v29;
	v12 =	vadd.f32 v54, v12  }
0x286: {  	v54 =	vmul.f32 v61, v0;
	v39 =	vadd.f32 v48, v39;
	v59 =	vmul.f32 v58, v17;
	v48 =	vld [tilespmem:s21+$0xDA00]  }
0x287: {  	v40 =	vadd.f32 v53, v40;
	v60 =	vmul.f32 v52, v22;
	v62 =	vmul.f32 v52, v17  }
.Ltmp6:
0x288: {  	v55 =	vmul.f32 v27, v22;
	v30 =	vadd.f32 v54, v30;
	v56 =	vmul.f32 v52, v6;
	(pc) =	sbr.rel @p0 .LBB2_14-.Ltmp6, $4  }
0x289: {  	v54 =	vmul.f32 v58, v22;
	v58 =	vmul.f32 v52, v0;
	v43 =	vadd.f32 v59, v43  }
0x28a: {  	v16 =	vadd.f32 v57, v16;
	v53 =	vmul.f32 v61, v17;
	v59 =	vmul.f32 v27, v17  }
0x28b: {  	v57 =	vmul.f32 v32, v0;
	v44 =	vadd.f32 v60, v44;
	v52 =	vmul.f32 v48, v17  }
0x28c: {  	s19 =	sadd.s32 $0x1, s19;
	v47 =	vadd.f32 v62, v47;
	v45 =	vadd.f32 v58, v45;
	v58 =	vmul.f32 v61, v22  }
0x28d: {  	[tilespmem:$0x1BC10] =	vst v43  }
0x28e: {  	[tilespmem:$0x1BC20] =	vst v39  }
0x28f: {  	[tilespmem:$0x1BC30] =	vst v40  }
0x290: {  	[tilespmem:$0x1BC80] =	vst v44  }
0x291: {  	[tilespmem:$0x1BD30] =	vst v29  }
0x292: {  	[tilespmem:$0x1BDA0] =	vst v26  }
0x293: {  	[tilespmem:$0x1BDB0] =	vst v30  }
0x294: {  	[tilespmem:$0x1BF30] =	vst v8  }
0x295: {  	[tilespmem:$0x1BFA0] =	vst v12  }
0x296: {  	[tilespmem:$0x1BFB0] =	vst v5  }
0x297: {  	[tilespmem:$0x1CC20] =	vst v16  }
0x298: {  	[tilespmem:$0x1CC30] =	vst v4  }
0x299: {  	v15 =	vadd.f32 v54, v15;
	[tilespmem:$0x1BC90] =	vst v47  }
0x29a: {  	v13 =	vadd.f32 v59, v13;
	[tilespmem:$0x1BCB0] =	vst v45  }
0x29b: {  	v18 =	vadd.f32 v57, v18;
	[tilespmem:$0x1BC00] =	vst v15  }
0x29c: {  	v27 =	vmul.f32 v27, v6;
	v15 =	vadd.f32 v56, v31;
	[tilespmem:$0x1BD10] =	vst v13  }
0x29d: {  	v10 =	vadd.f32 v58, v10;
	[tilespmem:$0x1BEB0] =	vst v18  }
0x29e: {  	[tilespmem:$0x1BCA0] =	vst v15;
	v15 =	vadd.f32 v27, v51  }
0x29f: {  	v8 =	vmul.f32 v7, v22;
	v31 =	vadd.f32 v55, v49;
	[tilespmem:$0x1BD80] =	vst v10  }
0x2a0: {  	v13 =	vadd.f32 v53, v46;
	[tilespmem:$0x1BD20] =	vst v15;
	v15 =	vmul.f32 v48, v22  }
0x2a1: {  	v1 =	vadd.f32 v8, v1;
	[tilespmem:$0x1BD00] =	vst v31  }
0x2a2: {  	[tilespmem:$0x1BD90] =	vst v13;
	v13 =	vmul.f32 v48, v6;
	v10 =	vadd.f32 v15, v24  }
0x2a3: {  	v26 =	vmul.f32 v32, v22;
	[tilespmem:$0x1CC00] =	vst v1;
	v24 =	vadd.f32 v52, v41  }
0x2a4: {  	v13 =	vadd.f32 v13, v42;
	[tilespmem:$0x1BE00] =	vst v10;
	v10 =	vmul.f32 v32, v17  }
0x2a5: {  	v1 =	vmul.f32 v19, v17;
	[tilespmem:$0x1BE10] =	vst v24;
	v24 =	vadd.f32 v26, v35  }
0x2a6: {  	[tilespmem:$0x1BE20] =	vst v13;
	v13 =	vmul.f32 v11, v22;
	v10 =	vadd.f32 v10, v36  }
0x2a7: {  	v1 =	vadd.f32 v1, v23;
	[tilespmem:$0x1BE80] =	vst v24;
	v24 =	vmul.f32 v11, v17  }
0x2a8: {  	[tilespmem:$0x1BE90] =	vst v10;
	v10 =	vmul.f32 v11, v6;
	v11 =	vadd.f32 v13, v37;
	v13 =	vmul.f32 v14, v22  }
0x2a9: {  	v15 =	vmul.f32 v48, v0;
	[tilespmem:$0x1CC90] =	vst v1;
	v3 =	vadd.f32 v24, v3  }
0x2aa: {  	[tilespmem:$0x1BF00] =	vst v11;
	v11 =	vmul.f32 v14, v17;
	v2 =	vadd.f32 v13, v2  }
0x2ab: {  	v0 =	vmul.f32 v19, v0;
	v15 =	vadd.f32 v15, v38;
	[tilespmem:$0x1BF10] =	vst v3  }
0x2ac: {  	v3 =	vadd.f32 v11, v28;
	[tilespmem:$0x1BF80] =	vst v2;
	v2 =	vmul.f32 v7, v17  }
0x2ad: {  	v0 =	vadd.f32 v0, v20;
	[tilespmem:$0x1BE30] =	vst v15  }
0x2ae: {  	[tilespmem:$0x1BF90] =	vst v3;
	v2 =	vadd.f32 v2, v25;
	v3 =	vmul.f32 v19, v22  }
0x2af: {  	v15 =	vadd.f32 v50, v33;
	[tilespmem:$0x1CCB0] =	vst v0  }
0x2b0: {  	v10 =	vadd.f32 v10, v34;
	[tilespmem:$0x1CC10] =	vst v2;
	v2 =	vadd.f32 v3, v9;
	v3 =	vmul.f32 v19, v6  }
0x2b1: {  	s17 =	simm.s32 $0x0;
	v18 =	vld [tilespmem:$0x1D280];
	[tilespmem:$0x1BEA0] =	vst v15  }
0x2b2: {  	s18 =	sand.u32 $0x7, s17;
	v1 =	vld [tilespmem:$0x1D400];
	[tilespmem:$0x1BF20] =	vst v10;
	v4 =	vadd.f32 v3, v21  }
0x2b3: {  	s19 =	sand.u32 $0xF800, s17;
	s20 =	sand.u32 $0x380, s17;
	s18 =	sshll.u32 s18, $0x4;
	v24 =	vld [tilespmem:$0x1D200];
	[tilespmem:$0x1CC80] =	vst v2  }
0x2b4: {  	s19 =	sor.u32 s20, s19;
	s18 =	sadd.s32 $0x0, s18;
	v13 =	vld [tilespmem:$0x1D100];
	[tilespmem:$0x1CCA0] =	vst v4  }
0x2b5: {  	s31 =	sand.u32 $0x70, s17;
	s21 =	sand.u32 $0x7C00, s17;
	s18 =	sor.u32 $0x380, s18;
	v0 =	vld [tilespmem:s19+$0x470]  }
0x2b6: {  	s20 =	sor.u32 s31, s21;
	v14 =	vld [tilespmem:s18+$0xD800]  }
0x2b7: {  	v21 =	vld [tilespmem:s20+$0xD980]  }
0x2b8: {  	v27 =	vld [tilespmem:s20+$0xD900]  }
0x2b9: {  	v11 =	vld [tilespmem:s20+$0xDB00]  }
0x2ba: {  	v7 =	vld [tilespmem:s20+$0x14400]  }
0x2bb: {  	v6 =	vld [tilespmem:s19+$0x460]  }
0x2bc: {  	v32 =	vld [tilespmem:s20+$0xDA80]  }
0x2bd: {  	v16 =	vld [tilespmem:s20+$0xD800]  }
0x2be: {  	v17 =	vld [tilespmem:s19+$0x450]  }
0x2bf: {  	v19 =	vld [tilespmem:s20+$0xD880]  }
0x2c0: {  	v20 =	vld [tilespmem:s19+$0x440];
	v4 =	vmul.f32 v14, v0;
	v5 =	vmul.f32 v11, v0  }
0x2c1: {  	v3 =	vld [tilespmem:$0x1D300];
	v9 =	vmul.f32 v7, v0;
	v12 =	vmul.f32 v21, v6  }
0x2c2: {  	v10 =	vld [tilespmem:$0x1D180];
	v22 =	vmul.f32 v14, v6;
	v23 =	vmul.f32 v27, v0  }
0x2c3: {  	v2 =	vld [tilespmem:$0x1D380];
	v50 =	vmul.f32 v32, v6;
	v25 =	vmul.f32 v7, v6  }
0x2c4: {  	v35 =	vmov v18;
	v15 =	vld [tilespmem:$0x1D000];
	v28 =	vmul.f32 v16, v0;
	v63 =	vmul.f32 v19, v17  }
0x2c5: {  	v33 =	vmovc v18;
	v36 =	vmovc v18;
	v38 =	vmov v24;
	v56 =	vmul.f32 v19, v6;
	v55 =	vmul.f32 v27, v20  }
0x2c6: {  	v41 =	vmovc v24;
	v48 =	vld [tilespmem:s20+$0xDA00];
	v54 =	vmul.f32 v16, v20;
	v59 =	vmul.f32 v27, v17;
	v8 =	vadd.f32 v5, v3  }
0x2c7: {  	v31 =	vld [tilespmem:$0x1D080];
	v42 =	vmovc v24;
	v5 =	vadd.f32 v9, v1;
	v9 =	vmul.f32 v16, v6;
	v26 =	vadd.f32 v12, v10  }
0x2c8: {  	v49 =	vmovc v13;
	v29 =	vadd.f32 v23, v13;
	v12 =	vadd.f32 v22, v2;
	v22 =	vmul.f32 v16, v17  }
0x2c9: {  	v51 =	vmovc v13;
	v23 =	vmul.f32 v21, v0;
	v40 =	vadd.f32 v28, v15;
	v39 =	vadd.f32 v9, v15;
	v9 =	vld [tilespmem:$0x1D480]  }
0x2ca: {  	v46 =	vmovc v10;
	v28 =	vmul.f32 v19, v20;
	v43 =	vadd.f32 v22, v15;
	v22 =	vmul.f32 v19, v0  }
0x2cb: {  	v37 =	vmovc v3;
	v53 =	vmul.f32 v21, v17;
	v52 =	vmul.f32 v48, v17;
	v4 =	vadd.f32 v4, v2  }
0x2cc: {  	v34 =	vmovc v3;
	v57 =	vmul.f32 v32, v0;
	v16 =	vadd.f32 v25, v1;
	v47 =	vadd.f32 v63, v31  }
0x2cd: {  	v58 =	vmul.f32 v21, v20;
	v30 =	vadd.f32 v23, v10;
	v44 =	vadd.f32 v28, v31;
	v25 =	vmovc v1  }
0x2ce: {  	s18 =	simm.s32 $0x100;
	s19 =	simm.s32 $0x1;
	v19 =	vld [tilespmem:s20+$0x14480];
	s20 =	simm.s32 $0x0;
	v45 =	vadd.f32 v22, v31;
	v28 =	vmovc v2;
	v23 =	vmovc v9;
	v21 =	vmov v9;
	v22 =	vmov v9  }
.LBB2_16:
0x2cf: {  	s21 =	sand.u32 $0x7, s19  }
0x2d0: {  	v60 =	vmul.f32 v48, v20;
	v61 =	vmul.f32 v32, v20;
	v18 =	vadd.f32 v57, v18;
	s17 =	sadd.s32 $0x10, s17;
	s20 =	sadd.s32 $0x80, s20;
	s22 =	smov.u32 s18  }
0x2d1: {  	p0 =	sne.s32 s18, $0xD400;
	s18 =	sadd.s32 $0x100, s18;
	v13 =	vadd.f32 v59, v13;
	v32 =	vmul.f32 v32, v17;
	v57 =	vmul.f32 v11, v20;
	s21 =	sshll.u32 s21, $0x4  }
0x2d2: {  	v31 =	vadd.f32 v56, v31;
	v49 =	vadd.f32 v55, v49;
	v55 =	vmul.f32 v14, v20;
	s22 =	sand.u32 $0xF800, s22;
	s23 =	sand.u32 $0x380, s20;
	s21 =	sadd.s32 s21, s20  }
0x2d3: {  	v33 =	vadd.f32 v50, v33;
	v50 =	vmul.f32 v7, v20;
	s22 =	sor.u32 s23, s22;
	v35 =	vadd.f32 v61, v35;
	s23 =	sor.u32 $0x380, s21  }
0x2d4: {  	s24 =	sand.u32 $0x7C00, s20;
	v10 =	vadd.f32 v58, v10;
	v58 =	vmul.f32 v11, v17;
	v2 =	vadd.f32 v55, v2;
	s21 =	sand.u32 $0x70, s17;
	v56 =	vld [tilespmem:s22+$0x470]  }
0x2d5: {  	v59 =	vmul.f32 v48, v0;
	v20 =	vmul.f32 v19, v20;
	v1 =	vadd.f32 v50, v1;
	s21 =	sor.u32 s21, s24;
	v55 =	vld [tilespmem:s23+$0xD800]  }
0x2d6: {  	v14 =	vmul.f32 v14, v17;
	v24 =	vadd.f32 v60, v24;
	v36 =	vadd.f32 v32, v36;
	v61 =	vld [tilespmem:s21+$0xD980]  }
0x2d7: {  	v38 =	vadd.f32 v59, v38;
	v59 =	vmul.f32 v7, v17;
	v9 =	vadd.f32 v20, v9;
	v50 =	vld [tilespmem:s21+$0xD900]  }
0x2d8: {  	v15 =	vadd.f32 v54, v15;
	v17 =	vmul.f32 v19, v17;
	v3 =	vadd.f32 v58, v3;
	v20 =	vld [tilespmem:s21+$0xDB00]  }
0x2d9: {  	v46 =	vadd.f32 v53, v46;
	v53 =	vmul.f32 v19, v6;
	v28 =	vadd.f32 v14, v28;
	v32 =	vld [tilespmem:s21+$0xDA80]  }
0x2da: {  	v25 =	vadd.f32 v59, v25;
	v23 =	vadd.f32 v17, v23;
	v54 =	vmul.f32 v55, v56;
	v7 =	vld [tilespmem:s21+$0x14400];
	v14 =	vmovc v55  }
0x2db: {  	v21 =	vadd.f32 v53, v21;
	v53 =	vmul.f32 v19, v0;
	v17 =	vmul.f32 v27, v6;
	v0 =	vmovc v56;
	v55 =	vld [tilespmem:s22+$0x460]  }
0x2dc: {  	v48 =	vmul.f32 v48, v6;
	v6 =	vmul.f32 v11, v6;
	v58 =	vld [tilespmem:s21+$0xD800];
	v4 =	vadd.f32 v54, v4;
	v27 =	vmovc v50  }
0x2dd: {  	v41 =	vadd.f32 v52, v41;
	v22 =	vadd.f32 v53, v22;
	v50 =	vmul.f32 v20, v0;
	v19 =	vld [tilespmem:s21+$0x14480];
	v11 =	vmovc v20  }
0x2de: {  	v42 =	vadd.f32 v48, v42;
	v51 =	vadd.f32 v17, v51;
	v20 =	vld [tilespmem:s22+$0x440]  }
0x2df: {  	v37 =	vadd.f32 v57, v37;
	v34 =	vadd.f32 v6, v34;
	v17 =	vld [tilespmem:s22+$0x450];
	v48 =	vmul.f32 v7, v0  }
0x2e0: {  	v8 =	vadd.f32 v50, v8;
	v52 =	vld [tilespmem:s21+$0xD880];
	v53 =	vmul.f32 v61, v55;
	v54 =	vmul.f32 v14, v55;
	v6 =	vmovc v55  }
0x2e1: {  	v55 =	vmul.f32 v27, v0;
	v50 =	vmul.f32 v32, v6;
	v5 =	vadd.f32 v48, v5  }
0x2e2: {  	v48 =	vmul.f32 v58, v6;
	v57 =	vmul.f32 v7, v6;
	v26 =	vadd.f32 v53, v26  }
0x2e3: {  	v53 =	vmul.f32 v58, v0;
	v29 =	vadd.f32 v55, v29;
	v12 =	vadd.f32 v54, v12  }
0x2e4: {  	v54 =	vmul.f32 v61, v0;
	v39 =	vadd.f32 v48, v39;
	v59 =	vmul.f32 v58, v17;
	v48 =	vld [tilespmem:s21+$0xDA00]  }
0x2e5: {  	v40 =	vadd.f32 v53, v40;
	v60 =	vmul.f32 v52, v20;
	v62 =	vmul.f32 v52, v17  }
.Ltmp7:
0x2e6: {  	v55 =	vmul.f32 v27, v20;
	v30 =	vadd.f32 v54, v30;
	v56 =	vmul.f32 v52, v6;
	(pc) =	sbr.rel @p0 .LBB2_16-.Ltmp7, $4  }
0x2e7: {  	v54 =	vmul.f32 v58, v20;
	v58 =	vmul.f32 v52, v0;
	v43 =	vadd.f32 v59, v43  }
0x2e8: {  	v16 =	vadd.f32 v57, v16;
	v53 =	vmul.f32 v61, v17;
	v59 =	vmul.f32 v27, v17  }
0x2e9: {  	v57 =	vmul.f32 v32, v0;
	v44 =	vadd.f32 v60, v44;
	v52 =	vmul.f32 v48, v17  }
0x2ea: {  	s19 =	sadd.s32 $0x1, s19;
	v47 =	vadd.f32 v62, v47;
	v45 =	vadd.f32 v58, v45;
	v58 =	vmul.f32 v61, v20  }
0x2eb: {  	[tilespmem:$0x1BC50] =	vst v43  }
0x2ec: {  	[tilespmem:$0x1BC60] =	vst v39  }
0x2ed: {  	[tilespmem:$0x1BC70] =	vst v40  }
0x2ee: {  	[tilespmem:$0x1BCC0] =	vst v44  }
0x2ef: {  	[tilespmem:$0x1BD70] =	vst v29  }
0x2f0: {  	[tilespmem:$0x1BDE0] =	vst v26  }
0x2f1: {  	[tilespmem:$0x1BDF0] =	vst v30  }
0x2f2: {  	[tilespmem:$0x1BF70] =	vst v8  }
0x2f3: {  	[tilespmem:$0x1BFE0] =	vst v12  }
0x2f4: {  	[tilespmem:$0x1BFF0] =	vst v4  }
0x2f5: {  	[tilespmem:$0x1CC60] =	vst v16  }
0x2f6: {  	[tilespmem:$0x1CC70] =	vst v5  }
0x2f7: {  	v15 =	vadd.f32 v54, v15;
	[tilespmem:$0x1BCD0] =	vst v47  }
0x2f8: {  	v62 =	vadd.f32 v56, v31;
	[tilespmem:$0x1BCF0] =	vst v45  }
0x2f9: {  	v63 =	vadd.f32 v55, v49;
	[tilespmem:$0x1BC40] =	vst v15  }
0x2fa: {  	v13 =	vadd.f32 v59, v13;
	[tilespmem:$0x1BCE0] =	vst v62  }
0x2fb: {  	v31 =	vadd.f32 v53, v46;
	[tilespmem:$0x1BD40] =	vst v63  }
0x2fc: {  	v50 =	vadd.f32 v50, v33;
	[tilespmem:$0x1BD50] =	vst v13  }
0x2fd: {  	v18 =	vadd.f32 v57, v18;
	[tilespmem:$0x1BDD0] =	vst v31  }
0x2fe: {  	v27 =	vmul.f32 v27, v6;
	v10 =	vadd.f32 v58, v10;
	[tilespmem:$0x1BEE0] =	vst v50  }
0x2ff: {  	v39 =	vmul.f32 v48, v20;
	v45 =	vadd.f32 v52, v41;
	[tilespmem:$0x1BEF0] =	vst v18  }
0x300: {  	v43 =	vmul.f32 v48, v6;
	v27 =	vadd.f32 v27, v51;
	[tilespmem:$0x1BDC0] =	vst v10  }
0x301: {  	v44 =	vmul.f32 v48, v0;
	v40 =	vadd.f32 v39, v24;
	[tilespmem:$0x1BE50] =	vst v45  }
0x302: {  	v46 =	vmul.f32 v32, v20;
	v13 =	vadd.f32 v43, v42;
	[tilespmem:$0x1BD60] =	vst v27  }
0x303: {  	v49 =	vmul.f32 v11, v20;
	v15 =	vadd.f32 v44, v38;
	[tilespmem:$0x1BE40] =	vst v40  }
0x304: {  	v54 =	vmul.f32 v14, v20;
	v48 =	vadd.f32 v46, v35;
	[tilespmem:$0x1BE60] =	vst v13  }
0x305: {  	v55 =	vmul.f32 v14, v17;
	v53 =	vadd.f32 v49, v37;
	[tilespmem:$0x1BE70] =	vst v15  }
0x306: {  	v57 =	vmul.f32 v7, v20;
	v2 =	vadd.f32 v54, v2;
	[tilespmem:$0x1BEC0] =	vst v48  }
0x307: {  	v59 =	vmul.f32 v19, v20;
	v56 =	vadd.f32 v55, v28;
	[tilespmem:$0x1BF40] =	vst v53  }
0x308: {  	v47 =	vmul.f32 v32, v17;
	v1 =	vadd.f32 v57, v1;
	[tilespmem:$0x1BFC0] =	vst v2  }
0x309: {  	v51 =	vmul.f32 v11, v17;
	v61 =	vadd.f32 v59, v9;
	[tilespmem:$0x1BFD0] =	vst v56  }
0x30a: {  	v58 =	vmul.f32 v7, v17;
	v10 =	vadd.f32 v47, v36;
	[tilespmem:$0x1CC40] =	vst v1  }
0x30b: {  	v60 =	vmul.f32 v19, v17;
	v3 =	vadd.f32 v51, v3;
	[tilespmem:$0x1CCC0] =	vst v61  }
0x30c: {  	v63 =	vmul.f32 v19, v0;
	v2 =	vadd.f32 v58, v25;
	[tilespmem:$0x1BED0] =	vst v10  }
0x30d: {  	v52 =	vmul.f32 v11, v6;
	v1 =	vadd.f32 v60, v23;
	[tilespmem:$0x1BF50] =	vst v3  }
0x30e: {  	v62 =	vmul.f32 v19, v6;
	v0 =	vadd.f32 v63, v22;
	[tilespmem:$0x1CC50] =	vst v2  }
0x30f: {  	v10 =	vadd.f32 v52, v34;
	[tilespmem:$0x1CCD0] =	vst v1  }
0x310: {  	s16 =	sadd.s32 $0x1, s16;
	v3 =	vadd.f32 v62, v21;
	[tilespmem:$0x1CCF0] =	vst v0  }
0x311: {  	p0 =	sne.s32 s16, s8;
	[tilespmem:$0x1BF60] =	vst v10  }
.Ltmp8:
0x312: {  	[tilespmem:$0x1CCE0] =	vst v3;
	(pc) =	sbr.rel @p0 .LBB2_1-.Ltmp8, $4  }
0x313: {  	[hbm4b:s7+s14] =	stream.strided.scatter [tilespmem:s15], [sflag:$0x1], $0x2000, s13, s14, $0x38;
	[tilespmem:$0x1D800] =	vst v63  }
0x314: {  	_ =	swait.ge [sflag:s10], $0x2000  }
0x315: {  	[sflag:s10] =	ssyncset.done $0x0  }
0x316: {  	[sflag:s10] =	ssyncadd.s32 $0xFFFFE000  }
0x317: {  	_ =	sfence.sel $0x180000  }
0x318: {  	[bflag:$0x0] =	sbarrier.arrive $0xFFFF  }
0x319: {  	p0 =	sne.s32 s1, $0x0;
	_ =	strace $0x90000047  }
0x31a: {  	s0 =	sadd.s32 @!p0 $0x100000, s0;
	[bflag:$0x2] =	sbarrier.arrive $0xFFFF  }
0x31b: {  	[sflag:s0] =	ssyncadd.tile.s32 @!p0 $0x1;
	_ =	shalt  }
.Lfunc_end2:
_tile_overlayer_lowered:
.L_overlay_start_2:
0x31c: {  	(tag) =	ssettag $0x2  }
0x31d: {  	s0 =	rddreg [dreg:$0x0];
	s2 =	stileid.u32  }
0x31e: {  	s1 =	rddreg [dreg:$0x1];
	p0 =	sne.s32 s2, $0x0  }
0x31f: {  	s3 =	rddreg [dreg:$0x2];
	[bflag:$0x3] =	sbarrier.arrive $0xFFFF;
	s2 =	simm.s32 @!p0 $0x1C01  }
0x320: {  	[timem:s3], [sflag:s2] =	dma.local @!p0 [hbm:s0], s1  }
0x321: {  	s0 =	simm.s32 @!p0 $0x1  }
0x322: {  	_ =	swait.ge @!p0 [sflag:s0], s1  }
0x323: {  	s1 =	ssub.s32 @!p0 $0x0, s1;
	[sflag:s0] =	ssyncset.done @!p0 $0x0  }
0x324: {  	[sflag:s0] =	ssyncadd.s32 @!p0 s1  }
0x325: {  	[bflag:$0x3] =	sbarrier.arrive $0xFFFF  }
0x326: {  	_ =	shalt  }

</sc_bundles>
